<compile_context>
chip_gen: v7x
topology: tpu7x:2x2x1
jax: 0.10.2.dev20260603
libtpu: 0.0.44.dev20260713+nightly
codegen_flags: <defaults>
</compile_context>

<pallas_src>
import functools

import jax
import jax.numpy as jnp
from jax import lax
from jax.experimental import pallas as pl
from jax.experimental.pallas import tpu as pltpu
from jax.experimental.pallas import tpu_sc as plsc

N = 10000
E = 320000
P = 100000
NW = 32
EW = E // NW
CH = 128
NCH = 80
EPADW = NCH * CH
EPAD = NW * EPADW
NPAD = 10240
RT = NPAD // 16
ZB = 128
PCH = 128
PNCH = 26
PPAD = NW * PNCH * PCH

_mesh = plsc.VectorSubcoreMesh(core_axis_name="c", subcore_axis_name="s")



def _deg_sc(dst_r):

    @functools.partial(
        pl.kernel, mesh=_mesh,
        compiler_params=pltpu.CompilerParams(use_tc_tiling_on_sc=False),
        out_type=jax.ShapeDtypeStruct((2, NPAD, 128), jnp.float32),
        scratch_types=[
            pltpu.VMEM((NCH, CH), jnp.int32),
            pltpu.VMEM((CH, 16), jnp.float32),
            pltpu.VMEM((ZB, 16), jnp.float32),
            pltpu.VMEM_SHARED((NPAD, 16), jnp.float32),
        ],
    )
    def k(dstr_hbm, out_hbm, dstv, ones_v, zero_v, acc):
        c = lax.axis_index("c")
        s = lax.axis_index("s")
        wid = s * 2 + c
        pltpu.sync_copy(dstr_hbm.at[wid], dstv)

        def fill(i, _):
            ones_v[i] = jnp.full((16,), 1.0, jnp.float32)
            return 0
        lax.fori_loop(0, CH, fill, 0)

        def zfill(i, _):
            zero_v[i] = jnp.zeros((16,), jnp.float32)
            return 0
        lax.fori_loop(0, ZB, zfill, 0)
        for z in range(RT // ZB):
            pltpu.sync_copy(zero_v, acc.at[pl.ds(s * RT + z * ZB, ZB)])
        plsc.subcore_barrier()

        def chunk(j, _):
            pltpu.sync_copy(ones_v, acc.at[dstv.at[j]], add=True)
            return 0
        lax.fori_loop(0, NCH, chunk, 0)
        plsc.subcore_barrier()
        pltpu.sync_copy(acc.at[pl.ds(s * RT, RT)],
                        out_hbm.at[c, pl.ds(s * RT, RT), pl.ds(0, 16)])

    return k(dst_r)


def _scatter_sc(g, src_r, dst_r):
    D = g.shape[1]

    @functools.partial(
        pl.kernel, mesh=_mesh,
        compiler_params=pltpu.CompilerParams(use_tc_tiling_on_sc=False),
        out_type=jax.ShapeDtypeStruct((2, NPAD, 128), jnp.float32),
        scratch_types=[
            pltpu.VMEM((NCH, CH), jnp.int32),
            pltpu.VMEM((NCH, CH), jnp.int32),
            pltpu.VMEM((CH, D), jnp.float32),
            pltpu.VMEM((CH, D), jnp.float32),
            pltpu.VMEM((CH, D), jnp.float32),
            pltpu.VMEM((CH, D), jnp.float32),
            pltpu.VMEM((ZB, D), jnp.float32),
            pltpu.VMEM_SHARED((NPAD, D), jnp.float32),
            pltpu.SemaphoreType.DMA,
            pltpu.SemaphoreType.DMA,
            pltpu.SemaphoreType.DMA,
            pltpu.SemaphoreType.DMA,
        ],
    )
    def k(g_hbm, srcr_hbm, dstr_hbm, out_hbm, srcv, dstv, rows0, rows1,
          rows2, rows3, zero_v, acc, sem0, sem1, sem2, sem3):
        c = lax.axis_index("c")
        s = lax.axis_index("s")
        wid = s * 2 + c
        pltpu.sync_copy(srcr_hbm.at[wid], srcv)
        pltpu.sync_copy(dstr_hbm.at[wid], dstv)

        nsub = D // 16

        def zrow(t, _):
            zero_v[t // nsub, pl.ds((t % nsub) * 16, 16)] = jnp.zeros(
                (16,), jnp.float32)
            return 0
        lax.fori_loop(0, ZB * nsub, zrow, 0)
        for z in range(RT // ZB):
            pltpu.sync_copy(zero_v, acc.at[pl.ds(s * RT + z * ZB, ZB)])
        plsc.subcore_barrier()

        bufs = ((rows0, sem0), (rows1, sem1), (rows2, sem2), (rows3, sem3))
        pltpu.async_copy(g_hbm.at[srcv.at[0]], rows0, sem0)
        pltpu.async_copy(g_hbm.at[srcv.at[1]], rows1, sem1)

        def chunk4(jj, _):
            j0 = 4 * jj
            for b in range(4):
                rb, sb = bufs[b]
                rn, sn = bufs[(b + 2) % 4]
                pltpu.make_async_copy(g_hbm.at[srcv.at[j0 + b]], rb,
                                      sb).wait()

                @pl.when(j0 + b + 2 < NCH)
                def _():
                    pltpu.async_copy(g_hbm.at[srcv.at[j0 + b + 2]], rn, sn)

                pltpu.sync_copy(rb, acc.at[dstv.at[j0 + b]], add=True)
            return 0
        lax.fori_loop(0, NCH // 4, chunk4, 0)
        plsc.subcore_barrier()
        pltpu.sync_copy(acc.at[pl.ds(s * RT, RT)],
                        out_hbm.at[c, pl.ds(s * RT, RT), pl.ds(0, D)])

    return k(g, src_r, dst_r)


def _scatter2_sc(ga, gb, src_r2, dst_r2):
    NC2 = 2 * NCH

    @functools.partial(
        pl.kernel, mesh=_mesh,
        compiler_params=pltpu.CompilerParams(use_tc_tiling_on_sc=False),
        out_type=jax.ShapeDtypeStruct((2, NPAD, 128), jnp.float32),
        scratch_types=[
            pltpu.VMEM((NC2, CH), jnp.int32),
            pltpu.VMEM((NC2, CH), jnp.int32),
            pltpu.VMEM((CH, 64), jnp.float32),
            pltpu.VMEM((CH, 64), jnp.float32),
            pltpu.VMEM((CH, 64), jnp.float32),
            pltpu.VMEM((CH, 64), jnp.float32),
            pltpu.VMEM((ZB, 64), jnp.float32),
            pltpu.VMEM_SHARED((NPAD, 64), jnp.float32),
            pltpu.SemaphoreType.DMA,
            pltpu.SemaphoreType.DMA,
            pltpu.SemaphoreType.DMA,
            pltpu.SemaphoreType.DMA,
        ],
    )
    def k(ga_hbm, gb_hbm, srcr_hbm, dstr_hbm, out_hbm, srcv, dstv,
          rows0, rows1, rows2, rows3, zero_v, acc, sem0, sem1, sem2, sem3):
        c = lax.axis_index("c")
        s = lax.axis_index("s")
        pltpu.sync_copy(srcr_hbm.at[s], srcv)
        pltpu.sync_copy(dstr_hbm.at[s], dstv)

        def zrow(t, _):
            zero_v[t // 4, pl.ds((t % 4) * 16, 16)] = jnp.zeros(
                (16,), jnp.float32)
            return 0
        lax.fori_loop(0, ZB * 4, zrow, 0)
        for z in range(RT // ZB):
            pltpu.sync_copy(zero_v, acc.at[pl.ds(s * RT + z * ZB, ZB)])
        plsc.subcore_barrier()

        def run(tab):
            bufs = ((rows0, sem0), (rows1, sem1), (rows2, sem2),
                    (rows3, sem3))
            pltpu.async_copy(tab.at[srcv.at[0]], rows0, sem0)
            pltpu.async_copy(tab.at[srcv.at[1]], rows1, sem1)

            def chunk4(jj, _):
                j0 = 4 * jj
                for b in range(4):
                    rb, sb = bufs[b]
                    rn, sn = bufs[(b + 2) % 4]
                    pltpu.make_async_copy(tab.at[srcv.at[j0 + b]], rb,
                                          sb).wait()

                    @pl.when(j0 + b + 2 < NC2)
                    def _():
                        pltpu.async_copy(tab.at[srcv.at[j0 + b + 2]], rn, sn)

                    pltpu.sync_copy(rb, acc.at[dstv.at[j0 + b]], add=True)
                return 0
            lax.fori_loop(0, NC2 // 4, chunk4, 0)

        @pl.when(c == 0)
        def _():
            run(ga_hbm)

        @pl.when(c == 1)
        def _():
            run(gb_hbm)

        plsc.subcore_barrier()
        pltpu.sync_copy(acc.at[pl.ds(s * RT, RT)],
                        out_hbm.at[c, pl.ds(s * RT, RT), pl.ds(0, 64)])

    return k(ga, gb, src_r2, dst_r2)


def _pairgather_sc(ta, tb, u_r, v_r):

    @functools.partial(
        pl.kernel, mesh=_mesh,
        compiler_params=pltpu.CompilerParams(use_tc_tiling_on_sc=False),
        out_type=(jax.ShapeDtypeStruct((PPAD, 16), jnp.float32),
                  jax.ShapeDtypeStruct((PPAD, 16), jnp.float32)),
        scratch_types=[
            pltpu.VMEM((PNCH, PCH), jnp.int32),
            pltpu.VMEM((PNCH, PCH), jnp.int32),
            pltpu.VMEM((PCH, 16), jnp.float32),
            pltpu.VMEM((PCH, 16), jnp.float32),
            pltpu.VMEM((PCH, 16), jnp.float32),
            pltpu.VMEM((PCH, 16), jnp.float32),
            pltpu.SemaphoreType.DMA,
            pltpu.SemaphoreType.DMA,
            pltpu.SemaphoreType.DMA,
            pltpu.SemaphoreType.DMA,
        ],
    )
    def k(ta_hbm, tb_hbm, ur_hbm, vr_hbm, outa_hbm, outb_hbm, uv, vv,
          bufa0, bufb0, bufa1, bufb1, sa0, sb0, sa1, sb1):
        c = lax.axis_index("c")
        s = lax.axis_index("s")
        wid = s * 2 + c
        pltpu.sync_copy(ur_hbm.at[wid], uv)
        pltpu.sync_copy(vr_hbm.at[wid], vv)

        pltpu.async_copy(ta_hbm.at[uv.at[0]], bufa0, sa0)
        pltpu.async_copy(tb_hbm.at[vv.at[0]], bufb0, sb0)
        pltpu.async_copy(ta_hbm.at[uv.at[1]], bufa1, sa1)
        pltpu.async_copy(tb_hbm.at[vv.at[1]], bufb1, sb1)

        def chunk2(jj, _):
            j0 = 2 * jj
            for (j, ba, bb, sba, sbb) in ((j0, bufa0, bufb0, sa0, sb0),
                                          (j0 + 1, bufa1, bufb1, sa1, sb1)):
                base = (wid * PNCH + j) * PCH
                pltpu.make_async_copy(ta_hbm.at[uv.at[j]], ba, sba).wait()
                pltpu.make_async_copy(tb_hbm.at[vv.at[j]], bb, sbb).wait()
                pltpu.sync_copy(ba, outa_hbm.at[pl.ds(base, PCH)])
                pltpu.sync_copy(bb, outb_hbm.at[pl.ds(base, PCH)])

                @pl.when(j + 2 < PNCH)
                def _():
                    pltpu.async_copy(ta_hbm.at[uv.at[j + 2]], ba, sba)
                    pltpu.async_copy(tb_hbm.at[vv.at[j + 2]], bb, sbb)
            return 0
        lax.fori_loop(0, PNCH // 2, chunk2, 0)

    return k(ta, tb, u_r, v_r)



_BLK = 2000


def _tc_first(x, w1, degp):

    def body(x_ref, w_ref, d0_ref, d1_ref, ga_ref, gb_ref, dis_ref):
        deg = d0_ref[0, :, 0:1] + d1_ref[0, :, 0:1] + 1.0
        dis = lax.rsqrt(deg)
        h = jnp.dot(x_ref[...], w_ref[...], preferred_element_type=jnp.float32)
        g = dis * h
        ga_ref[...] = g[:, :64]
        gb_ref[...] = g[:, 64:]
        dis_ref[...] = jnp.broadcast_to(dis, (_BLK, 16))

    return pl.pallas_call(
        body,
        grid=(N // _BLK,),
        in_specs=[pl.BlockSpec((_BLK, 128), lambda i: (i, 0)),
                  pl.BlockSpec((128, 128), lambda i: (0, 0)),
                  pl.BlockSpec((1, _BLK, 128), lambda i: (0, i, 0)),
                  pl.BlockSpec((1, _BLK, 128), lambda i: (1, i, 0))],
        out_specs=[pl.BlockSpec((_BLK, 64), lambda i: (i, 0)),
                   pl.BlockSpec((_BLK, 64), lambda i: (i, 0)),
                   pl.BlockSpec((_BLK, 16), lambda i: (i, 0))],
        out_shape=[jax.ShapeDtypeStruct((N, 64), jnp.float32),
                   jax.ShapeDtypeStruct((N, 64), jnp.float32),
                   jax.ShapeDtypeStruct((N, 16), jnp.float32)],
    )(x, w1, degp, degp)


def _tc_mid2(pp, ga, gb, dis16, ba_row, bb_row, wa, wb):

    def body(pa_ref, pb_ref, ga_ref, gb_ref, dis_ref,
             ba_ref, bb_ref, wa_ref, wb_ref, out_ref):
        dis = dis_ref[:, 0:1]
        t_a = jnp.maximum(
            dis * (pa_ref[0, :, :64] + ga_ref[...]) + ba_ref[...], 0.0)
        t_b = jnp.maximum(
            dis * (pb_ref[0, :, :64] + gb_ref[...]) + bb_ref[...], 0.0)
        out_ref[...] = dis * (
            jnp.dot(t_a, wa_ref[...], preferred_element_type=jnp.float32)
            + jnp.dot(t_b, wb_ref[...], preferred_element_type=jnp.float32))

    blk64 = pl.BlockSpec((_BLK, 64), lambda i: (i, 0))
    pblk0 = pl.BlockSpec((1, _BLK, 128), lambda i: (0, i, 0))
    pblk1 = pl.BlockSpec((1, _BLK, 128), lambda i: (1, i, 0))
    return pl.pallas_call(
        body,
        grid=(N // _BLK,),
        in_specs=[pblk0, pblk1, blk64, blk64,
                  pl.BlockSpec((_BLK, 16), lambda i: (i, 0)),
                  pl.BlockSpec((1, 64), lambda i: (0, 0)),
                  pl.BlockSpec((1, 64), lambda i: (0, 0)),
                  pl.BlockSpec((64, 64), lambda i: (0, 0)),
                  pl.BlockSpec((64, 64), lambda i: (0, 0))],
        out_specs=pl.BlockSpec((_BLK, 64), lambda i: (i, 0)),
        out_shape=jax.ShapeDtypeStruct((N, 64), jnp.float32),
    )(pp, pp, ga, gb, dis16, ba_row, bb_row, wa, wb)


def _tc_mid(pp, g, dis16, b_row, w):
    din = g.shape[1]
    dout = w.shape[1]

    def body(p0_ref, p1_ref, g_ref, dis_ref, b_ref, w_ref, out_ref):
        dis = dis_ref[:, 0:1]
        p0 = p0_ref[0, :, :din]
        p1 = p1_ref[0, :, :din]
        t = dis * (p0 + p1 + g_ref[...]) + b_ref[...]
        t = jnp.maximum(t, 0.0)
        out_ref[...] = dis * jnp.dot(t, w_ref[...],
                                     preferred_element_type=jnp.float32)

    return pl.pallas_call(
        body,
        grid=(N // _BLK,),
        in_specs=[pl.BlockSpec((1, _BLK, 128), lambda i: (0, i, 0)),
                  pl.BlockSpec((1, _BLK, 128), lambda i: (1, i, 0)),
                  pl.BlockSpec((_BLK, din), lambda i: (i, 0)),
                  pl.BlockSpec((_BLK, 16), lambda i: (i, 0)),
                  pl.BlockSpec((1, din), lambda i: (0, 0)),
                  pl.BlockSpec((din, dout), lambda i: (0, 0))],
        out_specs=pl.BlockSpec((_BLK, dout), lambda i: (i, 0)),
        out_shape=jax.ShapeDtypeStruct((N, dout), jnp.float32),
    )(pp, pp, g, dis16, b_row, w)


def _tc_head(pp, g3, dis16, b3_row, l1, lb1_row, l2, lb2_row, m1, mb1_row):

    def body(p0_ref, p1_ref, g_ref, dis_ref, b3_ref, l1_ref, lb1_ref,
             l2_ref, lb2_ref, m1_ref, mb1_ref, ta_ref, tb_ref):
        dis = dis_ref[:, 0:1]
        o = dis * (p0_ref[0, :, :32] + p1_ref[0, :, :32] + g_ref[...]) \
            + b3_ref[...]
        o = jnp.maximum(o, 0.0)
        h4 = jnp.maximum(
            jnp.dot(o, l1_ref[...], preferred_element_type=jnp.float32)
            + lb1_ref[...], 0.0)
        emb = jnp.maximum(
            jnp.dot(h4, l2_ref[...], preferred_element_type=jnp.float32)
            + lb2_ref[...], 0.0)
        m1 = m1_ref[...]
        a = jnp.dot(emb, m1[:16, :], preferred_element_type=jnp.float32) \
            + mb1_ref[...]
        b = jnp.dot(emb, m1[16:, :], preferred_element_type=jnp.float32)
        ta_ref[...] = jnp.concatenate([a, a], axis=1)
        tb_ref[...] = jnp.concatenate([b, b], axis=1)

    return pl.pallas_call(
        body,
        grid=(N // _BLK,),
        in_specs=[pl.BlockSpec((1, _BLK, 128), lambda i: (0, i, 0)),
                  pl.BlockSpec((1, _BLK, 128), lambda i: (1, i, 0)),
                  pl.BlockSpec((_BLK, 32), lambda i: (i, 0)),
                  pl.BlockSpec((_BLK, 16), lambda i: (i, 0)),
                  pl.BlockSpec((1, 32), lambda i: (0, 0)),
                  pl.BlockSpec((32, 16), lambda i: (0, 0)),
                  pl.BlockSpec((1, 16), lambda i: (0, 0)),
                  pl.BlockSpec((16, 16), lambda i: (0, 0)),
                  pl.BlockSpec((1, 16), lambda i: (0, 0)),
                  pl.BlockSpec((32, 8), lambda i: (0, 0)),
                  pl.BlockSpec((1, 8), lambda i: (0, 0))],
        out_specs=[pl.BlockSpec((_BLK, 16), lambda i: (i, 0)),
                   pl.BlockSpec((_BLK, 16), lambda i: (i, 0))],
        out_shape=[jax.ShapeDtypeStruct((N, 16), jnp.float32),
                   jax.ShapeDtypeStruct((N, 16), jnp.float32)],
    )(pp, pp, g3, dis16, b3_row, l1, lb1_row, l2, lb2_row, m1, mb1_row)


def _tc_final(ga2, gb2, sel, mb2_s):
    rows = PPAD // 128
    blk = 104

    def body(a_ref, b_ref, sel_ref, mb2_ref, out_ref):
        t = jnp.maximum(a_ref[...] + b_ref[...], 0.0)
        sc = jnp.dot(t, sel_ref[...],
                     preferred_element_type=jnp.float32) + mb2_ref[...]
        out_ref[...] = 1.0 / (1.0 + jnp.exp(-sc))

    return pl.pallas_call(
        body,
        grid=(rows // blk,),
        in_specs=[pl.BlockSpec((blk, 2048), lambda i: (i, 0)),
                  pl.BlockSpec((blk, 2048), lambda i: (i, 0)),
                  pl.BlockSpec((2048, 128), lambda i: (0, 0)),
                  pl.BlockSpec((1, 1), lambda i: (0, 0))],
        out_specs=pl.BlockSpec((blk, 128), lambda i: (i, 0)),
        out_shape=jax.ShapeDtypeStruct((rows, 128), jnp.float32),
    )(ga2, gb2, sel, mb2_s)



def kernel(x, edge_index, pred_edges, W1, b1, W2, b2, W3, b3,
           L1, lb1, L2, lb2, M1, mb1, M2, mb2):
    ei = edge_index.astype(jnp.int32)
    npade = EPAD - E
    pad_src = jnp.arange(npade, dtype=jnp.int32) % N
    pad_dst = N + jnp.arange(npade, dtype=jnp.int32) % (NPAD - N)
    src_flat = jnp.concatenate([ei[0], pad_src])
    dst_flat = jnp.concatenate([ei[1], pad_dst])
    src_r = src_flat.reshape(NW, NCH, CH)
    dst_r = dst_flat.reshape(NW, NCH, CH)
    src_r2 = src_flat.reshape(16, 2 * NCH, CH)
    dst_r2 = dst_flat.reshape(16, 2 * NCH, CH)
    pe = pred_edges.astype(jnp.int32)
    npadp = PPAD - P
    pad_p = jnp.arange(npadp, dtype=jnp.int32) % N
    u_r = jnp.concatenate([pe[:, 0], pad_p]).reshape(NW, PNCH, PCH)
    v_r = jnp.concatenate([pe[:, 1], pad_p]).reshape(NW, PNCH, PCH)

    degp = _deg_sc(dst_r)
    g1a, g1b, dis16 = _tc_first(x, W1, degp)

    pp1 = _scatter2_sc(g1a, g1b, src_r2, dst_r2)
    g2 = _tc_mid2(pp1, g1a, g1b, dis16,
                  b1[:64].reshape(1, -1), b1[64:].reshape(1, -1),
                  W2[:64], W2[64:])

    pp = _scatter_sc(g2, src_r, dst_r)
    g3 = _tc_mid(pp, g2, dis16, b2.reshape(1, -1), W3)

    pp = _scatter_sc(g3, src_r, dst_r)
    ta, tb = _tc_head(pp, g3, dis16, b3.reshape(1, -1),
                      L1, lb1.reshape(1, -1), L2, lb2.reshape(1, -1),
                      M1, mb1.reshape(1, -1))

    ga, gb = _pairgather_sc(ta, tb, u_r, v_r)
    m2_pat = jnp.concatenate([M2[:, 0], jnp.zeros((8,), jnp.float32)])
    sel = jnp.kron(jnp.eye(128, dtype=jnp.float32), m2_pat.reshape(16, 1))
    y = _tc_final(ga.reshape(PPAD // PCH, PCH * 16),
                  gb.reshape(PPAD // PCH, PCH * 16),
                  sel, mb2.reshape(1, 1))
    return y.reshape(-1)[:P]

# --- scband reference (transcript-rebuilt; emitter-appended) ---
"""Pipeline reference for scband-model2-54631984005478 (READ-ONLY COPY).

The authoritative reference and input builder live on the scoring server;
editing this copy changes nothing except your own understanding.
"""

import jax, jax.numpy as jnp
import numpy as np

N_NODES = 10000
N_EDGES = 320000
N_PRED = 100000
D_IN = 128


def _glorot(key, shape):
    fan_in = shape[0]
    return jax.random.normal(key, shape, jnp.float32) * (1.0 / np.sqrt(fan_in))


def setup_inputs(seed: int = 0) -> dict:
    key = jax.random.key(seed)
    ks = jax.random.split(key, 20)
    x = jax.random.normal(ks[0], (N_NODES, D_IN), jnp.float32)
    edge_index = jax.random.randint(ks[1], (2, N_EDGES), 0, N_NODES, dtype=jnp.int64)
    pred_edges = jax.random.randint(ks[2], (N_PRED, 2), 0, N_NODES, dtype=jnp.int64)
    # GCNConv weights: 128->128->64->32
    W1 = _glorot(ks[3], (128, 128)); b1 = jnp.zeros((128,), jnp.float32)
    W2 = _glorot(ks[4], (128, 64));  b2 = jnp.zeros((64,), jnp.float32)
    W3 = _glorot(ks[5], (64, 32));   b3 = jnp.zeros((32,), jnp.float32)
    # linear: 32->16->16
    L1 = _glorot(ks[6], (32, 16));  lb1 = jnp.zeros((16,), jnp.float32)
    L2 = _glorot(ks[7], (16, 16));  lb2 = jnp.zeros((16,), jnp.float32)
    # linear2: 32->8->1
    M1 = _glorot(ks[8], (32, 8));   mb1 = jnp.zeros((8,), jnp.float32)
    M2 = _glorot(ks[9], (8, 1));    mb2 = jnp.zeros((1,), jnp.float32)
    return {"x": x, "edge_index": edge_index, "pred_edges": pred_edges,
            "W1": W1, "b1": b1, "W2": W2, "b2": b2, "W3": W3, "b3": b3,
            "L1": L1, "lb1": lb1, "L2": L2, "lb2": lb2,
            "M1": M1, "mb1": mb1, "M2": M2, "mb2": mb2}


def _gcn_conv(x, src, dst, W, b, n_nodes):
    # GCNConv: add self loops, symmetric normalization, then aggregate
    h = x @ W
    loop = jnp.arange(n_nodes, dtype=src.dtype)
    s = jnp.concatenate([src, loop])
    d = jnp.concatenate([dst, loop])
    deg = jax.ops.segment_sum(jnp.ones(s.shape[0], jnp.float32), d, num_segments=n_nodes)
    dis = jnp.where(deg > 0, 1.0 / jnp.sqrt(deg), 0.0)
    norm = dis[s] * dis[d]
    msg = h[s] * norm[:, None]
    out = jax.ops.segment_sum(msg, d, num_segments=n_nodes)
    return out + b


def reference(x, edge_index, pred_edges, W1, b1, W2, b2, W3, b3, L1, lb1, L2, lb2, M1, mb1, M2, mb2):
    src, dst = edge_index[0], edge_index[1]
    n = x.shape[0]
    h = jax.nn.relu(_gcn_conv(x, src, dst, W1, b1, n))
    h = jax.nn.relu(_gcn_conv(h, src, dst, W2, b2, n))
    h = jax.nn.relu(_gcn_conv(h, src, dst, W3, b3, n))
    h = jax.nn.relu(h @ L1 + lb1)
    h = jax.nn.relu(h @ L2 + lb2)
    matrix = h[pred_edges]  # [P, 2, 16]
    z = jnp.concatenate([matrix[:, 0], matrix[:, 1]], axis=1)  # [P, 32]
    z = jax.nn.relu(z @ M1 + mb1)
    z = z @ M2 + mb2  # [P, 1]
    pred = jax.nn.sigmoid(z)
    return jnp.transpose(pred, (1, 0)).reshape(-1)

if __name__ == "__main__":
    import jax
    _d = setup_inputs()
    print(jax.jit(kernel)(*tuple(_d.values())))

</pallas_src>

<mosaic_0001>
#map = affine_map<(d0, d1) -> (0, 0)>
#map1 = affine_map<(d0, d1) -> (0, 0, 0)>
module attributes {stable_mosaic.version = 14 : i64} {
  func.func @k(%arg0: i32, %arg1: i32, %arg2: memref<10000x64xf32, #tpu.memory_space<hbm>>, %arg3: memref<32x80x128xi32, #tpu.memory_space<hbm>>, %arg4: memref<32x80x128xi32, #tpu.memory_space<hbm>>, %arg5: memref<2x10240x128xf32, #tpu.memory_space<hbm>>, %arg6: memref<80x128xi32, #tpu.memory_space<vmem>>, %arg7: memref<80x128xi32, #tpu.memory_space<vmem>>, %arg8: memref<128x64xf32, #tpu.memory_space<vmem>>, %arg9: memref<128x64xf32, #tpu.memory_space<vmem>>, %arg10: memref<128x64xf32, #tpu.memory_space<vmem>>, %arg11: memref<128x64xf32, #tpu.memory_space<vmem>>, %arg12: memref<128x64xf32, #tpu.memory_space<vmem>>, %arg13: memref<10240x64xf32, #tpu.memory_space<vmem_shared>>, %arg14: memref<!tpu.dma_semaphore, #tpu.memory_space<semaphore_mem>>, %arg15: memref<!tpu.dma_semaphore, #tpu.memory_space<semaphore_mem>>, %arg16: memref<!tpu.dma_semaphore, #tpu.memory_space<semaphore_mem>>, %arg17: memref<!tpu.dma_semaphore, #tpu.memory_space<semaphore_mem>>) attributes {dimension_semantics = [#tpu.dimension_semantics<core_parallel>, #tpu.dimension_semantics<subcore_parallel>], iteration_bounds = array<i64: 2, 16>, scalar_prefetch = 0 : i64, scratch_operands = 12 : i64, tpu.core_type = #tpu.core_type<sc_vector_subcore>, window_params = [{transform_indices = #map}, {transform_indices = #map1}, {transform_indices = #map1}, {transform_indices = #map1}]} {
    %mul3A = arith.constant 2 : i32
    %mul3A_0 = arith.muli %arg1, %mul3A : i32
    %add3A = arith.addi %mul3A_0, %arg0 : i32
    "tpu.region"() ({
      %run_scoped3A = tpu.sem_alloc : memref<!tpu.dma_semaphore, #tpu.memory_space<semaphore_mem>>
      %dma_start3A_52 = arith.constant 0 : i32
      %dma_start3A_53 = arith.constant 0 : i32
      %dma_start3A_54 = tpu.memref_slice %arg3[%add3A, %dma_start3A_52, %dma_start3A_53] : memref<32x80x128xi32, #tpu.memory_space<hbm>> -> memref<1x80x128xi32, #tpu.memory_space<hbm>>
      %dma_start3A_55 = tpu.memref_squeeze %dma_start3A_54 : memref<1x80x128xi32, #tpu.memory_space<hbm>> -> memref<80x128xi32, #tpu.memory_space<hbm>>
      %dma_start3A_56 = arith.constant 0 : i32
      %dma_start3A_57 = arith.constant 0 : i32
      %dma_start3A_58 = tpu.memref_slice %arg3[%add3A, %dma_start3A_56, %dma_start3A_57] : memref<32x80x128xi32, #tpu.memory_space<hbm>> -> memref<1x80x128xi32, #tpu.memory_space<hbm>>
      %dma_start3A_59 = tpu.memref_squeeze %dma_start3A_58 : memref<1x80x128xi32, #tpu.memory_space<hbm>> -> memref<80x128xi32, #tpu.memory_space<hbm>>
      tpu.enqueue_dma source(%dma_start3A_59 : memref<80x128xi32, #tpu.memory_space<hbm>>) target(%arg6 : memref<80x128xi32, #tpu.memory_space<vmem>>) target_semaphore(%run_scoped3A : memref<!tpu.dma_semaphore, #tpu.memory_space<semaphore_mem>>)
      %dma_wait3A = arith.constant 0 : i32
      %dma_wait3A_60 = arith.constant 0 : i32
      %dma_wait3A_61 = tpu.memref_slice %arg3[%add3A, %dma_wait3A, %dma_wait3A_60] : memref<32x80x128xi32, #tpu.memory_space<hbm>> -> memref<1x80x128xi32, #tpu.memory_space<hbm>>
      %dma_wait3A_62 = tpu.memref_squeeze %dma_wait3A_61 : memref<1x80x128xi32, #tpu.memory_space<hbm>> -> memref<80x128xi32, #tpu.memory_space<hbm>>
      %dma_wait3A_63 = arith.constant 0 : i32
      %dma_wait3A_64 = arith.constant 0 : i32
      %dma_wait3A_65 = tpu.memref_slice %arg3[%add3A, %dma_wait3A_63, %dma_wait3A_64] : memref<32x80x128xi32, #tpu.memory_space<hbm>> -> memref<1x80x128xi32, #tpu.memory_space<hbm>>
      %dma_wait3A_66 = tpu.memref_squeeze %dma_wait3A_65 : memref<1x80x128xi32, #tpu.memory_space<hbm>> -> memref<80x128xi32, #tpu.memory_space<hbm>>
      tpu.wait_dma2 semaphore(%run_scoped3A : memref<!tpu.dma_semaphore, #tpu.memory_space<semaphore_mem>>) src(%dma_wait3A_66 : memref<80x128xi32, #tpu.memory_space<hbm>>) dst(%arg6 : memref<80x128xi32, #tpu.memory_space<vmem>>)
      tpu.yield
    }) : () -> ()
    "tpu.region"() ({
      %run_scoped3A = tpu.sem_alloc : memref<!tpu.dma_semaphore, #tpu.memory_space<semaphore_mem>>
      %dma_start3A_52 = arith.constant 0 : i32
      %dma_start3A_53 = arith.constant 0 : i32
      %dma_start3A_54 = tpu.memref_slice %arg4[%add3A, %dma_start3A_52, %dma_start3A_53] : memref<32x80x128xi32, #tpu.memory_space<hbm>> -> memref<1x80x128xi32, #tpu.memory_space<hbm>>
      %dma_start3A_55 = tpu.memref_squeeze %dma_start3A_54 : memref<1x80x128xi32, #tpu.memory_space<hbm>> -> memref<80x128xi32, #tpu.memory_space<hbm>>
      %dma_start3A_56 = arith.constant 0 : i32
      %dma_start3A_57 = arith.constant 0 : i32
      %dma_start3A_58 = tpu.memref_slice %arg4[%add3A, %dma_start3A_56, %dma_start3A_57] : memref<32x80x128xi32, #tpu.memory_space<hbm>> -> memref<1x80x128xi32, #tpu.memory_space<hbm>>
      %dma_start3A_59 = tpu.memref_squeeze %dma_start3A_58 : memref<1x80x128xi32, #tpu.memory_space<hbm>> -> memref<80x128xi32, #tpu.memory_space<hbm>>
      tpu.enqueue_dma source(%dma_start3A_59 : memref<80x128xi32, #tpu.memory_space<hbm>>) target(%arg7 : memref<80x128xi32, #tpu.memory_space<vmem>>) target_semaphore(%run_scoped3A : memref<!tpu.dma_semaphore, #tpu.memory_space<semaphore_mem>>)
      %dma_wait3A = arith.constant 0 : i32
      %dma_wait3A_60 = arith.constant 0 : i32
      %dma_wait3A_61 = tpu.memref_slice %arg4[%add3A, %dma_wait3A, %dma_wait3A_60] : memref<32x80x128xi32, #tpu.memory_space<hbm>> -> memref<1x80x128xi32, #tpu.memory_space<hbm>>
      %dma_wait3A_62 = tpu.memref_squeeze %dma_wait3A_61 : memref<1x80x128xi32, #tpu.memory_space<hbm>> -> memref<80x128xi32, #tpu.memory_space<hbm>>
      %dma_wait3A_63 = arith.constant 0 : i32
      %dma_wait3A_64 = arith.constant 0 : i32
      %dma_wait3A_65 = tpu.memref_slice %arg4[%add3A, %dma_wait3A_63, %dma_wait3A_64] : memref<32x80x128xi32, #tpu.memory_space<hbm>> -> memref<1x80x128xi32, #tpu.memory_space<hbm>>
      %dma_wait3A_66 = tpu.memref_squeeze %dma_wait3A_65 : memref<1x80x128xi32, #tpu.memory_space<hbm>> -> memref<80x128xi32, #tpu.memory_space<hbm>>
      tpu.wait_dma2 semaphore(%run_scoped3A : memref<!tpu.dma_semaphore, #tpu.memory_space<semaphore_mem>>) src(%dma_wait3A_66 : memref<80x128xi32, #tpu.memory_space<hbm>>) dst(%arg7 : memref<80x128xi32, #tpu.memory_space<vmem>>)
      tpu.yield
    }) : () -> ()
    %scan3A = arith.constant 0 : i32
    %scan3A_1 = arith.constant 0 : i32
    %scan3A_2 = arith.constant 512 : i32
    %scan3A_3 = arith.addi %scan3A_1, %scan3A_2 : i32
    %scan3A_4 = arith.constant 1 : i32
    %scan3A_5 = scf.for %scan3A_52 = %scan3A_1 to %scan3A_3 step %scan3A_4 iter_args(%scan3A_53 = %scan3A) -> (i32)  : i32 {
      %broadcast_in_dim3A = arith.constant 0.000000e+00 : f32
      %broadcast_in_dim3A_54 = vector.broadcast %broadcast_in_dim3A : f32 to vector<16xf32>
      %jit3A = arith.constant 4 : i32
      %div3A = arith.divsi %scan3A_52, %jit3A : i32
      %sign3A = arith.constant 0 : i32
      %sign3A_55 = arith.cmpi sgt, %scan3A_52, %sign3A : i32
      %sign3A_56 = arith.extui %sign3A_55 : i1 to i32
      %sign3A_57 = arith.constant 0 : i32
      %sign3A_58 = arith.cmpi slt, %scan3A_52, %sign3A_57 : i32
      %sign3A_59 = arith.extui %sign3A_58 : i1 to i32
      %sign3A_60 = arith.subi %sign3A_56, %sign3A_59 : i32
      %sign3A_61 = arith.constant 0 : i32
      %sign3A_62 = arith.cmpi sgt, %jit3A, %sign3A_61 : i32
      %sign3A_63 = arith.extui %sign3A_62 : i1 to i32
      %sign3A_64 = arith.constant 0 : i32
      %sign3A_65 = arith.cmpi slt, %jit3A, %sign3A_64 : i32
      %sign3A_66 = arith.extui %sign3A_65 : i1 to i32
      %sign3A_67 = arith.subi %sign3A_63, %sign3A_66 : i32
      %ne3A = arith.cmpi ne, %sign3A_60, %sign3A_67 : i32
      %rem3A = arith.remsi %scan3A_52, %jit3A : i32
      %ne3A_68 = arith.constant 0 : i32
      %ne3A_69 = arith.cmpi ne, %rem3A, %ne3A_68 : i32
      %and3A = arith.andi %ne3A, %ne3A_69 : i1
      %sub3A = arith.constant 1 : i32
      %sub3A_70 = arith.subi %div3A, %sub3A : i32
      %select_n3A = arith.select %and3A, %sub3A_70, %div3A : i32
      %jit3A_71 = arith.constant 4 : i32
      %eq3A = arith.constant 0 : i32
      %eq3A_72 = arith.cmpi eq, %jit3A_71, %eq3A : i32
      %jit3A_73 = arith.constant 1 : i32
      %select_n3A_74 = arith.select %eq3A_72, %jit3A_73, %jit3A_71 : i32
      %rem3A_75 = arith.remsi %scan3A_52, %select_n3A_74 : i32
      %ne3A_76 = arith.constant 0 : i32
      %ne3A_77 = arith.cmpi ne, %rem3A_75, %ne3A_76 : i32
      %lt3A = arith.constant 0 : i32
      %lt3A_78 = arith.cmpi slt, %rem3A_75, %lt3A : i32
      %lt3A_79 = arith.constant 0 : i32
      %lt3A_80 = arith.cmpi slt, %select_n3A_74, %lt3A_79 : i32
      %ne3A_81 = arith.xori %lt3A_78, %lt3A_80 : i1
      %and3A_82 = arith.andi %ne3A_81, %ne3A_77 : i1
      %add3A_83 = arith.addi %rem3A_75, %select_n3A_74 : i32
      %select_n3A_84 = arith.select %and3A_82, %add3A_83, %rem3A_75 : i32
      %mul3A_85 = arith.constant 16 : i32
      %mul3A_86 = arith.muli %select_n3A_84, %mul3A_85 : i32
      %swap3A = arith.index_cast %select_n3A : i32 to index
      %swap3A_87 = arith.index_cast %mul3A_86 : i32 to index
      %swap3A_88 = tpu.vector_load %arg12[%swap3A, %swap3A_87] {strides = array<i32>} : memref<128x64xf32, #tpu.memory_space<vmem>>, vector<1x16xf32>,
      %swap3A_89 = vector.shape_cast %swap3A_88 : vector<1x16xf32> to vector<16xf32>
      %swap3A_90 = vector.shape_cast %broadcast_in_dim3A_54 : vector<16xf32> to vector<1x16xf32>
      tpu.vector_store %arg12[%swap3A, %swap3A_87], %swap3A_90 {strides = array<i32>} : memref<128x64xf32, #tpu.memory_space<vmem>>, vector<1x16xf32>,
      %scan3A_91 = arith.constant 0 : i32
      scf.yield %scan3A_91 : i32
    }
    %scan3A_6 = arith.constant 512 : i32
    %mul3A_7 = arith.constant 640 : i32
    %mul3A_8 = arith.muli %arg1, %mul3A_7 : i32
    %add3A_9 = arith.constant 0 : i32
    %add3A_10 = arith.addi %mul3A_8, %add3A_9 : i32
    "tpu.region"() ({
      %run_scoped3A = tpu.sem_alloc : memref<!tpu.dma_semaphore, #tpu.memory_space<semaphore_mem>>
      %dma_start3A_52 = arith.constant 0 : i32
      %dma_start3A_53 = tpu.memref_slice %arg13[%add3A_10, %dma_start3A_52] : memref<10240x64xf32, #tpu.memory_space<vmem_shared>> -> memref<128x64xf32, #tpu.memory_space<vmem_shared>>
      %dma_start3A_54 = arith.constant 0 : i32
      %dma_start3A_55 = tpu.memref_slice %arg13[%add3A_10, %dma_start3A_54] : memref<10240x64xf32, #tpu.memory_space<vmem_shared>> -> memref<128x64xf32, #tpu.memory_space<vmem_shared>>
      tpu.enqueue_dma source(%arg12 : memref<128x64xf32, #tpu.memory_space<vmem>>) target(%dma_start3A_55 : memref<128x64xf32, #tpu.memory_space<vmem_shared>>) target_semaphore(%run_scoped3A : memref<!tpu.dma_semaphore, #tpu.memory_space<semaphore_mem>>)
      %dma_wait3A = arith.constant 0 : i32
      %dma_wait3A_56 = tpu.memref_slice %arg13[%add3A_10, %dma_wait3A] : memref<10240x64xf32, #tpu.memory_space<vmem_shared>> -> memref<128x64xf32, #tpu.memory_space<vmem_shared>>
      %dma_wait3A_57 = arith.constant 0 : i32
      %dma_wait3A_58 = tpu.memref_slice %arg13[%add3A_10, %dma_wait3A_57] : memref<10240x64xf32, #tpu.memory_space<vmem_shared>> -> memref<128x64xf32, #tpu.memory_space<vmem_shared>>
      tpu.wait_dma2 semaphore(%run_scoped3A : memref<!tpu.dma_semaphore, #tpu.memory_space<semaphore_mem>>) src(%arg12 : memref<128x64xf32, #tpu.memory_space<vmem>>) dst(%dma_wait3A_58 : memref<128x64xf32, #tpu.memory_space<vmem_shared>>)
      tpu.yield
    }) : () -> ()
    %mul3A_11 = arith.constant 640 : i32
    %mul3A_12 = arith.muli %arg1, %mul3A_11 : i32
    %add3A_13 = arith.constant 128 : i32
    %add3A_14 = arith.addi %mul3A_12, %add3A_13 : i32
    "tpu.region"() ({
      %run_scoped3A = tpu.sem_alloc : memref<!tpu.dma_semaphore, #tpu.memory_space<semaphore_mem>>
      %dma_start3A_52 = arith.constant 0 : i32
      %dma_start3A_53 = tpu.memref_slice %arg13[%add3A_14, %dma_start3A_52] : memref<10240x64xf32, #tpu.memory_space<vmem_shared>> -> memref<128x64xf32, #tpu.memory_space<vmem_shared>>
      %dma_start3A_54 = arith.constant 0 : i32
      %dma_start3A_55 = tpu.memref_slice %arg13[%add3A_14, %dma_start3A_54] : memref<10240x64xf32, #tpu.memory_space<vmem_shared>> -> memref<128x64xf32, #tpu.memory_space<vmem_shared>>
      tpu.enqueue_dma source(%arg12 : memref<128x64xf32, #tpu.memory_space<vmem>>) target(%dma_start3A_55 : memref<128x64xf32, #tpu.memory_space<vmem_shared>>) target_semaphore(%run_scoped3A : memref<!tpu.dma_semaphore, #tpu.memory_space<semaphore_mem>>)
      %dma_wait3A = arith.constant 0 : i32
      %dma_wait3A_56 = tpu.memref_slice %arg13[%add3A_14, %dma_wait3A] : memref<10240x64xf32, #tpu.memory_space<vmem_shared>> -> memref<128x64xf32, #tpu.memory_space<vmem_shared>>
      %dma_wait3A_57 = arith.constant 0 : i32
      %dma_wait3A_58 = tpu.memref_slice %arg13[%add3A_14, %dma_wait3A_57] : memref<10240x64xf32, #tpu.memory_space<vmem_shared>> -> memref<128x64xf32, #tpu.memory_space<vmem_shared>>
      tpu.wait_dma2 semaphore(%run_scoped3A : memref<!tpu.dma_semaphore, #tpu.memory_space<semaphore_mem>>) src(%arg12 : memref<128x64xf32, #tpu.memory_space<vmem>>) dst(%dma_wait3A_58 : memref<128x64xf32, #tpu.memory_space<vmem_shared>>)
      tpu.yield
    }) : () -> ()
    %mul3A_15 = arith.constant 640 : i32
    %mul3A_16 = arith.muli %arg1, %mul3A_15 : i32
    %add3A_17 = arith.constant 256 : i32
    %add3A_18 = arith.addi %mul3A_16, %add3A_17 : i32
    "tpu.region"() ({
      %run_scoped3A = tpu.sem_alloc : memref<!tpu.dma_semaphore, #tpu.memory_space<semaphore_mem>>
      %dma_start3A_52 = arith.constant 0 : i32
      %dma_start3A_53 = tpu.memref_slice %arg13[%add3A_18, %dma_start3A_52] : memref<10240x64xf32, #tpu.memory_space<vmem_shared>> -> memref<128x64xf32, #tpu.memory_space<vmem_shared>>
      %dma_start3A_54 = arith.constant 0 : i32
      %dma_start3A_55 = tpu.memref_slice %arg13[%add3A_18, %dma_start3A_54] : memref<10240x64xf32, #tpu.memory_space<vmem_shared>> -> memref<128x64xf32, #tpu.memory_space<vmem_shared>>
      tpu.enqueue_dma source(%arg12 : memref<128x64xf32, #tpu.memory_space<vmem>>) target(%dma_start3A_55 : memref<128x64xf32, #tpu.memory_space<vmem_shared>>) target_semaphore(%run_scoped3A : memref<!tpu.dma_semaphore, #tpu.memory_space<semaphore_mem>>)
      %dma_wait3A = arith.constant 0 : i32
      %dma_wait3A_56 = tpu.memref_slice %arg13[%add3A_18, %dma_wait3A] : memref<10240x64xf32, #tpu.memory_space<vmem_shared>> -> memref<128x64xf32, #tpu.memory_space<vmem_shared>>
      %dma_wait3A_57 = arith.constant 0 : i32
      %dma_wait3A_58 = tpu.memref_slice %arg13[%add3A_18, %dma_wait3A_57] : memref<10240x64xf32, #tpu.memory_space<vmem_shared>> -> memref<128x64xf32, #tpu.memory_space<vmem_shared>>
      tpu.wait_dma2 semaphore(%run_scoped3A : memref<!tpu.dma_semaphore, #tpu.memory_space<semaphore_mem>>) src(%arg12 : memref<128x64xf32, #tpu.memory_space<vmem>>) dst(%dma_wait3A_58 : memref<128x64xf32, #tpu.memory_space<vmem_shared>>)
      tpu.yield
    }) : () -> ()
    %mul3A_19 = arith.constant 640 : i32
    %mul3A_20 = arith.muli %arg1, %mul3A_19 : i32
    %add3A_21 = arith.constant 384 : i32
    %add3A_22 = arith.addi %mul3A_20, %add3A_21 : i32
    "tpu.region"() ({
      %run_scoped3A = tpu.sem_alloc : memref<!tpu.dma_semaphore, #tpu.memory_space<semaphore_mem>>
      %dma_start3A_52 = arith.constant 0 : i32
      %dma_start3A_53 = tpu.memref_slice %arg13[%add3A_22, %dma_start3A_52] : memref<10240x64xf32, #tpu.memory_space<vmem_shared>> -> memref<128x64xf32, #tpu.memory_space<vmem_shared>>
      %dma_start3A_54 = arith.constant 0 : i32
      %dma_start3A_55 = tpu.memref_slice %arg13[%add3A_22, %dma_start3A_54] : memref<10240x64xf32, #tpu.memory_space<vmem_shared>> -> memref<128x64xf32, #tpu.memory_space<vmem_shared>>
      tpu.enqueue_dma source(%arg12 : memref<128x64xf32, #tpu.memory_space<vmem>>) target(%dma_start3A_55 : memref<128x64xf32, #tpu.memory_space<vmem_shared>>) target_semaphore(%run_scoped3A : memref<!tpu.dma_semaphore, #tpu.memory_space<semaphore_mem>>)
      %dma_wait3A = arith.constant 0 : i32
      %dma_wait3A_56 = tpu.memref_slice %arg13[%add3A_22, %dma_wait3A] : memref<10240x64xf32, #tpu.memory_space<vmem_shared>> -> memref<128x64xf32, #tpu.memory_space<vmem_shared>>
      %dma_wait3A_57 = arith.constant 0 : i32
      %dma_wait3A_58 = tpu.memref_slice %arg13[%add3A_22, %dma_wait3A_57] : memref<10240x64xf32, #tpu.memory_space<vmem_shared>> -> memref<128x64xf32, #tpu.memory_space<vmem_shared>>
      tpu.wait_dma2 semaphore(%run_scoped3A : memref<!tpu.dma_semaphore, #tpu.memory_space<semaphore_mem>>) src(%arg12 : memref<128x64xf32, #tpu.memory_space<vmem>>) dst(%dma_wait3A_58 : memref<128x64xf32, #tpu.memory_space<vmem_shared>>)
      tpu.yield
    }) : () -> ()
    %mul3A_23 = arith.constant 640 : i32
    %mul3A_24 = arith.muli %arg1, %mul3A_23 : i32
    %add3A_25 = arith.constant 512 : i32
    %add3A_26 = arith.addi %mul3A_24, %add3A_25 : i32
    "tpu.region"() ({
      %run_scoped3A = tpu.sem_alloc : memref<!tpu.dma_semaphore, #tpu.memory_space<semaphore_mem>>
      %dma_start3A_52 = arith.constant 0 : i32
      %dma_start3A_53 = tpu.memref_slice %arg13[%add3A_26, %dma_start3A_52] : memref<10240x64xf32, #tpu.memory_space<vmem_shared>> -> memref<128x64xf32, #tpu.memory_space<vmem_shared>>
      %dma_start3A_54 = arith.constant 0 : i32
      %dma_start3A_55 = tpu.memref_slice %arg13[%add3A_26, %dma_start3A_54] : memref<10240x64xf32, #tpu.memory_space<vmem_shared>> -> memref<128x64xf32, #tpu.memory_space<vmem_shared>>
      tpu.enqueue_dma source(%arg12 : memref<128x64xf32, #tpu.memory_space<vmem>>) target(%dma_start3A_55 : memref<128x64xf32, #tpu.memory_space<vmem_shared>>) target_semaphore(%run_scoped3A : memref<!tpu.dma_semaphore, #tpu.memory_space<semaphore_mem>>)
      %dma_wait3A = arith.constant 0 : i32
      %dma_wait3A_56 = tpu.memref_slice %arg13[%add3A_26, %dma_wait3A] : memref<10240x64xf32, #tpu.memory_space<vmem_shared>> -> memref<128x64xf32, #tpu.memory_space<vmem_shared>>
      %dma_wait3A_57 = arith.constant 0 : i32
      %dma_wait3A_58 = tpu.memref_slice %arg13[%add3A_26, %dma_wait3A_57] : memref<10240x64xf32, #tpu.memory_space<vmem_shared>> -> memref<128x64xf32, #tpu.memory_space<vmem_shared>>
      tpu.wait_dma2 semaphore(%run_scoped3A : memref<!tpu.dma_semaphore, #tpu.memory_space<semaphore_mem>>) src(%arg12 : memref<128x64xf32, #tpu.memory_space<vmem>>) dst(%dma_wait3A_58 : memref<128x64xf32, #tpu.memory_space<vmem_shared>>)
      tpu.yield
    }) : () -> ()
    %barrier3A = arith.constant 0 : index
    tpu.barrier barrier_id(%barrier3A)
    %dma_start3A = arith.constant 0 : i32
    %dma_start3A_27 = arith.constant 0 : i32
    %dma_start3A_28 = tpu.memref_slice %arg6[%dma_start3A, %dma_start3A_27] : memref<80x128xi32, #tpu.memory_space<vmem>> -> memref<1x128xi32, #tpu.memory_space<vmem>>
    %dma_start3A_29 = tpu.memref_squeeze %dma_start3A_28 : memref<1x128xi32, #tpu.memory_space<vmem>> -> memref<128xi32, #tpu.memory_space<vmem>>
    %dma_start3A_30 = arith.constant 0 : i32
    %dma_start3A_31 = arith.constant 0 : i32
    %dma_start3A_32 = tpu.memref_slice %arg2[%dma_start3A_30, %dma_start3A_31] : memref<10000x64xf32, #tpu.memory_space<hbm>> -> memref<10000x64xf32, #tpu.memory_space<hbm>>
    tpu.enqueue_indirect_dma source(%dma_start3A_32 : memref<10000x64xf32, #tpu.memory_space<hbm>>) target(%arg8 : memref<128x64xf32, #tpu.memory_space<vmem>>) offsets(%dma_start3A_29 : memref<128xi32, #tpu.memory_space<vmem>>) semaphore(%arg14 : memref<!tpu.dma_semaphore, #tpu.memory_space<semaphore_mem>>)
    %dma_start3A_33 = arith.constant 1 : i32
    %dma_start3A_34 = arith.constant 0 : i32
    %dma_start3A_35 = tpu.memref_slice %arg6[%dma_start3A_33, %dma_start3A_34] : memref<80x128xi32, #tpu.memory_space<vmem>> -> memref<1x128xi32, #tpu.memory_space<vmem>>
    %dma_start3A_36 = tpu.memref_squeeze %dma_start3A_35 : memref<1x128xi32, #tpu.memory_space<vmem>> -> memref<128xi32, #tpu.memory_space<vmem>>
    %dma_start3A_37 = arith.constant 0 : i32
    %dma_start3A_38 = arith.constant 0 : i32
    %dma_start3A_39 = tpu.memref_slice %arg2[%dma_start3A_37, %dma_start3A_38] : memref<10000x64xf32, #tpu.memory_space<hbm>> -> memref<10000x64xf32, #tpu.memory_space<hbm>>
    tpu.enqueue_indirect_dma source(%dma_start3A_39 : memref<10000x64xf32, #tpu.memory_space<hbm>>) target(%arg9 : memref<128x64xf32, #tpu.memory_space<vmem>>) offsets(%dma_start3A_36 : memref<128xi32, #tpu.memory_space<vmem>>) semaphore(%arg15 : memref<!tpu.dma_semaphore, #tpu.memory_space<semaphore_mem>>)
    %scan3A_40 = arith.constant 0 : i32
    %scan3A_41 = arith.constant 0 : i32
    %scan3A_42 = arith.constant 20 : i32
    %scan3A_43 = arith.addi %scan3A_41, %scan3A_42 : i32
    %scan3A_44 = arith.constant 1 : i32
    %scan3A_45 = scf.for %scan3A_52 = %scan3A_41 to %scan3A_43 step %scan3A_44 iter_args(%scan3A_53 = %scan3A_40) -> (i32)  : i32 {
      %mul3A_54 = arith.constant 4 : i32
      %mul3A_55 = arith.muli %mul3A_54, %scan3A_52 : i32
      %add3A_56 = arith.constant 0 : i32
      %add3A_57 = arith.addi %mul3A_55, %add3A_56 : i32
      %dma_wait3A = arith.constant 0 : i32
      %dma_wait3A_58 = tpu.memref_slice %arg6[%add3A_57, %dma_wait3A] : memref<80x128xi32, #tpu.memory_space<vmem>> -> memref<1x128xi32, #tpu.memory_space<vmem>>
      %dma_wait3A_59 = tpu.memref_squeeze %dma_wait3A_58 : memref<1x128xi32, #tpu.memory_space<vmem>> -> memref<128xi32, #tpu.memory_space<vmem>>
      %dma_wait3A_60 = arith.constant 0 : i32
      %dma_wait3A_61 = arith.constant 0 : i32
      %dma_wait3A_62 = tpu.memref_slice %arg2[%dma_wait3A_60, %dma_wait3A_61] : memref<10000x64xf32, #tpu.memory_space<hbm>> -> memref<10000x64xf32, #tpu.memory_space<hbm>>
      tpu.wait_indirect_dma semaphore(%arg14 : memref<!tpu.dma_semaphore, #tpu.memory_space<semaphore_mem>>) src(%dma_wait3A_62 : memref<10000x64xf32, #tpu.memory_space<hbm>>) dst(%arg8 : memref<128x64xf32, #tpu.memory_space<vmem>>)
      %add3A_63 = arith.constant 0 : i32
      %add3A_64 = arith.addi %mul3A_55, %add3A_63 : i32
      %add3A_65 = arith.constant 2 : i32
      %add3A_66 = arith.addi %add3A_64, %add3A_65 : i32
      %lt3A = arith.constant 80 : i32
      %lt3A_67 = arith.cmpi slt, %add3A_66, %lt3A : i32
      %convert_element_type3A = arith.extui %lt3A_67 : i1 to i32
      %cond3A = arith.constant 0 : i32
      %cond3A_68 = arith.cmpi ne, %convert_element_type3A, %cond3A : i32
      scf.if %cond3A_68 {
        %add3A_129 = arith.constant 0 : i32
        %add3A_130 = arith.addi %mul3A_55, %add3A_129 : i32
        %add3A_131 = arith.constant 2 : i32
        %add3A_132 = arith.addi %add3A_130, %add3A_131 : i32
        %dma_start3A_133 = arith.constant 0 : i32
        %dma_start3A_134 = tpu.memref_slice %arg6[%add3A_132, %dma_start3A_133] : memref<80x128xi32, #tpu.memory_space<vmem>> -> memref<1x128xi32, #tpu.memory_space<vmem>>
        %dma_start3A_135 = tpu.memref_squeeze %dma_start3A_134 : memref<1x128xi32, #tpu.memory_space<vmem>> -> memref<128xi32, #tpu.memory_space<vmem>>
        %dma_start3A_136 = arith.constant 0 : i32
        %dma_start3A_137 = arith.constant 0 : i32
        %dma_start3A_138 = tpu.memref_slice %arg2[%dma_start3A_136, %dma_start3A_137] : memref<10000x64xf32, #tpu.memory_space<hbm>> -> memref<10000x64xf32, #tpu.memory_space<hbm>>
        tpu.enqueue_indirect_dma source(%dma_start3A_138 : memref<10000x64xf32, #tpu.memory_space<hbm>>) target(%arg10 : memref<128x64xf32, #tpu.memory_space<vmem>>) offsets(%dma_start3A_135 : memref<128xi32, #tpu.memory_space<vmem>>) semaphore(%arg16 : memref<!tpu.dma_semaphore, #tpu.memory_space<semaphore_mem>>)
      } else {
      }
      %add3A_69 = arith.constant 0 : i32
      %add3A_70 = arith.addi %mul3A_55, %add3A_69 : i32
      "tpu.region"() ({
        %run_scoped3A = tpu.sem_alloc : memref<!tpu.dma_semaphore, #tpu.memory_space<semaphore_mem>>
        %dma_start3A_129 = arith.constant 0 : i32
        %dma_start3A_130 = tpu.memref_slice %arg7[%add3A_70, %dma_start3A_129] : memref<80x128xi32, #tpu.memory_space<vmem>> -> memref<1x128xi32, #tpu.memory_space<vmem>>
        %dma_start3A_131 = tpu.memref_squeeze %dma_start3A_130 : memref<1x128xi32, #tpu.memory_space<vmem>> -> memref<128xi32, #tpu.memory_space<vmem>>
        %dma_start3A_132 = arith.constant 0 : i32
        %dma_start3A_133 = arith.constant 0 : i32
        %dma_start3A_134 = tpu.memref_slice %arg13[%dma_start3A_132, %dma_start3A_133] : memref<10240x64xf32, #tpu.memory_space<vmem_shared>> -> memref<10240x64xf32, #tpu.memory_space<vmem_shared>>
        tpu.enqueue_indirect_dma source(%arg8 : memref<128x64xf32, #tpu.memory_space<vmem>>) target(%dma_start3A_134 : memref<10240x64xf32, #tpu.memory_space<vmem_shared>>) offsets(%dma_start3A_131 : memref<128xi32, #tpu.memory_space<vmem>>) semaphore(%run_scoped3A : memref<!tpu.dma_semaphore, #tpu.memory_space<semaphore_mem>>) {add = true}
        %dma_wait3A_135 = arith.constant 0 : i32
        %dma_wait3A_136 = tpu.memref_slice %arg7[%add3A_70, %dma_wait3A_135] : memref<80x128xi32, #tpu.memory_space<vmem>> -> memref<1x128xi32, #tpu.memory_space<vmem>>
        %dma_wait3A_137 = tpu.memref_squeeze %dma_wait3A_136 : memref<1x128xi32, #tpu.memory_space<vmem>> -> memref<128xi32, #tpu.memory_space<vmem>>
        %dma_wait3A_138 = arith.constant 0 : i32
        %dma_wait3A_139 = arith.constant 0 : i32
        %dma_wait3A_140 = tpu.memref_slice %arg13[%dma_wait3A_138, %dma_wait3A_139] : memref<10240x64xf32, #tpu.memory_space<vmem_shared>> -> memref<10240x64xf32, #tpu.memory_space<vmem_shared>>
        tpu.wait_indirect_dma semaphore(%run_scoped3A : memref<!tpu.dma_semaphore, #tpu.memory_space<semaphore_mem>>) src(%arg8 : memref<128x64xf32, #tpu.memory_space<vmem>>) dst(%dma_wait3A_140 : memref<10240x64xf32, #tpu.memory_space<vmem_shared>>)
        tpu.yield
      }) : () -> ()
      %add3A_71 = arith.constant 1 : i32
      %add3A_72 = arith.addi %mul3A_55, %add3A_71 : i32
      %dma_wait3A_73 = arith.constant 0 : i32
      %dma_wait3A_74 = tpu.memref_slice %arg6[%add3A_72, %dma_wait3A_73] : memref<80x128xi32, #tpu.memory_space<vmem>> -> memref<1x128xi32, #tpu.memory_space<vmem>>
      %dma_wait3A_75 = tpu.memref_squeeze %dma_wait3A_74 : memref<1x128xi32, #tpu.memory_space<vmem>> -> memref<128xi32, #tpu.memory_space<vmem>>
      %dma_wait3A_76 = arith.constant 0 : i32
      %dma_wait3A_77 = arith.constant 0 : i32
      %dma_wait3A_78 = tpu.memref_slice %arg2[%dma_wait3A_76, %dma_wait3A_77] : memref<10000x64xf32, #tpu.memory_space<hbm>> -> memref<10000x64xf32, #tpu.memory_space<hbm>>
      tpu.wait_indirect_dma semaphore(%arg15 : memref<!tpu.dma_semaphore, #tpu.memory_space<semaphore_mem>>) src(%dma_wait3A_78 : memref<10000x64xf32, #tpu.memory_space<hbm>>) dst(%arg9 : memref<128x64xf32, #tpu.memory_space<vmem>>)
      %add3A_79 = arith.constant 1 : i32
      %add3A_80 = arith.addi %mul3A_55, %add3A_79 : i32
      %add3A_81 = arith.constant 2 : i32
      %add3A_82 = arith.addi %add3A_80, %add3A_81 : i32
      %lt3A_83 = arith.constant 80 : i32
      %lt3A_84 = arith.cmpi slt, %add3A_82, %lt3A_83 : i32
      %convert_element_type3A_85 = arith.extui %lt3A_84 : i1 to i32
      %cond3A_86 = arith.constant 0 : i32
      %cond3A_87 = arith.cmpi ne, %convert_element_type3A_85, %cond3A_86 : i32
      scf.if %cond3A_87 {
        %add3A_129 = arith.constant 1 : i32
        %add3A_130 = arith.addi %mul3A_55, %add3A_129 : i32
        %add3A_131 = arith.constant 2 : i32
        %add3A_132 = arith.addi %add3A_130, %add3A_131 : i32
        %dma_start3A_133 = arith.constant 0 : i32
        %dma_start3A_134 = tpu.memref_slice %arg6[%add3A_132, %dma_start3A_133] : memref<80x128xi32, #tpu.memory_space<vmem>> -> memref<1x128xi32, #tpu.memory_space<vmem>>
        %dma_start3A_135 = tpu.memref_squeeze %dma_start3A_134 : memref<1x128xi32, #tpu.memory_space<vmem>> -> memref<128xi32, #tpu.memory_space<vmem>>
        %dma_start3A_136 = arith.constant 0 : i32
        %dma_start3A_137 = arith.constant 0 : i32
        %dma_start3A_138 = tpu.memref_slice %arg2[%dma_start3A_136, %dma_start3A_137] : memref<10000x64xf32, #tpu.memory_space<hbm>> -> memref<10000x64xf32, #tpu.memory_space<hbm>>
        tpu.enqueue_indirect_dma source(%dma_start3A_138 : memref<10000x64xf32, #tpu.memory_space<hbm>>) target(%arg11 : memref<128x64xf32, #tpu.memory_space<vmem>>) offsets(%dma_start3A_135 : memref<128xi32, #tpu.memory_space<vmem>>) semaphore(%arg17 : memref<!tpu.dma_semaphore, #tpu.memory_space<semaphore_mem>>)
      } else {
      }
      %add3A_88 = arith.constant 1 : i32
      %add3A_89 = arith.addi %mul3A_55, %add3A_88 : i32
      "tpu.region"() ({
        %run_scoped3A = tpu.sem_alloc : memref<!tpu.dma_semaphore, #tpu.memory_space<semaphore_mem>>
        %dma_start3A_129 = arith.constant 0 : i32
        %dma_start3A_130 = tpu.memref_slice %arg7[%add3A_89, %dma_start3A_129] : memref<80x128xi32, #tpu.memory_space<vmem>> -> memref<1x128xi32, #tpu.memory_space<vmem>>
        %dma_start3A_131 = tpu.memref_squeeze %dma_start3A_130 : memref<1x128xi32, #tpu.memory_space<vmem>> -> memref<128xi32, #tpu.memory_space<vmem>>
        %dma_start3A_132 = arith.constant 0 : i32
        %dma_start3A_133 = arith.constant 0 : i32
        %dma_start3A_134 = tpu.memref_slice %arg13[%dma_start3A_132, %dma_start3A_133] : memref<10240x64xf32, #tpu.memory_space<vmem_shared>> -> memref<10240x64xf32, #tpu.memory_space<vmem_shared>>
        tpu.enqueue_indirect_dma source(%arg9 : memref<128x64xf32, #tpu.memory_space<vmem>>) target(%dma_start3A_134 : memref<10240x64xf32, #tpu.memory_space<vmem_shared>>) offsets(%dma_start3A_131 : memref<128xi32, #tpu.memory_space<vmem>>) semaphore(%run_scoped3A : memref<!tpu.dma_semaphore, #tpu.memory_space<semaphore_mem>>) {add = true}
        %dma_wait3A_135 = arith.constant 0 : i32
        %dma_wait3A_136 = tpu.memref_slice %arg7[%add3A_89, %dma_wait3A_135] : memref<80x128xi32, #tpu.memory_space<vmem>> -> memref<1x128xi32, #tpu.memory_space<vmem>>
        %dma_wait3A_137 = tpu.memref_squeeze %dma_wait3A_136 : memref<1x128xi32, #tpu.memory_space<vmem>> -> memref<128xi32, #tpu.memory_space<vmem>>
        %dma_wait3A_138 = arith.constant 0 : i32
        %dma_wait3A_139 = arith.constant 0 : i32
        %dma_wait3A_140 = tpu.memref_slice %arg13[%dma_wait3A_138, %dma_wait3A_139] : memref<10240x64xf32, #tpu.memory_space<vmem_shared>> -> memref<10240x64xf32, #tpu.memory_space<vmem_shared>>
        tpu.wait_indirect_dma semaphore(%run_scoped3A : memref<!tpu.dma_semaphore, #tpu.memory_space<semaphore_mem>>) src(%arg9 : memref<128x64xf32, #tpu.memory_space<vmem>>) dst(%dma_wait3A_140 : memref<10240x64xf32, #tpu.memory_space<vmem_shared>>)
        tpu.yield
      }) : () -> ()
      %add3A_90 = arith.constant 2 : i32
      %add3A_91 = arith.addi %mul3A_55, %add3A_90 : i32
      %dma_wait3A_92 = arith.constant 0 : i32
      %dma_wait3A_93 = tpu.memref_slice %arg6[%add3A_91, %dma_wait3A_92] : memref<80x128xi32, #tpu.memory_space<vmem>> -> memref<1x128xi32, #tpu.memory_space<vmem>>
      %dma_wait3A_94 = tpu.memref_squeeze %dma_wait3A_93 : memref<1x128xi32, #tpu.memory_space<vmem>> -> memref<128xi32, #tpu.memory_space<vmem>>
      %dma_wait3A_95 = arith.constant 0 : i32
      %dma_wait3A_96 = arith.constant 0 : i32
      %dma_wait3A_97 = tpu.memref_slice %arg2[%dma_wait3A_95, %dma_wait3A_96] : memref<10000x64xf32, #tpu.memory_space<hbm>> -> memref<10000x64xf32, #tpu.memory_space<hbm>>
      tpu.wait_indirect_dma semaphore(%arg16 : memref<!tpu.dma_semaphore, #tpu.memory_space<semaphore_mem>>) src(%dma_wait3A_97 : memref<10000x64xf32, #tpu.memory_space<hbm>>) dst(%arg10 : memref<128x64xf32, #tpu.memory_space<vmem>>)
      %add3A_98 = arith.constant 2 : i32
      %add3A_99 = arith.addi %mul3A_55, %add3A_98 : i32
      %add3A_100 = arith.constant 2 : i32
      %add3A_101 = arith.addi %add3A_99, %add3A_100 : i32
      %lt3A_102 = arith.constant 80 : i32
      %lt3A_103 = arith.cmpi slt, %add3A_101, %lt3A_102 : i32
      %convert_element_type3A_104 = arith.extui %lt3A_103 : i1 to i32
      %cond3A_105 = arith.constant 0 : i32
      %cond3A_106 = arith.cmpi ne, %convert_element_type3A_104, %cond3A_105 : i32
      scf.if %cond3A_106 {
        %add3A_129 = arith.constant 2 : i32
        %add3A_130 = arith.addi %mul3A_55, %add3A_129 : i32
        %add3A_131 = arith.constant 2 : i32
        %add3A_132 = arith.addi %add3A_130, %add3A_131 : i32
        %dma_start3A_133 = arith.constant 0 : i32
        %dma_start3A_134 = tpu.memref_slice %arg6[%add3A_132, %dma_start3A_133] : memref<80x128xi32, #tpu.memory_space<vmem>> -> memref<1x128xi32, #tpu.memory_space<vmem>>
        %dma_start3A_135 = tpu.memref_squeeze %dma_start3A_134 : memref<1x128xi32, #tpu.memory_space<vmem>> -> memref<128xi32, #tpu.memory_space<vmem>>
        %dma_start3A_136 = arith.constant 0 : i32
        %dma_start3A_137 = arith.constant 0 : i32
        %dma_start3A_138 = tpu.memref_slice %arg2[%dma_start3A_136, %dma_start3A_137] : memref<10000x64xf32, #tpu.memory_space<hbm>> -> memref<10000x64xf32, #tpu.memory_space<hbm>>
        tpu.enqueue_indirect_dma source(%dma_start3A_138 : memref<10000x64xf32, #tpu.memory_space<hbm>>) target(%arg8 : memref<128x64xf32, #tpu.memory_space<vmem>>) offsets(%dma_start3A_135 : memref<128xi32, #tpu.memory_space<vmem>>) semaphore(%arg14 : memref<!tpu.dma_semaphore, #tpu.memory_space<semaphore_mem>>)
      } else {
      }
      %add3A_107 = arith.constant 2 : i32
      %add3A_108 = arith.addi %mul3A_55, %add3A_107 : i32
      "tpu.region"() ({
        %run_scoped3A = tpu.sem_alloc : memref<!tpu.dma_semaphore, #tpu.memory_space<semaphore_mem>>
        %dma_start3A_129 = arith.constant 0 : i32
        %dma_start3A_130 = tpu.memref_slice %arg7[%add3A_108, %dma_start3A_129] : memref<80x128xi32, #tpu.memory_space<vmem>> -> memref<1x128xi32, #tpu.memory_space<vmem>>
        %dma_start3A_131 = tpu.memref_squeeze %dma_start3A_130 : memref<1x128xi32, #tpu.memory_space<vmem>> -> memref<128xi32, #tpu.memory_space<vmem>>
        %dma_start3A_132 = arith.constant 0 : i32
        %dma_start3A_133 = arith.constant 0 : i32
        %dma_start3A_134 = tpu.memref_slice %arg13[%dma_start3A_132, %dma_start3A_133] : memref<10240x64xf32, #tpu.memory_space<vmem_shared>> -> memref<10240x64xf32, #tpu.memory_space<vmem_shared>>
        tpu.enqueue_indirect_dma source(%arg10 : memref<128x64xf32, #tpu.memory_space<vmem>>) target(%dma_start3A_134 : memref<10240x64xf32, #tpu.memory_space<vmem_shared>>) offsets(%dma_start3A_131 : memref<128xi32, #tpu.memory_space<vmem>>) semaphore(%run_scoped3A : memref<!tpu.dma_semaphore, #tpu.memory_space<semaphore_mem>>) {add = true}
        %dma_wait3A_135 = arith.constant 0 : i32
        %dma_wait3A_136 = tpu.memref_slice %arg7[%add3A_108, %dma_wait3A_135] : memref<80x128xi32, #tpu.memory_space<vmem>> -> memref<1x128xi32, #tpu.memory_space<vmem>>
        %dma_wait3A_137 = tpu.memref_squeeze %dma_wait3A_136 : memref<1x128xi32, #tpu.memory_space<vmem>> -> memref<128xi32, #tpu.memory_space<vmem>>
        %dma_wait3A_138 = arith.constant 0 : i32
        %dma_wait3A_139 = arith.constant 0 : i32
        %dma_wait3A_140 = tpu.memref_slice %arg13[%dma_wait3A_138, %dma_wait3A_139] : memref<10240x64xf32, #tpu.memory_space<vmem_shared>> -> memref<10240x64xf32, #tpu.memory_space<vmem_shared>>
        tpu.wait_indirect_dma semaphore(%run_scoped3A : memref<!tpu.dma_semaphore, #tpu.memory_space<semaphore_mem>>) src(%arg10 : memref<128x64xf32, #tpu.memory_space<vmem>>) dst(%dma_wait3A_140 : memref<10240x64xf32, #tpu.memory_space<vmem_shared>>)
        tpu.yield
      }) : () -> ()
      %add3A_109 = arith.constant 3 : i32
      %add3A_110 = arith.addi %mul3A_55, %add3A_109 : i32
      %dma_wait3A_111 = arith.constant 0 : i32
      %dma_wait3A_112 = tpu.memref_slice %arg6[%add3A_110, %dma_wait3A_111] : memref<80x128xi32, #tpu.memory_space<vmem>> -> memref<1x128xi32, #tpu.memory_space<vmem>>
      %dma_wait3A_113 = tpu.memref_squeeze %dma_wait3A_112 : memref<1x128xi32, #tpu.memory_space<vmem>> -> memref<128xi32, #tpu.memory_space<vmem>>
      %dma_wait3A_114 = arith.constant 0 : i32
      %dma_wait3A_115 = arith.constant 0 : i32
      %dma_wait3A_116 = tpu.memref_slice %arg2[%dma_wait3A_114, %dma_wait3A_115] : memref<10000x64xf32, #tpu.memory_space<hbm>> -> memref<10000x64xf32, #tpu.memory_space<hbm>>
      tpu.wait_indirect_dma semaphore(%arg17 : memref<!tpu.dma_semaphore, #tpu.memory_space<semaphore_mem>>) src(%dma_wait3A_116 : memref<10000x64xf32, #tpu.memory_space<hbm>>) dst(%arg11 : memref<128x64xf32, #tpu.memory_space<vmem>>)
      %add3A_117 = arith.constant 3 : i32
      %add3A_118 = arith.addi %mul3A_55, %add3A_117 : i32
      %add3A_119 = arith.constant 2 : i32
      %add3A_120 = arith.addi %add3A_118, %add3A_119 : i32
      %lt3A_121 = arith.constant 80 : i32
      %lt3A_122 = arith.cmpi slt, %add3A_120, %lt3A_121 : i32
      %convert_element_type3A_123 = arith.extui %lt3A_122 : i1 to i32
      %cond3A_124 = arith.constant 0 : i32
      %cond3A_125 = arith.cmpi ne, %convert_element_type3A_123, %cond3A_124 : i32
      scf.if %cond3A_125 {
        %add3A_129 = arith.constant 3 : i32
        %add3A_130 = arith.addi %mul3A_55, %add3A_129 : i32
        %add3A_131 = arith.constant 2 : i32
        %add3A_132 = arith.addi %add3A_130, %add3A_131 : i32
        %dma_start3A_133 = arith.constant 0 : i32
        %dma_start3A_134 = tpu.memref_slice %arg6[%add3A_132, %dma_start3A_133] : memref<80x128xi32, #tpu.memory_space<vmem>> -> memref<1x128xi32, #tpu.memory_space<vmem>>
        %dma_start3A_135 = tpu.memref_squeeze %dma_start3A_134 : memref<1x128xi32, #tpu.memory_space<vmem>> -> memref<128xi32, #tpu.memory_space<vmem>>
        %dma_start3A_136 = arith.constant 0 : i32
        %dma_start3A_137 = arith.constant 0 : i32
        %dma_start3A_138 = tpu.memref_slice %arg2[%dma_start3A_136, %dma_start3A_137] : memref<10000x64xf32, #tpu.memory_space<hbm>> -> memref<10000x64xf32, #tpu.memory_space<hbm>>
        tpu.enqueue_indirect_dma source(%dma_start3A_138 : memref<10000x64xf32, #tpu.memory_space<hbm>>) target(%arg9 : memref<128x64xf32, #tpu.memory_space<vmem>>) offsets(%dma_start3A_135 : memref<128xi32, #tpu.memory_space<vmem>>) semaphore(%arg15 : memref<!tpu.dma_semaphore, #tpu.memory_space<semaphore_mem>>)
      } else {
      }
      %add3A_126 = arith.constant 3 : i32
      %add3A_127 = arith.addi %mul3A_55, %add3A_126 : i32
      "tpu.region"() ({
        %run_scoped3A = tpu.sem_alloc : memref<!tpu.dma_semaphore, #tpu.memory_space<semaphore_mem>>
        %dma_start3A_129 = arith.constant 0 : i32
        %dma_start3A_130 = tpu.memref_slice %arg7[%add3A_127, %dma_start3A_129] : memref<80x128xi32, #tpu.memory_space<vmem>> -> memref<1x128xi32, #tpu.memory_space<vmem>>
        %dma_start3A_131 = tpu.memref_squeeze %dma_start3A_130 : memref<1x128xi32, #tpu.memory_space<vmem>> -> memref<128xi32, #tpu.memory_space<vmem>>
        %dma_start3A_132 = arith.constant 0 : i32
        %dma_start3A_133 = arith.constant 0 : i32
        %dma_start3A_134 = tpu.memref_slice %arg13[%dma_start3A_132, %dma_start3A_133] : memref<10240x64xf32, #tpu.memory_space<vmem_shared>> -> memref<10240x64xf32, #tpu.memory_space<vmem_shared>>
        tpu.enqueue_indirect_dma source(%arg11 : memref<128x64xf32, #tpu.memory_space<vmem>>) target(%dma_start3A_134 : memref<10240x64xf32, #tpu.memory_space<vmem_shared>>) offsets(%dma_start3A_131 : memref<128xi32, #tpu.memory_space<vmem>>) semaphore(%run_scoped3A : memref<!tpu.dma_semaphore, #tpu.memory_space<semaphore_mem>>) {add = true}
        %dma_wait3A_135 = arith.constant 0 : i32
        %dma_wait3A_136 = tpu.memref_slice %arg7[%add3A_127, %dma_wait3A_135] : memref<80x128xi32, #tpu.memory_space<vmem>> -> memref<1x128xi32, #tpu.memory_space<vmem>>
        %dma_wait3A_137 = tpu.memref_squeeze %dma_wait3A_136 : memref<1x128xi32, #tpu.memory_space<vmem>> -> memref<128xi32, #tpu.memory_space<vmem>>
        %dma_wait3A_138 = arith.constant 0 : i32
        %dma_wait3A_139 = arith.constant 0 : i32
        %dma_wait3A_140 = tpu.memref_slice %arg13[%dma_wait3A_138, %dma_wait3A_139] : memref<10240x64xf32, #tpu.memory_space<vmem_shared>> -> memref<10240x64xf32, #tpu.memory_space<vmem_shared>>
        tpu.wait_indirect_dma semaphore(%run_scoped3A : memref<!tpu.dma_semaphore, #tpu.memory_space<semaphore_mem>>) src(%arg11 : memref<128x64xf32, #tpu.memory_space<vmem>>) dst(%dma_wait3A_140 : memref<10240x64xf32, #tpu.memory_space<vmem_shared>>)
        tpu.yield
      }) : () -> ()
      %scan3A_128 = arith.constant 0 : i32
      scf.yield %scan3A_128 : i32
    }
    %scan3A_46 = arith.constant 20 : i32
    %barrier3A_47 = arith.constant 0 : index
    tpu.barrier barrier_id(%barrier3A_47)
    %mul3A_48 = arith.constant 640 : i32
    %mul3A_49 = arith.muli %arg1, %mul3A_48 : i32
    %mul3A_50 = arith.constant 640 : i32
    %mul3A_51 = arith.muli %arg1, %mul3A_50 : i32
    "tpu.region"() ({
      %run_scoped3A = tpu.sem_alloc : memref<!tpu.dma_semaphore, #tpu.memory_space<semaphore_mem>>
      %dma_start3A_52 = arith.constant 0 : i32
      %dma_start3A_53 = tpu.memref_slice %arg5[%arg0, %mul3A_51, %dma_start3A_52] : memref<2x10240x128xf32, #tpu.memory_space<hbm>> -> memref<1x640x64xf32, #tpu.memory_space<hbm>>
      %dma_start3A_54 = tpu.memref_squeeze %dma_start3A_53 : memref<1x640x64xf32, #tpu.memory_space<hbm>> -> memref<640x64xf32, #tpu.memory_space<hbm>>
      %dma_start3A_55 = arith.constant 0 : i32
      %dma_start3A_56 = tpu.memref_slice %arg13[%mul3A_49, %dma_start3A_55] : memref<10240x64xf32, #tpu.memory_space<vmem_shared>> -> memref<640x64xf32, #tpu.memory_space<vmem_shared>>
      tpu.enqueue_dma source(%dma_start3A_56 : memref<640x64xf32, #tpu.memory_space<vmem_shared>>) target(%dma_start3A_54 : memref<640x64xf32, #tpu.memory_space<hbm>>) target_semaphore(%run_scoped3A : memref<!tpu.dma_semaphore, #tpu.memory_space<semaphore_mem>>)
      %dma_wait3A = arith.constant 0 : i32
      %dma_wait3A_57 = tpu.memref_slice %arg5[%arg0, %mul3A_51, %dma_wait3A] : memref<2x10240x128xf32, #tpu.memory_space<hbm>> -> memref<1x640x64xf32, #tpu.memory_space<hbm>>
      %dma_wait3A_58 = tpu.memref_squeeze %dma_wait3A_57 : memref<1x640x64xf32, #tpu.memory_space<hbm>> -> memref<640x64xf32, #tpu.memory_space<hbm>>
      %dma_wait3A_59 = arith.constant 0 : i32
      %dma_wait3A_60 = tpu.memref_slice %arg13[%mul3A_49, %dma_wait3A_59] : memref<10240x64xf32, #tpu.memory_space<vmem_shared>> -> memref<640x64xf32, #tpu.memory_space<vmem_shared>>
      tpu.wait_dma2 semaphore(%run_scoped3A : memref<!tpu.dma_semaphore, #tpu.memory_space<semaphore_mem>>) src(%dma_wait3A_60 : memref<640x64xf32, #tpu.memory_space<vmem_shared>>) dst(%dma_wait3A_58 : memref<640x64xf32, #tpu.memory_space<hbm>>)
      tpu.yield
    }) : () -> ()
    return
  }
}

#map = affine_map<(d0, d1) -> (0, 0, 0)>
module attributes {stable_mosaic.version = 14 : i64} {
  func.func @k(%arg0: i32, %arg1: i32, %arg2: memref<32x80x128xi32, #tpu.memory_space<hbm>>, %arg3: memref<2x10240x128xf32, #tpu.memory_space<hbm>>, %arg4: memref<80x128xi32, #tpu.memory_space<vmem>>, %arg5: memref<128x16xf32, #tpu.memory_space<vmem>>, %arg6: memref<128x16xf32, #tpu.memory_space<vmem>>, %arg7: memref<10240x16xf32, #tpu.memory_space<vmem_shared>>) attributes {dimension_semantics = [#tpu.dimension_semantics<core_parallel>, #tpu.dimension_semantics<subcore_parallel>], iteration_bounds = array<i64: 2, 16>, scalar_prefetch = 0 : i64, scratch_operands = 4 : i64, tpu.core_type = #tpu.core_type<sc_vector_subcore>, window_params = [{transform_indices = #map}, {transform_indices = #map}]} {
    %mul3A = arith.constant 2 : i32
    %mul3A_0 = arith.muli %arg1, %mul3A : i32
    %add3A = arith.addi %mul3A_0, %arg0 : i32
    "tpu.region"() ({
      %run_scoped3A = tpu.sem_alloc : memref<!tpu.dma_semaphore, #tpu.memory_space<semaphore_mem>>
      %dma_start3A = arith.constant 0 : i32
      %dma_start3A_46 = arith.constant 0 : i32
      %dma_start3A_47 = tpu.memref_slice %arg2[%add3A, %dma_start3A, %dma_start3A_46] : memref<32x80x128xi32, #tpu.memory_space<hbm>> -> memref<1x80x128xi32, #tpu.memory_space<hbm>>
      %dma_start3A_48 = tpu.memref_squeeze %dma_start3A_47 : memref<1x80x128xi32, #tpu.memory_space<hbm>> -> memref<80x128xi32, #tpu.memory_space<hbm>>
      %dma_start3A_49 = arith.constant 0 : i32
      %dma_start3A_50 = arith.constant 0 : i32
      %dma_start3A_51 = tpu.memref_slice %arg2[%add3A, %dma_start3A_49, %dma_start3A_50] : memref<32x80x128xi32, #tpu.memory_space<hbm>> -> memref<1x80x128xi32, #tpu.memory_space<hbm>>
      %dma_start3A_52 = tpu.memref_squeeze %dma_start3A_51 : memref<1x80x128xi32, #tpu.memory_space<hbm>> -> memref<80x128xi32, #tpu.memory_space<hbm>>
      tpu.enqueue_dma source(%dma_start3A_52 : memref<80x128xi32, #tpu.memory_space<hbm>>) target(%arg4 : memref<80x128xi32, #tpu.memory_space<vmem>>) target_semaphore(%run_scoped3A : memref<!tpu.dma_semaphore, #tpu.memory_space<semaphore_mem>>)
      %dma_wait3A = arith.constant 0 : i32
      %dma_wait3A_53 = arith.constant 0 : i32
      %dma_wait3A_54 = tpu.memref_slice %arg2[%add3A, %dma_wait3A, %dma_wait3A_53] : memref<32x80x128xi32, #tpu.memory_space<hbm>> -> memref<1x80x128xi32, #tpu.memory_space<hbm>>
      %dma_wait3A_55 = tpu.memref_squeeze %dma_wait3A_54 : memref<1x80x128xi32, #tpu.memory_space<hbm>> -> memref<80x128xi32, #tpu.memory_space<hbm>>
      %dma_wait3A_56 = arith.constant 0 : i32
      %dma_wait3A_57 = arith.constant 0 : i32
      %dma_wait3A_58 = tpu.memref_slice %arg2[%add3A, %dma_wait3A_56, %dma_wait3A_57] : memref<32x80x128xi32, #tpu.memory_space<hbm>> -> memref<1x80x128xi32, #tpu.memory_space<hbm>>
      %dma_wait3A_59 = tpu.memref_squeeze %dma_wait3A_58 : memref<1x80x128xi32, #tpu.memory_space<hbm>> -> memref<80x128xi32, #tpu.memory_space<hbm>>
      tpu.wait_dma2 semaphore(%run_scoped3A : memref<!tpu.dma_semaphore, #tpu.memory_space<semaphore_mem>>) src(%dma_wait3A_59 : memref<80x128xi32, #tpu.memory_space<hbm>>) dst(%arg4 : memref<80x128xi32, #tpu.memory_space<vmem>>)
      tpu.yield
    }) : () -> ()
    %scan3A = arith.constant 0 : i32
    %scan3A_1 = arith.constant 0 : i32
    %scan3A_2 = arith.constant 128 : i32
    %scan3A_3 = arith.addi %scan3A_1, %scan3A_2 : i32
    %scan3A_4 = arith.constant 1 : i32
    %scan3A_5 = scf.for %scan3A_46 = %scan3A_1 to %scan3A_3 step %scan3A_4 iter_args(%scan3A_47 = %scan3A) -> (i32)  : i32 {
      %broadcast_in_dim3A = arith.constant 1.000000e+00 : f32
      %broadcast_in_dim3A_48 = vector.broadcast %broadcast_in_dim3A : f32 to vector<16xf32>
      %swap3A = arith.index_cast %scan3A_46 : i32 to index
      %swap3A_49 = arith.constant 0 : index
      %swap3A_50 = tpu.vector_load %arg5[%swap3A, %swap3A_49] {strides = array<i32>} : memref<128x16xf32, #tpu.memory_space<vmem>>, vector<1x16xf32>,
      %swap3A_51 = vector.shape_cast %swap3A_50 : vector<1x16xf32> to vector<16xf32>
      %swap3A_52 = vector.shape_cast %broadcast_in_dim3A_48 : vector<16xf32> to vector<1x16xf32>
      tpu.vector_store %arg5[%swap3A, %swap3A_49], %swap3A_52 {strides = array<i32>} : memref<128x16xf32, #tpu.memory_space<vmem>>, vector<1x16xf32>,
      %scan3A_53 = arith.constant 0 : i32
      scf.yield %scan3A_53 : i32
    }
    %scan3A_6 = arith.constant 128 : i32
    %scan3A_7 = arith.constant 0 : i32
    %scan3A_8 = arith.constant 0 : i32
    %scan3A_9 = arith.constant 128 : i32
    %scan3A_10 = arith.addi %scan3A_8, %scan3A_9 : i32
    %scan3A_11 = arith.constant 1 : i32
    %scan3A_12 = scf.for %scan3A_46 = %scan3A_8 to %scan3A_10 step %scan3A_11 iter_args(%scan3A_47 = %scan3A_7) -> (i32)  : i32 {
      %broadcast_in_dim3A = arith.constant 0.000000e+00 : f32
      %broadcast_in_dim3A_48 = vector.broadcast %broadcast_in_dim3A : f32 to vector<16xf32>
      %swap3A = arith.index_cast %scan3A_46 : i32 to index
      %swap3A_49 = arith.constant 0 : index
      %swap3A_50 = tpu.vector_load %arg6[%swap3A, %swap3A_49] {strides = array<i32>} : memref<128x16xf32, #tpu.memory_space<vmem>>, vector<1x16xf32>,
      %swap3A_51 = vector.shape_cast %swap3A_50 : vector<1x16xf32> to vector<16xf32>
      %swap3A_52 = vector.shape_cast %broadcast_in_dim3A_48 : vector<16xf32> to vector<1x16xf32>
      tpu.vector_store %arg6[%swap3A, %swap3A_49], %swap3A_52 {strides = array<i32>} : memref<128x16xf32, #tpu.memory_space<vmem>>, vector<1x16xf32>,
      %scan3A_53 = arith.constant 0 : i32
      scf.yield %scan3A_53 : i32
    }
    %scan3A_13 = arith.constant 128 : i32
    %mul3A_14 = arith.constant 640 : i32
    %mul3A_15 = arith.muli %arg1, %mul3A_14 : i32
    %add3A_16 = arith.constant 0 : i32
    %add3A_17 = arith.addi %mul3A_15, %add3A_16 : i32
    "tpu.region"() ({
      %run_scoped3A = tpu.sem_alloc : memref<!tpu.dma_semaphore, #tpu.memory_space<semaphore_mem>>
      %dma_start3A = arith.constant 0 : i32
      %dma_start3A_46 = tpu.memref_slice %arg7[%add3A_17, %dma_start3A] : memref<10240x16xf32, #tpu.memory_space<vmem_shared>> -> memref<128x16xf32, #tpu.memory_space<vmem_shared>>
      %dma_start3A_47 = arith.constant 0 : i32
      %dma_start3A_48 = tpu.memref_slice %arg7[%add3A_17, %dma_start3A_47] : memref<10240x16xf32, #tpu.memory_space<vmem_shared>> -> memref<128x16xf32, #tpu.memory_space<vmem_shared>>
      tpu.enqueue_dma source(%arg6 : memref<128x16xf32, #tpu.memory_space<vmem>>) target(%dma_start3A_48 : memref<128x16xf32, #tpu.memory_space<vmem_shared>>) target_semaphore(%run_scoped3A : memref<!tpu.dma_semaphore, #tpu.memory_space<semaphore_mem>>)
      %dma_wait3A = arith.constant 0 : i32
      %dma_wait3A_49 = tpu.memref_slice %arg7[%add3A_17, %dma_wait3A] : memref<10240x16xf32, #tpu.memory_space<vmem_shared>> -> memref<128x16xf32, #tpu.memory_space<vmem_shared>>
      %dma_wait3A_50 = arith.constant 0 : i32
      %dma_wait3A_51 = tpu.memref_slice %arg7[%add3A_17, %dma_wait3A_50] : memref<10240x16xf32, #tpu.memory_space<vmem_shared>> -> memref<128x16xf32, #tpu.memory_space<vmem_shared>>
      tpu.wait_dma2 semaphore(%run_scoped3A : memref<!tpu.dma_semaphore, #tpu.memory_space<semaphore_mem>>) src(%arg6 : memref<128x16xf32, #tpu.memory_space<vmem>>) dst(%dma_wait3A_51 : memref<128x16xf32, #tpu.memory_space<vmem_shared>>)
      tpu.yield
    }) : () -> ()
    %mul3A_18 = arith.constant 640 : i32
    %mul3A_19 = arith.muli %arg1, %mul3A_18 : i32
    %add3A_20 = arith.constant 128 : i32
    %add3A_21 = arith.addi %mul3A_19, %add3A_20 : i32
    "tpu.region"() ({
      %run_scoped3A = tpu.sem_alloc : memref<!tpu.dma_semaphore, #tpu.memory_space<semaphore_mem>>
      %dma_start3A = arith.constant 0 : i32
      %dma_start3A_46 = tpu.memref_slice %arg7[%add3A_21, %dma_start3A] : memref<10240x16xf32, #tpu.memory_space<vmem_shared>> -> memref<128x16xf32, #tpu.memory_space<vmem_shared>>
      %dma_start3A_47 = arith.constant 0 : i32
      %dma_start3A_48 = tpu.memref_slice %arg7[%add3A_21, %dma_start3A_47] : memref<10240x16xf32, #tpu.memory_space<vmem_shared>> -> memref<128x16xf32, #tpu.memory_space<vmem_shared>>
      tpu.enqueue_dma source(%arg6 : memref<128x16xf32, #tpu.memory_space<vmem>>) target(%dma_start3A_48 : memref<128x16xf32, #tpu.memory_space<vmem_shared>>) target_semaphore(%run_scoped3A : memref<!tpu.dma_semaphore, #tpu.memory_space<semaphore_mem>>)
      %dma_wait3A = arith.constant 0 : i32
      %dma_wait3A_49 = tpu.memref_slice %arg7[%add3A_21, %dma_wait3A] : memref<10240x16xf32, #tpu.memory_space<vmem_shared>> -> memref<128x16xf32, #tpu.memory_space<vmem_shared>>
      %dma_wait3A_50 = arith.constant 0 : i32
      %dma_wait3A_51 = tpu.memref_slice %arg7[%add3A_21, %dma_wait3A_50] : memref<10240x16xf32, #tpu.memory_space<vmem_shared>> -> memref<128x16xf32, #tpu.memory_space<vmem_shared>>
      tpu.wait_dma2 semaphore(%run_scoped3A : memref<!tpu.dma_semaphore, #tpu.memory_space<semaphore_mem>>) src(%arg6 : memref<128x16xf32, #tpu.memory_space<vmem>>) dst(%dma_wait3A_51 : memref<128x16xf32, #tpu.memory_space<vmem_shared>>)
      tpu.yield
    }) : () -> ()
    %mul3A_22 = arith.constant 640 : i32
    %mul3A_23 = arith.muli %arg1, %mul3A_22 : i32
    %add3A_24 = arith.constant 256 : i32
    %add3A_25 = arith.addi %mul3A_23, %add3A_24 : i32
    "tpu.region"() ({
      %run_scoped3A = tpu.sem_alloc : memref<!tpu.dma_semaphore, #tpu.memory_space<semaphore_mem>>
      %dma_start3A = arith.constant 0 : i32
      %dma_start3A_46 = tpu.memref_slice %arg7[%add3A_25, %dma_start3A] : memref<10240x16xf32, #tpu.memory_space<vmem_shared>> -> memref<128x16xf32, #tpu.memory_space<vmem_shared>>
      %dma_start3A_47 = arith.constant 0 : i32
      %dma_start3A_48 = tpu.memref_slice %arg7[%add3A_25, %dma_start3A_47] : memref<10240x16xf32, #tpu.memory_space<vmem_shared>> -> memref<128x16xf32, #tpu.memory_space<vmem_shared>>
      tpu.enqueue_dma source(%arg6 : memref<128x16xf32, #tpu.memory_space<vmem>>) target(%dma_start3A_48 : memref<128x16xf32, #tpu.memory_space<vmem_shared>>) target_semaphore(%run_scoped3A : memref<!tpu.dma_semaphore, #tpu.memory_space<semaphore_mem>>)
      %dma_wait3A = arith.constant 0 : i32
      %dma_wait3A_49 = tpu.memref_slice %arg7[%add3A_25, %dma_wait3A] : memref<10240x16xf32, #tpu.memory_space<vmem_shared>> -> memref<128x16xf32, #tpu.memory_space<vmem_shared>>
      %dma_wait3A_50 = arith.constant 0 : i32
      %dma_wait3A_51 = tpu.memref_slice %arg7[%add3A_25, %dma_wait3A_50] : memref<10240x16xf32, #tpu.memory_space<vmem_shared>> -> memref<128x16xf32, #tpu.memory_space<vmem_shared>>
      tpu.wait_dma2 semaphore(%run_scoped3A : memref<!tpu.dma_semaphore, #tpu.memory_space<semaphore_mem>>) src(%arg6 : memref<128x16xf32, #tpu.memory_space<vmem>>) dst(%dma_wait3A_51 : memref<128x16xf32, #tpu.memory_space<vmem_shared>>)
      tpu.yield
    }) : () -> ()
    %mul3A_26 = arith.constant 640 : i32
    %mul3A_27 = arith.muli %arg1, %mul3A_26 : i32
    %add3A_28 = arith.constant 384 : i32
    %add3A_29 = arith.addi %mul3A_27, %add3A_28 : i32
    "tpu.region"() ({
      %run_scoped3A = tpu.sem_alloc : memref<!tpu.dma_semaphore, #tpu.memory_space<semaphore_mem>>
      %dma_start3A = arith.constant 0 : i32
      %dma_start3A_46 = tpu.memref_slice %arg7[%add3A_29, %dma_start3A] : memref<10240x16xf32, #tpu.memory_space<vmem_shared>> -> memref<128x16xf32, #tpu.memory_space<vmem_shared>>
      %dma_start3A_47 = arith.constant 0 : i32
      %dma_start3A_48 = tpu.memref_slice %arg7[%add3A_29, %dma_start3A_47] : memref<10240x16xf32, #tpu.memory_space<vmem_shared>> -> memref<128x16xf32, #tpu.memory_space<vmem_shared>>
      tpu.enqueue_dma source(%arg6 : memref<128x16xf32, #tpu.memory_space<vmem>>) target(%dma_start3A_48 : memref<128x16xf32, #tpu.memory_space<vmem_shared>>) target_semaphore(%run_scoped3A : memref<!tpu.dma_semaphore, #tpu.memory_space<semaphore_mem>>)
      %dma_wait3A = arith.constant 0 : i32
      %dma_wait3A_49 = tpu.memref_slice %arg7[%add3A_29, %dma_wait3A] : memref<10240x16xf32, #tpu.memory_space<vmem_shared>> -> memref<128x16xf32, #tpu.memory_space<vmem_shared>>
      %dma_wait3A_50 = arith.constant 0 : i32
      %dma_wait3A_51 = tpu.memref_slice %arg7[%add3A_29, %dma_wait3A_50] : memref<10240x16xf32, #tpu.memory_space<vmem_shared>> -> memref<128x16xf32, #tpu.memory_space<vmem_shared>>
      tpu.wait_dma2 semaphore(%run_scoped3A : memref<!tpu.dma_semaphore, #tpu.memory_space<semaphore_mem>>) src(%arg6 : memref<128x16xf32, #tpu.memory_space<vmem>>) dst(%dma_wait3A_51 : memref<128x16xf32, #tpu.memory_space<vmem_shared>>)
      tpu.yield
    }) : () -> ()
    %mul3A_30 = arith.constant 640 : i32
    %mul3A_31 = arith.muli %arg1, %mul3A_30 : i32
    %add3A_32 = arith.constant 512 : i32
    %add3A_33 = arith.addi %mul3A_31, %add3A_32 : i32
    "tpu.region"() ({
      %run_scoped3A = tpu.sem_alloc : memref<!tpu.dma_semaphore, #tpu.memory_space<semaphore_mem>>
      %dma_start3A = arith.constant 0 : i32
      %dma_start3A_46 = tpu.memref_slice %arg7[%add3A_33, %dma_start3A] : memref<10240x16xf32, #tpu.memory_space<vmem_shared>> -> memref<128x16xf32, #tpu.memory_space<vmem_shared>>
      %dma_start3A_47 = arith.constant 0 : i32
      %dma_start3A_48 = tpu.memref_slice %arg7[%add3A_33, %dma_start3A_47] : memref<10240x16xf32, #tpu.memory_space<vmem_shared>> -> memref<128x16xf32, #tpu.memory_space<vmem_shared>>
      tpu.enqueue_dma source(%arg6 : memref<128x16xf32, #tpu.memory_space<vmem>>) target(%dma_start3A_48 : memref<128x16xf32, #tpu.memory_space<vmem_shared>>) target_semaphore(%run_scoped3A : memref<!tpu.dma_semaphore, #tpu.memory_space<semaphore_mem>>)
      %dma_wait3A = arith.constant 0 : i32
      %dma_wait3A_49 = tpu.memref_slice %arg7[%add3A_33, %dma_wait3A] : memref<10240x16xf32, #tpu.memory_space<vmem_shared>> -> memref<128x16xf32, #tpu.memory_space<vmem_shared>>
      %dma_wait3A_50 = arith.constant 0 : i32
      %dma_wait3A_51 = tpu.memref_slice %arg7[%add3A_33, %dma_wait3A_50] : memref<10240x16xf32, #tpu.memory_space<vmem_shared>> -> memref<128x16xf32, #tpu.memory_space<vmem_shared>>
      tpu.wait_dma2 semaphore(%run_scoped3A : memref<!tpu.dma_semaphore, #tpu.memory_space<semaphore_mem>>) src(%arg6 : memref<128x16xf32, #tpu.memory_space<vmem>>) dst(%dma_wait3A_51 : memref<128x16xf32, #tpu.memory_space<vmem_shared>>)
      tpu.yield
    }) : () -> ()
    %barrier3A = arith.constant 0 : index
    tpu.barrier barrier_id(%barrier3A)
    %scan3A_34 = arith.constant 0 : i32
    %scan3A_35 = arith.constant 0 : i32
    %scan3A_36 = arith.constant 80 : i32
    %scan3A_37 = arith.addi %scan3A_35, %scan3A_36 : i32
    %scan3A_38 = arith.constant 1 : i32
    %scan3A_39 = scf.for %scan3A_46 = %scan3A_35 to %scan3A_37 step %scan3A_38 iter_args(%scan3A_47 = %scan3A_34) -> (i32)  : i32 {
      "tpu.region"() ({
        %run_scoped3A = tpu.sem_alloc : memref<!tpu.dma_semaphore, #tpu.memory_space<semaphore_mem>>
        %dma_start3A = arith.constant 0 : i32
        %dma_start3A_49 = tpu.memref_slice %arg4[%scan3A_46, %dma_start3A] : memref<80x128xi32, #tpu.memory_space<vmem>> -> memref<1x128xi32, #tpu.memory_space<vmem>>
        %dma_start3A_50 = tpu.memref_squeeze %dma_start3A_49 : memref<1x128xi32, #tpu.memory_space<vmem>> -> memref<128xi32, #tpu.memory_space<vmem>>
        %dma_start3A_51 = arith.constant 0 : i32
        %dma_start3A_52 = arith.constant 0 : i32
        %dma_start3A_53 = tpu.memref_slice %arg7[%dma_start3A_51, %dma_start3A_52] : memref<10240x16xf32, #tpu.memory_space<vmem_shared>> -> memref<10240x16xf32, #tpu.memory_space<vmem_shared>>
        tpu.enqueue_indirect_dma source(%arg5 : memref<128x16xf32, #tpu.memory_space<vmem>>) target(%dma_start3A_53 : memref<10240x16xf32, #tpu.memory_space<vmem_shared>>) offsets(%dma_start3A_50 : memref<128xi32, #tpu.memory_space<vmem>>) semaphore(%run_scoped3A : memref<!tpu.dma_semaphore, #tpu.memory_space<semaphore_mem>>) {add = true}
        %dma_wait3A = arith.constant 0 : i32
        %dma_wait3A_54 = tpu.memref_slice %arg4[%scan3A_46, %dma_wait3A] : memref<80x128xi32, #tpu.memory_space<vmem>> -> memref<1x128xi32, #tpu.memory_space<vmem>>
        %dma_wait3A_55 = tpu.memref_squeeze %dma_wait3A_54 : memref<1x128xi32, #tpu.memory_space<vmem>> -> memref<128xi32, #tpu.memory_space<vmem>>
        %dma_wait3A_56 = arith.constant 0 : i32
        %dma_wait3A_57 = arith.constant 0 : i32
        %dma_wait3A_58 = tpu.memref_slice %arg7[%dma_wait3A_56, %dma_wait3A_57] : memref<10240x16xf32, #tpu.memory_space<vmem_shared>> -> memref<10240x16xf32, #tpu.memory_space<vmem_shared>>
        tpu.wait_indirect_dma semaphore(%run_scoped3A : memref<!tpu.dma_semaphore, #tpu.memory_space<semaphore_mem>>) src(%arg5 : memref<128x16xf32, #tpu.memory_space<vmem>>) dst(%dma_wait3A_58 : memref<10240x16xf32, #tpu.memory_space<vmem_shared>>)
        tpu.yield
      }) : () -> ()
      %scan3A_48 = arith.constant 0 : i32
      scf.yield %scan3A_48 : i32
    }
    %scan3A_40 = arith.constant 80 : i32
    %barrier3A_41 = arith.constant 0 : index
    tpu.barrier barrier_id(%barrier3A_41)
    %mul3A_42 = arith.constant 640 : i32
    %mul3A_43 = arith.muli %arg1, %mul3A_42 : i32
    %mul3A_44 = arith.constant 640 : i32
    %mul3A_45 = arith.muli %arg1, %mul3A_44 : i32
    "tpu.region"() ({
      %run_scoped3A = tpu.sem_alloc : memref<!tpu.dma_semaphore, #tpu.memory_space<semaphore_mem>>
      %dma_start3A = arith.constant 0 : i32
      %dma_start3A_46 = tpu.memref_slice %arg3[%arg0, %mul3A_45, %dma_start3A] : memref<2x10240x128xf32, #tpu.memory_space<hbm>> -> memref<1x640x16xf32, #tpu.memory_space<hbm>>
      %dma_start3A_47 = tpu.memref_squeeze %dma_start3A_46 : memref<1x640x16xf32, #tpu.memory_space<hbm>> -> memref<640x16xf32, #tpu.memory_space<hbm>>
      %dma_start3A_48 = arith.constant 0 : i32
      %dma_start3A_49 = tpu.memref_slice %arg7[%mul3A_43, %dma_start3A_48] : memref<10240x16xf32, #tpu.memory_space<vmem_shared>> -> memref<640x16xf32, #tpu.memory_space<vmem_shared>>
      tpu.enqueue_dma source(%dma_start3A_49 : memref<640x16xf32, #tpu.memory_space<vmem_shared>>) target(%dma_start3A_47 : memref<640x16xf32, #tpu.memory_space<hbm>>) target_semaphore(%run_scoped3A : memref<!tpu.dma_semaphore, #tpu.memory_space<semaphore_mem>>)
      %dma_wait3A = arith.constant 0 : i32
      %dma_wait3A_50 = tpu.memref_slice %arg3[%arg0, %mul3A_45, %dma_wait3A] : memref<2x10240x128xf32, #tpu.memory_space<hbm>> -> memref<1x640x16xf32, #tpu.memory_space<hbm>>
      %dma_wait3A_51 = tpu.memref_squeeze %dma_wait3A_50 : memref<1x640x16xf32, #tpu.memory_space<hbm>> -> memref<640x16xf32, #tpu.memory_space<hbm>>
      %dma_wait3A_52 = arith.constant 0 : i32
      %dma_wait3A_53 = tpu.memref_slice %arg7[%mul3A_43, %dma_wait3A_52] : memref<10240x16xf32, #tpu.memory_space<vmem_shared>> -> memref<640x16xf32, #tpu.memory_space<vmem_shared>>
      tpu.wait_dma2 semaphore(%run_scoped3A : memref<!tpu.dma_semaphore, #tpu.memory_space<semaphore_mem>>) src(%dma_wait3A_53 : memref<640x16xf32, #tpu.memory_space<vmem_shared>>) dst(%dma_wait3A_51 : memref<640x16xf32, #tpu.memory_space<hbm>>)
      tpu.yield
    }) : () -> ()
    return
  }
}

#map = affine_map<(d0, d1) -> (0, 0)>
#map1 = affine_map<(d0, d1) -> (0, 0, 0)>
module attributes {stable_mosaic.version = 14 : i64} {
  func.func @k(%arg0: i32, %arg1: i32, %arg2: memref<10000x32xf32, #tpu.memory_space<hbm>>, %arg3: memref<32x80x128xi32, #tpu.memory_space<hbm>>, %arg4: memref<32x80x128xi32, #tpu.memory_space<hbm>>, %arg5: memref<2x10240x128xf32, #tpu.memory_space<hbm>>, %arg6: memref<80x128xi32, #tpu.memory_space<vmem>>, %arg7: memref<80x128xi32, #tpu.memory_space<vmem>>, %arg8: memref<128x32xf32, #tpu.memory_space<vmem>>, %arg9: memref<128x32xf32, #tpu.memory_space<vmem>>, %arg10: memref<128x32xf32, #tpu.memory_space<vmem>>, %arg11: memref<128x32xf32, #tpu.memory_space<vmem>>, %arg12: memref<128x32xf32, #tpu.memory_space<vmem>>, %arg13: memref<10240x32xf32, #tpu.memory_space<vmem_shared>>, %arg14: memref<!tpu.dma_semaphore, #tpu.memory_space<semaphore_mem>>, %arg15: memref<!tpu.dma_semaphore, #tpu.memory_space<semaphore_mem>>, %arg16: memref<!tpu.dma_semaphore, #tpu.memory_space<semaphore_mem>>, %arg17: memref<!tpu.dma_semaphore, #tpu.memory_space<semaphore_mem>>) attributes {dimension_semantics = [#tpu.dimension_semantics<core_parallel>, #tpu.dimension_semantics<subcore_parallel>], iteration_bounds = array<i64: 2, 16>, scalar_prefetch = 0 : i64, scratch_operands = 12 : i64, tpu.core_type = #tpu.core_type<sc_vector_subcore>, window_params = [{transform_indices = #map}, {transform_indices = #map1}, {transform_indices = #map1}, {transform_indices = #map1}]} {
    %mul3A = arith.constant 2 : i32
    %mul3A_0 = arith.muli %arg1, %mul3A : i32
    %add3A = arith.addi %mul3A_0, %arg0 : i32
    "tpu.region"() ({
      %run_scoped3A = tpu.sem_alloc : memref<!tpu.dma_semaphore, #tpu.memory_space<semaphore_mem>>
      %dma_start3A_52 = arith.constant 0 : i32
      %dma_start3A_53 = arith.constant 0 : i32
      %dma_start3A_54 = tpu.memref_slice %arg3[%add3A, %dma_start3A_52, %dma_start3A_53] : memref<32x80x128xi32, #tpu.memory_space<hbm>> -> memref<1x80x128xi32, #tpu.memory_space<hbm>>
      %dma_start3A_55 = tpu.memref_squeeze %dma_start3A_54 : memref<1x80x128xi32, #tpu.memory_space<hbm>> -> memref<80x128xi32, #tpu.memory_space<hbm>>
      %dma_start3A_56 = arith.constant 0 : i32
      %dma_start3A_57 = arith.constant 0 : i32
      %dma_start3A_58 = tpu.memref_slice %arg3[%add3A, %dma_start3A_56, %dma_start3A_57] : memref<32x80x128xi32, #tpu.memory_space<hbm>> -> memref<1x80x128xi32, #tpu.memory_space<hbm>>
      %dma_start3A_59 = tpu.memref_squeeze %dma_start3A_58 : memref<1x80x128xi32, #tpu.memory_space<hbm>> -> memref<80x128xi32, #tpu.memory_space<hbm>>
      tpu.enqueue_dma source(%dma_start3A_59 : memref<80x128xi32, #tpu.memory_space<hbm>>) target(%arg6 : memref<80x128xi32, #tpu.memory_space<vmem>>) target_semaphore(%run_scoped3A : memref<!tpu.dma_semaphore, #tpu.memory_space<semaphore_mem>>)
      %dma_wait3A = arith.constant 0 : i32
      %dma_wait3A_60 = arith.constant 0 : i32
      %dma_wait3A_61 = tpu.memref_slice %arg3[%add3A, %dma_wait3A, %dma_wait3A_60] : memref<32x80x128xi32, #tpu.memory_space<hbm>> -> memref<1x80x128xi32, #tpu.memory_space<hbm>>
      %dma_wait3A_62 = tpu.memref_squeeze %dma_wait3A_61 : memref<1x80x128xi32, #tpu.memory_space<hbm>> -> memref<80x128xi32, #tpu.memory_space<hbm>>
      %dma_wait3A_63 = arith.constant 0 : i32
      %dma_wait3A_64 = arith.constant 0 : i32
      %dma_wait3A_65 = tpu.memref_slice %arg3[%add3A, %dma_wait3A_63, %dma_wait3A_64] : memref<32x80x128xi32, #tpu.memory_space<hbm>> -> memref<1x80x128xi32, #tpu.memory_space<hbm>>
      %dma_wait3A_66 = tpu.memref_squeeze %dma_wait3A_65 : memref<1x80x128xi32, #tpu.memory_space<hbm>> -> memref<80x128xi32, #tpu.memory_space<hbm>>
      tpu.wait_dma2 semaphore(%run_scoped3A : memref<!tpu.dma_semaphore, #tpu.memory_space<semaphore_mem>>) src(%dma_wait3A_66 : memref<80x128xi32, #tpu.memory_space<hbm>>) dst(%arg6 : memref<80x128xi32, #tpu.memory_space<vmem>>)
      tpu.yield
    }) : () -> ()
    "tpu.region"() ({
      %run_scoped3A = tpu.sem_alloc : memref<!tpu.dma_semaphore, #tpu.memory_space<semaphore_mem>>
      %dma_start3A_52 = arith.constant 0 : i32
      %dma_start3A_53 = arith.constant 0 : i32
      %dma_start3A_54 = tpu.memref_slice %arg4[%add3A, %dma_start3A_52, %dma_start3A_53] : memref<32x80x128xi32, #tpu.memory_space<hbm>> -> memref<1x80x128xi32, #tpu.memory_space<hbm>>
      %dma_start3A_55 = tpu.memref_squeeze %dma_start3A_54 : memref<1x80x128xi32, #tpu.memory_space<hbm>> -> memref<80x128xi32, #tpu.memory_space<hbm>>
      %dma_start3A_56 = arith.constant 0 : i32
      %dma_start3A_57 = arith.constant 0 : i32
      %dma_start3A_58 = tpu.memref_slice %arg4[%add3A, %dma_start3A_56, %dma_start3A_57] : memref<32x80x128xi32, #tpu.memory_space<hbm>> -> memref<1x80x128xi32, #tpu.memory_space<hbm>>
      %dma_start3A_59 = tpu.memref_squeeze %dma_start3A_58 : memref<1x80x128xi32, #tpu.memory_space<hbm>> -> memref<80x128xi32, #tpu.memory_space<hbm>>
      tpu.enqueue_dma source(%dma_start3A_59 : memref<80x128xi32, #tpu.memory_space<hbm>>) target(%arg7 : memref<80x128xi32, #tpu.memory_space<vmem>>) target_semaphore(%run_scoped3A : memref<!tpu.dma_semaphore, #tpu.memory_space<semaphore_mem>>)
      %dma_wait3A = arith.constant 0 : i32
      %dma_wait3A_60 = arith.constant 0 : i32
      %dma_wait3A_61 = tpu.memref_slice %arg4[%add3A, %dma_wait3A, %dma_wait3A_60] : memref<32x80x128xi32, #tpu.memory_space<hbm>> -> memref<1x80x128xi32, #tpu.memory_space<hbm>>
      %dma_wait3A_62 = tpu.memref_squeeze %dma_wait3A_61 : memref<1x80x128xi32, #tpu.memory_space<hbm>> -> memref<80x128xi32, #tpu.memory_space<hbm>>
      %dma_wait3A_63 = arith.constant 0 : i32
      %dma_wait3A_64 = arith.constant 0 : i32
      %dma_wait3A_65 = tpu.memref_slice %arg4[%add3A, %dma_wait3A_63, %dma_wait3A_64] : memref<32x80x128xi32, #tpu.memory_space<hbm>> -> memref<1x80x128xi32, #tpu.memory_space<hbm>>
      %dma_wait3A_66 = tpu.memref_squeeze %dma_wait3A_65 : memref<1x80x128xi32, #tpu.memory_space<hbm>> -> memref<80x128xi32, #tpu.memory_space<hbm>>
      tpu.wait_dma2 semaphore(%run_scoped3A : memref<!tpu.dma_semaphore, #tpu.memory_space<semaphore_mem>>) src(%dma_wait3A_66 : memref<80x128xi32, #tpu.memory_space<hbm>>) dst(%arg7 : memref<80x128xi32, #tpu.memory_space<vmem>>)
      tpu.yield
    }) : () -> ()
    %scan3A = arith.constant 0 : i32
    %scan3A_1 = arith.constant 0 : i32
    %scan3A_2 = arith.constant 256 : i32
    %scan3A_3 = arith.addi %scan3A_1, %scan3A_2 : i32
    %scan3A_4 = arith.constant 1 : i32
    %scan3A_5 = scf.for %scan3A_52 = %scan3A_1 to %scan3A_3 step %scan3A_4 iter_args(%scan3A_53 = %scan3A) -> (i32)  : i32 {
      %broadcast_in_dim3A = arith.constant 0.000000e+00 : f32
      %broadcast_in_dim3A_54 = vector.broadcast %broadcast_in_dim3A : f32 to vector<16xf32>
      %jit3A = arith.constant 2 : i32
      %div3A = arith.divsi %scan3A_52, %jit3A : i32
      %sign3A = arith.constant 0 : i32
      %sign3A_55 = arith.cmpi sgt, %scan3A_52, %sign3A : i32
      %sign3A_56 = arith.extui %sign3A_55 : i1 to i32
      %sign3A_57 = arith.constant 0 : i32
      %sign3A_58 = arith.cmpi slt, %scan3A_52, %sign3A_57 : i32
      %sign3A_59 = arith.extui %sign3A_58 : i1 to i32
      %sign3A_60 = arith.subi %sign3A_56, %sign3A_59 : i32
      %sign3A_61 = arith.constant 0 : i32
      %sign3A_62 = arith.cmpi sgt, %jit3A, %sign3A_61 : i32
      %sign3A_63 = arith.extui %sign3A_62 : i1 to i32
      %sign3A_64 = arith.constant 0 : i32
      %sign3A_65 = arith.cmpi slt, %jit3A, %sign3A_64 : i32
      %sign3A_66 = arith.extui %sign3A_65 : i1 to i32
      %sign3A_67 = arith.subi %sign3A_63, %sign3A_66 : i32
      %ne3A = arith.cmpi ne, %sign3A_60, %sign3A_67 : i32
      %rem3A = arith.remsi %scan3A_52, %jit3A : i32
      %ne3A_68 = arith.constant 0 : i32
      %ne3A_69 = arith.cmpi ne, %rem3A, %ne3A_68 : i32
      %and3A = arith.andi %ne3A, %ne3A_69 : i1
      %sub3A = arith.constant 1 : i32
      %sub3A_70 = arith.subi %div3A, %sub3A : i32
      %select_n3A = arith.select %and3A, %sub3A_70, %div3A : i32
      %jit3A_71 = arith.constant 2 : i32
      %eq3A = arith.constant 0 : i32
      %eq3A_72 = arith.cmpi eq, %jit3A_71, %eq3A : i32
      %jit3A_73 = arith.constant 1 : i32
      %select_n3A_74 = arith.select %eq3A_72, %jit3A_73, %jit3A_71 : i32
      %rem3A_75 = arith.remsi %scan3A_52, %select_n3A_74 : i32
      %ne3A_76 = arith.constant 0 : i32
      %ne3A_77 = arith.cmpi ne, %rem3A_75, %ne3A_76 : i32
      %lt3A = arith.constant 0 : i32
      %lt3A_78 = arith.cmpi slt, %rem3A_75, %lt3A : i32
      %lt3A_79 = arith.constant 0 : i32
      %lt3A_80 = arith.cmpi slt, %select_n3A_74, %lt3A_79 : i32
      %ne3A_81 = arith.xori %lt3A_78, %lt3A_80 : i1
      %and3A_82 = arith.andi %ne3A_81, %ne3A_77 : i1
      %add3A_83 = arith.addi %rem3A_75, %select_n3A_74 : i32
      %select_n3A_84 = arith.select %and3A_82, %add3A_83, %rem3A_75 : i32
      %mul3A_85 = arith.constant 16 : i32
      %mul3A_86 = arith.muli %select_n3A_84, %mul3A_85 : i32
      %swap3A = arith.index_cast %select_n3A : i32 to index
      %swap3A_87 = arith.index_cast %mul3A_86 : i32 to index
      %swap3A_88 = tpu.vector_load %arg12[%swap3A, %swap3A_87] {strides = array<i32>} : memref<128x32xf32, #tpu.memory_space<vmem>>, vector<1x16xf32>,
      %swap3A_89 = vector.shape_cast %swap3A_88 : vector<1x16xf32> to vector<16xf32>
      %swap3A_90 = vector.shape_cast %broadcast_in_dim3A_54 : vector<16xf32> to vector<1x16xf32>
      tpu.vector_store %arg12[%swap3A, %swap3A_87], %swap3A_90 {strides = array<i32>} : memref<128x32xf32, #tpu.memory_space<vmem>>, vector<1x16xf32>,
      %scan3A_91 = arith.constant 0 : i32
      scf.yield %scan3A_91 : i32
    }
    %scan3A_6 = arith.constant 256 : i32
    %mul3A_7 = arith.constant 640 : i32
    %mul3A_8 = arith.muli %arg1, %mul3A_7 : i32
    %add3A_9 = arith.constant 0 : i32
    %add3A_10 = arith.addi %mul3A_8, %add3A_9 : i32
    "tpu.region"() ({
      %run_scoped3A = tpu.sem_alloc : memref<!tpu.dma_semaphore, #tpu.memory_space<semaphore_mem>>
      %dma_start3A_52 = arith.constant 0 : i32
      %dma_start3A_53 = tpu.memref_slice %arg13[%add3A_10, %dma_start3A_52] : memref<10240x32xf32, #tpu.memory_space<vmem_shared>> -> memref<128x32xf32, #tpu.memory_space<vmem_shared>>
      %dma_start3A_54 = arith.constant 0 : i32
      %dma_start3A_55 = tpu.memref_slice %arg13[%add3A_10, %dma_start3A_54] : memref<10240x32xf32, #tpu.memory_space<vmem_shared>> -> memref<128x32xf32, #tpu.memory_space<vmem_shared>>
      tpu.enqueue_dma source(%arg12 : memref<128x32xf32, #tpu.memory_space<vmem>>) target(%dma_start3A_55 : memref<128x32xf32, #tpu.memory_space<vmem_shared>>) target_semaphore(%run_scoped3A : memref<!tpu.dma_semaphore, #tpu.memory_space<semaphore_mem>>)
      %dma_wait3A = arith.constant 0 : i32
      %dma_wait3A_56 = tpu.memref_slice %arg13[%add3A_10, %dma_wait3A] : memref<10240x32xf32, #tpu.memory_space<vmem_shared>> -> memref<128x32xf32, #tpu.memory_space<vmem_shared>>
      %dma_wait3A_57 = arith.constant 0 : i32
      %dma_wait3A_58 = tpu.memref_slice %arg13[%add3A_10, %dma_wait3A_57] : memref<10240x32xf32, #tpu.memory_space<vmem_shared>> -> memref<128x32xf32, #tpu.memory_space<vmem_shared>>
      tpu.wait_dma2 semaphore(%run_scoped3A : memref<!tpu.dma_semaphore, #tpu.memory_space<semaphore_mem>>) src(%arg12 : memref<128x32xf32, #tpu.memory_space<vmem>>) dst(%dma_wait3A_58 : memref<128x32xf32, #tpu.memory_space<vmem_shared>>)
      tpu.yield
    }) : () -> ()
    %mul3A_11 = arith.constant 640 : i32
    %mul3A_12 = arith.muli %arg1, %mul3A_11 : i32
    %add3A_13 = arith.constant 128 : i32
    %add3A_14 = arith.addi %mul3A_12, %add3A_13 : i32
    "tpu.region"() ({
      %run_scoped3A = tpu.sem_alloc : memref<!tpu.dma_semaphore, #tpu.memory_space<semaphore_mem>>
      %dma_start3A_52 = arith.constant 0 : i32
      %dma_start3A_53 = tpu.memref_slice %arg13[%add3A_14, %dma_start3A_52] : memref<10240x32xf32, #tpu.memory_space<vmem_shared>> -> memref<128x32xf32, #tpu.memory_space<vmem_shared>>
      %dma_start3A_54 = arith.constant 0 : i32
      %dma_start3A_55 = tpu.memref_slice %arg13[%add3A_14, %dma_start3A_54] : memref<10240x32xf32, #tpu.memory_space<vmem_shared>> -> memref<128x32xf32, #tpu.memory_space<vmem_shared>>
      tpu.enqueue_dma source(%arg12 : memref<128x32xf32, #tpu.memory_space<vmem>>) target(%dma_start3A_55 : memref<128x32xf32, #tpu.memory_space<vmem_shared>>) target_semaphore(%run_scoped3A : memref<!tpu.dma_semaphore, #tpu.memory_space<semaphore_mem>>)
      %dma_wait3A = arith.constant 0 : i32
      %dma_wait3A_56 = tpu.memref_slice %arg13[%add3A_14, %dma_wait3A] : memref<10240x32xf32, #tpu.memory_space<vmem_shared>> -> memref<128x32xf32, #tpu.memory_space<vmem_shared>>
      %dma_wait3A_57 = arith.constant 0 : i32
      %dma_wait3A_58 = tpu.memref_slice %arg13[%add3A_14, %dma_wait3A_57] : memref<10240x32xf32, #tpu.memory_space<vmem_shared>> -> memref<128x32xf32, #tpu.memory_space<vmem_shared>>
      tpu.wait_dma2 semaphore(%run_scoped3A : memref<!tpu.dma_semaphore, #tpu.memory_space<semaphore_mem>>) src(%arg12 : memref<128x32xf32, #tpu.memory_space<vmem>>) dst(%dma_wait3A_58 : memref<128x32xf32, #tpu.memory_space<vmem_shared>>)
      tpu.yield
    }) : () -> ()
    %mul3A_15 = arith.constant 640 : i32
    %mul3A_16 = arith.muli %arg1, %mul3A_15 : i32
    %add3A_17 = arith.constant 256 : i32
    %add3A_18 = arith.addi %mul3A_16, %add3A_17 : i32
    "tpu.region"() ({
      %run_scoped3A = tpu.sem_alloc : memref<!tpu.dma_semaphore, #tpu.memory_space<semaphore_mem>>
      %dma_start3A_52 = arith.constant 0 : i32
      %dma_start3A_53 = tpu.memref_slice %arg13[%add3A_18, %dma_start3A_52] : memref<10240x32xf32, #tpu.memory_space<vmem_shared>> -> memref<128x32xf32, #tpu.memory_space<vmem_shared>>
      %dma_start3A_54 = arith.constant 0 : i32
      %dma_start3A_55 = tpu.memref_slice %arg13[%add3A_18, %dma_start3A_54] : memref<10240x32xf32, #tpu.memory_space<vmem_shared>> -> memref<128x32xf32, #tpu.memory_space<vmem_shared>>
      tpu.enqueue_dma source(%arg12 : memref<128x32xf32, #tpu.memory_space<vmem>>) target(%dma_start3A_55 : memref<128x32xf32, #tpu.memory_space<vmem_shared>>) target_semaphore(%run_scoped3A : memref<!tpu.dma_semaphore, #tpu.memory_space<semaphore_mem>>)
      %dma_wait3A = arith.constant 0 : i32
      %dma_wait3A_56 = tpu.memref_slice %arg13[%add3A_18, %dma_wait3A] : memref<10240x32xf32, #tpu.memory_space<vmem_shared>> -> memref<128x32xf32, #tpu.memory_space<vmem_shared>>
      %dma_wait3A_57 = arith.constant 0 : i32
      %dma_wait3A_58 = tpu.memref_slice %arg13[%add3A_18, %dma_wait3A_57] : memref<10240x32xf32, #tpu.memory_space<vmem_shared>> -> memref<128x32xf32, #tpu.memory_space<vmem_shared>>
      tpu.wait_dma2 semaphore(%run_scoped3A : memref<!tpu.dma_semaphore, #tpu.memory_space<semaphore_mem>>) src(%arg12 : memref<128x32xf32, #tpu.memory_space<vmem>>) dst(%dma_wait3A_58 : memref<128x32xf32, #tpu.memory_space<vmem_shared>>)
      tpu.yield
    }) : () -> ()
    %mul3A_19 = arith.constant 640 : i32
    %mul3A_20 = arith.muli %arg1, %mul3A_19 : i32
    %add3A_21 = arith.constant 384 : i32
    %add3A_22 = arith.addi %mul3A_20, %add3A_21 : i32
    "tpu.region"() ({
      %run_scoped3A = tpu.sem_alloc : memref<!tpu.dma_semaphore, #tpu.memory_space<semaphore_mem>>
      %dma_start3A_52 = arith.constant 0 : i32
      %dma_start3A_53 = tpu.memref_slice %arg13[%add3A_22, %dma_start3A_52] : memref<10240x32xf32, #tpu.memory_space<vmem_shared>> -> memref<128x32xf32, #tpu.memory_space<vmem_shared>>
      %dma_start3A_54 = arith.constant 0 : i32
      %dma_start3A_55 = tpu.memref_slice %arg13[%add3A_22, %dma_start3A_54] : memref<10240x32xf32, #tpu.memory_space<vmem_shared>> -> memref<128x32xf32, #tpu.memory_space<vmem_shared>>
      tpu.enqueue_dma source(%arg12 : memref<128x32xf32, #tpu.memory_space<vmem>>) target(%dma_start3A_55 : memref<128x32xf32, #tpu.memory_space<vmem_shared>>) target_semaphore(%run_scoped3A : memref<!tpu.dma_semaphore, #tpu.memory_space<semaphore_mem>>)
      %dma_wait3A = arith.constant 0 : i32
      %dma_wait3A_56 = tpu.memref_slice %arg13[%add3A_22, %dma_wait3A] : memref<10240x32xf32, #tpu.memory_space<vmem_shared>> -> memref<128x32xf32, #tpu.memory_space<vmem_shared>>
      %dma_wait3A_57 = arith.constant 0 : i32
      %dma_wait3A_58 = tpu.memref_slice %arg13[%add3A_22, %dma_wait3A_57] : memref<10240x32xf32, #tpu.memory_space<vmem_shared>> -> memref<128x32xf32, #tpu.memory_space<vmem_shared>>
      tpu.wait_dma2 semaphore(%run_scoped3A : memref<!tpu.dma_semaphore, #tpu.memory_space<semaphore_mem>>) src(%arg12 : memref<128x32xf32, #tpu.memory_space<vmem>>) dst(%dma_wait3A_58 : memref<128x32xf32, #tpu.memory_space<vmem_shared>>)
      tpu.yield
    }) : () -> ()
    %mul3A_23 = arith.constant 640 : i32
    %mul3A_24 = arith.muli %arg1, %mul3A_23 : i32
    %add3A_25 = arith.constant 512 : i32
    %add3A_26 = arith.addi %mul3A_24, %add3A_25 : i32
    "tpu.region"() ({
      %run_scoped3A = tpu.sem_alloc : memref<!tpu.dma_semaphore, #tpu.memory_space<semaphore_mem>>
      %dma_start3A_52 = arith.constant 0 : i32
      %dma_start3A_53 = tpu.memref_slice %arg13[%add3A_26, %dma_start3A_52] : memref<10240x32xf32, #tpu.memory_space<vmem_shared>> -> memref<128x32xf32, #tpu.memory_space<vmem_shared>>
      %dma_start3A_54 = arith.constant 0 : i32
      %dma_start3A_55 = tpu.memref_slice %arg13[%add3A_26, %dma_start3A_54] : memref<10240x32xf32, #tpu.memory_space<vmem_shared>> -> memref<128x32xf32, #tpu.memory_space<vmem_shared>>
      tpu.enqueue_dma source(%arg12 : memref<128x32xf32, #tpu.memory_space<vmem>>) target(%dma_start3A_55 : memref<128x32xf32, #tpu.memory_space<vmem_shared>>) target_semaphore(%run_scoped3A : memref<!tpu.dma_semaphore, #tpu.memory_space<semaphore_mem>>)
      %dma_wait3A = arith.constant 0 : i32
      %dma_wait3A_56 = tpu.memref_slice %arg13[%add3A_26, %dma_wait3A] : memref<10240x32xf32, #tpu.memory_space<vmem_shared>> -> memref<128x32xf32, #tpu.memory_space<vmem_shared>>
      %dma_wait3A_57 = arith.constant 0 : i32
      %dma_wait3A_58 = tpu.memref_slice %arg13[%add3A_26, %dma_wait3A_57] : memref<10240x32xf32, #tpu.memory_space<vmem_shared>> -> memref<128x32xf32, #tpu.memory_space<vmem_shared>>
      tpu.wait_dma2 semaphore(%run_scoped3A : memref<!tpu.dma_semaphore, #tpu.memory_space<semaphore_mem>>) src(%arg12 : memref<128x32xf32, #tpu.memory_space<vmem>>) dst(%dma_wait3A_58 : memref<128x32xf32, #tpu.memory_space<vmem_shared>>)
      tpu.yield
    }) : () -> ()
    %barrier3A = arith.constant 0 : index
    tpu.barrier barrier_id(%barrier3A)
    %dma_start3A = arith.constant 0 : i32
    %dma_start3A_27 = arith.constant 0 : i32
    %dma_start3A_28 = tpu.memref_slice %arg6[%dma_start3A, %dma_start3A_27] : memref<80x128xi32, #tpu.memory_space<vmem>> -> memref<1x128xi32, #tpu.memory_space<vmem>>
    %dma_start3A_29 = tpu.memref_squeeze %dma_start3A_28 : memref<1x128xi32, #tpu.memory_space<vmem>> -> memref<128xi32, #tpu.memory_space<vmem>>
    %dma_start3A_30 = arith.constant 0 : i32
    %dma_start3A_31 = arith.constant 0 : i32
    %dma_start3A_32 = tpu.memref_slice %arg2[%dma_start3A_30, %dma_start3A_31] : memref<10000x32xf32, #tpu.memory_space<hbm>> -> memref<10000x32xf32, #tpu.memory_space<hbm>>
    tpu.enqueue_indirect_dma source(%dma_start3A_32 : memref<10000x32xf32, #tpu.memory_space<hbm>>) target(%arg8 : memref<128x32xf32, #tpu.memory_space<vmem>>) offsets(%dma_start3A_29 : memref<128xi32, #tpu.memory_space<vmem>>) semaphore(%arg14 : memref<!tpu.dma_semaphore, #tpu.memory_space<semaphore_mem>>)
    %dma_start3A_33 = arith.constant 1 : i32
    %dma_start3A_34 = arith.constant 0 : i32
    %dma_start3A_35 = tpu.memref_slice %arg6[%dma_start3A_33, %dma_start3A_34] : memref<80x128xi32, #tpu.memory_space<vmem>> -> memref<1x128xi32, #tpu.memory_space<vmem>>
    %dma_start3A_36 = tpu.memref_squeeze %dma_start3A_35 : memref<1x128xi32, #tpu.memory_space<vmem>> -> memref<128xi32, #tpu.memory_space<vmem>>
    %dma_start3A_37 = arith.constant 0 : i32
    %dma_start3A_38 = arith.constant 0 : i32
    %dma_start3A_39 = tpu.memref_slice %arg2[%dma_start3A_37, %dma_start3A_38] : memref<10000x32xf32, #tpu.memory_space<hbm>> -> memref<10000x32xf32, #tpu.memory_space<hbm>>
    tpu.enqueue_indirect_dma source(%dma_start3A_39 : memref<10000x32xf32, #tpu.memory_space<hbm>>) target(%arg9 : memref<128x32xf32, #tpu.memory_space<vmem>>) offsets(%dma_start3A_36 : memref<128xi32, #tpu.memory_space<vmem>>) semaphore(%arg15 : memref<!tpu.dma_semaphore, #tpu.memory_space<semaphore_mem>>)
    %scan3A_40 = arith.constant 0 : i32
    %scan3A_41 = arith.constant 0 : i32
    %scan3A_42 = arith.constant 20 : i32
    %scan3A_43 = arith.addi %scan3A_41, %scan3A_42 : i32
    %scan3A_44 = arith.constant 1 : i32
    %scan3A_45 = scf.for %scan3A_52 = %scan3A_41 to %scan3A_43 step %scan3A_44 iter_args(%scan3A_53 = %scan3A_40) -> (i32)  : i32 {
      %mul3A_54 = arith.constant 4 : i32
      %mul3A_55 = arith.muli %mul3A_54, %scan3A_52 : i32
      %add3A_56 = arith.constant 0 : i32
      %add3A_57 = arith.addi %mul3A_55, %add3A_56 : i32
      %dma_wait3A = arith.constant 0 : i32
      %dma_wait3A_58 = tpu.memref_slice %arg6[%add3A_57, %dma_wait3A] : memref<80x128xi32, #tpu.memory_space<vmem>> -> memref<1x128xi32, #tpu.memory_space<vmem>>
      %dma_wait3A_59 = tpu.memref_squeeze %dma_wait3A_58 : memref<1x128xi32, #tpu.memory_space<vmem>> -> memref<128xi32, #tpu.memory_space<vmem>>
      %dma_wait3A_60 = arith.constant 0 : i32
      %dma_wait3A_61 = arith.constant 0 : i32
      %dma_wait3A_62 = tpu.memref_slice %arg2[%dma_wait3A_60, %dma_wait3A_61] : memref<10000x32xf32, #tpu.memory_space<hbm>> -> memref<10000x32xf32, #tpu.memory_space<hbm>>
      tpu.wait_indirect_dma semaphore(%arg14 : memref<!tpu.dma_semaphore, #tpu.memory_space<semaphore_mem>>) src(%dma_wait3A_62 : memref<10000x32xf32, #tpu.memory_space<hbm>>) dst(%arg8 : memref<128x32xf32, #tpu.memory_space<vmem>>)
      %add3A_63 = arith.constant 0 : i32
      %add3A_64 = arith.addi %mul3A_55, %add3A_63 : i32
      %add3A_65 = arith.constant 2 : i32
      %add3A_66 = arith.addi %add3A_64, %add3A_65 : i32
      %lt3A = arith.constant 80 : i32
      %lt3A_67 = arith.cmpi slt, %add3A_66, %lt3A : i32
      %convert_element_type3A = arith.extui %lt3A_67 : i1 to i32
      %cond3A = arith.constant 0 : i32
      %cond3A_68 = arith.cmpi ne, %convert_element_type3A, %cond3A : i32
      scf.if %cond3A_68 {
        %add3A_129 = arith.constant 0 : i32
        %add3A_130 = arith.addi %mul3A_55, %add3A_129 : i32
        %add3A_131 = arith.constant 2 : i32
        %add3A_132 = arith.addi %add3A_130, %add3A_131 : i32
        %dma_start3A_133 = arith.constant 0 : i32
        %dma_start3A_134 = tpu.memref_slice %arg6[%add3A_132, %dma_start3A_133] : memref<80x128xi32, #tpu.memory_space<vmem>> -> memref<1x128xi32, #tpu.memory_space<vmem>>
        %dma_start3A_135 = tpu.memref_squeeze %dma_start3A_134 : memref<1x128xi32, #tpu.memory_space<vmem>> -> memref<128xi32, #tpu.memory_space<vmem>>
        %dma_start3A_136 = arith.constant 0 : i32
        %dma_start3A_137 = arith.constant 0 : i32
        %dma_start3A_138 = tpu.memref_slice %arg2[%dma_start3A_136, %dma_start3A_137] : memref<10000x32xf32, #tpu.memory_space<hbm>> -> memref<10000x32xf32, #tpu.memory_space<hbm>>
        tpu.enqueue_indirect_dma source(%dma_start3A_138 : memref<10000x32xf32, #tpu.memory_space<hbm>>) target(%arg10 : memref<128x32xf32, #tpu.memory_space<vmem>>) offsets(%dma_start3A_135 : memref<128xi32, #tpu.memory_space<vmem>>) semaphore(%arg16 : memref<!tpu.dma_semaphore, #tpu.memory_space<semaphore_mem>>)
      } else {
      }
      %add3A_69 = arith.constant 0 : i32
      %add3A_70 = arith.addi %mul3A_55, %add3A_69 : i32
      "tpu.region"() ({
        %run_scoped3A = tpu.sem_alloc : memref<!tpu.dma_semaphore, #tpu.memory_space<semaphore_mem>>
        %dma_start3A_129 = arith.constant 0 : i32
        %dma_start3A_130 = tpu.memref_slice %arg7[%add3A_70, %dma_start3A_129] : memref<80x128xi32, #tpu.memory_space<vmem>> -> memref<1x128xi32, #tpu.memory_space<vmem>>
        %dma_start3A_131 = tpu.memref_squeeze %dma_start3A_130 : memref<1x128xi32, #tpu.memory_space<vmem>> -> memref<128xi32, #tpu.memory_space<vmem>>
        %dma_start3A_132 = arith.constant 0 : i32
        %dma_start3A_133 = arith.constant 0 : i32
        %dma_start3A_134 = tpu.memref_slice %arg13[%dma_start3A_132, %dma_start3A_133] : memref<10240x32xf32, #tpu.memory_space<vmem_shared>> -> memref<10240x32xf32, #tpu.memory_space<vmem_shared>>
        tpu.enqueue_indirect_dma source(%arg8 : memref<128x32xf32, #tpu.memory_space<vmem>>) target(%dma_start3A_134 : memref<10240x32xf32, #tpu.memory_space<vmem_shared>>) offsets(%dma_start3A_131 : memref<128xi32, #tpu.memory_space<vmem>>) semaphore(%run_scoped3A : memref<!tpu.dma_semaphore, #tpu.memory_space<semaphore_mem>>) {add = true}
        %dma_wait3A_135 = arith.constant 0 : i32
        %dma_wait3A_136 = tpu.memref_slice %arg7[%add3A_70, %dma_wait3A_135] : memref<80x128xi32, #tpu.memory_space<vmem>> -> memref<1x128xi32, #tpu.memory_space<vmem>>
        %dma_wait3A_137 = tpu.memref_squeeze %dma_wait3A_136 : memref<1x128xi32, #tpu.memory_space<vmem>> -> memref<128xi32, #tpu.memory_space<vmem>>
        %dma_wait3A_138 = arith.constant 0 : i32
        %dma_wait3A_139 = arith.constant 0 : i32
        %dma_wait3A_140 = tpu.memref_slice %arg13[%dma_wait3A_138, %dma_wait3A_139] : memref<10240x32xf32, #tpu.memory_space<vmem_shared>> -> memref<10240x32xf32, #tpu.memory_space<vmem_shared>>
        tpu.wait_indirect_dma semaphore(%run_scoped3A : memref<!tpu.dma_semaphore, #tpu.memory_space<semaphore_mem>>) src(%arg8 : memref<128x32xf32, #tpu.memory_space<vmem>>) dst(%dma_wait3A_140 : memref<10240x32xf32, #tpu.memory_space<vmem_shared>>)
        tpu.yield
      }) : () -> ()
      %add3A_71 = arith.constant 1 : i32
      %add3A_72 = arith.addi %mul3A_55, %add3A_71 : i32
      %dma_wait3A_73 = arith.constant 0 : i32
      %dma_wait3A_74 = tpu.memref_slice %arg6[%add3A_72, %dma_wait3A_73] : memref<80x128xi32, #tpu.memory_space<vmem>> -> memref<1x128xi32, #tpu.memory_space<vmem>>
      %dma_wait3A_75 = tpu.memref_squeeze %dma_wait3A_74 : memref<1x128xi32, #tpu.memory_space<vmem>> -> memref<128xi32, #tpu.memory_space<vmem>>
      %dma_wait3A_76 = arith.constant 0 : i32
      %dma_wait3A_77 = arith.constant 0 : i32
      %dma_wait3A_78 = tpu.memref_slice %arg2[%dma_wait3A_76, %dma_wait3A_77] : memref<10000x32xf32, #tpu.memory_space<hbm>> -> memref<10000x32xf32, #tpu.memory_space<hbm>>
      tpu.wait_indirect_dma semaphore(%arg15 : memref<!tpu.dma_semaphore, #tpu.memory_space<semaphore_mem>>) src(%dma_wait3A_78 : memref<10000x32xf32, #tpu.memory_space<hbm>>) dst(%arg9 : memref<128x32xf32, #tpu.memory_space<vmem>>)
      %add3A_79 = arith.constant 1 : i32
      %add3A_80 = arith.addi %mul3A_55, %add3A_79 : i32
      %add3A_81 = arith.constant 2 : i32
      %add3A_82 = arith.addi %add3A_80, %add3A_81 : i32
      %lt3A_83 = arith.constant 80 : i32
      %lt3A_84 = arith.cmpi slt, %add3A_82, %lt3A_83 : i32
      %convert_element_type3A_85 = arith.extui %lt3A_84 : i1 to i32
      %cond3A_86 = arith.constant 0 : i32
      %cond3A_87 = arith.cmpi ne, %convert_element_type3A_85, %cond3A_86 : i32
      scf.if %cond3A_87 {
        %add3A_129 = arith.constant 1 : i32
        %add3A_130 = arith.addi %mul3A_55, %add3A_129 : i32
        %add3A_131 = arith.constant 2 : i32
        %add3A_132 = arith.addi %add3A_130, %add3A_131 : i32
        %dma_start3A_133 = arith.constant 0 : i32
        %dma_start3A_134 = tpu.memref_slice %arg6[%add3A_132, %dma_start3A_133] : memref<80x128xi32, #tpu.memory_space<vmem>> -> memref<1x128xi32, #tpu.memory_space<vmem>>
        %dma_start3A_135 = tpu.memref_squeeze %dma_start3A_134 : memref<1x128xi32, #tpu.memory_space<vmem>> -> memref<128xi32, #tpu.memory_space<vmem>>
        %dma_start3A_136 = arith.constant 0 : i32
        %dma_start3A_137 = arith.constant 0 : i32
        %dma_start3A_138 = tpu.memref_slice %arg2[%dma_start3A_136, %dma_start3A_137] : memref<10000x32xf32, #tpu.memory_space<hbm>> -> memref<10000x32xf32, #tpu.memory_space<hbm>>
        tpu.enqueue_indirect_dma source(%dma_start3A_138 : memref<10000x32xf32, #tpu.memory_space<hbm>>) target(%arg11 : memref<128x32xf32, #tpu.memory_space<vmem>>) offsets(%dma_start3A_135 : memref<128xi32, #tpu.memory_space<vmem>>) semaphore(%arg17 : memref<!tpu.dma_semaphore, #tpu.memory_space<semaphore_mem>>)
      } else {
      }
      %add3A_88 = arith.constant 1 : i32
      %add3A_89 = arith.addi %mul3A_55, %add3A_88 : i32
      "tpu.region"() ({
        %run_scoped3A = tpu.sem_alloc : memref<!tpu.dma_semaphore, #tpu.memory_space<semaphore_mem>>
        %dma_start3A_129 = arith.constant 0 : i32
        %dma_start3A_130 = tpu.memref_slice %arg7[%add3A_89, %dma_start3A_129] : memref<80x128xi32, #tpu.memory_space<vmem>> -> memref<1x128xi32, #tpu.memory_space<vmem>>
        %dma_start3A_131 = tpu.memref_squeeze %dma_start3A_130 : memref<1x128xi32, #tpu.memory_space<vmem>> -> memref<128xi32, #tpu.memory_space<vmem>>
        %dma_start3A_132 = arith.constant 0 : i32
        %dma_start3A_133 = arith.constant 0 : i32
        %dma_start3A_134 = tpu.memref_slice %arg13[%dma_start3A_132, %dma_start3A_133] : memref<10240x32xf32, #tpu.memory_space<vmem_shared>> -> memref<10240x32xf32, #tpu.memory_space<vmem_shared>>
        tpu.enqueue_indirect_dma source(%arg9 : memref<128x32xf32, #tpu.memory_space<vmem>>) target(%dma_start3A_134 : memref<10240x32xf32, #tpu.memory_space<vmem_shared>>) offsets(%dma_start3A_131 : memref<128xi32, #tpu.memory_space<vmem>>) semaphore(%run_scoped3A : memref<!tpu.dma_semaphore, #tpu.memory_space<semaphore_mem>>) {add = true}
        %dma_wait3A_135 = arith.constant 0 : i32
        %dma_wait3A_136 = tpu.memref_slice %arg7[%add3A_89, %dma_wait3A_135] : memref<80x128xi32, #tpu.memory_space<vmem>> -> memref<1x128xi32, #tpu.memory_space<vmem>>
        %dma_wait3A_137 = tpu.memref_squeeze %dma_wait3A_136 : memref<1x128xi32, #tpu.memory_space<vmem>> -> memref<128xi32, #tpu.memory_space<vmem>>
        %dma_wait3A_138 = arith.constant 0 : i32
        %dma_wait3A_139 = arith.constant 0 : i32
        %dma_wait3A_140 = tpu.memref_slice %arg13[%dma_wait3A_138, %dma_wait3A_139] : memref<10240x32xf32, #tpu.memory_space<vmem_shared>> -> memref<10240x32xf32, #tpu.memory_space<vmem_shared>>
        tpu.wait_indirect_dma semaphore(%run_scoped3A : memref<!tpu.dma_semaphore, #tpu.memory_space<semaphore_mem>>) src(%arg9 : memref<128x32xf32, #tpu.memory_space<vmem>>) dst(%dma_wait3A_140 : memref<10240x32xf32, #tpu.memory_space<vmem_shared>>)
        tpu.yield
      }) : () -> ()
      %add3A_90 = arith.constant 2 : i32
      %add3A_91 = arith.addi %mul3A_55, %add3A_90 : i32
      %dma_wait3A_92 = arith.constant 0 : i32
      %dma_wait3A_93 = tpu.memref_slice %arg6[%add3A_91, %dma_wait3A_92] : memref<80x128xi32, #tpu.memory_space<vmem>> -> memref<1x128xi32, #tpu.memory_space<vmem>>
      %dma_wait3A_94 = tpu.memref_squeeze %dma_wait3A_93 : memref<1x128xi32, #tpu.memory_space<vmem>> -> memref<128xi32, #tpu.memory_space<vmem>>
      %dma_wait3A_95 = arith.constant 0 : i32
      %dma_wait3A_96 = arith.constant 0 : i32
      %dma_wait3A_97 = tpu.memref_slice %arg2[%dma_wait3A_95, %dma_wait3A_96] : memref<10000x32xf32, #tpu.memory_space<hbm>> -> memref<10000x32xf32, #tpu.memory_space<hbm>>
      tpu.wait_indirect_dma semaphore(%arg16 : memref<!tpu.dma_semaphore, #tpu.memory_space<semaphore_mem>>) src(%dma_wait3A_97 : memref<10000x32xf32, #tpu.memory_space<hbm>>) dst(%arg10 : memref<128x32xf32, #tpu.memory_space<vmem>>)
      %add3A_98 = arith.constant 2 : i32
      %add3A_99 = arith.addi %mul3A_55, %add3A_98 : i32
      %add3A_100 = arith.constant 2 : i32
      %add3A_101 = arith.addi %add3A_99, %add3A_100 : i32
      %lt3A_102 = arith.constant 80 : i32
      %lt3A_103 = arith.cmpi slt, %add3A_101, %lt3A_102 : i32
      %convert_element_type3A_104 = arith.extui %lt3A_103 : i1 to i32
      %cond3A_105 = arith.constant 0 : i32
      %cond3A_106 = arith.cmpi ne, %convert_element_type3A_104, %cond3A_105 : i32
      scf.if %cond3A_106 {
        %add3A_129 = arith.constant 2 : i32
        %add3A_130 = arith.addi %mul3A_55, %add3A_129 : i32
        %add3A_131 = arith.constant 2 : i32
        %add3A_132 = arith.addi %add3A_130, %add3A_131 : i32
        %dma_start3A_133 = arith.constant 0 : i32
        %dma_start3A_134 = tpu.memref_slice %arg6[%add3A_132, %dma_start3A_133] : memref<80x128xi32, #tpu.memory_space<vmem>> -> memref<1x128xi32, #tpu.memory_space<vmem>>
        %dma_start3A_135 = tpu.memref_squeeze %dma_start3A_134 : memref<1x128xi32, #tpu.memory_space<vmem>> -> memref<128xi32, #tpu.memory_space<vmem>>
        %dma_start3A_136 = arith.constant 0 : i32
        %dma_start3A_137 = arith.constant 0 : i32
        %dma_start3A_138 = tpu.memref_slice %arg2[%dma_start3A_136, %dma_start3A_137] : memref<10000x32xf32, #tpu.memory_space<hbm>> -> memref<10000x32xf32, #tpu.memory_space<hbm>>
        tpu.enqueue_indirect_dma source(%dma_start3A_138 : memref<10000x32xf32, #tpu.memory_space<hbm>>) target(%arg8 : memref<128x32xf32, #tpu.memory_space<vmem>>) offsets(%dma_start3A_135 : memref<128xi32, #tpu.memory_space<vmem>>) semaphore(%arg14 : memref<!tpu.dma_semaphore, #tpu.memory_space<semaphore_mem>>)
      } else {
      }
      %add3A_107 = arith.constant 2 : i32
      %add3A_108 = arith.addi %mul3A_55, %add3A_107 : i32
      "tpu.region"() ({
        %run_scoped3A = tpu.sem_alloc : memref<!tpu.dma_semaphore, #tpu.memory_space<semaphore_mem>>
        %dma_start3A_129 = arith.constant 0 : i32
        %dma_start3A_130 = tpu.memref_slice %arg7[%add3A_108, %dma_start3A_129] : memref<80x128xi32, #tpu.memory_space<vmem>> -> memref<1x128xi32, #tpu.memory_space<vmem>>
        %dma_start3A_131 = tpu.memref_squeeze %dma_start3A_130 : memref<1x128xi32, #tpu.memory_space<vmem>> -> memref<128xi32, #tpu.memory_space<vmem>>
        %dma_start3A_132 = arith.constant 0 : i32
        %dma_start3A_133 = arith.constant 0 : i32
        %dma_start3A_134 = tpu.memref_slice %arg13[%dma_start3A_132, %dma_start3A_133] : memref<10240x32xf32, #tpu.memory_space<vmem_shared>> -> memref<10240x32xf32, #tpu.memory_space<vmem_shared>>
        tpu.enqueue_indirect_dma source(%arg10 : memref<128x32xf32, #tpu.memory_space<vmem>>) target(%dma_start3A_134 : memref<10240x32xf32, #tpu.memory_space<vmem_shared>>) offsets(%dma_start3A_131 : memref<128xi32, #tpu.memory_space<vmem>>) semaphore(%run_scoped3A : memref<!tpu.dma_semaphore, #tpu.memory_space<semaphore_mem>>) {add = true}
        %dma_wait3A_135 = arith.constant 0 : i32
        %dma_wait3A_136 = tpu.memref_slice %arg7[%add3A_108, %dma_wait3A_135] : memref<80x128xi32, #tpu.memory_space<vmem>> -> memref<1x128xi32, #tpu.memory_space<vmem>>
        %dma_wait3A_137 = tpu.memref_squeeze %dma_wait3A_136 : memref<1x128xi32, #tpu.memory_space<vmem>> -> memref<128xi32, #tpu.memory_space<vmem>>
        %dma_wait3A_138 = arith.constant 0 : i32
        %dma_wait3A_139 = arith.constant 0 : i32
        %dma_wait3A_140 = tpu.memref_slice %arg13[%dma_wait3A_138, %dma_wait3A_139] : memref<10240x32xf32, #tpu.memory_space<vmem_shared>> -> memref<10240x32xf32, #tpu.memory_space<vmem_shared>>
        tpu.wait_indirect_dma semaphore(%run_scoped3A : memref<!tpu.dma_semaphore, #tpu.memory_space<semaphore_mem>>) src(%arg10 : memref<128x32xf32, #tpu.memory_space<vmem>>) dst(%dma_wait3A_140 : memref<10240x32xf32, #tpu.memory_space<vmem_shared>>)
        tpu.yield
      }) : () -> ()
      %add3A_109 = arith.constant 3 : i32
      %add3A_110 = arith.addi %mul3A_55, %add3A_109 : i32
      %dma_wait3A_111 = arith.constant 0 : i32
      %dma_wait3A_112 = tpu.memref_slice %arg6[%add3A_110, %dma_wait3A_111] : memref<80x128xi32, #tpu.memory_space<vmem>> -> memref<1x128xi32, #tpu.memory_space<vmem>>
      %dma_wait3A_113 = tpu.memref_squeeze %dma_wait3A_112 : memref<1x128xi32, #tpu.memory_space<vmem>> -> memref<128xi32, #tpu.memory_space<vmem>>
      %dma_wait3A_114 = arith.constant 0 : i32
      %dma_wait3A_115 = arith.constant 0 : i32
      %dma_wait3A_116 = tpu.memref_slice %arg2[%dma_wait3A_114, %dma_wait3A_115] : memref<10000x32xf32, #tpu.memory_space<hbm>> -> memref<10000x32xf32, #tpu.memory_space<hbm>>
      tpu.wait_indirect_dma semaphore(%arg17 : memref<!tpu.dma_semaphore, #tpu.memory_space<semaphore_mem>>) src(%dma_wait3A_116 : memref<10000x32xf32, #tpu.memory_space<hbm>>) dst(%arg11 : memref<128x32xf32, #tpu.memory_space<vmem>>)
      %add3A_117 = arith.constant 3 : i32
      %add3A_118 = arith.addi %mul3A_55, %add3A_117 : i32
      %add3A_119 = arith.constant 2 : i32
      %add3A_120 = arith.addi %add3A_118, %add3A_119 : i32
      %lt3A_121 = arith.constant 80 : i32
      %lt3A_122 = arith.cmpi slt, %add3A_120, %lt3A_121 : i32
      %convert_element_type3A_123 = arith.extui %lt3A_122 : i1 to i32
      %cond3A_124 = arith.constant 0 : i32
      %cond3A_125 = arith.cmpi ne, %convert_element_type3A_123, %cond3A_124 : i32
      scf.if %cond3A_125 {
        %add3A_129 = arith.constant 3 : i32
        %add3A_130 = arith.addi %mul3A_55, %add3A_129 : i32
        %add3A_131 = arith.constant 2 : i32
        %add3A_132 = arith.addi %add3A_130, %add3A_131 : i32
        %dma_start3A_133 = arith.constant 0 : i32
        %dma_start3A_134 = tpu.memref_slice %arg6[%add3A_132, %dma_start3A_133] : memref<80x128xi32, #tpu.memory_space<vmem>> -> memref<1x128xi32, #tpu.memory_space<vmem>>
        %dma_start3A_135 = tpu.memref_squeeze %dma_start3A_134 : memref<1x128xi32, #tpu.memory_space<vmem>> -> memref<128xi32, #tpu.memory_space<vmem>>
        %dma_start3A_136 = arith.constant 0 : i32
        %dma_start3A_137 = arith.constant 0 : i32
        %dma_start3A_138 = tpu.memref_slice %arg2[%dma_start3A_136, %dma_start3A_137] : memref<10000x32xf32, #tpu.memory_space<hbm>> -> memref<10000x32xf32, #tpu.memory_space<hbm>>
        tpu.enqueue_indirect_dma source(%dma_start3A_138 : memref<10000x32xf32, #tpu.memory_space<hbm>>) target(%arg9 : memref<128x32xf32, #tpu.memory_space<vmem>>) offsets(%dma_start3A_135 : memref<128xi32, #tpu.memory_space<vmem>>) semaphore(%arg15 : memref<!tpu.dma_semaphore, #tpu.memory_space<semaphore_mem>>)
      } else {
      }
      %add3A_126 = arith.constant 3 : i32
      %add3A_127 = arith.addi %mul3A_55, %add3A_126 : i32
      "tpu.region"() ({
        %run_scoped3A = tpu.sem_alloc : memref<!tpu.dma_semaphore, #tpu.memory_space<semaphore_mem>>
        %dma_start3A_129 = arith.constant 0 : i32
        %dma_start3A_130 = tpu.memref_slice %arg7[%add3A_127, %dma_start3A_129] : memref<80x128xi32, #tpu.memory_space<vmem>> -> memref<1x128xi32, #tpu.memory_space<vmem>>
        %dma_start3A_131 = tpu.memref_squeeze %dma_start3A_130 : memref<1x128xi32, #tpu.memory_space<vmem>> -> memref<128xi32, #tpu.memory_space<vmem>>
        %dma_start3A_132 = arith.constant 0 : i32
        %dma_start3A_133 = arith.constant 0 : i32
        %dma_start3A_134 = tpu.memref_slice %arg13[%dma_start3A_132, %dma_start3A_133] : memref<10240x32xf32, #tpu.memory_space<vmem_shared>> -> memref<10240x32xf32, #tpu.memory_space<vmem_shared>>
        tpu.enqueue_indirect_dma source(%arg11 : memref<128x32xf32, #tpu.memory_space<vmem>>) target(%dma_start3A_134 : memref<10240x32xf32, #tpu.memory_space<vmem_shared>>) offsets(%dma_start3A_131 : memref<128xi32, #tpu.memory_space<vmem>>) semaphore(%run_scoped3A : memref<!tpu.dma_semaphore, #tpu.memory_space<semaphore_mem>>) {add = true}
        %dma_wait3A_135 = arith.constant 0 : i32
        %dma_wait3A_136 = tpu.memref_slice %arg7[%add3A_127, %dma_wait3A_135] : memref<80x128xi32, #tpu.memory_space<vmem>> -> memref<1x128xi32, #tpu.memory_space<vmem>>
        %dma_wait3A_137 = tpu.memref_squeeze %dma_wait3A_136 : memref<1x128xi32, #tpu.memory_space<vmem>> -> memref<128xi32, #tpu.memory_space<vmem>>
        %dma_wait3A_138 = arith.constant 0 : i32
        %dma_wait3A_139 = arith.constant 0 : i32
        %dma_wait3A_140 = tpu.memref_slice %arg13[%dma_wait3A_138, %dma_wait3A_139] : memref<10240x32xf32, #tpu.memory_space<vmem_shared>> -> memref<10240x32xf32, #tpu.memory_space<vmem_shared>>
        tpu.wait_indirect_dma semaphore(%run_scoped3A : memref<!tpu.dma_semaphore, #tpu.memory_space<semaphore_mem>>) src(%arg11 : memref<128x32xf32, #tpu.memory_space<vmem>>) dst(%dma_wait3A_140 : memref<10240x32xf32, #tpu.memory_space<vmem_shared>>)
        tpu.yield
      }) : () -> ()
      %scan3A_128 = arith.constant 0 : i32
      scf.yield %scan3A_128 : i32
    }
    %scan3A_46 = arith.constant 20 : i32
    %barrier3A_47 = arith.constant 0 : index
    tpu.barrier barrier_id(%barrier3A_47)
    %mul3A_48 = arith.constant 640 : i32
    %mul3A_49 = arith.muli %arg1, %mul3A_48 : i32
    %mul3A_50 = arith.constant 640 : i32
    %mul3A_51 = arith.muli %arg1, %mul3A_50 : i32
    "tpu.region"() ({
      %run_scoped3A = tpu.sem_alloc : memref<!tpu.dma_semaphore, #tpu.memory_space<semaphore_mem>>
      %dma_start3A_52 = arith.constant 0 : i32
      %dma_start3A_53 = tpu.memref_slice %arg5[%arg0, %mul3A_51, %dma_start3A_52] : memref<2x10240x128xf32, #tpu.memory_space<hbm>> -> memref<1x640x32xf32, #tpu.memory_space<hbm>>
      %dma_start3A_54 = tpu.memref_squeeze %dma_start3A_53 : memref<1x640x32xf32, #tpu.memory_space<hbm>> -> memref<640x32xf32, #tpu.memory_space<hbm>>
      %dma_start3A_55 = arith.constant 0 : i32
      %dma_start3A_56 = tpu.memref_slice %arg13[%mul3A_49, %dma_start3A_55] : memref<10240x32xf32, #tpu.memory_space<vmem_shared>> -> memref<640x32xf32, #tpu.memory_space<vmem_shared>>
      tpu.enqueue_dma source(%dma_start3A_56 : memref<640x32xf32, #tpu.memory_space<vmem_shared>>) target(%dma_start3A_54 : memref<640x32xf32, #tpu.memory_space<hbm>>) target_semaphore(%run_scoped3A : memref<!tpu.dma_semaphore, #tpu.memory_space<semaphore_mem>>)
      %dma_wait3A = arith.constant 0 : i32
      %dma_wait3A_57 = tpu.memref_slice %arg5[%arg0, %mul3A_51, %dma_wait3A] : memref<2x10240x128xf32, #tpu.memory_space<hbm>> -> memref<1x640x32xf32, #tpu.memory_space<hbm>>
      %dma_wait3A_58 = tpu.memref_squeeze %dma_wait3A_57 : memref<1x640x32xf32, #tpu.memory_space<hbm>> -> memref<640x32xf32, #tpu.memory_space<hbm>>
      %dma_wait3A_59 = arith.constant 0 : i32
      %dma_wait3A_60 = tpu.memref_slice %arg13[%mul3A_49, %dma_wait3A_59] : memref<10240x32xf32, #tpu.memory_space<vmem_shared>> -> memref<640x32xf32, #tpu.memory_space<vmem_shared>>
      tpu.wait_dma2 semaphore(%run_scoped3A : memref<!tpu.dma_semaphore, #tpu.memory_space<semaphore_mem>>) src(%dma_wait3A_60 : memref<640x32xf32, #tpu.memory_space<vmem_shared>>) dst(%dma_wait3A_58 : memref<640x32xf32, #tpu.memory_space<hbm>>)
      tpu.yield
    }) : () -> ()
    return
  }
}

#map = affine_map<(d0, d1) -> (0, 0)>
#map1 = affine_map<(d0, d1) -> (0, 0, 0)>
module attributes {stable_mosaic.version = 14 : i64} {
  func.func @k(%arg0: i32, %arg1: i32, %arg2: memref<10000x64xf32, #tpu.memory_space<hbm>>, %arg3: memref<10000x64xf32, #tpu.memory_space<hbm>>, %arg4: memref<16x160x128xi32, #tpu.memory_space<hbm>>, %arg5: memref<16x160x128xi32, #tpu.memory_space<hbm>>, %arg6: memref<2x10240x128xf32, #tpu.memory_space<hbm>>, %arg7: memref<160x128xi32, #tpu.memory_space<vmem>>, %arg8: memref<160x128xi32, #tpu.memory_space<vmem>>, %arg9: memref<128x64xf32, #tpu.memory_space<vmem>>, %arg10: memref<128x64xf32, #tpu.memory_space<vmem>>, %arg11: memref<128x64xf32, #tpu.memory_space<vmem>>, %arg12: memref<128x64xf32, #tpu.memory_space<vmem>>, %arg13: memref<128x64xf32, #tpu.memory_space<vmem>>, %arg14: memref<10240x64xf32, #tpu.memory_space<vmem_shared>>, %arg15: memref<!tpu.dma_semaphore, #tpu.memory_space<semaphore_mem>>, %arg16: memref<!tpu.dma_semaphore, #tpu.memory_space<semaphore_mem>>, %arg17: memref<!tpu.dma_semaphore, #tpu.memory_space<semaphore_mem>>, %arg18: memref<!tpu.dma_semaphore, #tpu.memory_space<semaphore_mem>>) attributes {dimension_semantics = [#tpu.dimension_semantics<core_parallel>, #tpu.dimension_semantics<subcore_parallel>], iteration_bounds = array<i64: 2, 16>, scalar_prefetch = 0 : i64, scratch_operands = 12 : i64, tpu.core_type = #tpu.core_type<sc_vector_subcore>, window_params = [{transform_indices = #map}, {transform_indices = #map}, {transform_indices = #map1}, {transform_indices = #map1}, {transform_indices = #map1}]} {
    "tpu.region"() ({
      %run_scoped3A = tpu.sem_alloc : memref<!tpu.dma_semaphore, #tpu.memory_space<semaphore_mem>>
      %dma_start3A = arith.constant 0 : i32
      %dma_start3A_36 = arith.constant 0 : i32
      %dma_start3A_37 = tpu.memref_slice %arg4[%arg1, %dma_start3A, %dma_start3A_36] : memref<16x160x128xi32, #tpu.memory_space<hbm>> -> memref<1x160x128xi32, #tpu.memory_space<hbm>>
      %dma_start3A_38 = tpu.memref_squeeze %dma_start3A_37 : memref<1x160x128xi32, #tpu.memory_space<hbm>> -> memref<160x128xi32, #tpu.memory_space<hbm>>
      %dma_start3A_39 = arith.constant 0 : i32
      %dma_start3A_40 = arith.constant 0 : i32
      %dma_start3A_41 = tpu.memref_slice %arg4[%arg1, %dma_start3A_39, %dma_start3A_40] : memref<16x160x128xi32, #tpu.memory_space<hbm>> -> memref<1x160x128xi32, #tpu.memory_space<hbm>>
      %dma_start3A_42 = tpu.memref_squeeze %dma_start3A_41 : memref<1x160x128xi32, #tpu.memory_space<hbm>> -> memref<160x128xi32, #tpu.memory_space<hbm>>
      tpu.enqueue_dma source(%dma_start3A_42 : memref<160x128xi32, #tpu.memory_space<hbm>>) target(%arg7 : memref<160x128xi32, #tpu.memory_space<vmem>>) target_semaphore(%run_scoped3A : memref<!tpu.dma_semaphore, #tpu.memory_space<semaphore_mem>>)
      %dma_wait3A = arith.constant 0 : i32
      %dma_wait3A_43 = arith.constant 0 : i32
      %dma_wait3A_44 = tpu.memref_slice %arg4[%arg1, %dma_wait3A, %dma_wait3A_43] : memref<16x160x128xi32, #tpu.memory_space<hbm>> -> memref<1x160x128xi32, #tpu.memory_space<hbm>>
      %dma_wait3A_45 = tpu.memref_squeeze %dma_wait3A_44 : memref<1x160x128xi32, #tpu.memory_space<hbm>> -> memref<160x128xi32, #tpu.memory_space<hbm>>
      %dma_wait3A_46 = arith.constant 0 : i32
      %dma_wait3A_47 = arith.constant 0 : i32
      %dma_wait3A_48 = tpu.memref_slice %arg4[%arg1, %dma_wait3A_46, %dma_wait3A_47] : memref<16x160x128xi32, #tpu.memory_space<hbm>> -> memref<1x160x128xi32, #tpu.memory_space<hbm>>
      %dma_wait3A_49 = tpu.memref_squeeze %dma_wait3A_48 : memref<1x160x128xi32, #tpu.memory_space<hbm>> -> memref<160x128xi32, #tpu.memory_space<hbm>>
      tpu.wait_dma2 semaphore(%run_scoped3A : memref<!tpu.dma_semaphore, #tpu.memory_space<semaphore_mem>>) src(%dma_wait3A_49 : memref<160x128xi32, #tpu.memory_space<hbm>>) dst(%arg7 : memref<160x128xi32, #tpu.memory_space<vmem>>)
      tpu.yield
    }) : () -> ()
    "tpu.region"() ({
      %run_scoped3A = tpu.sem_alloc : memref<!tpu.dma_semaphore, #tpu.memory_space<semaphore_mem>>
      %dma_start3A = arith.constant 0 : i32
      %dma_start3A_36 = arith.constant 0 : i32
      %dma_start3A_37 = tpu.memref_slice %arg5[%arg1, %dma_start3A, %dma_start3A_36] : memref<16x160x128xi32, #tpu.memory_space<hbm>> -> memref<1x160x128xi32, #tpu.memory_space<hbm>>
      %dma_start3A_38 = tpu.memref_squeeze %dma_start3A_37 : memref<1x160x128xi32, #tpu.memory_space<hbm>> -> memref<160x128xi32, #tpu.memory_space<hbm>>
      %dma_start3A_39 = arith.constant 0 : i32
      %dma_start3A_40 = arith.constant 0 : i32
      %dma_start3A_41 = tpu.memref_slice %arg5[%arg1, %dma_start3A_39, %dma_start3A_40] : memref<16x160x128xi32, #tpu.memory_space<hbm>> -> memref<1x160x128xi32, #tpu.memory_space<hbm>>
      %dma_start3A_42 = tpu.memref_squeeze %dma_start3A_41 : memref<1x160x128xi32, #tpu.memory_space<hbm>> -> memref<160x128xi32, #tpu.memory_space<hbm>>
      tpu.enqueue_dma source(%dma_start3A_42 : memref<160x128xi32, #tpu.memory_space<hbm>>) target(%arg8 : memref<160x128xi32, #tpu.memory_space<vmem>>) target_semaphore(%run_scoped3A : memref<!tpu.dma_semaphore, #tpu.memory_space<semaphore_mem>>)
      %dma_wait3A = arith.constant 0 : i32
      %dma_wait3A_43 = arith.constant 0 : i32
      %dma_wait3A_44 = tpu.memref_slice %arg5[%arg1, %dma_wait3A, %dma_wait3A_43] : memref<16x160x128xi32, #tpu.memory_space<hbm>> -> memref<1x160x128xi32, #tpu.memory_space<hbm>>
      %dma_wait3A_45 = tpu.memref_squeeze %dma_wait3A_44 : memref<1x160x128xi32, #tpu.memory_space<hbm>> -> memref<160x128xi32, #tpu.memory_space<hbm>>
      %dma_wait3A_46 = arith.constant 0 : i32
      %dma_wait3A_47 = arith.constant 0 : i32
      %dma_wait3A_48 = tpu.memref_slice %arg5[%arg1, %dma_wait3A_46, %dma_wait3A_47] : memref<16x160x128xi32, #tpu.memory_space<hbm>> -> memref<1x160x128xi32, #tpu.memory_space<hbm>>
      %dma_wait3A_49 = tpu.memref_squeeze %dma_wait3A_48 : memref<1x160x128xi32, #tpu.memory_space<hbm>> -> memref<160x128xi32, #tpu.memory_space<hbm>>
      tpu.wait_dma2 semaphore(%run_scoped3A : memref<!tpu.dma_semaphore, #tpu.memory_space<semaphore_mem>>) src(%dma_wait3A_49 : memref<160x128xi32, #tpu.memory_space<hbm>>) dst(%arg8 : memref<160x128xi32, #tpu.memory_space<vmem>>)
      tpu.yield
    }) : () -> ()
    %scan3A = arith.constant 0 : i32
    %scan3A_0 = arith.constant 0 : i32
    %scan3A_1 = arith.constant 512 : i32
    %scan3A_2 = arith.addi %scan3A_0, %scan3A_1 : i32
    %scan3A_3 = arith.constant 1 : i32
    %scan3A_4 = scf.for %scan3A_36 = %scan3A_0 to %scan3A_2 step %scan3A_3 iter_args(%scan3A_37 = %scan3A) -> (i32)  : i32 {
      %broadcast_in_dim3A = arith.constant 0.000000e+00 : f32
      %broadcast_in_dim3A_38 = vector.broadcast %broadcast_in_dim3A : f32 to vector<16xf32>
      %jit3A = arith.constant 4 : i32
      %div3A = arith.divsi %scan3A_36, %jit3A : i32
      %sign3A = arith.constant 0 : i32
      %sign3A_39 = arith.cmpi sgt, %scan3A_36, %sign3A : i32
      %sign3A_40 = arith.extui %sign3A_39 : i1 to i32
      %sign3A_41 = arith.constant 0 : i32
      %sign3A_42 = arith.cmpi slt, %scan3A_36, %sign3A_41 : i32
      %sign3A_43 = arith.extui %sign3A_42 : i1 to i32
      %sign3A_44 = arith.subi %sign3A_40, %sign3A_43 : i32
      %sign3A_45 = arith.constant 0 : i32
      %sign3A_46 = arith.cmpi sgt, %jit3A, %sign3A_45 : i32
      %sign3A_47 = arith.extui %sign3A_46 : i1 to i32
      %sign3A_48 = arith.constant 0 : i32
      %sign3A_49 = arith.cmpi slt, %jit3A, %sign3A_48 : i32
      %sign3A_50 = arith.extui %sign3A_49 : i1 to i32
      %sign3A_51 = arith.subi %sign3A_47, %sign3A_50 : i32
      %ne3A = arith.cmpi ne, %sign3A_44, %sign3A_51 : i32
      %rem3A = arith.remsi %scan3A_36, %jit3A : i32
      %ne3A_52 = arith.constant 0 : i32
      %ne3A_53 = arith.cmpi ne, %rem3A, %ne3A_52 : i32
      %and3A = arith.andi %ne3A, %ne3A_53 : i1
      %sub3A = arith.constant 1 : i32
      %sub3A_54 = arith.subi %div3A, %sub3A : i32
      %select_n3A = arith.select %and3A, %sub3A_54, %div3A : i32
      %jit3A_55 = arith.constant 4 : i32
      %eq3A_56 = arith.constant 0 : i32
      %eq3A_57 = arith.cmpi eq, %jit3A_55, %eq3A_56 : i32
      %jit3A_58 = arith.constant 1 : i32
      %select_n3A_59 = arith.select %eq3A_57, %jit3A_58, %jit3A_55 : i32
      %rem3A_60 = arith.remsi %scan3A_36, %select_n3A_59 : i32
      %ne3A_61 = arith.constant 0 : i32
      %ne3A_62 = arith.cmpi ne, %rem3A_60, %ne3A_61 : i32
      %lt3A = arith.constant 0 : i32
      %lt3A_63 = arith.cmpi slt, %rem3A_60, %lt3A : i32
      %lt3A_64 = arith.constant 0 : i32
      %lt3A_65 = arith.cmpi slt, %select_n3A_59, %lt3A_64 : i32
      %ne3A_66 = arith.xori %lt3A_63, %lt3A_65 : i1
      %and3A_67 = arith.andi %ne3A_66, %ne3A_62 : i1
      %add3A_68 = arith.addi %rem3A_60, %select_n3A_59 : i32
      %select_n3A_69 = arith.select %and3A_67, %add3A_68, %rem3A_60 : i32
      %mul3A_70 = arith.constant 16 : i32
      %mul3A_71 = arith.muli %select_n3A_69, %mul3A_70 : i32
      %swap3A = arith.index_cast %select_n3A : i32 to index
      %swap3A_72 = arith.index_cast %mul3A_71 : i32 to index
      %swap3A_73 = tpu.vector_load %arg13[%swap3A, %swap3A_72] {strides = array<i32>} : memref<128x64xf32, #tpu.memory_space<vmem>>, vector<1x16xf32>,
      %swap3A_74 = vector.shape_cast %swap3A_73 : vector<1x16xf32> to vector<16xf32>
      %swap3A_75 = vector.shape_cast %broadcast_in_dim3A_38 : vector<16xf32> to vector<1x16xf32>
      tpu.vector_store %arg13[%swap3A, %swap3A_72], %swap3A_75 {strides = array<i32>} : memref<128x64xf32, #tpu.memory_space<vmem>>, vector<1x16xf32>,
      %scan3A_76 = arith.constant 0 : i32
      scf.yield %scan3A_76 : i32
    }
    %scan3A_5 = arith.constant 512 : i32
    %mul3A = arith.constant 640 : i32
    %mul3A_6 = arith.muli %arg1, %mul3A : i32
    %add3A = arith.constant 0 : i32
    %add3A_7 = arith.addi %mul3A_6, %add3A : i32
    "tpu.region"() ({
      %run_scoped3A = tpu.sem_alloc : memref<!tpu.dma_semaphore, #tpu.memory_space<semaphore_mem>>
      %dma_start3A = arith.constant 0 : i32
      %dma_start3A_36 = tpu.memref_slice %arg14[%add3A_7, %dma_start3A] : memref<10240x64xf32, #tpu.memory_space<vmem_shared>> -> memref<128x64xf32, #tpu.memory_space<vmem_shared>>
      %dma_start3A_37 = arith.constant 0 : i32
      %dma_start3A_38 = tpu.memref_slice %arg14[%add3A_7, %dma_start3A_37] : memref<10240x64xf32, #tpu.memory_space<vmem_shared>> -> memref<128x64xf32, #tpu.memory_space<vmem_shared>>
      tpu.enqueue_dma source(%arg13 : memref<128x64xf32, #tpu.memory_space<vmem>>) target(%dma_start3A_38 : memref<128x64xf32, #tpu.memory_space<vmem_shared>>) target_semaphore(%run_scoped3A : memref<!tpu.dma_semaphore, #tpu.memory_space<semaphore_mem>>)
      %dma_wait3A = arith.constant 0 : i32
      %dma_wait3A_39 = tpu.memref_slice %arg14[%add3A_7, %dma_wait3A] : memref<10240x64xf32, #tpu.memory_space<vmem_shared>> -> memref<128x64xf32, #tpu.memory_space<vmem_shared>>
      %dma_wait3A_40 = arith.constant 0 : i32
      %dma_wait3A_41 = tpu.memref_slice %arg14[%add3A_7, %dma_wait3A_40] : memref<10240x64xf32, #tpu.memory_space<vmem_shared>> -> memref<128x64xf32, #tpu.memory_space<vmem_shared>>
      tpu.wait_dma2 semaphore(%run_scoped3A : memref<!tpu.dma_semaphore, #tpu.memory_space<semaphore_mem>>) src(%arg13 : memref<128x64xf32, #tpu.memory_space<vmem>>) dst(%dma_wait3A_41 : memref<128x64xf32, #tpu.memory_space<vmem_shared>>)
      tpu.yield
    }) : () -> ()
    %mul3A_8 = arith.constant 640 : i32
    %mul3A_9 = arith.muli %arg1, %mul3A_8 : i32
    %add3A_10 = arith.constant 128 : i32
    %add3A_11 = arith.addi %mul3A_9, %add3A_10 : i32
    "tpu.region"() ({
      %run_scoped3A = tpu.sem_alloc : memref<!tpu.dma_semaphore, #tpu.memory_space<semaphore_mem>>
      %dma_start3A = arith.constant 0 : i32
      %dma_start3A_36 = tpu.memref_slice %arg14[%add3A_11, %dma_start3A] : memref<10240x64xf32, #tpu.memory_space<vmem_shared>> -> memref<128x64xf32, #tpu.memory_space<vmem_shared>>
      %dma_start3A_37 = arith.constant 0 : i32
      %dma_start3A_38 = tpu.memref_slice %arg14[%add3A_11, %dma_start3A_37] : memref<10240x64xf32, #tpu.memory_space<vmem_shared>> -> memref<128x64xf32, #tpu.memory_space<vmem_shared>>
      tpu.enqueue_dma source(%arg13 : memref<128x64xf32, #tpu.memory_space<vmem>>) target(%dma_start3A_38 : memref<128x64xf32, #tpu.memory_space<vmem_shared>>) target_semaphore(%run_scoped3A : memref<!tpu.dma_semaphore, #tpu.memory_space<semaphore_mem>>)
      %dma_wait3A = arith.constant 0 : i32
      %dma_wait3A_39 = tpu.memref_slice %arg14[%add3A_11, %dma_wait3A] : memref<10240x64xf32, #tpu.memory_space<vmem_shared>> -> memref<128x64xf32, #tpu.memory_space<vmem_shared>>
      %dma_wait3A_40 = arith.constant 0 : i32
      %dma_wait3A_41 = tpu.memref_slice %arg14[%add3A_11, %dma_wait3A_40] : memref<10240x64xf32, #tpu.memory_space<vmem_shared>> -> memref<128x64xf32, #tpu.memory_space<vmem_shared>>
      tpu.wait_dma2 semaphore(%run_scoped3A : memref<!tpu.dma_semaphore, #tpu.memory_space<semaphore_mem>>) src(%arg13 : memref<128x64xf32, #tpu.memory_space<vmem>>) dst(%dma_wait3A_41 : memref<128x64xf32, #tpu.memory_space<vmem_shared>>)
      tpu.yield
    }) : () -> ()
    %mul3A_12 = arith.constant 640 : i32
    %mul3A_13 = arith.muli %arg1, %mul3A_12 : i32
    %add3A_14 = arith.constant 256 : i32
    %add3A_15 = arith.addi %mul3A_13, %add3A_14 : i32
    "tpu.region"() ({
      %run_scoped3A = tpu.sem_alloc : memref<!tpu.dma_semaphore, #tpu.memory_space<semaphore_mem>>
      %dma_start3A = arith.constant 0 : i32
      %dma_start3A_36 = tpu.memref_slice %arg14[%add3A_15, %dma_start3A] : memref<10240x64xf32, #tpu.memory_space<vmem_shared>> -> memref<128x64xf32, #tpu.memory_space<vmem_shared>>
      %dma_start3A_37 = arith.constant 0 : i32
      %dma_start3A_38 = tpu.memref_slice %arg14[%add3A_15, %dma_start3A_37] : memref<10240x64xf32, #tpu.memory_space<vmem_shared>> -> memref<128x64xf32, #tpu.memory_space<vmem_shared>>
      tpu.enqueue_dma source(%arg13 : memref<128x64xf32, #tpu.memory_space<vmem>>) target(%dma_start3A_38 : memref<128x64xf32, #tpu.memory_space<vmem_shared>>) target_semaphore(%run_scoped3A : memref<!tpu.dma_semaphore, #tpu.memory_space<semaphore_mem>>)
      %dma_wait3A = arith.constant 0 : i32
      %dma_wait3A_39 = tpu.memref_slice %arg14[%add3A_15, %dma_wait3A] : memref<10240x64xf32, #tpu.memory_space<vmem_shared>> -> memref<128x64xf32, #tpu.memory_space<vmem_shared>>
      %dma_wait3A_40 = arith.constant 0 : i32
      %dma_wait3A_41 = tpu.memref_slice %arg14[%add3A_15, %dma_wait3A_40] : memref<10240x64xf32, #tpu.memory_space<vmem_shared>> -> memref<128x64xf32, #tpu.memory_space<vmem_shared>>
      tpu.wait_dma2 semaphore(%run_scoped3A : memref<!tpu.dma_semaphore, #tpu.memory_space<semaphore_mem>>) src(%arg13 : memref<128x64xf32, #tpu.memory_space<vmem>>) dst(%dma_wait3A_41 : memref<128x64xf32, #tpu.memory_space<vmem_shared>>)
      tpu.yield
    }) : () -> ()
    %mul3A_16 = arith.constant 640 : i32
    %mul3A_17 = arith.muli %arg1, %mul3A_16 : i32
    %add3A_18 = arith.constant 384 : i32
    %add3A_19 = arith.addi %mul3A_17, %add3A_18 : i32
    "tpu.region"() ({
      %run_scoped3A = tpu.sem_alloc : memref<!tpu.dma_semaphore, #tpu.memory_space<semaphore_mem>>
      %dma_start3A = arith.constant 0 : i32
      %dma_start3A_36 = tpu.memref_slice %arg14[%add3A_19, %dma_start3A] : memref<10240x64xf32, #tpu.memory_space<vmem_shared>> -> memref<128x64xf32, #tpu.memory_space<vmem_shared>>
      %dma_start3A_37 = arith.constant 0 : i32
      %dma_start3A_38 = tpu.memref_slice %arg14[%add3A_19, %dma_start3A_37] : memref<10240x64xf32, #tpu.memory_space<vmem_shared>> -> memref<128x64xf32, #tpu.memory_space<vmem_shared>>
      tpu.enqueue_dma source(%arg13 : memref<128x64xf32, #tpu.memory_space<vmem>>) target(%dma_start3A_38 : memref<128x64xf32, #tpu.memory_space<vmem_shared>>) target_semaphore(%run_scoped3A : memref<!tpu.dma_semaphore, #tpu.memory_space<semaphore_mem>>)
      %dma_wait3A = arith.constant 0 : i32
      %dma_wait3A_39 = tpu.memref_slice %arg14[%add3A_19, %dma_wait3A] : memref<10240x64xf32, #tpu.memory_space<vmem_shared>> -> memref<128x64xf32, #tpu.memory_space<vmem_shared>>
      %dma_wait3A_40 = arith.constant 0 : i32
      %dma_wait3A_41 = tpu.memref_slice %arg14[%add3A_19, %dma_wait3A_40] : memref<10240x64xf32, #tpu.memory_space<vmem_shared>> -> memref<128x64xf32, #tpu.memory_space<vmem_shared>>
      tpu.wait_dma2 semaphore(%run_scoped3A : memref<!tpu.dma_semaphore, #tpu.memory_space<semaphore_mem>>) src(%arg13 : memref<128x64xf32, #tpu.memory_space<vmem>>) dst(%dma_wait3A_41 : memref<128x64xf32, #tpu.memory_space<vmem_shared>>)
      tpu.yield
    }) : () -> ()
    %mul3A_20 = arith.constant 640 : i32
    %mul3A_21 = arith.muli %arg1, %mul3A_20 : i32
    %add3A_22 = arith.constant 512 : i32
    %add3A_23 = arith.addi %mul3A_21, %add3A_22 : i32
    "tpu.region"() ({
      %run_scoped3A = tpu.sem_alloc : memref<!tpu.dma_semaphore, #tpu.memory_space<semaphore_mem>>
      %dma_start3A = arith.constant 0 : i32
      %dma_start3A_36 = tpu.memref_slice %arg14[%add3A_23, %dma_start3A] : memref<10240x64xf32, #tpu.memory_space<vmem_shared>> -> memref<128x64xf32, #tpu.memory_space<vmem_shared>>
      %dma_start3A_37 = arith.constant 0 : i32
      %dma_start3A_38 = tpu.memref_slice %arg14[%add3A_23, %dma_start3A_37] : memref<10240x64xf32, #tpu.memory_space<vmem_shared>> -> memref<128x64xf32, #tpu.memory_space<vmem_shared>>
      tpu.enqueue_dma source(%arg13 : memref<128x64xf32, #tpu.memory_space<vmem>>) target(%dma_start3A_38 : memref<128x64xf32, #tpu.memory_space<vmem_shared>>) target_semaphore(%run_scoped3A : memref<!tpu.dma_semaphore, #tpu.memory_space<semaphore_mem>>)
      %dma_wait3A = arith.constant 0 : i32
      %dma_wait3A_39 = tpu.memref_slice %arg14[%add3A_23, %dma_wait3A] : memref<10240x64xf32, #tpu.memory_space<vmem_shared>> -> memref<128x64xf32, #tpu.memory_space<vmem_shared>>
      %dma_wait3A_40 = arith.constant 0 : i32
      %dma_wait3A_41 = tpu.memref_slice %arg14[%add3A_23, %dma_wait3A_40] : memref<10240x64xf32, #tpu.memory_space<vmem_shared>> -> memref<128x64xf32, #tpu.memory_space<vmem_shared>>
      tpu.wait_dma2 semaphore(%run_scoped3A : memref<!tpu.dma_semaphore, #tpu.memory_space<semaphore_mem>>) src(%arg13 : memref<128x64xf32, #tpu.memory_space<vmem>>) dst(%dma_wait3A_41 : memref<128x64xf32, #tpu.memory_space<vmem_shared>>)
      tpu.yield
    }) : () -> ()
    %barrier3A = arith.constant 0 : index
    tpu.barrier barrier_id(%barrier3A)
    %eq3A = arith.constant 0 : i32
    %eq3A_24 = arith.cmpi eq, %arg0, %eq3A : i32
    %convert_element_type3A = arith.extui %eq3A_24 : i1 to i32
    %cond3A = arith.constant 0 : i32
    %cond3A_25 = arith.cmpi ne, %convert_element_type3A, %cond3A : i32
    scf.if %cond3A_25 {
      %dma_start3A = arith.constant 0 : i32
      %dma_start3A_36 = arith.constant 0 : i32
      %dma_start3A_37 = tpu.memref_slice %arg7[%dma_start3A, %dma_start3A_36] : memref<160x128xi32, #tpu.memory_space<vmem>> -> memref<1x128xi32, #tpu.memory_space<vmem>>
      %dma_start3A_38 = tpu.memref_squeeze %dma_start3A_37 : memref<1x128xi32, #tpu.memory_space<vmem>> -> memref<128xi32, #tpu.memory_space<vmem>>
      %dma_start3A_39 = arith.constant 0 : i32
      %dma_start3A_40 = arith.constant 0 : i32
      %dma_start3A_41 = tpu.memref_slice %arg2[%dma_start3A_39, %dma_start3A_40] : memref<10000x64xf32, #tpu.memory_space<hbm>> -> memref<10000x64xf32, #tpu.memory_space<hbm>>
      tpu.enqueue_indirect_dma source(%dma_start3A_41 : memref<10000x64xf32, #tpu.memory_space<hbm>>) target(%arg9 : memref<128x64xf32, #tpu.memory_space<vmem>>) offsets(%dma_start3A_38 : memref<128xi32, #tpu.memory_space<vmem>>) semaphore(%arg15 : memref<!tpu.dma_semaphore, #tpu.memory_space<semaphore_mem>>)
      %dma_start3A_42 = arith.constant 1 : i32
      %dma_start3A_43 = arith.constant 0 : i32
      %dma_start3A_44 = tpu.memref_slice %arg7[%dma_start3A_42, %dma_start3A_43] : memref<160x128xi32, #tpu.memory_space<vmem>> -> memref<1x128xi32, #tpu.memory_space<vmem>>
      %dma_start3A_45 = tpu.memref_squeeze %dma_start3A_44 : memref<1x128xi32, #tpu.memory_space<vmem>> -> memref<128xi32, #tpu.memory_space<vmem>>
      %dma_start3A_46 = arith.constant 0 : i32
      %dma_start3A_47 = arith.constant 0 : i32
      %dma_start3A_48 = tpu.memref_slice %arg2[%dma_start3A_46, %dma_start3A_47] : memref<10000x64xf32, #tpu.memory_space<hbm>> -> memref<10000x64xf32, #tpu.memory_space<hbm>>
      tpu.enqueue_indirect_dma source(%dma_start3A_48 : memref<10000x64xf32, #tpu.memory_space<hbm>>) target(%arg10 : memref<128x64xf32, #tpu.memory_space<vmem>>) offsets(%dma_start3A_45 : memref<128xi32, #tpu.memory_space<vmem>>) semaphore(%arg16 : memref<!tpu.dma_semaphore, #tpu.memory_space<semaphore_mem>>)
      %scan3A_49 = arith.constant 0 : i32
      %scan3A_50 = arith.constant 0 : i32
      %scan3A_51 = arith.constant 40 : i32
      %scan3A_52 = arith.addi %scan3A_50, %scan3A_51 : i32
      %scan3A_53 = arith.constant 1 : i32
      %scan3A_54 = scf.for %scan3A_56 = %scan3A_50 to %scan3A_52 step %scan3A_53 iter_args(%scan3A_57 = %scan3A_49) -> (i32)  : i32 {
        %mul3A_58 = arith.constant 4 : i32
        %mul3A_59 = arith.muli %mul3A_58, %scan3A_56 : i32
        %add3A_60 = arith.constant 0 : i32
        %add3A_61 = arith.addi %mul3A_59, %add3A_60 : i32
        %dma_wait3A = arith.constant 0 : i32
        %dma_wait3A_62 = tpu.memref_slice %arg7[%add3A_61, %dma_wait3A] : memref<160x128xi32, #tpu.memory_space<vmem>> -> memref<1x128xi32, #tpu.memory_space<vmem>>
        %dma_wait3A_63 = tpu.memref_squeeze %dma_wait3A_62 : memref<1x128xi32, #tpu.memory_space<vmem>> -> memref<128xi32, #tpu.memory_space<vmem>>
        %dma_wait3A_64 = arith.constant 0 : i32
        %dma_wait3A_65 = arith.constant 0 : i32
        %dma_wait3A_66 = tpu.memref_slice %arg2[%dma_wait3A_64, %dma_wait3A_65] : memref<10000x64xf32, #tpu.memory_space<hbm>> -> memref<10000x64xf32, #tpu.memory_space<hbm>>
        tpu.wait_indirect_dma semaphore(%arg15 : memref<!tpu.dma_semaphore, #tpu.memory_space<semaphore_mem>>) src(%dma_wait3A_66 : memref<10000x64xf32, #tpu.memory_space<hbm>>) dst(%arg9 : memref<128x64xf32, #tpu.memory_space<vmem>>)
        %add3A_67 = arith.constant 0 : i32
        %add3A_68 = arith.addi %mul3A_59, %add3A_67 : i32
        %add3A_69 = arith.constant 2 : i32
        %add3A_70 = arith.addi %add3A_68, %add3A_69 : i32
        %lt3A = arith.constant 160 : i32
        %lt3A_71 = arith.cmpi slt, %add3A_70, %lt3A : i32
        %convert_element_type3A_72 = arith.extui %lt3A_71 : i1 to i32
        %cond3A_73 = arith.constant 0 : i32
        %cond3A_74 = arith.cmpi ne, %convert_element_type3A_72, %cond3A_73 : i32
        scf.if %cond3A_74 {
          %add3A_135 = arith.constant 0 : i32
          %add3A_136 = arith.addi %mul3A_59, %add3A_135 : i32
          %add3A_137 = arith.constant 2 : i32
          %add3A_138 = arith.addi %add3A_136, %add3A_137 : i32
          %dma_start3A_139 = arith.constant 0 : i32
          %dma_start3A_140 = tpu.memref_slice %arg7[%add3A_138, %dma_start3A_139] : memref<160x128xi32, #tpu.memory_space<vmem>> -> memref<1x128xi32, #tpu.memory_space<vmem>>
          %dma_start3A_141 = tpu.memref_squeeze %dma_start3A_140 : memref<1x128xi32, #tpu.memory_space<vmem>> -> memref<128xi32, #tpu.memory_space<vmem>>
          %dma_start3A_142 = arith.constant 0 : i32
          %dma_start3A_143 = arith.constant 0 : i32
          %dma_start3A_144 = tpu.memref_slice %arg2[%dma_start3A_142, %dma_start3A_143] : memref<10000x64xf32, #tpu.memory_space<hbm>> -> memref<10000x64xf32, #tpu.memory_space<hbm>>
          tpu.enqueue_indirect_dma source(%dma_start3A_144 : memref<10000x64xf32, #tpu.memory_space<hbm>>) target(%arg11 : memref<128x64xf32, #tpu.memory_space<vmem>>) offsets(%dma_start3A_141 : memref<128xi32, #tpu.memory_space<vmem>>) semaphore(%arg17 : memref<!tpu.dma_semaphore, #tpu.memory_space<semaphore_mem>>)
        } else {
        }
        %add3A_75 = arith.constant 0 : i32
        %add3A_76 = arith.addi %mul3A_59, %add3A_75 : i32
        "tpu.region"() ({
          %run_scoped3A = tpu.sem_alloc : memref<!tpu.dma_semaphore, #tpu.memory_space<semaphore_mem>>
          %dma_start3A_135 = arith.constant 0 : i32
          %dma_start3A_136 = tpu.memref_slice %arg8[%add3A_76, %dma_start3A_135] : memref<160x128xi32, #tpu.memory_space<vmem>> -> memref<1x128xi32, #tpu.memory_space<vmem>>
          %dma_start3A_137 = tpu.memref_squeeze %dma_start3A_136 : memref<1x128xi32, #tpu.memory_space<vmem>> -> memref<128xi32, #tpu.memory_space<vmem>>
          %dma_start3A_138 = arith.constant 0 : i32
          %dma_start3A_139 = arith.constant 0 : i32
          %dma_start3A_140 = tpu.memref_slice %arg14[%dma_start3A_138, %dma_start3A_139] : memref<10240x64xf32, #tpu.memory_space<vmem_shared>> -> memref<10240x64xf32, #tpu.memory_space<vmem_shared>>
          tpu.enqueue_indirect_dma source(%arg9 : memref<128x64xf32, #tpu.memory_space<vmem>>) target(%dma_start3A_140 : memref<10240x64xf32, #tpu.memory_space<vmem_shared>>) offsets(%dma_start3A_137 : memref<128xi32, #tpu.memory_space<vmem>>) semaphore(%run_scoped3A : memref<!tpu.dma_semaphore, #tpu.memory_space<semaphore_mem>>) {add = true}
          %dma_wait3A_141 = arith.constant 0 : i32
          %dma_wait3A_142 = tpu.memref_slice %arg8[%add3A_76, %dma_wait3A_141] : memref<160x128xi32, #tpu.memory_space<vmem>> -> memref<1x128xi32, #tpu.memory_space<vmem>>
          %dma_wait3A_143 = tpu.memref_squeeze %dma_wait3A_142 : memref<1x128xi32, #tpu.memory_space<vmem>> -> memref<128xi32, #tpu.memory_space<vmem>>
          %dma_wait3A_144 = arith.constant 0 : i32
          %dma_wait3A_145 = arith.constant 0 : i32
          %dma_wait3A_146 = tpu.memref_slice %arg14[%dma_wait3A_144, %dma_wait3A_145] : memref<10240x64xf32, #tpu.memory_space<vmem_shared>> -> memref<10240x64xf32, #tpu.memory_space<vmem_shared>>
          tpu.wait_indirect_dma semaphore(%run_scoped3A : memref<!tpu.dma_semaphore, #tpu.memory_space<semaphore_mem>>) src(%arg9 : memref<128x64xf32, #tpu.memory_space<vmem>>) dst(%dma_wait3A_146 : memref<10240x64xf32, #tpu.memory_space<vmem_shared>>)
          tpu.yield
        }) : () -> ()
        %add3A_77 = arith.constant 1 : i32
        %add3A_78 = arith.addi %mul3A_59, %add3A_77 : i32
        %dma_wait3A_79 = arith.constant 0 : i32
        %dma_wait3A_80 = tpu.memref_slice %arg7[%add3A_78, %dma_wait3A_79] : memref<160x128xi32, #tpu.memory_space<vmem>> -> memref<1x128xi32, #tpu.memory_space<vmem>>
        %dma_wait3A_81 = tpu.memref_squeeze %dma_wait3A_80 : memref<1x128xi32, #tpu.memory_space<vmem>> -> memref<128xi32, #tpu.memory_space<vmem>>
        %dma_wait3A_82 = arith.constant 0 : i32
        %dma_wait3A_83 = arith.constant 0 : i32
        %dma_wait3A_84 = tpu.memref_slice %arg2[%dma_wait3A_82, %dma_wait3A_83] : memref<10000x64xf32, #tpu.memory_space<hbm>> -> memref<10000x64xf32, #tpu.memory_space<hbm>>
        tpu.wait_indirect_dma semaphore(%arg16 : memref<!tpu.dma_semaphore, #tpu.memory_space<semaphore_mem>>) src(%dma_wait3A_84 : memref<10000x64xf32, #tpu.memory_space<hbm>>) dst(%arg10 : memref<128x64xf32, #tpu.memory_space<vmem>>)
        %add3A_85 = arith.constant 1 : i32
        %add3A_86 = arith.addi %mul3A_59, %add3A_85 : i32
        %add3A_87 = arith.constant 2 : i32
        %add3A_88 = arith.addi %add3A_86, %add3A_87 : i32
        %lt3A_89 = arith.constant 160 : i32
        %lt3A_90 = arith.cmpi slt, %add3A_88, %lt3A_89 : i32
        %convert_element_type3A_91 = arith.extui %lt3A_90 : i1 to i32
        %cond3A_92 = arith.constant 0 : i32
        %cond3A_93 = arith.cmpi ne, %convert_element_type3A_91, %cond3A_92 : i32
        scf.if %cond3A_93 {
          %add3A_135 = arith.constant 1 : i32
          %add3A_136 = arith.addi %mul3A_59, %add3A_135 : i32
          %add3A_137 = arith.constant 2 : i32
          %add3A_138 = arith.addi %add3A_136, %add3A_137 : i32
          %dma_start3A_139 = arith.constant 0 : i32
          %dma_start3A_140 = tpu.memref_slice %arg7[%add3A_138, %dma_start3A_139] : memref<160x128xi32, #tpu.memory_space<vmem>> -> memref<1x128xi32, #tpu.memory_space<vmem>>
          %dma_start3A_141 = tpu.memref_squeeze %dma_start3A_140 : memref<1x128xi32, #tpu.memory_space<vmem>> -> memref<128xi32, #tpu.memory_space<vmem>>
          %dma_start3A_142 = arith.constant 0 : i32
          %dma_start3A_143 = arith.constant 0 : i32
          %dma_start3A_144 = tpu.memref_slice %arg2[%dma_start3A_142, %dma_start3A_143] : memref<10000x64xf32, #tpu.memory_space<hbm>> -> memref<10000x64xf32, #tpu.memory_space<hbm>>
          tpu.enqueue_indirect_dma source(%dma_start3A_144 : memref<10000x64xf32, #tpu.memory_space<hbm>>) target(%arg12 : memref<128x64xf32, #tpu.memory_space<vmem>>) offsets(%dma_start3A_141 : memref<128xi32, #tpu.memory_space<vmem>>) semaphore(%arg18 : memref<!tpu.dma_semaphore, #tpu.memory_space<semaphore_mem>>)
        } else {
        }
        %add3A_94 = arith.constant 1 : i32
        %add3A_95 = arith.addi %mul3A_59, %add3A_94 : i32
        "tpu.region"() ({
          %run_scoped3A = tpu.sem_alloc : memref<!tpu.dma_semaphore, #tpu.memory_space<semaphore_mem>>
          %dma_start3A_135 = arith.constant 0 : i32
          %dma_start3A_136 = tpu.memref_slice %arg8[%add3A_95, %dma_start3A_135] : memref<160x128xi32, #tpu.memory_space<vmem>> -> memref<1x128xi32, #tpu.memory_space<vmem>>
          %dma_start3A_137 = tpu.memref_squeeze %dma_start3A_136 : memref<1x128xi32, #tpu.memory_space<vmem>> -> memref<128xi32, #tpu.memory_space<vmem>>
          %dma_start3A_138 = arith.constant 0 : i32
          %dma_start3A_139 = arith.constant 0 : i32
          %dma_start3A_140 = tpu.memref_slice %arg14[%dma_start3A_138, %dma_start3A_139] : memref<10240x64xf32, #tpu.memory_space<vmem_shared>> -> memref<10240x64xf32, #tpu.memory_space<vmem_shared>>
          tpu.enqueue_indirect_dma source(%arg10 : memref<128x64xf32, #tpu.memory_space<vmem>>) target(%dma_start3A_140 : memref<10240x64xf32, #tpu.memory_space<vmem_shared>>) offsets(%dma_start3A_137 : memref<128xi32, #tpu.memory_space<vmem>>) semaphore(%run_scoped3A : memref<!tpu.dma_semaphore, #tpu.memory_space<semaphore_mem>>) {add = true}
          %dma_wait3A_141 = arith.constant 0 : i32
          %dma_wait3A_142 = tpu.memref_slice %arg8[%add3A_95, %dma_wait3A_141] : memref<160x128xi32, #tpu.memory_space<vmem>> -> memref<1x128xi32, #tpu.memory_space<vmem>>
          %dma_wait3A_143 = tpu.memref_squeeze %dma_wait3A_142 : memref<1x128xi32, #tpu.memory_space<vmem>> -> memref<128xi32, #tpu.memory_space<vmem>>
          %dma_wait3A_144 = arith.constant 0 : i32
          %dma_wait3A_145 = arith.constant 0 : i32
          %dma_wait3A_146 = tpu.memref_slice %arg14[%dma_wait3A_144, %dma_wait3A_145] : memref<10240x64xf32, #tpu.memory_space<vmem_shared>> -> memref<10240x64xf32, #tpu.memory_space<vmem_shared>>
          tpu.wait_indirect_dma semaphore(%run_scoped3A : memref<!tpu.dma_semaphore, #tpu.memory_space<semaphore_mem>>) src(%arg10 : memref<128x64xf32, #tpu.memory_space<vmem>>) dst(%dma_wait3A_146 : memref<10240x64xf32, #tpu.memory_space<vmem_shared>>)
          tpu.yield
        }) : () -> ()
        %add3A_96 = arith.constant 2 : i32
        %add3A_97 = arith.addi %mul3A_59, %add3A_96 : i32
        %dma_wait3A_98 = arith.constant 0 : i32
        %dma_wait3A_99 = tpu.memref_slice %arg7[%add3A_97, %dma_wait3A_98] : memref<160x128xi32, #tpu.memory_space<vmem>> -> memref<1x128xi32, #tpu.memory_space<vmem>>
        %dma_wait3A_100 = tpu.memref_squeeze %dma_wait3A_99 : memref<1x128xi32, #tpu.memory_space<vmem>> -> memref<128xi32, #tpu.memory_space<vmem>>
        %dma_wait3A_101 = arith.constant 0 : i32
        %dma_wait3A_102 = arith.constant 0 : i32
        %dma_wait3A_103 = tpu.memref_slice %arg2[%dma_wait3A_101, %dma_wait3A_102] : memref<10000x64xf32, #tpu.memory_space<hbm>> -> memref<10000x64xf32, #tpu.memory_space<hbm>>
        tpu.wait_indirect_dma semaphore(%arg17 : memref<!tpu.dma_semaphore, #tpu.memory_space<semaphore_mem>>) src(%dma_wait3A_103 : memref<10000x64xf32, #tpu.memory_space<hbm>>) dst(%arg11 : memref<128x64xf32, #tpu.memory_space<vmem>>)
        %add3A_104 = arith.constant 2 : i32
        %add3A_105 = arith.addi %mul3A_59, %add3A_104 : i32
        %add3A_106 = arith.constant 2 : i32
        %add3A_107 = arith.addi %add3A_105, %add3A_106 : i32
        %lt3A_108 = arith.constant 160 : i32
        %lt3A_109 = arith.cmpi slt, %add3A_107, %lt3A_108 : i32
        %convert_element_type3A_110 = arith.extui %lt3A_109 : i1 to i32
        %cond3A_111 = arith.constant 0 : i32
        %cond3A_112 = arith.cmpi ne, %convert_element_type3A_110, %cond3A_111 : i32
        scf.if %cond3A_112 {
          %add3A_135 = arith.constant 2 : i32
          %add3A_136 = arith.addi %mul3A_59, %add3A_135 : i32
          %add3A_137 = arith.constant 2 : i32
          %add3A_138 = arith.addi %add3A_136, %add3A_137 : i32
          %dma_start3A_139 = arith.constant 0 : i32
          %dma_start3A_140 = tpu.memref_slice %arg7[%add3A_138, %dma_start3A_139] : memref<160x128xi32, #tpu.memory_space<vmem>> -> memref<1x128xi32, #tpu.memory_space<vmem>>
          %dma_start3A_141 = tpu.memref_squeeze %dma_start3A_140 : memref<1x128xi32, #tpu.memory_space<vmem>> -> memref<128xi32, #tpu.memory_space<vmem>>
          %dma_start3A_142 = arith.constant 0 : i32
          %dma_start3A_143 = arith.constant 0 : i32
          %dma_start3A_144 = tpu.memref_slice %arg2[%dma_start3A_142, %dma_start3A_143] : memref<10000x64xf32, #tpu.memory_space<hbm>> -> memref<10000x64xf32, #tpu.memory_space<hbm>>
          tpu.enqueue_indirect_dma source(%dma_start3A_144 : memref<10000x64xf32, #tpu.memory_space<hbm>>) target(%arg9 : memref<128x64xf32, #tpu.memory_space<vmem>>) offsets(%dma_start3A_141 : memref<128xi32, #tpu.memory_space<vmem>>) semaphore(%arg15 : memref<!tpu.dma_semaphore, #tpu.memory_space<semaphore_mem>>)
        } else {
        }
        %add3A_113 = arith.constant 2 : i32
        %add3A_114 = arith.addi %mul3A_59, %add3A_113 : i32
        "tpu.region"() ({
          %run_scoped3A = tpu.sem_alloc : memref<!tpu.dma_semaphore, #tpu.memory_space<semaphore_mem>>
          %dma_start3A_135 = arith.constant 0 : i32
          %dma_start3A_136 = tpu.memref_slice %arg8[%add3A_114, %dma_start3A_135] : memref<160x128xi32, #tpu.memory_space<vmem>> -> memref<1x128xi32, #tpu.memory_space<vmem>>
          %dma_start3A_137 = tpu.memref_squeeze %dma_start3A_136 : memref<1x128xi32, #tpu.memory_space<vmem>> -> memref<128xi32, #tpu.memory_space<vmem>>
          %dma_start3A_138 = arith.constant 0 : i32
          %dma_start3A_139 = arith.constant 0 : i32
          %dma_start3A_140 = tpu.memref_slice %arg14[%dma_start3A_138, %dma_start3A_139] : memref<10240x64xf32, #tpu.memory_space<vmem_shared>> -> memref<10240x64xf32, #tpu.memory_space<vmem_shared>>
          tpu.enqueue_indirect_dma source(%arg11 : memref<128x64xf32, #tpu.memory_space<vmem>>) target(%dma_start3A_140 : memref<10240x64xf32, #tpu.memory_space<vmem_shared>>) offsets(%dma_start3A_137 : memref<128xi32, #tpu.memory_space<vmem>>) semaphore(%run_scoped3A : memref<!tpu.dma_semaphore, #tpu.memory_space<semaphore_mem>>) {add = true}
          %dma_wait3A_141 = arith.constant 0 : i32
          %dma_wait3A_142 = tpu.memref_slice %arg8[%add3A_114, %dma_wait3A_141] : memref<160x128xi32, #tpu.memory_space<vmem>> -> memref<1x128xi32, #tpu.memory_space<vmem>>
          %dma_wait3A_143 = tpu.memref_squeeze %dma_wait3A_142 : memref<1x128xi32, #tpu.memory_space<vmem>> -> memref<128xi32, #tpu.memory_space<vmem>>
          %dma_wait3A_144 = arith.constant 0 : i32
          %dma_wait3A_145 = arith.constant 0 : i32
          %dma_wait3A_146 = tpu.memref_slice %arg14[%dma_wait3A_144, %dma_wait3A_145] : memref<10240x64xf32, #tpu.memory_space<vmem_shared>> -> memref<10240x64xf32, #tpu.memory_space<vmem_shared>>
          tpu.wait_indirect_dma semaphore(%run_scoped3A : memref<!tpu.dma_semaphore, #tpu.memory_space<semaphore_mem>>) src(%arg11 : memref<128x64xf32, #tpu.memory_space<vmem>>) dst(%dma_wait3A_146 : memref<10240x64xf32, #tpu.memory_space<vmem_shared>>)
          tpu.yield
        }) : () -> ()
        %add3A_115 = arith.constant 3 : i32
        %add3A_116 = arith.addi %mul3A_59, %add3A_115 : i32
        %dma_wait3A_117 = arith.constant 0 : i32
        %dma_wait3A_118 = tpu.memref_slice %arg7[%add3A_116, %dma_wait3A_117] : memref<160x128xi32, #tpu.memory_space<vmem>> -> memref<1x128xi32, #tpu.memory_space<vmem>>
        %dma_wait3A_119 = tpu.memref_squeeze %dma_wait3A_118 : memref<1x128xi32, #tpu.memory_space<vmem>> -> memref<128xi32, #tpu.memory_space<vmem>>
        %dma_wait3A_120 = arith.constant 0 : i32
        %dma_wait3A_121 = arith.constant 0 : i32
        %dma_wait3A_122 = tpu.memref_slice %arg2[%dma_wait3A_120, %dma_wait3A_121] : memref<10000x64xf32, #tpu.memory_space<hbm>> -> memref<10000x64xf32, #tpu.memory_space<hbm>>
        tpu.wait_indirect_dma semaphore(%arg18 : memref<!tpu.dma_semaphore, #tpu.memory_space<semaphore_mem>>) src(%dma_wait3A_122 : memref<10000x64xf32, #tpu.memory_space<hbm>>) dst(%arg12 : memref<128x64xf32, #tpu.memory_space<vmem>>)
        %add3A_123 = arith.constant 3 : i32
        %add3A_124 = arith.addi %mul3A_59, %add3A_123 : i32
        %add3A_125 = arith.constant 2 : i32
        %add3A_126 = arith.addi %add3A_124, %add3A_125 : i32
        %lt3A_127 = arith.constant 160 : i32
        %lt3A_128 = arith.cmpi slt, %add3A_126, %lt3A_127 : i32
        %convert_element_type3A_129 = arith.extui %lt3A_128 : i1 to i32
        %cond3A_130 = arith.constant 0 : i32
        %cond3A_131 = arith.cmpi ne, %convert_element_type3A_129, %cond3A_130 : i32
        scf.if %cond3A_131 {
          %add3A_135 = arith.constant 3 : i32
          %add3A_136 = arith.addi %mul3A_59, %add3A_135 : i32
          %add3A_137 = arith.constant 2 : i32
          %add3A_138 = arith.addi %add3A_136, %add3A_137 : i32
          %dma_start3A_139 = arith.constant 0 : i32
          %dma_start3A_140 = tpu.memref_slice %arg7[%add3A_138, %dma_start3A_139] : memref<160x128xi32, #tpu.memory_space<vmem>> -> memref<1x128xi32, #tpu.memory_space<vmem>>
          %dma_start3A_141 = tpu.memref_squeeze %dma_start3A_140 : memref<1x128xi32, #tpu.memory_space<vmem>> -> memref<128xi32, #tpu.memory_space<vmem>>
          %dma_start3A_142 = arith.constant 0 : i32
          %dma_start3A_143 = arith.constant 0 : i32
          %dma_start3A_144 = tpu.memref_slice %arg2[%dma_start3A_142, %dma_start3A_143] : memref<10000x64xf32, #tpu.memory_space<hbm>> -> memref<10000x64xf32, #tpu.memory_space<hbm>>
          tpu.enqueue_indirect_dma source(%dma_start3A_144 : memref<10000x64xf32, #tpu.memory_space<hbm>>) target(%arg10 : memref<128x64xf32, #tpu.memory_space<vmem>>) offsets(%dma_start3A_141 : memref<128xi32, #tpu.memory_space<vmem>>) semaphore(%arg16 : memref<!tpu.dma_semaphore, #tpu.memory_space<semaphore_mem>>)
        } else {
        }
        %add3A_132 = arith.constant 3 : i32
        %add3A_133 = arith.addi %mul3A_59, %add3A_132 : i32
        "tpu.region"() ({
          %run_scoped3A = tpu.sem_alloc : memref<!tpu.dma_semaphore, #tpu.memory_space<semaphore_mem>>
          %dma_start3A_135 = arith.constant 0 : i32
          %dma_start3A_136 = tpu.memref_slice %arg8[%add3A_133, %dma_start3A_135] : memref<160x128xi32, #tpu.memory_space<vmem>> -> memref<1x128xi32, #tpu.memory_space<vmem>>
          %dma_start3A_137 = tpu.memref_squeeze %dma_start3A_136 : memref<1x128xi32, #tpu.memory_space<vmem>> -> memref<128xi32, #tpu.memory_space<vmem>>
          %dma_start3A_138 = arith.constant 0 : i32
          %dma_start3A_139 = arith.constant 0 : i32
          %dma_start3A_140 = tpu.memref_slice %arg14[%dma_start3A_138, %dma_start3A_139] : memref<10240x64xf32, #tpu.memory_space<vmem_shared>> -> memref<10240x64xf32, #tpu.memory_space<vmem_shared>>
          tpu.enqueue_indirect_dma source(%arg12 : memref<128x64xf32, #tpu.memory_space<vmem>>) target(%dma_start3A_140 : memref<10240x64xf32, #tpu.memory_space<vmem_shared>>) offsets(%dma_start3A_137 : memref<128xi32, #tpu.memory_space<vmem>>) semaphore(%run_scoped3A : memref<!tpu.dma_semaphore, #tpu.memory_space<semaphore_mem>>) {add = true}
          %dma_wait3A_141 = arith.constant 0 : i32
          %dma_wait3A_142 = tpu.memref_slice %arg8[%add3A_133, %dma_wait3A_141] : memref<160x128xi32, #tpu.memory_space<vmem>> -> memref<1x128xi32, #tpu.memory_space<vmem>>
          %dma_wait3A_143 = tpu.memref_squeeze %dma_wait3A_142 : memref<1x128xi32, #tpu.memory_space<vmem>> -> memref<128xi32, #tpu.memory_space<vmem>>
          %dma_wait3A_144 = arith.constant 0 : i32
          %dma_wait3A_145 = arith.constant 0 : i32
          %dma_wait3A_146 = tpu.memref_slice %arg14[%dma_wait3A_144, %dma_wait3A_145] : memref<10240x64xf32, #tpu.memory_space<vmem_shared>> -> memref<10240x64xf32, #tpu.memory_space<vmem_shared>>
          tpu.wait_indirect_dma semaphore(%run_scoped3A : memref<!tpu.dma_semaphore, #tpu.memory_space<semaphore_mem>>) src(%arg12 : memref<128x64xf32, #tpu.memory_space<vmem>>) dst(%dma_wait3A_146 : memref<10240x64xf32, #tpu.memory_space<vmem_shared>>)
          tpu.yield
        }) : () -> ()
        %scan3A_134 = arith.constant 0 : i32
        scf.yield %scan3A_134 : i32
      }
      %scan3A_55 = arith.constant 40 : i32
    } else {
    }
    %eq3A_26 = arith.constant 1 : i32
    %eq3A_27 = arith.cmpi eq, %arg0, %eq3A_26 : i32
    %convert_element_type3A_28 = arith.extui %eq3A_27 : i1 to i32
    %cond3A_29 = arith.constant 0 : i32
    %cond3A_30 = arith.cmpi ne, %convert_element_type3A_28, %cond3A_29 : i32
    scf.if %cond3A_30 {
      %dma_start3A = arith.constant 0 : i32
      %dma_start3A_36 = arith.constant 0 : i32
      %dma_start3A_37 = tpu.memref_slice %arg7[%dma_start3A, %dma_start3A_36] : memref<160x128xi32, #tpu.memory_space<vmem>> -> memref<1x128xi32, #tpu.memory_space<vmem>>
      %dma_start3A_38 = tpu.memref_squeeze %dma_start3A_37 : memref<1x128xi32, #tpu.memory_space<vmem>> -> memref<128xi32, #tpu.memory_space<vmem>>
      %dma_start3A_39 = arith.constant 0 : i32
      %dma_start3A_40 = arith.constant 0 : i32
      %dma_start3A_41 = tpu.memref_slice %arg3[%dma_start3A_39, %dma_start3A_40] : memref<10000x64xf32, #tpu.memory_space<hbm>> -> memref<10000x64xf32, #tpu.memory_space<hbm>>
      tpu.enqueue_indirect_dma source(%dma_start3A_41 : memref<10000x64xf32, #tpu.memory_space<hbm>>) target(%arg9 : memref<128x64xf32, #tpu.memory_space<vmem>>) offsets(%dma_start3A_38 : memref<128xi32, #tpu.memory_space<vmem>>) semaphore(%arg15 : memref<!tpu.dma_semaphore, #tpu.memory_space<semaphore_mem>>)
      %dma_start3A_42 = arith.constant 1 : i32
      %dma_start3A_43 = arith.constant 0 : i32
      %dma_start3A_44 = tpu.memref_slice %arg7[%dma_start3A_42, %dma_start3A_43] : memref<160x128xi32, #tpu.memory_space<vmem>> -> memref<1x128xi32, #tpu.memory_space<vmem>>
      %dma_start3A_45 = tpu.memref_squeeze %dma_start3A_44 : memref<1x128xi32, #tpu.memory_space<vmem>> -> memref<128xi32, #tpu.memory_space<vmem>>
      %dma_start3A_46 = arith.constant 0 : i32
      %dma_start3A_47 = arith.constant 0 : i32
      %dma_start3A_48 = tpu.memref_slice %arg3[%dma_start3A_46, %dma_start3A_47] : memref<10000x64xf32, #tpu.memory_space<hbm>> -> memref<10000x64xf32, #tpu.memory_space<hbm>>
      tpu.enqueue_indirect_dma source(%dma_start3A_48 : memref<10000x64xf32, #tpu.memory_space<hbm>>) target(%arg10 : memref<128x64xf32, #tpu.memory_space<vmem>>) offsets(%dma_start3A_45 : memref<128xi32, #tpu.memory_space<vmem>>) semaphore(%arg16 : memref<!tpu.dma_semaphore, #tpu.memory_space<semaphore_mem>>)
      %scan3A_49 = arith.constant 0 : i32
      %scan3A_50 = arith.constant 0 : i32
      %scan3A_51 = arith.constant 40 : i32
      %scan3A_52 = arith.addi %scan3A_50, %scan3A_51 : i32
      %scan3A_53 = arith.constant 1 : i32
      %scan3A_54 = scf.for %scan3A_56 = %scan3A_50 to %scan3A_52 step %scan3A_53 iter_args(%scan3A_57 = %scan3A_49) -> (i32)  : i32 {
        %mul3A_58 = arith.constant 4 : i32
        %mul3A_59 = arith.muli %mul3A_58, %scan3A_56 : i32
        %add3A_60 = arith.constant 0 : i32
        %add3A_61 = arith.addi %mul3A_59, %add3A_60 : i32
        %dma_wait3A = arith.constant 0 : i32
        %dma_wait3A_62 = tpu.memref_slice %arg7[%add3A_61, %dma_wait3A] : memref<160x128xi32, #tpu.memory_space<vmem>> -> memref<1x128xi32, #tpu.memory_space<vmem>>
        %dma_wait3A_63 = tpu.memref_squeeze %dma_wait3A_62 : memref<1x128xi32, #tpu.memory_space<vmem>> -> memref<128xi32, #tpu.memory_space<vmem>>
        %dma_wait3A_64 = arith.constant 0 : i32
        %dma_wait3A_65 = arith.constant 0 : i32
        %dma_wait3A_66 = tpu.memref_slice %arg3[%dma_wait3A_64, %dma_wait3A_65] : memref<10000x64xf32, #tpu.memory_space<hbm>> -> memref<10000x64xf32, #tpu.memory_space<hbm>>
        tpu.wait_indirect_dma semaphore(%arg15 : memref<!tpu.dma_semaphore, #tpu.memory_space<semaphore_mem>>) src(%dma_wait3A_66 : memref<10000x64xf32, #tpu.memory_space<hbm>>) dst(%arg9 : memref<128x64xf32, #tpu.memory_space<vmem>>)
        %add3A_67 = arith.constant 0 : i32
        %add3A_68 = arith.addi %mul3A_59, %add3A_67 : i32
        %add3A_69 = arith.constant 2 : i32
        %add3A_70 = arith.addi %add3A_68, %add3A_69 : i32
        %lt3A = arith.constant 160 : i32
        %lt3A_71 = arith.cmpi slt, %add3A_70, %lt3A : i32
        %convert_element_type3A_72 = arith.extui %lt3A_71 : i1 to i32
        %cond3A_73 = arith.constant 0 : i32
        %cond3A_74 = arith.cmpi ne, %convert_element_type3A_72, %cond3A_73 : i32
        scf.if %cond3A_74 {
          %add3A_135 = arith.constant 0 : i32
          %add3A_136 = arith.addi %mul3A_59, %add3A_135 : i32
          %add3A_137 = arith.constant 2 : i32
          %add3A_138 = arith.addi %add3A_136, %add3A_137 : i32
          %dma_start3A_139 = arith.constant 0 : i32
          %dma_start3A_140 = tpu.memref_slice %arg7[%add3A_138, %dma_start3A_139] : memref<160x128xi32, #tpu.memory_space<vmem>> -> memref<1x128xi32, #tpu.memory_space<vmem>>
          %dma_start3A_141 = tpu.memref_squeeze %dma_start3A_140 : memref<1x128xi32, #tpu.memory_space<vmem>> -> memref<128xi32, #tpu.memory_space<vmem>>
          %dma_start3A_142 = arith.constant 0 : i32
          %dma_start3A_143 = arith.constant 0 : i32
          %dma_start3A_144 = tpu.memref_slice %arg3[%dma_start3A_142, %dma_start3A_143] : memref<10000x64xf32, #tpu.memory_space<hbm>> -> memref<10000x64xf32, #tpu.memory_space<hbm>>
          tpu.enqueue_indirect_dma source(%dma_start3A_144 : memref<10000x64xf32, #tpu.memory_space<hbm>>) target(%arg11 : memref<128x64xf32, #tpu.memory_space<vmem>>) offsets(%dma_start3A_141 : memref<128xi32, #tpu.memory_space<vmem>>) semaphore(%arg17 : memref<!tpu.dma_semaphore, #tpu.memory_space<semaphore_mem>>)
        } else {
        }
        %add3A_75 = arith.constant 0 : i32
        %add3A_76 = arith.addi %mul3A_59, %add3A_75 : i32
        "tpu.region"() ({
          %run_scoped3A = tpu.sem_alloc : memref<!tpu.dma_semaphore, #tpu.memory_space<semaphore_mem>>
          %dma_start3A_135 = arith.constant 0 : i32
          %dma_start3A_136 = tpu.memref_slice %arg8[%add3A_76, %dma_start3A_135] : memref<160x128xi32, #tpu.memory_space<vmem>> -> memref<1x128xi32, #tpu.memory_space<vmem>>
          %dma_start3A_137 = tpu.memref_squeeze %dma_start3A_136 : memref<1x128xi32, #tpu.memory_space<vmem>> -> memref<128xi32, #tpu.memory_space<vmem>>
          %dma_start3A_138 = arith.constant 0 : i32
          %dma_start3A_139 = arith.constant 0 : i32
          %dma_start3A_140 = tpu.memref_slice %arg14[%dma_start3A_138, %dma_start3A_139] : memref<10240x64xf32, #tpu.memory_space<vmem_shared>> -> memref<10240x64xf32, #tpu.memory_space<vmem_shared>>
          tpu.enqueue_indirect_dma source(%arg9 : memref<128x64xf32, #tpu.memory_space<vmem>>) target(%dma_start3A_140 : memref<10240x64xf32, #tpu.memory_space<vmem_shared>>) offsets(%dma_start3A_137 : memref<128xi32, #tpu.memory_space<vmem>>) semaphore(%run_scoped3A : memref<!tpu.dma_semaphore, #tpu.memory_space<semaphore_mem>>) {add = true}
          %dma_wait3A_141 = arith.constant 0 : i32
          %dma_wait3A_142 = tpu.memref_slice %arg8[%add3A_76, %dma_wait3A_141] : memref<160x128xi32, #tpu.memory_space<vmem>> -> memref<1x128xi32, #tpu.memory_space<vmem>>
          %dma_wait3A_143 = tpu.memref_squeeze %dma_wait3A_142 : memref<1x128xi32, #tpu.memory_space<vmem>> -> memref<128xi32, #tpu.memory_space<vmem>>
          %dma_wait3A_144 = arith.constant 0 : i32
          %dma_wait3A_145 = arith.constant 0 : i32
          %dma_wait3A_146 = tpu.memref_slice %arg14[%dma_wait3A_144, %dma_wait3A_145] : memref<10240x64xf32, #tpu.memory_space<vmem_shared>> -> memref<10240x64xf32, #tpu.memory_space<vmem_shared>>
          tpu.wait_indirect_dma semaphore(%run_scoped3A : memref<!tpu.dma_semaphore, #tpu.memory_space<semaphore_mem>>) src(%arg9 : memref<128x64xf32, #tpu.memory_space<vmem>>) dst(%dma_wait3A_146 : memref<10240x64xf32, #tpu.memory_space<vmem_shared>>)
          tpu.yield
        }) : () -> ()
        %add3A_77 = arith.constant 1 : i32
        %add3A_78 = arith.addi %mul3A_59, %add3A_77 : i32
        %dma_wait3A_79 = arith.constant 0 : i32
        %dma_wait3A_80 = tpu.memref_slice %arg7[%add3A_78, %dma_wait3A_79] : memref<160x128xi32, #tpu.memory_space<vmem>> -> memref<1x128xi32, #tpu.memory_space<vmem>>
        %dma_wait3A_81 = tpu.memref_squeeze %dma_wait3A_80 : memref<1x128xi32, #tpu.memory_space<vmem>> -> memref<128xi32, #tpu.memory_space<vmem>>
        %dma_wait3A_82 = arith.constant 0 : i32
        %dma_wait3A_83 = arith.constant 0 : i32
        %dma_wait3A_84 = tpu.memref_slice %arg3[%dma_wait3A_82, %dma_wait3A_83] : memref<10000x64xf32, #tpu.memory_space<hbm>> -> memref<10000x64xf32, #tpu.memory_space<hbm>>
        tpu.wait_indirect_dma semaphore(%arg16 : memref<!tpu.dma_semaphore, #tpu.memory_space<semaphore_mem>>) src(%dma_wait3A_84 : memref<10000x64xf32, #tpu.memory_space<hbm>>) dst(%arg10 : memref<128x64xf32, #tpu.memory_space<vmem>>)
        %add3A_85 = arith.constant 1 : i32
        %add3A_86 = arith.addi %mul3A_59, %add3A_85 : i32
        %add3A_87 = arith.constant 2 : i32
        %add3A_88 = arith.addi %add3A_86, %add3A_87 : i32
        %lt3A_89 = arith.constant 160 : i32
        %lt3A_90 = arith.cmpi slt, %add3A_88, %lt3A_89 : i32
        %convert_element_type3A_91 = arith.extui %lt3A_90 : i1 to i32
        %cond3A_92 = arith.constant 0 : i32
        %cond3A_93 = arith.cmpi ne, %convert_element_type3A_91, %cond3A_92 : i32
        scf.if %cond3A_93 {
          %add3A_135 = arith.constant 1 : i32
          %add3A_136 = arith.addi %mul3A_59, %add3A_135 : i32
          %add3A_137 = arith.constant 2 : i32
          %add3A_138 = arith.addi %add3A_136, %add3A_137 : i32
          %dma_start3A_139 = arith.constant 0 : i32
          %dma_start3A_140 = tpu.memref_slice %arg7[%add3A_138, %dma_start3A_139] : memref<160x128xi32, #tpu.memory_space<vmem>> -> memref<1x128xi32, #tpu.memory_space<vmem>>
          %dma_start3A_141 = tpu.memref_squeeze %dma_start3A_140 : memref<1x128xi32, #tpu.memory_space<vmem>> -> memref<128xi32, #tpu.memory_space<vmem>>
          %dma_start3A_142 = arith.constant 0 : i32
          %dma_start3A_143 = arith.constant 0 : i32
          %dma_start3A_144 = tpu.memref_slice %arg3[%dma_start3A_142, %dma_start3A_143] : memref<10000x64xf32, #tpu.memory_space<hbm>> -> memref<10000x64xf32, #tpu.memory_space<hbm>>
          tpu.enqueue_indirect_dma source(%dma_start3A_144 : memref<10000x64xf32, #tpu.memory_space<hbm>>) target(%arg12 : memref<128x64xf32, #tpu.memory_space<vmem>>) offsets(%dma_start3A_141 : memref<128xi32, #tpu.memory_space<vmem>>) semaphore(%arg18 : memref<!tpu.dma_semaphore, #tpu.memory_space<semaphore_mem>>)
        } else {
        }
        %add3A_94 = arith.constant 1 : i32
        %add3A_95 = arith.addi %mul3A_59, %add3A_94 : i32
        "tpu.region"() ({
          %run_scoped3A = tpu.sem_alloc : memref<!tpu.dma_semaphore, #tpu.memory_space<semaphore_mem>>
          %dma_start3A_135 = arith.constant 0 : i32
          %dma_start3A_136 = tpu.memref_slice %arg8[%add3A_95, %dma_start3A_135] : memref<160x128xi32, #tpu.memory_space<vmem>> -> memref<1x128xi32, #tpu.memory_space<vmem>>
          %dma_start3A_137 = tpu.memref_squeeze %dma_start3A_136 : memref<1x128xi32, #tpu.memory_space<vmem>> -> memref<128xi32, #tpu.memory_space<vmem>>
          %dma_start3A_138 = arith.constant 0 : i32
          %dma_start3A_139 = arith.constant 0 : i32
          %dma_start3A_140 = tpu.memref_slice %arg14[%dma_start3A_138, %dma_start3A_139] : memref<10240x64xf32, #tpu.memory_space<vmem_shared>> -> memref<10240x64xf32, #tpu.memory_space<vmem_shared>>
          tpu.enqueue_indirect_dma source(%arg10 : memref<128x64xf32, #tpu.memory_space<vmem>>) target(%dma_start3A_140 : memref<10240x64xf32, #tpu.memory_space<vmem_shared>>) offsets(%dma_start3A_137 : memref<128xi32, #tpu.memory_space<vmem>>) semaphore(%run_scoped3A : memref<!tpu.dma_semaphore, #tpu.memory_space<semaphore_mem>>) {add = true}
          %dma_wait3A_141 = arith.constant 0 : i32
          %dma_wait3A_142 = tpu.memref_slice %arg8[%add3A_95, %dma_wait3A_141] : memref<160x128xi32, #tpu.memory_space<vmem>> -> memref<1x128xi32, #tpu.memory_space<vmem>>
          %dma_wait3A_143 = tpu.memref_squeeze %dma_wait3A_142 : memref<1x128xi32, #tpu.memory_space<vmem>> -> memref<128xi32, #tpu.memory_space<vmem>>
          %dma_wait3A_144 = arith.constant 0 : i32
          %dma_wait3A_145 = arith.constant 0 : i32
          %dma_wait3A_146 = tpu.memref_slice %arg14[%dma_wait3A_144, %dma_wait3A_145] : memref<10240x64xf32, #tpu.memory_space<vmem_shared>> -> memref<10240x64xf32, #tpu.memory_space<vmem_shared>>
          tpu.wait_indirect_dma semaphore(%run_scoped3A : memref<!tpu.dma_semaphore, #tpu.memory_space<semaphore_mem>>) src(%arg10 : memref<128x64xf32, #tpu.memory_space<vmem>>) dst(%dma_wait3A_146 : memref<10240x64xf32, #tpu.memory_space<vmem_shared>>)
          tpu.yield
        }) : () -> ()
        %add3A_96 = arith.constant 2 : i32
        %add3A_97 = arith.addi %mul3A_59, %add3A_96 : i32
        %dma_wait3A_98 = arith.constant 0 : i32
        %dma_wait3A_99 = tpu.memref_slice %arg7[%add3A_97, %dma_wait3A_98] : memref<160x128xi32, #tpu.memory_space<vmem>> -> memref<1x128xi32, #tpu.memory_space<vmem>>
        %dma_wait3A_100 = tpu.memref_squeeze %dma_wait3A_99 : memref<1x128xi32, #tpu.memory_space<vmem>> -> memref<128xi32, #tpu.memory_space<vmem>>
        %dma_wait3A_101 = arith.constant 0 : i32
        %dma_wait3A_102 = arith.constant 0 : i32
        %dma_wait3A_103 = tpu.memref_slice %arg3[%dma_wait3A_101, %dma_wait3A_102] : memref<10000x64xf32, #tpu.memory_space<hbm>> -> memref<10000x64xf32, #tpu.memory_space<hbm>>
        tpu.wait_indirect_dma semaphore(%arg17 : memref<!tpu.dma_semaphore, #tpu.memory_space<semaphore_mem>>) src(%dma_wait3A_103 : memref<10000x64xf32, #tpu.memory_space<hbm>>) dst(%arg11 : memref<128x64xf32, #tpu.memory_space<vmem>>)
        %add3A_104 = arith.constant 2 : i32
        %add3A_105 = arith.addi %mul3A_59, %add3A_104 : i32
        %add3A_106 = arith.constant 2 : i32
        %add3A_107 = arith.addi %add3A_105, %add3A_106 : i32
        %lt3A_108 = arith.constant 160 : i32
        %lt3A_109 = arith.cmpi slt, %add3A_107, %lt3A_108 : i32
        %convert_element_type3A_110 = arith.extui %lt3A_109 : i1 to i32
        %cond3A_111 = arith.constant 0 : i32
        %cond3A_112 = arith.cmpi ne, %convert_element_type3A_110, %cond3A_111 : i32
        scf.if %cond3A_112 {
          %add3A_135 = arith.constant 2 : i32
          %add3A_136 = arith.addi %mul3A_59, %add3A_135 : i32
          %add3A_137 = arith.constant 2 : i32
          %add3A_138 = arith.addi %add3A_136, %add3A_137 : i32
          %dma_start3A_139 = arith.constant 0 : i32
          %dma_start3A_140 = tpu.memref_slice %arg7[%add3A_138, %dma_start3A_139] : memref<160x128xi32, #tpu.memory_space<vmem>> -> memref<1x128xi32, #tpu.memory_space<vmem>>
          %dma_start3A_141 = tpu.memref_squeeze %dma_start3A_140 : memref<1x128xi32, #tpu.memory_space<vmem>> -> memref<128xi32, #tpu.memory_space<vmem>>
          %dma_start3A_142 = arith.constant 0 : i32
          %dma_start3A_143 = arith.constant 0 : i32
          %dma_start3A_144 = tpu.memref_slice %arg3[%dma_start3A_142, %dma_start3A_143] : memref<10000x64xf32, #tpu.memory_space<hbm>> -> memref<10000x64xf32, #tpu.memory_space<hbm>>
          tpu.enqueue_indirect_dma source(%dma_start3A_144 : memref<10000x64xf32, #tpu.memory_space<hbm>>) target(%arg9 : memref<128x64xf32, #tpu.memory_space<vmem>>) offsets(%dma_start3A_141 : memref<128xi32, #tpu.memory_space<vmem>>) semaphore(%arg15 : memref<!tpu.dma_semaphore, #tpu.memory_space<semaphore_mem>>)
        } else {
        }
        %add3A_113 = arith.constant 2 : i32
        %add3A_114 = arith.addi %mul3A_59, %add3A_113 : i32
        "tpu.region"() ({
          %run_scoped3A = tpu.sem_alloc : memref<!tpu.dma_semaphore, #tpu.memory_space<semaphore_mem>>
          %dma_start3A_135 = arith.constant 0 : i32
          %dma_start3A_136 = tpu.memref_slice %arg8[%add3A_114, %dma_start3A_135] : memref<160x128xi32, #tpu.memory_space<vmem>> -> memref<1x128xi32, #tpu.memory_space<vmem>>
          %dma_start3A_137 = tpu.memref_squeeze %dma_start3A_136 : memref<1x128xi32, #tpu.memory_space<vmem>> -> memref<128xi32, #tpu.memory_space<vmem>>
          %dma_start3A_138 = arith.constant 0 : i32
          %dma_start3A_139 = arith.constant 0 : i32
          %dma_start3A_140 = tpu.memref_slice %arg14[%dma_start3A_138, %dma_start3A_139] : memref<10240x64xf32, #tpu.memory_space<vmem_shared>> -> memref<10240x64xf32, #tpu.memory_space<vmem_shared>>
          tpu.enqueue_indirect_dma source(%arg11 : memref<128x64xf32, #tpu.memory_space<vmem>>) target(%dma_start3A_140 : memref<10240x64xf32, #tpu.memory_space<vmem_shared>>) offsets(%dma_start3A_137 : memref<128xi32, #tpu.memory_space<vmem>>) semaphore(%run_scoped3A : memref<!tpu.dma_semaphore, #tpu.memory_space<semaphore_mem>>) {add = true}
          %dma_wait3A_141 = arith.constant 0 : i32
          %dma_wait3A_142 = tpu.memref_slice %arg8[%add3A_114, %dma_wait3A_141] : memref<160x128xi32, #tpu.memory_space<vmem>> -> memref<1x128xi32, #tpu.memory_space<vmem>>
          %dma_wait3A_143 = tpu.memref_squeeze %dma_wait3A_142 : memref<1x128xi32, #tpu.memory_space<vmem>> -> memref<128xi32, #tpu.memory_space<vmem>>
          %dma_wait3A_144 = arith.constant 0 : i32
          %dma_wait3A_145 = arith.constant 0 : i32
          %dma_wait3A_146 = tpu.memref_slice %arg14[%dma_wait3A_144, %dma_wait3A_145] : memref<10240x64xf32, #tpu.memory_space<vmem_shared>> -> memref<10240x64xf32, #tpu.memory_space<vmem_shared>>
          tpu.wait_indirect_dma semaphore(%run_scoped3A : memref<!tpu.dma_semaphore, #tpu.memory_space<semaphore_mem>>) src(%arg11 : memref<128x64xf32, #tpu.memory_space<vmem>>) dst(%dma_wait3A_146 : memref<10240x64xf32, #tpu.memory_space<vmem_shared>>)
          tpu.yield
        }) : () -> ()
        %add3A_115 = arith.constant 3 : i32
        %add3A_116 = arith.addi %mul3A_59, %add3A_115 : i32
        %dma_wait3A_117 = arith.constant 0 : i32
        %dma_wait3A_118 = tpu.memref_slice %arg7[%add3A_116, %dma_wait3A_117] : memref<160x128xi32, #tpu.memory_space<vmem>> -> memref<1x128xi32, #tpu.memory_space<vmem>>
        %dma_wait3A_119 = tpu.memref_squeeze %dma_wait3A_118 : memref<1x128xi32, #tpu.memory_space<vmem>> -> memref<128xi32, #tpu.memory_space<vmem>>
        %dma_wait3A_120 = arith.constant 0 : i32
        %dma_wait3A_121 = arith.constant 0 : i32
        %dma_wait3A_122 = tpu.memref_slice %arg3[%dma_wait3A_120, %dma_wait3A_121] : memref<10000x64xf32, #tpu.memory_space<hbm>> -> memref<10000x64xf32, #tpu.memory_space<hbm>>
        tpu.wait_indirect_dma semaphore(%arg18 : memref<!tpu.dma_semaphore, #tpu.memory_space<semaphore_mem>>) src(%dma_wait3A_122 : memref<10000x64xf32, #tpu.memory_space<hbm>>) dst(%arg12 : memref<128x64xf32, #tpu.memory_space<vmem>>)
        %add3A_123 = arith.constant 3 : i32
        %add3A_124 = arith.addi %mul3A_59, %add3A_123 : i32
        %add3A_125 = arith.constant 2 : i32
        %add3A_126 = arith.addi %add3A_124, %add3A_125 : i32
        %lt3A_127 = arith.constant 160 : i32
        %lt3A_128 = arith.cmpi slt, %add3A_126, %lt3A_127 : i32
        %convert_element_type3A_129 = arith.extui %lt3A_128 : i1 to i32
        %cond3A_130 = arith.constant 0 : i32
        %cond3A_131 = arith.cmpi ne, %convert_element_type3A_129, %cond3A_130 : i32
        scf.if %cond3A_131 {
          %add3A_135 = arith.constant 3 : i32
          %add3A_136 = arith.addi %mul3A_59, %add3A_135 : i32
          %add3A_137 = arith.constant 2 : i32
          %add3A_138 = arith.addi %add3A_136, %add3A_137 : i32
          %dma_start3A_139 = arith.constant 0 : i32
          %dma_start3A_140 = tpu.memref_slice %arg7[%add3A_138, %dma_start3A_139] : memref<160x128xi32, #tpu.memory_space<vmem>> -> memref<1x128xi32, #tpu.memory_space<vmem>>
          %dma_start3A_141 = tpu.memref_squeeze %dma_start3A_140 : memref<1x128xi32, #tpu.memory_space<vmem>> -> memref<128xi32, #tpu.memory_space<vmem>>
          %dma_start3A_142 = arith.constant 0 : i32
          %dma_start3A_143 = arith.constant 0 : i32
          %dma_start3A_144 = tpu.memref_slice %arg3[%dma_start3A_142, %dma_start3A_143] : memref<10000x64xf32, #tpu.memory_space<hbm>> -> memref<10000x64xf32, #tpu.memory_space<hbm>>
          tpu.enqueue_indirect_dma source(%dma_start3A_144 : memref<10000x64xf32, #tpu.memory_space<hbm>>) target(%arg10 : memref<128x64xf32, #tpu.memory_space<vmem>>) offsets(%dma_start3A_141 : memref<128xi32, #tpu.memory_space<vmem>>) semaphore(%arg16 : memref<!tpu.dma_semaphore, #tpu.memory_space<semaphore_mem>>)
        } else {
        }
        %add3A_132 = arith.constant 3 : i32
        %add3A_133 = arith.addi %mul3A_59, %add3A_132 : i32
        "tpu.region"() ({
          %run_scoped3A = tpu.sem_alloc : memref<!tpu.dma_semaphore, #tpu.memory_space<semaphore_mem>>
          %dma_start3A_135 = arith.constant 0 : i32
          %dma_start3A_136 = tpu.memref_slice %arg8[%add3A_133, %dma_start3A_135] : memref<160x128xi32, #tpu.memory_space<vmem>> -> memref<1x128xi32, #tpu.memory_space<vmem>>
          %dma_start3A_137 = tpu.memref_squeeze %dma_start3A_136 : memref<1x128xi32, #tpu.memory_space<vmem>> -> memref<128xi32, #tpu.memory_space<vmem>>
          %dma_start3A_138 = arith.constant 0 : i32
          %dma_start3A_139 = arith.constant 0 : i32
          %dma_start3A_140 = tpu.memref_slice %arg14[%dma_start3A_138, %dma_start3A_139] : memref<10240x64xf32, #tpu.memory_space<vmem_shared>> -> memref<10240x64xf32, #tpu.memory_space<vmem_shared>>
          tpu.enqueue_indirect_dma source(%arg12 : memref<128x64xf32, #tpu.memory_space<vmem>>) target(%dma_start3A_140 : memref<10240x64xf32, #tpu.memory_space<vmem_shared>>) offsets(%dma_start3A_137 : memref<128xi32, #tpu.memory_space<vmem>>) semaphore(%run_scoped3A : memref<!tpu.dma_semaphore, #tpu.memory_space<semaphore_mem>>) {add = true}
          %dma_wait3A_141 = arith.constant 0 : i32
          %dma_wait3A_142 = tpu.memref_slice %arg8[%add3A_133, %dma_wait3A_141] : memref<160x128xi32, #tpu.memory_space<vmem>> -> memref<1x128xi32, #tpu.memory_space<vmem>>
          %dma_wait3A_143 = tpu.memref_squeeze %dma_wait3A_142 : memref<1x128xi32, #tpu.memory_space<vmem>> -> memref<128xi32, #tpu.memory_space<vmem>>
          %dma_wait3A_144 = arith.constant 0 : i32
          %dma_wait3A_145 = arith.constant 0 : i32
          %dma_wait3A_146 = tpu.memref_slice %arg14[%dma_wait3A_144, %dma_wait3A_145] : memref<10240x64xf32, #tpu.memory_space<vmem_shared>> -> memref<10240x64xf32, #tpu.memory_space<vmem_shared>>
          tpu.wait_indirect_dma semaphore(%run_scoped3A : memref<!tpu.dma_semaphore, #tpu.memory_space<semaphore_mem>>) src(%arg12 : memref<128x64xf32, #tpu.memory_space<vmem>>) dst(%dma_wait3A_146 : memref<10240x64xf32, #tpu.memory_space<vmem_shared>>)
          tpu.yield
        }) : () -> ()
        %scan3A_134 = arith.constant 0 : i32
        scf.yield %scan3A_134 : i32
      }
      %scan3A_55 = arith.constant 40 : i32
    } else {
    }
    %barrier3A_31 = arith.constant 0 : index
    tpu.barrier barrier_id(%barrier3A_31)
    %mul3A_32 = arith.constant 640 : i32
    %mul3A_33 = arith.muli %arg1, %mul3A_32 : i32
    %mul3A_34 = arith.constant 640 : i32
    %mul3A_35 = arith.muli %arg1, %mul3A_34 : i32
    "tpu.region"() ({
      %run_scoped3A = tpu.sem_alloc : memref<!tpu.dma_semaphore, #tpu.memory_space<semaphore_mem>>
      %dma_start3A = arith.constant 0 : i32
      %dma_start3A_36 = tpu.memref_slice %arg6[%arg0, %mul3A_35, %dma_start3A] : memref<2x10240x128xf32, #tpu.memory_space<hbm>> -> memref<1x640x64xf32, #tpu.memory_space<hbm>>
      %dma_start3A_37 = tpu.memref_squeeze %dma_start3A_36 : memref<1x640x64xf32, #tpu.memory_space<hbm>> -> memref<640x64xf32, #tpu.memory_space<hbm>>
      %dma_start3A_38 = arith.constant 0 : i32
      %dma_start3A_39 = tpu.memref_slice %arg14[%mul3A_33, %dma_start3A_38] : memref<10240x64xf32, #tpu.memory_space<vmem_shared>> -> memref<640x64xf32, #tpu.memory_space<vmem_shared>>
      tpu.enqueue_dma source(%dma_start3A_39 : memref<640x64xf32, #tpu.memory_space<vmem_shared>>) target(%dma_start3A_37 : memref<640x64xf32, #tpu.memory_space<hbm>>) target_semaphore(%run_scoped3A : memref<!tpu.dma_semaphore, #tpu.memory_space<semaphore_mem>>)
      %dma_wait3A = arith.constant 0 : i32
      %dma_wait3A_40 = tpu.memref_slice %arg6[%arg0, %mul3A_35, %dma_wait3A] : memref<2x10240x128xf32, #tpu.memory_space<hbm>> -> memref<1x640x64xf32, #tpu.memory_space<hbm>>
      %dma_wait3A_41 = tpu.memref_squeeze %dma_wait3A_40 : memref<1x640x64xf32, #tpu.memory_space<hbm>> -> memref<640x64xf32, #tpu.memory_space<hbm>>
      %dma_wait3A_42 = arith.constant 0 : i32
      %dma_wait3A_43 = tpu.memref_slice %arg14[%mul3A_33, %dma_wait3A_42] : memref<10240x64xf32, #tpu.memory_space<vmem_shared>> -> memref<640x64xf32, #tpu.memory_space<vmem_shared>>
      tpu.wait_dma2 semaphore(%run_scoped3A : memref<!tpu.dma_semaphore, #tpu.memory_space<semaphore_mem>>) src(%dma_wait3A_43 : memref<640x64xf32, #tpu.memory_space<vmem_shared>>) dst(%dma_wait3A_41 : memref<640x64xf32, #tpu.memory_space<hbm>>)
      tpu.yield
    }) : () -> ()
    return
  }
}

#map = affine_map<(d0, d1) -> (0, 0)>
#map1 = affine_map<(d0, d1) -> (0, 0, 0)>
module attributes {stable_mosaic.version = 14 : i64} {
  func.func @k(%arg0: i32, %arg1: i32, %arg2: memref<10000x16xf32, #tpu.memory_space<hbm>>, %arg3: memref<10000x16xf32, #tpu.memory_space<hbm>>, %arg4: memref<32x26x128xi32, #tpu.memory_space<hbm>>, %arg5: memref<32x26x128xi32, #tpu.memory_space<hbm>>, %arg6: memref<106496x16xf32, #tpu.memory_space<hbm>>, %arg7: memref<106496x16xf32, #tpu.memory_space<hbm>>, %arg8: memref<26x128xi32, #tpu.memory_space<vmem>>, %arg9: memref<26x128xi32, #tpu.memory_space<vmem>>, %arg10: memref<128x16xf32, #tpu.memory_space<vmem>>, %arg11: memref<128x16xf32, #tpu.memory_space<vmem>>, %arg12: memref<128x16xf32, #tpu.memory_space<vmem>>, %arg13: memref<128x16xf32, #tpu.memory_space<vmem>>, %arg14: memref<!tpu.dma_semaphore, #tpu.memory_space<semaphore_mem>>, %arg15: memref<!tpu.dma_semaphore, #tpu.memory_space<semaphore_mem>>, %arg16: memref<!tpu.dma_semaphore, #tpu.memory_space<semaphore_mem>>, %arg17: memref<!tpu.dma_semaphore, #tpu.memory_space<semaphore_mem>>) attributes {dimension_semantics = [#tpu.dimension_semantics<core_parallel>, #tpu.dimension_semantics<subcore_parallel>], iteration_bounds = array<i64: 2, 16>, scalar_prefetch = 0 : i64, scratch_operands = 10 : i64, tpu.core_type = #tpu.core_type<sc_vector_subcore>, window_params = [{transform_indices = #map}, {transform_indices = #map}, {transform_indices = #map1}, {transform_indices = #map1}, {transform_indices = #map}, {transform_indices = #map}]} {
    %mul3A = arith.constant 2 : i32
    %mul3A_0 = arith.muli %arg1, %mul3A : i32
    %add3A = arith.addi %mul3A_0, %arg0 : i32
    "tpu.region"() ({
      %run_scoped3A = tpu.sem_alloc : memref<!tpu.dma_semaphore, #tpu.memory_space<semaphore_mem>>
      %dma_start3A_34 = arith.constant 0 : i32
      %dma_start3A_35 = arith.constant 0 : i32
      %dma_start3A_36 = tpu.memref_slice %arg4[%add3A, %dma_start3A_34, %dma_start3A_35] : memref<32x26x128xi32, #tpu.memory_space<hbm>> -> memref<1x26x128xi32, #tpu.memory_space<hbm>>
      %dma_start3A_37 = tpu.memref_squeeze %dma_start3A_36 : memref<1x26x128xi32, #tpu.memory_space<hbm>> -> memref<26x128xi32, #tpu.memory_space<hbm>>
      %dma_start3A_38 = arith.constant 0 : i32
      %dma_start3A_39 = arith.constant 0 : i32
      %dma_start3A_40 = tpu.memref_slice %arg4[%add3A, %dma_start3A_38, %dma_start3A_39] : memref<32x26x128xi32, #tpu.memory_space<hbm>> -> memref<1x26x128xi32, #tpu.memory_space<hbm>>
      %dma_start3A_41 = tpu.memref_squeeze %dma_start3A_40 : memref<1x26x128xi32, #tpu.memory_space<hbm>> -> memref<26x128xi32, #tpu.memory_space<hbm>>
      tpu.enqueue_dma source(%dma_start3A_41 : memref<26x128xi32, #tpu.memory_space<hbm>>) target(%arg8 : memref<26x128xi32, #tpu.memory_space<vmem>>) target_semaphore(%run_scoped3A : memref<!tpu.dma_semaphore, #tpu.memory_space<semaphore_mem>>)
      %dma_wait3A = arith.constant 0 : i32
      %dma_wait3A_42 = arith.constant 0 : i32
      %dma_wait3A_43 = tpu.memref_slice %arg4[%add3A, %dma_wait3A, %dma_wait3A_42] : memref<32x26x128xi32, #tpu.memory_space<hbm>> -> memref<1x26x128xi32, #tpu.memory_space<hbm>>
      %dma_wait3A_44 = tpu.memref_squeeze %dma_wait3A_43 : memref<1x26x128xi32, #tpu.memory_space<hbm>> -> memref<26x128xi32, #tpu.memory_space<hbm>>
      %dma_wait3A_45 = arith.constant 0 : i32
      %dma_wait3A_46 = arith.constant 0 : i32
      %dma_wait3A_47 = tpu.memref_slice %arg4[%add3A, %dma_wait3A_45, %dma_wait3A_46] : memref<32x26x128xi32, #tpu.memory_space<hbm>> -> memref<1x26x128xi32, #tpu.memory_space<hbm>>
      %dma_wait3A_48 = tpu.memref_squeeze %dma_wait3A_47 : memref<1x26x128xi32, #tpu.memory_space<hbm>> -> memref<26x128xi32, #tpu.memory_space<hbm>>
      tpu.wait_dma2 semaphore(%run_scoped3A : memref<!tpu.dma_semaphore, #tpu.memory_space<semaphore_mem>>) src(%dma_wait3A_48 : memref<26x128xi32, #tpu.memory_space<hbm>>) dst(%arg8 : memref<26x128xi32, #tpu.memory_space<vmem>>)
      tpu.yield
    }) : () -> ()
    "tpu.region"() ({
      %run_scoped3A = tpu.sem_alloc : memref<!tpu.dma_semaphore, #tpu.memory_space<semaphore_mem>>
      %dma_start3A_34 = arith.constant 0 : i32
      %dma_start3A_35 = arith.constant 0 : i32
      %dma_start3A_36 = tpu.memref_slice %arg5[%add3A, %dma_start3A_34, %dma_start3A_35] : memref<32x26x128xi32, #tpu.memory_space<hbm>> -> memref<1x26x128xi32, #tpu.memory_space<hbm>>
      %dma_start3A_37 = tpu.memref_squeeze %dma_start3A_36 : memref<1x26x128xi32, #tpu.memory_space<hbm>> -> memref<26x128xi32, #tpu.memory_space<hbm>>
      %dma_start3A_38 = arith.constant 0 : i32
      %dma_start3A_39 = arith.constant 0 : i32
      %dma_start3A_40 = tpu.memref_slice %arg5[%add3A, %dma_start3A_38, %dma_start3A_39] : memref<32x26x128xi32, #tpu.memory_space<hbm>> -> memref<1x26x128xi32, #tpu.memory_space<hbm>>
      %dma_start3A_41 = tpu.memref_squeeze %dma_start3A_40 : memref<1x26x128xi32, #tpu.memory_space<hbm>> -> memref<26x128xi32, #tpu.memory_space<hbm>>
      tpu.enqueue_dma source(%dma_start3A_41 : memref<26x128xi32, #tpu.memory_space<hbm>>) target(%arg9 : memref<26x128xi32, #tpu.memory_space<vmem>>) target_semaphore(%run_scoped3A : memref<!tpu.dma_semaphore, #tpu.memory_space<semaphore_mem>>)
      %dma_wait3A = arith.constant 0 : i32
      %dma_wait3A_42 = arith.constant 0 : i32
      %dma_wait3A_43 = tpu.memref_slice %arg5[%add3A, %dma_wait3A, %dma_wait3A_42] : memref<32x26x128xi32, #tpu.memory_space<hbm>> -> memref<1x26x128xi32, #tpu.memory_space<hbm>>
      %dma_wait3A_44 = tpu.memref_squeeze %dma_wait3A_43 : memref<1x26x128xi32, #tpu.memory_space<hbm>> -> memref<26x128xi32, #tpu.memory_space<hbm>>
      %dma_wait3A_45 = arith.constant 0 : i32
      %dma_wait3A_46 = arith.constant 0 : i32
      %dma_wait3A_47 = tpu.memref_slice %arg5[%add3A, %dma_wait3A_45, %dma_wait3A_46] : memref<32x26x128xi32, #tpu.memory_space<hbm>> -> memref<1x26x128xi32, #tpu.memory_space<hbm>>
      %dma_wait3A_48 = tpu.memref_squeeze %dma_wait3A_47 : memref<1x26x128xi32, #tpu.memory_space<hbm>> -> memref<26x128xi32, #tpu.memory_space<hbm>>
      tpu.wait_dma2 semaphore(%run_scoped3A : memref<!tpu.dma_semaphore, #tpu.memory_space<semaphore_mem>>) src(%dma_wait3A_48 : memref<26x128xi32, #tpu.memory_space<hbm>>) dst(%arg9 : memref<26x128xi32, #tpu.memory_space<vmem>>)
      tpu.yield
    }) : () -> ()
    %dma_start3A = arith.constant 0 : i32
    %dma_start3A_1 = arith.constant 0 : i32
    %dma_start3A_2 = tpu.memref_slice %arg8[%dma_start3A, %dma_start3A_1] : memref<26x128xi32, #tpu.memory_space<vmem>> -> memref<1x128xi32, #tpu.memory_space<vmem>>
    %dma_start3A_3 = tpu.memref_squeeze %dma_start3A_2 : memref<1x128xi32, #tpu.memory_space<vmem>> -> memref<128xi32, #tpu.memory_space<vmem>>
    %dma_start3A_4 = arith.constant 0 : i32
    %dma_start3A_5 = arith.constant 0 : i32
    %dma_start3A_6 = tpu.memref_slice %arg2[%dma_start3A_4, %dma_start3A_5] : memref<10000x16xf32, #tpu.memory_space<hbm>> -> memref<10000x16xf32, #tpu.memory_space<hbm>>
    tpu.enqueue_indirect_dma source(%dma_start3A_6 : memref<10000x16xf32, #tpu.memory_space<hbm>>) target(%arg10 : memref<128x16xf32, #tpu.memory_space<vmem>>) offsets(%dma_start3A_3 : memref<128xi32, #tpu.memory_space<vmem>>) semaphore(%arg14 : memref<!tpu.dma_semaphore, #tpu.memory_space<semaphore_mem>>)
    %dma_start3A_7 = arith.constant 0 : i32
    %dma_start3A_8 = arith.constant 0 : i32
    %dma_start3A_9 = tpu.memref_slice %arg9[%dma_start3A_7, %dma_start3A_8] : memref<26x128xi32, #tpu.memory_space<vmem>> -> memref<1x128xi32, #tpu.memory_space<vmem>>
    %dma_start3A_10 = tpu.memref_squeeze %dma_start3A_9 : memref<1x128xi32, #tpu.memory_space<vmem>> -> memref<128xi32, #tpu.memory_space<vmem>>
    %dma_start3A_11 = arith.constant 0 : i32
    %dma_start3A_12 = arith.constant 0 : i32
    %dma_start3A_13 = tpu.memref_slice %arg3[%dma_start3A_11, %dma_start3A_12] : memref<10000x16xf32, #tpu.memory_space<hbm>> -> memref<10000x16xf32, #tpu.memory_space<hbm>>
    tpu.enqueue_indirect_dma source(%dma_start3A_13 : memref<10000x16xf32, #tpu.memory_space<hbm>>) target(%arg11 : memref<128x16xf32, #tpu.memory_space<vmem>>) offsets(%dma_start3A_10 : memref<128xi32, #tpu.memory_space<vmem>>) semaphore(%arg15 : memref<!tpu.dma_semaphore, #tpu.memory_space<semaphore_mem>>)
    %dma_start3A_14 = arith.constant 1 : i32
    %dma_start3A_15 = arith.constant 0 : i32
    %dma_start3A_16 = tpu.memref_slice %arg8[%dma_start3A_14, %dma_start3A_15] : memref<26x128xi32, #tpu.memory_space<vmem>> -> memref<1x128xi32, #tpu.memory_space<vmem>>
    %dma_start3A_17 = tpu.memref_squeeze %dma_start3A_16 : memref<1x128xi32, #tpu.memory_space<vmem>> -> memref<128xi32, #tpu.memory_space<vmem>>
    %dma_start3A_18 = arith.constant 0 : i32
    %dma_start3A_19 = arith.constant 0 : i32
    %dma_start3A_20 = tpu.memref_slice %arg2[%dma_start3A_18, %dma_start3A_19] : memref<10000x16xf32, #tpu.memory_space<hbm>> -> memref<10000x16xf32, #tpu.memory_space<hbm>>
    tpu.enqueue_indirect_dma source(%dma_start3A_20 : memref<10000x16xf32, #tpu.memory_space<hbm>>) target(%arg12 : memref<128x16xf32, #tpu.memory_space<vmem>>) offsets(%dma_start3A_17 : memref<128xi32, #tpu.memory_space<vmem>>) semaphore(%arg16 : memref<!tpu.dma_semaphore, #tpu.memory_space<semaphore_mem>>)
    %dma_start3A_21 = arith.constant 1 : i32
    %dma_start3A_22 = arith.constant 0 : i32
    %dma_start3A_23 = tpu.memref_slice %arg9[%dma_start3A_21, %dma_start3A_22] : memref<26x128xi32, #tpu.memory_space<vmem>> -> memref<1x128xi32, #tpu.memory_space<vmem>>
    %dma_start3A_24 = tpu.memref_squeeze %dma_start3A_23 : memref<1x128xi32, #tpu.memory_space<vmem>> -> memref<128xi32, #tpu.memory_space<vmem>>
    %dma_start3A_25 = arith.constant 0 : i32
    %dma_start3A_26 = arith.constant 0 : i32
    %dma_start3A_27 = tpu.memref_slice %arg3[%dma_start3A_25, %dma_start3A_26] : memref<10000x16xf32, #tpu.memory_space<hbm>> -> memref<10000x16xf32, #tpu.memory_space<hbm>>
    tpu.enqueue_indirect_dma source(%dma_start3A_27 : memref<10000x16xf32, #tpu.memory_space<hbm>>) target(%arg13 : memref<128x16xf32, #tpu.memory_space<vmem>>) offsets(%dma_start3A_24 : memref<128xi32, #tpu.memory_space<vmem>>) semaphore(%arg17 : memref<!tpu.dma_semaphore, #tpu.memory_space<semaphore_mem>>)
    %scan3A = arith.constant 0 : i32
    %scan3A_28 = arith.constant 0 : i32
    %scan3A_29 = arith.constant 13 : i32
    %scan3A_30 = arith.addi %scan3A_28, %scan3A_29 : i32
    %scan3A_31 = arith.constant 1 : i32
    %scan3A_32 = scf.for %scan3A_34 = %scan3A_28 to %scan3A_30 step %scan3A_31 iter_args(%scan3A_35 = %scan3A) -> (i32)  : i32 {
      %mul3A_36 = arith.constant 2 : i32
      %mul3A_37 = arith.muli %mul3A_36, %scan3A_34 : i32
      %add3A_38 = arith.constant 1 : i32
      %add3A_39 = arith.addi %mul3A_37, %add3A_38 : i32
      %mul3A_40 = arith.constant 26 : i32
      %mul3A_41 = arith.muli %add3A, %mul3A_40 : i32
      %add3A_42 = arith.addi %mul3A_41, %mul3A_37 : i32
      %mul3A_43 = arith.constant 128 : i32
      %mul3A_44 = arith.muli %add3A_42, %mul3A_43 : i32
      %dma_wait3A = arith.constant 0 : i32
      %dma_wait3A_45 = tpu.memref_slice %arg8[%mul3A_37, %dma_wait3A] : memref<26x128xi32, #tpu.memory_space<vmem>> -> memref<1x128xi32, #tpu.memory_space<vmem>>
      %dma_wait3A_46 = tpu.memref_squeeze %dma_wait3A_45 : memref<1x128xi32, #tpu.memory_space<vmem>> -> memref<128xi32, #tpu.memory_space<vmem>>
      %dma_wait3A_47 = arith.constant 0 : i32
      %dma_wait3A_48 = arith.constant 0 : i32
      %dma_wait3A_49 = tpu.memref_slice %arg2[%dma_wait3A_47, %dma_wait3A_48] : memref<10000x16xf32, #tpu.memory_space<hbm>> -> memref<10000x16xf32, #tpu.memory_space<hbm>>
      tpu.wait_indirect_dma semaphore(%arg14 : memref<!tpu.dma_semaphore, #tpu.memory_space<semaphore_mem>>) src(%dma_wait3A_49 : memref<10000x16xf32, #tpu.memory_space<hbm>>) dst(%arg10 : memref<128x16xf32, #tpu.memory_space<vmem>>)
      %dma_wait3A_50 = arith.constant 0 : i32
      %dma_wait3A_51 = tpu.memref_slice %arg9[%mul3A_37, %dma_wait3A_50] : memref<26x128xi32, #tpu.memory_space<vmem>> -> memref<1x128xi32, #tpu.memory_space<vmem>>
      %dma_wait3A_52 = tpu.memref_squeeze %dma_wait3A_51 : memref<1x128xi32, #tpu.memory_space<vmem>> -> memref<128xi32, #tpu.memory_space<vmem>>
      %dma_wait3A_53 = arith.constant 0 : i32
      %dma_wait3A_54 = arith.constant 0 : i32
      %dma_wait3A_55 = tpu.memref_slice %arg3[%dma_wait3A_53, %dma_wait3A_54] : memref<10000x16xf32, #tpu.memory_space<hbm>> -> memref<10000x16xf32, #tpu.memory_space<hbm>>
      tpu.wait_indirect_dma semaphore(%arg15 : memref<!tpu.dma_semaphore, #tpu.memory_space<semaphore_mem>>) src(%dma_wait3A_55 : memref<10000x16xf32, #tpu.memory_space<hbm>>) dst(%arg11 : memref<128x16xf32, #tpu.memory_space<vmem>>)
      "tpu.region"() ({
        %run_scoped3A = tpu.sem_alloc : memref<!tpu.dma_semaphore, #tpu.memory_space<semaphore_mem>>
        %dma_start3A_85 = arith.constant 0 : i32
        %dma_start3A_86 = tpu.memref_slice %arg6[%mul3A_44, %dma_start3A_85] : memref<106496x16xf32, #tpu.memory_space<hbm>> -> memref<128x16xf32, #tpu.memory_space<hbm>>
        %dma_start3A_87 = arith.constant 0 : i32
        %dma_start3A_88 = tpu.memref_slice %arg6[%mul3A_44, %dma_start3A_87] : memref<106496x16xf32, #tpu.memory_space<hbm>> -> memref<128x16xf32, #tpu.memory_space<hbm>>
        tpu.enqueue_dma source(%arg10 : memref<128x16xf32, #tpu.memory_space<vmem>>) target(%dma_start3A_88 : memref<128x16xf32, #tpu.memory_space<hbm>>) target_semaphore(%run_scoped3A : memref<!tpu.dma_semaphore, #tpu.memory_space<semaphore_mem>>)
        %dma_wait3A_89 = arith.constant 0 : i32
        %dma_wait3A_90 = tpu.memref_slice %arg6[%mul3A_44, %dma_wait3A_89] : memref<106496x16xf32, #tpu.memory_space<hbm>> -> memref<128x16xf32, #tpu.memory_space<hbm>>
        %dma_wait3A_91 = arith.constant 0 : i32
        %dma_wait3A_92 = tpu.memref_slice %arg6[%mul3A_44, %dma_wait3A_91] : memref<106496x16xf32, #tpu.memory_space<hbm>> -> memref<128x16xf32, #tpu.memory_space<hbm>>
        tpu.wait_dma2 semaphore(%run_scoped3A : memref<!tpu.dma_semaphore, #tpu.memory_space<semaphore_mem>>) src(%arg10 : memref<128x16xf32, #tpu.memory_space<vmem>>) dst(%dma_wait3A_92 : memref<128x16xf32, #tpu.memory_space<hbm>>)
        tpu.yield
      }) : () -> ()
      "tpu.region"() ({
        %run_scoped3A = tpu.sem_alloc : memref<!tpu.dma_semaphore, #tpu.memory_space<semaphore_mem>>
        %dma_start3A_85 = arith.constant 0 : i32
        %dma_start3A_86 = tpu.memref_slice %arg7[%mul3A_44, %dma_start3A_85] : memref<106496x16xf32, #tpu.memory_space<hbm>> -> memref<128x16xf32, #tpu.memory_space<hbm>>
        %dma_start3A_87 = arith.constant 0 : i32
        %dma_start3A_88 = tpu.memref_slice %arg7[%mul3A_44, %dma_start3A_87] : memref<106496x16xf32, #tpu.memory_space<hbm>> -> memref<128x16xf32, #tpu.memory_space<hbm>>
        tpu.enqueue_dma source(%arg11 : memref<128x16xf32, #tpu.memory_space<vmem>>) target(%dma_start3A_88 : memref<128x16xf32, #tpu.memory_space<hbm>>) target_semaphore(%run_scoped3A : memref<!tpu.dma_semaphore, #tpu.memory_space<semaphore_mem>>)
        %dma_wait3A_89 = arith.constant 0 : i32
        %dma_wait3A_90 = tpu.memref_slice %arg7[%mul3A_44, %dma_wait3A_89] : memref<106496x16xf32, #tpu.memory_space<hbm>> -> memref<128x16xf32, #tpu.memory_space<hbm>>
        %dma_wait3A_91 = arith.constant 0 : i32
        %dma_wait3A_92 = tpu.memref_slice %arg7[%mul3A_44, %dma_wait3A_91] : memref<106496x16xf32, #tpu.memory_space<hbm>> -> memref<128x16xf32, #tpu.memory_space<hbm>>
        tpu.wait_dma2 semaphore(%run_scoped3A : memref<!tpu.dma_semaphore, #tpu.memory_space<semaphore_mem>>) src(%arg11 : memref<128x16xf32, #tpu.memory_space<vmem>>) dst(%dma_wait3A_92 : memref<128x16xf32, #tpu.memory_space<hbm>>)
        tpu.yield
      }) : () -> ()
      %add3A_56 = arith.constant 2 : i32
      %add3A_57 = arith.addi %mul3A_37, %add3A_56 : i32
      %lt3A = arith.constant 26 : i32
      %lt3A_58 = arith.cmpi slt, %add3A_57, %lt3A : i32
      %convert_element_type3A = arith.extui %lt3A_58 : i1 to i32
      %cond3A = arith.constant 0 : i32
      %cond3A_59 = arith.cmpi ne, %convert_element_type3A, %cond3A : i32
      scf.if %cond3A_59 {
        %add3A_85 = arith.constant 2 : i32
        %add3A_86 = arith.addi %mul3A_37, %add3A_85 : i32
        %dma_start3A_87 = arith.constant 0 : i32
        %dma_start3A_88 = tpu.memref_slice %arg8[%add3A_86, %dma_start3A_87] : memref<26x128xi32, #tpu.memory_space<vmem>> -> memref<1x128xi32, #tpu.memory_space<vmem>>
        %dma_start3A_89 = tpu.memref_squeeze %dma_start3A_88 : memref<1x128xi32, #tpu.memory_space<vmem>> -> memref<128xi32, #tpu.memory_space<vmem>>
        %dma_start3A_90 = arith.constant 0 : i32
        %dma_start3A_91 = arith.constant 0 : i32
        %dma_start3A_92 = tpu.memref_slice %arg2[%dma_start3A_90, %dma_start3A_91] : memref<10000x16xf32, #tpu.memory_space<hbm>> -> memref<10000x16xf32, #tpu.memory_space<hbm>>
        tpu.enqueue_indirect_dma source(%dma_start3A_92 : memref<10000x16xf32, #tpu.memory_space<hbm>>) target(%arg10 : memref<128x16xf32, #tpu.memory_space<vmem>>) offsets(%dma_start3A_89 : memref<128xi32, #tpu.memory_space<vmem>>) semaphore(%arg14 : memref<!tpu.dma_semaphore, #tpu.memory_space<semaphore_mem>>)
        %add3A_93 = arith.constant 2 : i32
        %add3A_94 = arith.addi %mul3A_37, %add3A_93 : i32
        %dma_start3A_95 = arith.constant 0 : i32
        %dma_start3A_96 = tpu.memref_slice %arg9[%add3A_94, %dma_start3A_95] : memref<26x128xi32, #tpu.memory_space<vmem>> -> memref<1x128xi32, #tpu.memory_space<vmem>>
        %dma_start3A_97 = tpu.memref_squeeze %dma_start3A_96 : memref<1x128xi32, #tpu.memory_space<vmem>> -> memref<128xi32, #tpu.memory_space<vmem>>
        %dma_start3A_98 = arith.constant 0 : i32
        %dma_start3A_99 = arith.constant 0 : i32
        %dma_start3A_100 = tpu.memref_slice %arg3[%dma_start3A_98, %dma_start3A_99] : memref<10000x16xf32, #tpu.memory_space<hbm>> -> memref<10000x16xf32, #tpu.memory_space<hbm>>
        tpu.enqueue_indirect_dma source(%dma_start3A_100 : memref<10000x16xf32, #tpu.memory_space<hbm>>) target(%arg11 : memref<128x16xf32, #tpu.memory_space<vmem>>) offsets(%dma_start3A_97 : memref<128xi32, #tpu.memory_space<vmem>>) semaphore(%arg15 : memref<!tpu.dma_semaphore, #tpu.memory_space<semaphore_mem>>)
      } else {
      }
      %mul3A_60 = arith.constant 26 : i32
      %mul3A_61 = arith.muli %add3A, %mul3A_60 : i32
      %add3A_62 = arith.addi %mul3A_61, %add3A_39 : i32
      %mul3A_63 = arith.constant 128 : i32
      %mul3A_64 = arith.muli %add3A_62, %mul3A_63 : i32
      %dma_wait3A_65 = arith.constant 0 : i32
      %dma_wait3A_66 = tpu.memref_slice %arg8[%add3A_39, %dma_wait3A_65] : memref<26x128xi32, #tpu.memory_space<vmem>> -> memref<1x128xi32, #tpu.memory_space<vmem>>
      %dma_wait3A_67 = tpu.memref_squeeze %dma_wait3A_66 : memref<1x128xi32, #tpu.memory_space<vmem>> -> memref<128xi32, #tpu.memory_space<vmem>>
      %dma_wait3A_68 = arith.constant 0 : i32
      %dma_wait3A_69 = arith.constant 0 : i32
      %dma_wait3A_70 = tpu.memref_slice %arg2[%dma_wait3A_68, %dma_wait3A_69] : memref<10000x16xf32, #tpu.memory_space<hbm>> -> memref<10000x16xf32, #tpu.memory_space<hbm>>
      tpu.wait_indirect_dma semaphore(%arg16 : memref<!tpu.dma_semaphore, #tpu.memory_space<semaphore_mem>>) src(%dma_wait3A_70 : memref<10000x16xf32, #tpu.memory_space<hbm>>) dst(%arg12 : memref<128x16xf32, #tpu.memory_space<vmem>>)
      %dma_wait3A_71 = arith.constant 0 : i32
      %dma_wait3A_72 = tpu.memref_slice %arg9[%add3A_39, %dma_wait3A_71] : memref<26x128xi32, #tpu.memory_space<vmem>> -> memref<1x128xi32, #tpu.memory_space<vmem>>
      %dma_wait3A_73 = tpu.memref_squeeze %dma_wait3A_72 : memref<1x128xi32, #tpu.memory_space<vmem>> -> memref<128xi32, #tpu.memory_space<vmem>>
      %dma_wait3A_74 = arith.constant 0 : i32
      %dma_wait3A_75 = arith.constant 0 : i32
      %dma_wait3A_76 = tpu.memref_slice %arg3[%dma_wait3A_74, %dma_wait3A_75] : memref<10000x16xf32, #tpu.memory_space<hbm>> -> memref<10000x16xf32, #tpu.memory_space<hbm>>
      tpu.wait_indirect_dma semaphore(%arg17 : memref<!tpu.dma_semaphore, #tpu.memory_space<semaphore_mem>>) src(%dma_wait3A_76 : memref<10000x16xf32, #tpu.memory_space<hbm>>) dst(%arg13 : memref<128x16xf32, #tpu.memory_space<vmem>>)
      "tpu.region"() ({
        %run_scoped3A = tpu.sem_alloc : memref<!tpu.dma_semaphore, #tpu.memory_space<semaphore_mem>>
        %dma_start3A_85 = arith.constant 0 : i32
        %dma_start3A_86 = tpu.memref_slice %arg6[%mul3A_64, %dma_start3A_85] : memref<106496x16xf32, #tpu.memory_space<hbm>> -> memref<128x16xf32, #tpu.memory_space<hbm>>
        %dma_start3A_87 = arith.constant 0 : i32
        %dma_start3A_88 = tpu.memref_slice %arg6[%mul3A_64, %dma_start3A_87] : memref<106496x16xf32, #tpu.memory_space<hbm>> -> memref<128x16xf32, #tpu.memory_space<hbm>>
        tpu.enqueue_dma source(%arg12 : memref<128x16xf32, #tpu.memory_space<vmem>>) target(%dma_start3A_88 : memref<128x16xf32, #tpu.memory_space<hbm>>) target_semaphore(%run_scoped3A : memref<!tpu.dma_semaphore, #tpu.memory_space<semaphore_mem>>)
        %dma_wait3A_89 = arith.constant 0 : i32
        %dma_wait3A_90 = tpu.memref_slice %arg6[%mul3A_64, %dma_wait3A_89] : memref<106496x16xf32, #tpu.memory_space<hbm>> -> memref<128x16xf32, #tpu.memory_space<hbm>>
        %dma_wait3A_91 = arith.constant 0 : i32
        %dma_wait3A_92 = tpu.memref_slice %arg6[%mul3A_64, %dma_wait3A_91] : memref<106496x16xf32, #tpu.memory_space<hbm>> -> memref<128x16xf32, #tpu.memory_space<hbm>>
        tpu.wait_dma2 semaphore(%run_scoped3A : memref<!tpu.dma_semaphore, #tpu.memory_space<semaphore_mem>>) src(%arg12 : memref<128x16xf32, #tpu.memory_space<vmem>>) dst(%dma_wait3A_92 : memref<128x16xf32, #tpu.memory_space<hbm>>)
        tpu.yield
      }) : () -> ()
      "tpu.region"() ({
        %run_scoped3A = tpu.sem_alloc : memref<!tpu.dma_semaphore, #tpu.memory_space<semaphore_mem>>
        %dma_start3A_85 = arith.constant 0 : i32
        %dma_start3A_86 = tpu.memref_slice %arg7[%mul3A_64, %dma_start3A_85] : memref<106496x16xf32, #tpu.memory_space<hbm>> -> memref<128x16xf32, #tpu.memory_space<hbm>>
        %dma_start3A_87 = arith.constant 0 : i32
        %dma_start3A_88 = tpu.memref_slice %arg7[%mul3A_64, %dma_start3A_87] : memref<106496x16xf32, #tpu.memory_space<hbm>> -> memref<128x16xf32, #tpu.memory_space<hbm>>
        tpu.enqueue_dma source(%arg13 : memref<128x16xf32, #tpu.memory_space<vmem>>) target(%dma_start3A_88 : memref<128x16xf32, #tpu.memory_space<hbm>>) target_semaphore(%run_scoped3A : memref<!tpu.dma_semaphore, #tpu.memory_space<semaphore_mem>>)
        %dma_wait3A_89 = arith.constant 0 : i32
        %dma_wait3A_90 = tpu.memref_slice %arg7[%mul3A_64, %dma_wait3A_89] : memref<106496x16xf32, #tpu.memory_space<hbm>> -> memref<128x16xf32, #tpu.memory_space<hbm>>
        %dma_wait3A_91 = arith.constant 0 : i32
        %dma_wait3A_92 = tpu.memref_slice %arg7[%mul3A_64, %dma_wait3A_91] : memref<106496x16xf32, #tpu.memory_space<hbm>> -> memref<128x16xf32, #tpu.memory_space<hbm>>
        tpu.wait_dma2 semaphore(%run_scoped3A : memref<!tpu.dma_semaphore, #tpu.memory_space<semaphore_mem>>) src(%arg13 : memref<128x16xf32, #tpu.memory_space<vmem>>) dst(%dma_wait3A_92 : memref<128x16xf32, #tpu.memory_space<hbm>>)
        tpu.yield
      }) : () -> ()
      %add3A_77 = arith.constant 2 : i32
      %add3A_78 = arith.addi %add3A_39, %add3A_77 : i32
      %lt3A_79 = arith.constant 26 : i32
      %lt3A_80 = arith.cmpi slt, %add3A_78, %lt3A_79 : i32
      %convert_element_type3A_81 = arith.extui %lt3A_80 : i1 to i32
      %cond3A_82 = arith.constant 0 : i32
      %cond3A_83 = arith.cmpi ne, %convert_element_type3A_81, %cond3A_82 : i32
      scf.if %cond3A_83 {
        %add3A_85 = arith.constant 2 : i32
        %add3A_86 = arith.addi %add3A_39, %add3A_85 : i32
        %dma_start3A_87 = arith.constant 0 : i32
        %dma_start3A_88 = tpu.memref_slice %arg8[%add3A_86, %dma_start3A_87] : memref<26x128xi32, #tpu.memory_space<vmem>> -> memref<1x128xi32, #tpu.memory_space<vmem>>
        %dma_start3A_89 = tpu.memref_squeeze %dma_start3A_88 : memref<1x128xi32, #tpu.memory_space<vmem>> -> memref<128xi32, #tpu.memory_space<vmem>>
        %dma_start3A_90 = arith.constant 0 : i32
        %dma_start3A_91 = arith.constant 0 : i32
        %dma_start3A_92 = tpu.memref_slice %arg2[%dma_start3A_90, %dma_start3A_91] : memref<10000x16xf32, #tpu.memory_space<hbm>> -> memref<10000x16xf32, #tpu.memory_space<hbm>>
        tpu.enqueue_indirect_dma source(%dma_start3A_92 : memref<10000x16xf32, #tpu.memory_space<hbm>>) target(%arg12 : memref<128x16xf32, #tpu.memory_space<vmem>>) offsets(%dma_start3A_89 : memref<128xi32, #tpu.memory_space<vmem>>) semaphore(%arg16 : memref<!tpu.dma_semaphore, #tpu.memory_space<semaphore_mem>>)
        %add3A_93 = arith.constant 2 : i32
        %add3A_94 = arith.addi %add3A_39, %add3A_93 : i32
        %dma_start3A_95 = arith.constant 0 : i32
        %dma_start3A_96 = tpu.memref_slice %arg9[%add3A_94, %dma_start3A_95] : memref<26x128xi32, #tpu.memory_space<vmem>> -> memref<1x128xi32, #tpu.memory_space<vmem>>
        %dma_start3A_97 = tpu.memref_squeeze %dma_start3A_96 : memref<1x128xi32, #tpu.memory_space<vmem>> -> memref<128xi32, #tpu.memory_space<vmem>>
        %dma_start3A_98 = arith.constant 0 : i32
        %dma_start3A_99 = arith.constant 0 : i32
        %dma_start3A_100 = tpu.memref_slice %arg3[%dma_start3A_98, %dma_start3A_99] : memref<10000x16xf32, #tpu.memory_space<hbm>> -> memref<10000x16xf32, #tpu.memory_space<hbm>>
        tpu.enqueue_indirect_dma source(%dma_start3A_100 : memref<10000x16xf32, #tpu.memory_space<hbm>>) target(%arg13 : memref<128x16xf32, #tpu.memory_space<vmem>>) offsets(%dma_start3A_97 : memref<128xi32, #tpu.memory_space<vmem>>) semaphore(%arg17 : memref<!tpu.dma_semaphore, #tpu.memory_space<semaphore_mem>>)
      } else {
      }
      %scan3A_84 = arith.constant 0 : i32
      scf.yield %scan3A_84 : i32
    }
    %scan3A_33 = arith.constant 13 : i32
    return
  }
}

module attributes {stable_mosaic.version = 14 : i64} {
  func.func @body(%arg0: i32, %arg1: memref<2000x128xf32, #tpu.memory_space<vmem>>, %arg2: memref<128x128xf32, #tpu.memory_space<vmem>>, %arg3: memref<1x2000x128xf32, #tpu.memory_space<vmem>>, %arg4: memref<1x2000x128xf32, #tpu.memory_space<vmem>>, %arg5: memref<2000x64xf32, #tpu.memory_space<vmem>>, %arg6: memref<2000x64xf32, #tpu.memory_space<vmem>>, %arg7: memref<2000x16xf32, #tpu.memory_space<vmem>>) attributes {dimension_semantics = [#tpu.dimension_semantics<arbitrary>], iteration_bounds = array<i64: 5>, scalar_prefetch = 0 : i64, scratch_operands = 0 : i64, tpu.core_type = #tpu.core_type<tc>, window_params = [{transform_indices = @transform_0, window_bounds = array<i64: 2000, 128>}, {pipeline_mode = #tpu.pipeline_mode<synchronous>, transform_indices = @transform_1, window_bounds = array<i64: 128, 128>}, {transform_indices = @transform_2, window_bounds = array<i64: 1, 2000, 128>}, {transform_indices = @transform_3, window_bounds = array<i64: 1, 2000, 128>}, {transform_indices = @transform_4, window_bounds = array<i64: 2000, 64>}, {transform_indices = @transform_5, window_bounds = array<i64: 2000, 64>}, {transform_indices = @transform_6, window_bounds = array<i64: 2000, 16>}]} {
    %get3A = arith.constant 0 : index
    %get3A_0 = arith.constant 0 : index
    %get3A_1 = arith.constant 0 : index
    %get3A_2 = vector.load %arg3[%get3A, %get3A_0, %get3A_1] : memref<1x2000x128xf32, #tpu.memory_space<vmem>>, vector<1x2000x1xf32>
    %get3A_3 = vector.shape_cast %get3A_2 : vector<1x2000x1xf32> to vector<2000x1xf32>
    %get3A_4 = arith.constant 0 : index
    %get3A_5 = arith.constant 0 : index
    %get3A_6 = arith.constant 0 : index
    %get3A_7 = vector.load %arg4[%get3A_4, %get3A_5, %get3A_6] : memref<1x2000x128xf32, #tpu.memory_space<vmem>>, vector<1x2000x1xf32>
    %get3A_8 = vector.shape_cast %get3A_7 : vector<1x2000x1xf32> to vector<2000x1xf32>
    %add3A = arith.addf %get3A_3, %get3A_8 : vector<2000x1xf32>
    %add3A_9 = arith.constant 1.000000e+00 : f32
    %add3A_10 = vector.broadcast %add3A_9 : f32 to vector<2000x1xf32>
    %add3A_11 = arith.addf %add3A, %add3A_10 : vector<2000x1xf32>
    %rsqrt3A = math.rsqrt %add3A_11 : vector<2000x1xf32>
    %get3A_12 = arith.constant 0 : index
    %get3A_13 = arith.constant 0 : index
    %get3A_14 = vector.load %arg1[%get3A_12, %get3A_13] : memref<2000x128xf32, #tpu.memory_space<vmem>>, vector<2000x128xf32>
    %get3A_15 = arith.constant 0 : index
    %get3A_16 = arith.constant 0 : index
    %get3A_17 = vector.load %arg2[%get3A_15, %get3A_16] : memref<128x128xf32, #tpu.memory_space<vmem>>, vector<128x128xf32>
    %dot_general3A = arith.constant dense<0.000000e+00> : vector<2000x128xf32>
    %dot_general3A_18 = tpu.matmul %get3A_14, %get3A_17, %dot_general3A {dimension_numbers = #tpu.dot_dimension_numbers<[1], [0], [0], [1], [0, 0, 1, 1], [], []>, transpose_lhs_hint = false} : vector<2000x128xf32>, vector<128x128xf32>, vector<2000x128xf32> -> vector<2000x128xf32>
    %mul3A = vector.broadcast %rsqrt3A : vector<2000x1xf32> to vector<2000x128xf32>
    %mul3A_19 = arith.mulf %mul3A, %dot_general3A_18 : vector<2000x128xf32>
    %slice3A = vector.extract_strided_slice %mul3A_19 {offsets = [0, 0], sizes = [2000, 64], strides = [1, 1]} : vector<2000x128xf32> to vector<2000x64xf32>
    %swap3A = arith.constant 0 : index
    %swap3A_20 = arith.constant 0 : index
    %swap3A_21 = vector.load %arg5[%swap3A, %swap3A_20] : memref<2000x64xf32, #tpu.memory_space<vmem>>, vector<2000x64xf32>
    tpu.vector_store %arg5[%swap3A, %swap3A_20], %slice3A {strides = array<i32>} : memref<2000x64xf32, #tpu.memory_space<vmem>>, vector<2000x64xf32>,
    %slice3A_22 = vector.extract_strided_slice %mul3A_19 {offsets = [0, 64], sizes = [2000, 64], strides = [1, 1]} : vector<2000x128xf32> to vector<2000x64xf32>
    %swap3A_23 = arith.constant 0 : index
    %swap3A_24 = arith.constant 0 : index
    %swap3A_25 = vector.load %arg6[%swap3A_23, %swap3A_24] : memref<2000x64xf32, #tpu.memory_space<vmem>>, vector<2000x64xf32>
    tpu.vector_store %arg6[%swap3A_23, %swap3A_24], %slice3A_22 {strides = array<i32>} : memref<2000x64xf32, #tpu.memory_space<vmem>>, vector<2000x64xf32>,
    %broadcast_in_dim3A = vector.shape_cast %rsqrt3A : vector<2000x1xf32> to vector<2000x1xf32>
    %broadcast_in_dim3A_26 = vector.broadcast %broadcast_in_dim3A : vector<2000x1xf32> to vector<2000x16xf32>
    %swap3A_27 = arith.constant 0 : index
    %swap3A_28 = arith.constant 0 : index
    %swap3A_29 = vector.load %arg7[%swap3A_27, %swap3A_28] : memref<2000x16xf32, #tpu.memory_space<vmem>>, vector<2000x16xf32>
    tpu.vector_store %arg7[%swap3A_27, %swap3A_28], %broadcast_in_dim3A_26 {strides = array<i32>} : memref<2000x16xf32, #tpu.memory_space<vmem>>, vector<2000x16xf32>,
    return
  }
  func.func @transform_0(%arg0: i32) -> (i32, i32) {
    %c0_i32 = arith.constant 0 : i32
    %c0_i32_0 = arith.constant 0 : i32
    return %arg0, %c0_i32 : i32, i32
  }
  func.func @transform_1(%arg0: i32) -> (i32, i32) {
    %c0_i32 = arith.constant 0 : i32
    %c0_i32_0 = arith.constant 0 : i32
    %c0_i32_1 = arith.constant 0 : i32
    return %c0_i32, %c0_i32_0 : i32, i32
  }
  func.func @transform_2(%arg0: i32) -> (i32, i32, i32) {
    %c0_i32 = arith.constant 0 : i32
    %c0_i32_0 = arith.constant 0 : i32
    %c0_i32_1 = arith.constant 0 : i32
    return %c0_i32, %arg0, %c0_i32_0 : i32, i32, i32
  }
  func.func @transform_3(%arg0: i32) -> (i32, i32, i32) {
    %c1_i32 = arith.constant 1 : i32
    %c0_i32 = arith.constant 0 : i32
    %c0_i32_0 = arith.constant 0 : i32
    return %c1_i32, %arg0, %c0_i32 : i32, i32, i32
  }
  func.func @transform_4(%arg0: i32) -> (i32, i32) {
    %c0_i32 = arith.constant 0 : i32
    %c0_i32_0 = arith.constant 0 : i32
    return %arg0, %c0_i32 : i32, i32
  }
  func.func @transform_5(%arg0: i32) -> (i32, i32) {
    %c0_i32 = arith.constant 0 : i32
    %c0_i32_0 = arith.constant 0 : i32
    return %arg0, %c0_i32 : i32, i32
  }
  func.func @transform_6(%arg0: i32) -> (i32, i32) {
    %c0_i32 = arith.constant 0 : i32
    %c0_i32_0 = arith.constant 0 : i32
    return %arg0, %c0_i32 : i32, i32
  }
}

module attributes {stable_mosaic.version = 14 : i64} {
  func.func @body(%arg0: i32, %arg1: memref<1x2000x128xf32, #tpu.memory_space<vmem>>, %arg2: memref<1x2000x128xf32, #tpu.memory_space<vmem>>, %arg3: memref<2000x64xf32, #tpu.memory_space<vmem>>, %arg4: memref<2000x64xf32, #tpu.memory_space<vmem>>, %arg5: memref<2000x16xf32, #tpu.memory_space<vmem>>, %arg6: memref<1x64xf32, #tpu.memory_space<vmem>>, %arg7: memref<1x64xf32, #tpu.memory_space<vmem>>, %arg8: memref<64x64xf32, #tpu.memory_space<vmem>>, %arg9: memref<64x64xf32, #tpu.memory_space<vmem>>, %arg10: memref<2000x64xf32, #tpu.memory_space<vmem>>) attributes {dimension_semantics = [#tpu.dimension_semantics<arbitrary>], iteration_bounds = array<i64: 5>, scalar_prefetch = 0 : i64, scratch_operands = 0 : i64, tpu.core_type = #tpu.core_type<tc>, window_params = [{transform_indices = @transform_0, window_bounds = array<i64: 1, 2000, 128>}, {transform_indices = @transform_1, window_bounds = array<i64: 1, 2000, 128>}, {transform_indices = @transform_2, window_bounds = array<i64: 2000, 64>}, {transform_indices = @transform_3, window_bounds = array<i64: 2000, 64>}, {transform_indices = @transform_4, window_bounds = array<i64: 2000, 16>}, {pipeline_mode = #tpu.pipeline_mode<synchronous>, transform_indices = @transform_5, window_bounds = array<i64: 1, 64>}, {pipeline_mode = #tpu.pipeline_mode<synchronous>, transform_indices = @transform_6, window_bounds = array<i64: 1, 64>}, {pipeline_mode = #tpu.pipeline_mode<synchronous>, transform_indices = @transform_7, window_bounds = array<i64: 64, 64>}, {pipeline_mode = #tpu.pipeline_mode<synchronous>, transform_indices = @transform_8, window_bounds = array<i64: 64, 64>}, {transform_indices = @transform_9, window_bounds = array<i64: 2000, 64>}]} {
    %get3A = arith.constant 0 : index
    %get3A_0 = arith.constant 0 : index
    %get3A_1 = vector.load %arg5[%get3A, %get3A_0] : memref<2000x16xf32, #tpu.memory_space<vmem>>, vector<2000x1xf32>
    %get3A_2 = arith.constant 0 : index
    %get3A_3 = arith.constant 0 : index
    %get3A_4 = arith.constant 0 : index
    %get3A_5 = vector.load %arg1[%get3A_2, %get3A_3, %get3A_4] : memref<1x2000x128xf32, #tpu.memory_space<vmem>>, vector<1x2000x64xf32>
    %get3A_6 = vector.shape_cast %get3A_5 : vector<1x2000x64xf32> to vector<2000x64xf32>
    %get3A_7 = arith.constant 0 : index
    %get3A_8 = arith.constant 0 : index
    %get3A_9 = vector.load %arg3[%get3A_7, %get3A_8] : memref<2000x64xf32, #tpu.memory_space<vmem>>, vector<2000x64xf32>
    %add3A = arith.addf %get3A_6, %get3A_9 : vector<2000x64xf32>
    %mul3A = vector.broadcast %get3A_1 : vector<2000x1xf32> to vector<2000x64xf32>
    %mul3A_10 = arith.mulf %mul3A, %add3A : vector<2000x64xf32>
    %get3A_11 = arith.constant 0 : index
    %get3A_12 = arith.constant 0 : index
    %get3A_13 = vector.load %arg6[%get3A_11, %get3A_12] : memref<1x64xf32, #tpu.memory_space<vmem>>, vector<1x64xf32>
    %add3A_14 = vector.broadcast %get3A_13 : vector<1x64xf32> to vector<2000x64xf32>
    %add3A_15 = arith.addf %mul3A_10, %add3A_14 : vector<2000x64xf32>
    %max3A = arith.constant 0.000000e+00 : f32
    %max3A_16 = vector.broadcast %max3A : f32 to vector<2000x64xf32>
    %max3A_17 = arith.maximumf %add3A_15, %max3A_16 : vector<2000x64xf32>
    %get3A_18 = arith.constant 0 : index
    %get3A_19 = arith.constant 0 : index
    %get3A_20 = arith.constant 0 : index
    %get3A_21 = vector.load %arg2[%get3A_18, %get3A_19, %get3A_20] : memref<1x2000x128xf32, #tpu.memory_space<vmem>>, vector<1x2000x64xf32>
    %get3A_22 = vector.shape_cast %get3A_21 : vector<1x2000x64xf32> to vector<2000x64xf32>
    %get3A_23 = arith.constant 0 : index
    %get3A_24 = arith.constant 0 : index
    %get3A_25 = vector.load %arg4[%get3A_23, %get3A_24] : memref<2000x64xf32, #tpu.memory_space<vmem>>, vector<2000x64xf32>
    %add3A_26 = arith.addf %get3A_22, %get3A_25 : vector<2000x64xf32>
    %mul3A_27 = vector.broadcast %get3A_1 : vector<2000x1xf32> to vector<2000x64xf32>
    %mul3A_28 = arith.mulf %mul3A_27, %add3A_26 : vector<2000x64xf32>
    %get3A_29 = arith.constant 0 : index
    %get3A_30 = arith.constant 0 : index
    %get3A_31 = vector.load %arg7[%get3A_29, %get3A_30] : memref<1x64xf32, #tpu.memory_space<vmem>>, vector<1x64xf32>
    %add3A_32 = vector.broadcast %get3A_31 : vector<1x64xf32> to vector<2000x64xf32>
    %add3A_33 = arith.addf %mul3A_28, %add3A_32 : vector<2000x64xf32>
    %max3A_34 = arith.constant 0.000000e+00 : f32
    %max3A_35 = vector.broadcast %max3A_34 : f32 to vector<2000x64xf32>
    %max3A_36 = arith.maximumf %add3A_33, %max3A_35 : vector<2000x64xf32>
    %get3A_37 = arith.constant 0 : index
    %get3A_38 = arith.constant 0 : index
    %get3A_39 = vector.load %arg8[%get3A_37, %get3A_38] : memref<64x64xf32, #tpu.memory_space<vmem>>, vector<64x64xf32>
    %dot_general3A = arith.constant dense<0.000000e+00> : vector<2000x64xf32>
    %dot_general3A_40 = tpu.matmul %max3A_17, %get3A_39, %dot_general3A {dimension_numbers = #tpu.dot_dimension_numbers<[1], [0], [0], [1], [0, 0, 1, 1], [], []>, transpose_lhs_hint = false} : vector<2000x64xf32>, vector<64x64xf32>, vector<2000x64xf32> -> vector<2000x64xf32>
    %get3A_41 = arith.constant 0 : index
    %get3A_42 = arith.constant 0 : index
    %get3A_43 = vector.load %arg9[%get3A_41, %get3A_42] : memref<64x64xf32, #tpu.memory_space<vmem>>, vector<64x64xf32>
    %dot_general3A_44 = arith.constant dense<0.000000e+00> : vector<2000x64xf32>
    %dot_general3A_45 = tpu.matmul %max3A_36, %get3A_43, %dot_general3A_44 {dimension_numbers = #tpu.dot_dimension_numbers<[1], [0], [0], [1], [0, 0, 1, 1], [], []>, transpose_lhs_hint = false} : vector<2000x64xf32>, vector<64x64xf32>, vector<2000x64xf32> -> vector<2000x64xf32>
    %add3A_46 = arith.addf %dot_general3A_40, %dot_general3A_45 : vector<2000x64xf32>
    %mul3A_47 = vector.broadcast %get3A_1 : vector<2000x1xf32> to vector<2000x64xf32>
    %mul3A_48 = arith.mulf %mul3A_47, %add3A_46 : vector<2000x64xf32>
    %swap3A = arith.constant 0 : index
    %swap3A_49 = arith.constant 0 : index
    %swap3A_50 = vector.load %arg10[%swap3A, %swap3A_49] : memref<2000x64xf32, #tpu.memory_space<vmem>>, vector<2000x64xf32>
    tpu.vector_store %arg10[%swap3A, %swap3A_49], %mul3A_48 {strides = array<i32>} : memref<2000x64xf32, #tpu.memory_space<vmem>>, vector<2000x64xf32>,
    return
  }
  func.func @transform_0(%arg0: i32) -> (i32, i32, i32) {
    %c0_i32 = arith.constant 0 : i32
    %c0_i32_0 = arith.constant 0 : i32
    %c0_i32_1 = arith.constant 0 : i32
    return %c0_i32, %arg0, %c0_i32_0 : i32, i32, i32
  }
  func.func @transform_1(%arg0: i32) -> (i32, i32, i32) {
    %c1_i32 = arith.constant 1 : i32
    %c0_i32 = arith.constant 0 : i32
    %c0_i32_0 = arith.constant 0 : i32
    return %c1_i32, %arg0, %c0_i32 : i32, i32, i32
  }
  func.func @transform_2(%arg0: i32) -> (i32, i32) {
    %c0_i32 = arith.constant 0 : i32
    %c0_i32_0 = arith.constant 0 : i32
    return %arg0, %c0_i32 : i32, i32
  }
  func.func @transform_3(%arg0: i32) -> (i32, i32) {
    %c0_i32 = arith.constant 0 : i32
    %c0_i32_0 = arith.constant 0 : i32
    return %arg0, %c0_i32 : i32, i32
  }
  func.func @transform_4(%arg0: i32) -> (i32, i32) {
    %c0_i32 = arith.constant 0 : i32
    %c0_i32_0 = arith.constant 0 : i32
    return %arg0, %c0_i32 : i32, i32
  }
  func.func @transform_5(%arg0: i32) -> (i32, i32) {
    %c0_i32 = arith.constant 0 : i32
    %c0_i32_0 = arith.constant 0 : i32
    %c0_i32_1 = arith.constant 0 : i32
    return %c0_i32, %c0_i32_0 : i32, i32
  }
  func.func @transform_6(%arg0: i32) -> (i32, i32) {
    %c0_i32 = arith.constant 0 : i32
    %c0_i32_0 = arith.constant 0 : i32
    %c0_i32_1 = arith.constant 0 : i32
    return %c0_i32, %c0_i32_0 : i32, i32
  }
  func.func @transform_7(%arg0: i32) -> (i32, i32) {
    %c0_i32 = arith.constant 0 : i32
    %c0_i32_0 = arith.constant 0 : i32
    %c0_i32_1 = arith.constant 0 : i32
    return %c0_i32, %c0_i32_0 : i32, i32
  }
  func.func @transform_8(%arg0: i32) -> (i32, i32) {
    %c0_i32 = arith.constant 0 : i32
    %c0_i32_0 = arith.constant 0 : i32
    %c0_i32_1 = arith.constant 0 : i32
    return %c0_i32, %c0_i32_0 : i32, i32
  }
  func.func @transform_9(%arg0: i32) -> (i32, i32) {
    %c0_i32 = arith.constant 0 : i32
    %c0_i32_0 = arith.constant 0 : i32
    return %arg0, %c0_i32 : i32, i32
  }
}

module attributes {stable_mosaic.version = 14 : i64} {
  func.func @body(%arg0: i32, %arg1: memref<1x2000x128xf32, #tpu.memory_space<vmem>>, %arg2: memref<1x2000x128xf32, #tpu.memory_space<vmem>>, %arg3: memref<2000x64xf32, #tpu.memory_space<vmem>>, %arg4: memref<2000x16xf32, #tpu.memory_space<vmem>>, %arg5: memref<1x64xf32, #tpu.memory_space<vmem>>, %arg6: memref<64x32xf32, #tpu.memory_space<vmem>>, %arg7: memref<2000x32xf32, #tpu.memory_space<vmem>>) attributes {dimension_semantics = [#tpu.dimension_semantics<arbitrary>], iteration_bounds = array<i64: 5>, scalar_prefetch = 0 : i64, scratch_operands = 0 : i64, tpu.core_type = #tpu.core_type<tc>, window_params = [{transform_indices = @transform_0, window_bounds = array<i64: 1, 2000, 128>}, {transform_indices = @transform_1, window_bounds = array<i64: 1, 2000, 128>}, {transform_indices = @transform_2, window_bounds = array<i64: 2000, 64>}, {transform_indices = @transform_3, window_bounds = array<i64: 2000, 16>}, {pipeline_mode = #tpu.pipeline_mode<synchronous>, transform_indices = @transform_4, window_bounds = array<i64: 1, 64>}, {pipeline_mode = #tpu.pipeline_mode<synchronous>, transform_indices = @transform_5, window_bounds = array<i64: 64, 32>}, {transform_indices = @transform_6, window_bounds = array<i64: 2000, 32>}]} {
    %get3A = arith.constant 0 : index
    %get3A_0 = arith.constant 0 : index
    %get3A_1 = vector.load %arg4[%get3A, %get3A_0] : memref<2000x16xf32, #tpu.memory_space<vmem>>, vector<2000x1xf32>
    %get3A_2 = arith.constant 0 : index
    %get3A_3 = arith.constant 0 : index
    %get3A_4 = arith.constant 0 : index
    %get3A_5 = vector.load %arg1[%get3A_2, %get3A_3, %get3A_4] : memref<1x2000x128xf32, #tpu.memory_space<vmem>>, vector<1x2000x64xf32>
    %get3A_6 = vector.shape_cast %get3A_5 : vector<1x2000x64xf32> to vector<2000x64xf32>
    %get3A_7 = arith.constant 0 : index
    %get3A_8 = arith.constant 0 : index
    %get3A_9 = arith.constant 0 : index
    %get3A_10 = vector.load %arg2[%get3A_7, %get3A_8, %get3A_9] : memref<1x2000x128xf32, #tpu.memory_space<vmem>>, vector<1x2000x64xf32>
    %get3A_11 = vector.shape_cast %get3A_10 : vector<1x2000x64xf32> to vector<2000x64xf32>
    %add3A = arith.addf %get3A_6, %get3A_11 : vector<2000x64xf32>
    %get3A_12 = arith.constant 0 : index
    %get3A_13 = arith.constant 0 : index
    %get3A_14 = vector.load %arg3[%get3A_12, %get3A_13] : memref<2000x64xf32, #tpu.memory_space<vmem>>, vector<2000x64xf32>
    %add3A_15 = arith.addf %add3A, %get3A_14 : vector<2000x64xf32>
    %mul3A = vector.broadcast %get3A_1 : vector<2000x1xf32> to vector<2000x64xf32>
    %mul3A_16 = arith.mulf %mul3A, %add3A_15 : vector<2000x64xf32>
    %get3A_17 = arith.constant 0 : index
    %get3A_18 = arith.constant 0 : index
    %get3A_19 = vector.load %arg5[%get3A_17, %get3A_18] : memref<1x64xf32, #tpu.memory_space<vmem>>, vector<1x64xf32>
    %add3A_20 = vector.broadcast %get3A_19 : vector<1x64xf32> to vector<2000x64xf32>
    %add3A_21 = arith.addf %mul3A_16, %add3A_20 : vector<2000x64xf32>
    %max3A = arith.constant 0.000000e+00 : f32
    %max3A_22 = vector.broadcast %max3A : f32 to vector<2000x64xf32>
    %max3A_23 = arith.maximumf %add3A_21, %max3A_22 : vector<2000x64xf32>
    %get3A_24 = arith.constant 0 : index
    %get3A_25 = arith.constant 0 : index
    %get3A_26 = vector.load %arg6[%get3A_24, %get3A_25] : memref<64x32xf32, #tpu.memory_space<vmem>>, vector<64x32xf32>
    %dot_general3A = arith.constant dense<0.000000e+00> : vector<2000x32xf32>
    %dot_general3A_27 = tpu.matmul %max3A_23, %get3A_26, %dot_general3A {dimension_numbers = #tpu.dot_dimension_numbers<[1], [0], [0], [1], [0, 0, 1, 1], [], []>, transpose_lhs_hint = false} : vector<2000x64xf32>, vector<64x32xf32>, vector<2000x32xf32> -> vector<2000x32xf32>
    %mul3A_28 = vector.broadcast %get3A_1 : vector<2000x1xf32> to vector<2000x32xf32>
    %mul3A_29 = arith.mulf %mul3A_28, %dot_general3A_27 : vector<2000x32xf32>
    %swap3A = arith.constant 0 : index
    %swap3A_30 = arith.constant 0 : index
    %swap3A_31 = vector.load %arg7[%swap3A, %swap3A_30] : memref<2000x32xf32, #tpu.memory_space<vmem>>, vector<2000x32xf32>
    tpu.vector_store %arg7[%swap3A, %swap3A_30], %mul3A_29 {strides = array<i32>} : memref<2000x32xf32, #tpu.memory_space<vmem>>, vector<2000x32xf32>,
    return
  }
  func.func @transform_0(%arg0: i32) -> (i32, i32, i32) {
    %c0_i32 = arith.constant 0 : i32
    %c0_i32_0 = arith.constant 0 : i32
    %c0_i32_1 = arith.constant 0 : i32
    return %c0_i32, %arg0, %c0_i32_0 : i32, i32, i32
  }
  func.func @transform_1(%arg0: i32) -> (i32, i32, i32) {
    %c1_i32 = arith.constant 1 : i32
    %c0_i32 = arith.constant 0 : i32
    %c0_i32_0 = arith.constant 0 : i32
    return %c1_i32, %arg0, %c0_i32 : i32, i32, i32
  }
  func.func @transform_2(%arg0: i32) -> (i32, i32) {
    %c0_i32 = arith.constant 0 : i32
    %c0_i32_0 = arith.constant 0 : i32
    return %arg0, %c0_i32 : i32, i32
  }
  func.func @transform_3(%arg0: i32) -> (i32, i32) {
    %c0_i32 = arith.constant 0 : i32
    %c0_i32_0 = arith.constant 0 : i32
    return %arg0, %c0_i32 : i32, i32
  }
  func.func @transform_4(%arg0: i32) -> (i32, i32) {
    %c0_i32 = arith.constant 0 : i32
    %c0_i32_0 = arith.constant 0 : i32
    %c0_i32_1 = arith.constant 0 : i32
    return %c0_i32, %c0_i32_0 : i32, i32
  }
  func.func @transform_5(%arg0: i32) -> (i32, i32) {
    %c0_i32 = arith.constant 0 : i32
    %c0_i32_0 = arith.constant 0 : i32
    %c0_i32_1 = arith.constant 0 : i32
    return %c0_i32, %c0_i32_0 : i32, i32
  }
  func.func @transform_6(%arg0: i32) -> (i32, i32) {
    %c0_i32 = arith.constant 0 : i32
    %c0_i32_0 = arith.constant 0 : i32
    return %arg0, %c0_i32 : i32, i32
  }
}

module attributes {stable_mosaic.version = 14 : i64} {
  func.func @body(%arg0: i32, %arg1: memref<1x2000x128xf32, #tpu.memory_space<vmem>>, %arg2: memref<1x2000x128xf32, #tpu.memory_space<vmem>>, %arg3: memref<2000x32xf32, #tpu.memory_space<vmem>>, %arg4: memref<2000x16xf32, #tpu.memory_space<vmem>>, %arg5: memref<1x32xf32, #tpu.memory_space<vmem>>, %arg6: memref<32x16xf32, #tpu.memory_space<vmem>>, %arg7: memref<1x16xf32, #tpu.memory_space<vmem>>, %arg8: memref<16x16xf32, #tpu.memory_space<vmem>>, %arg9: memref<1x16xf32, #tpu.memory_space<vmem>>, %arg10: memref<32x8xf32, #tpu.memory_space<vmem>>, %arg11: memref<1x8xf32, #tpu.memory_space<vmem>>, %arg12: memref<2000x16xf32, #tpu.memory_space<vmem>>, %arg13: memref<2000x16xf32, #tpu.memory_space<vmem>>) attributes {dimension_semantics = [#tpu.dimension_semantics<arbitrary>], iteration_bounds = array<i64: 5>, scalar_prefetch = 0 : i64, scratch_operands = 0 : i64, tpu.core_type = #tpu.core_type<tc>, window_params = [{transform_indices = @transform_0, window_bounds = array<i64: 1, 2000, 128>}, {transform_indices = @transform_1, window_bounds = array<i64: 1, 2000, 128>}, {transform_indices = @transform_2, window_bounds = array<i64: 2000, 32>}, {transform_indices = @transform_3, window_bounds = array<i64: 2000, 16>}, {pipeline_mode = #tpu.pipeline_mode<synchronous>, transform_indices = @transform_4, window_bounds = array<i64: 1, 32>}, {pipeline_mode = #tpu.pipeline_mode<synchronous>, transform_indices = @transform_5, window_bounds = array<i64: 32, 16>}, {pipeline_mode = #tpu.pipeline_mode<synchronous>, transform_indices = @transform_6, window_bounds = array<i64: 1, 16>}, {pipeline_mode = #tpu.pipeline_mode<synchronous>, transform_indices = @transform_7, window_bounds = array<i64: 16, 16>}, {pipeline_mode = #tpu.pipeline_mode<synchronous>, transform_indices = @transform_8, window_bounds = array<i64: 1, 16>}, {pipeline_mode = #tpu.pipeline_mode<synchronous>, transform_indices = @transform_9, window_bounds = array<i64: 32, 8>}, {pipeline_mode = #tpu.pipeline_mode<synchronous>, transform_indices = @transform_10, window_bounds = array<i64: 1, 8>}, {transform_indices = @transform_11, window_bounds = array<i64: 2000, 16>}, {transform_indices = @transform_12, window_bounds = array<i64: 2000, 16>}]} {
    %get3A = arith.constant 0 : index
    %get3A_0 = arith.constant 0 : index
    %get3A_1 = vector.load %arg4[%get3A, %get3A_0] : memref<2000x16xf32, #tpu.memory_space<vmem>>, vector<2000x1xf32>
    %get3A_2 = arith.constant 0 : index
    %get3A_3 = arith.constant 0 : index
    %get3A_4 = arith.constant 0 : index
    %get3A_5 = vector.load %arg1[%get3A_2, %get3A_3, %get3A_4] : memref<1x2000x128xf32, #tpu.memory_space<vmem>>, vector<1x2000x32xf32>
    %get3A_6 = vector.shape_cast %get3A_5 : vector<1x2000x32xf32> to vector<2000x32xf32>
    %get3A_7 = arith.constant 0 : index
    %get3A_8 = arith.constant 0 : index
    %get3A_9 = arith.constant 0 : index
    %get3A_10 = vector.load %arg2[%get3A_7, %get3A_8, %get3A_9] : memref<1x2000x128xf32, #tpu.memory_space<vmem>>, vector<1x2000x32xf32>
    %get3A_11 = vector.shape_cast %get3A_10 : vector<1x2000x32xf32> to vector<2000x32xf32>
    %add3A = arith.addf %get3A_6, %get3A_11 : vector<2000x32xf32>
    %get3A_12 = arith.constant 0 : index
    %get3A_13 = arith.constant 0 : index
    %get3A_14 = vector.load %arg3[%get3A_12, %get3A_13] : memref<2000x32xf32, #tpu.memory_space<vmem>>, vector<2000x32xf32>
    %add3A_15 = arith.addf %add3A, %get3A_14 : vector<2000x32xf32>
    %mul3A = vector.broadcast %get3A_1 : vector<2000x1xf32> to vector<2000x32xf32>
    %mul3A_16 = arith.mulf %mul3A, %add3A_15 : vector<2000x32xf32>
    %get3A_17 = arith.constant 0 : index
    %get3A_18 = arith.constant 0 : index
    %get3A_19 = vector.load %arg5[%get3A_17, %get3A_18] : memref<1x32xf32, #tpu.memory_space<vmem>>, vector<1x32xf32>
    %add3A_20 = vector.broadcast %get3A_19 : vector<1x32xf32> to vector<2000x32xf32>
    %add3A_21 = arith.addf %mul3A_16, %add3A_20 : vector<2000x32xf32>
    %max3A = arith.constant 0.000000e+00 : f32
    %max3A_22 = vector.broadcast %max3A : f32 to vector<2000x32xf32>
    %max3A_23 = arith.maximumf %add3A_21, %max3A_22 : vector<2000x32xf32>
    %get3A_24 = arith.constant 0 : index
    %get3A_25 = arith.constant 0 : index
    %get3A_26 = vector.load %arg6[%get3A_24, %get3A_25] : memref<32x16xf32, #tpu.memory_space<vmem>>, vector<32x16xf32>
    %dot_general3A = arith.constant dense<0.000000e+00> : vector<2000x16xf32>
    %dot_general3A_27 = tpu.matmul %max3A_23, %get3A_26, %dot_general3A {dimension_numbers = #tpu.dot_dimension_numbers<[1], [0], [0], [1], [0, 0, 1, 1], [], []>, transpose_lhs_hint = false} : vector<2000x32xf32>, vector<32x16xf32>, vector<2000x16xf32> -> vector<2000x16xf32>
    %get3A_28 = arith.constant 0 : index
    %get3A_29 = arith.constant 0 : index
    %get3A_30 = vector.load %arg7[%get3A_28, %get3A_29] : memref<1x16xf32, #tpu.memory_space<vmem>>, vector<1x16xf32>
    %add3A_31 = vector.broadcast %get3A_30 : vector<1x16xf32> to vector<2000x16xf32>
    %add3A_32 = arith.addf %dot_general3A_27, %add3A_31 : vector<2000x16xf32>
    %max3A_33 = arith.constant 0.000000e+00 : f32
    %max3A_34 = vector.broadcast %max3A_33 : f32 to vector<2000x16xf32>
    %max3A_35 = arith.maximumf %add3A_32, %max3A_34 : vector<2000x16xf32>
    %get3A_36 = arith.constant 0 : index
    %get3A_37 = arith.constant 0 : index
    %get3A_38 = vector.load %arg8[%get3A_36, %get3A_37] : memref<16x16xf32, #tpu.memory_space<vmem>>, vector<16x16xf32>
    %dot_general3A_39 = arith.constant dense<0.000000e+00> : vector<2000x16xf32>
    %dot_general3A_40 = tpu.matmul %max3A_35, %get3A_38, %dot_general3A_39 {dimension_numbers = #tpu.dot_dimension_numbers<[1], [0], [0], [1], [0, 0, 1, 1], [], []>, transpose_lhs_hint = false} : vector<2000x16xf32>, vector<16x16xf32>, vector<2000x16xf32> -> vector<2000x16xf32>
    %get3A_41 = arith.constant 0 : index
    %get3A_42 = arith.constant 0 : index
    %get3A_43 = vector.load %arg9[%get3A_41, %get3A_42] : memref<1x16xf32, #tpu.memory_space<vmem>>, vector<1x16xf32>
    %add3A_44 = vector.broadcast %get3A_43 : vector<1x16xf32> to vector<2000x16xf32>
    %add3A_45 = arith.addf %dot_general3A_40, %add3A_44 : vector<2000x16xf32>
    %max3A_46 = arith.constant 0.000000e+00 : f32
    %max3A_47 = vector.broadcast %max3A_46 : f32 to vector<2000x16xf32>
    %max3A_48 = arith.maximumf %add3A_45, %max3A_47 : vector<2000x16xf32>
    %get3A_49 = arith.constant 0 : index
    %get3A_50 = arith.constant 0 : index
    %get3A_51 = vector.load %arg10[%get3A_49, %get3A_50] : memref<32x8xf32, #tpu.memory_space<vmem>>, vector<32x8xf32>
    %slice3A = vector.extract_strided_slice %get3A_51 {offsets = [0, 0], sizes = [16, 8], strides = [1, 1]} : vector<32x8xf32> to vector<16x8xf32>
    %dot_general3A_52 = arith.constant dense<0.000000e+00> : vector<2000x8xf32>
    %dot_general3A_53 = tpu.matmul %max3A_48, %slice3A, %dot_general3A_52 {dimension_numbers = #tpu.dot_dimension_numbers<[1], [0], [0], [1], [0, 0, 1, 1], [], []>, transpose_lhs_hint = false} : vector<2000x16xf32>, vector<16x8xf32>, vector<2000x8xf32> -> vector<2000x8xf32>
    %get3A_54 = arith.constant 0 : index
    %get3A_55 = arith.constant 0 : index
    %get3A_56 = vector.load %arg11[%get3A_54, %get3A_55] : memref<1x8xf32, #tpu.memory_space<vmem>>, vector<1x8xf32>
    %add3A_57 = vector.broadcast %get3A_56 : vector<1x8xf32> to vector<2000x8xf32>
    %add3A_58 = arith.addf %dot_general3A_53, %add3A_57 : vector<2000x8xf32>
    %slice3A_59 = vector.extract_strided_slice %get3A_51 {offsets = [16, 0], sizes = [16, 8], strides = [1, 1]} : vector<32x8xf32> to vector<16x8xf32>
    %dot_general3A_60 = arith.constant dense<0.000000e+00> : vector<2000x8xf32>
    %dot_general3A_61 = tpu.matmul %max3A_48, %slice3A_59, %dot_general3A_60 {dimension_numbers = #tpu.dot_dimension_numbers<[1], [0], [0], [1], [0, 0, 1, 1], [], []>, transpose_lhs_hint = false} : vector<2000x16xf32>, vector<16x8xf32>, vector<2000x8xf32> -> vector<2000x8xf32>
    %concatenate3A = tpu.concatenate %add3A_58, %add3A_58 in 1 : vector<2000x8xf32>, vector<2000x8xf32> -> vector<2000x16xf32>
    %swap3A = arith.constant 0 : index
    %swap3A_62 = arith.constant 0 : index
    %swap3A_63 = vector.load %arg12[%swap3A, %swap3A_62] : memref<2000x16xf32, #tpu.memory_space<vmem>>, vector<2000x16xf32>
    tpu.vector_store %arg12[%swap3A, %swap3A_62], %concatenate3A {strides = array<i32>} : memref<2000x16xf32, #tpu.memory_space<vmem>>, vector<2000x16xf32>,
    %concatenate3A_64 = tpu.concatenate %dot_general3A_61, %dot_general3A_61 in 1 : vector<2000x8xf32>, vector<2000x8xf32> -> vector<2000x16xf32>
    %swap3A_65 = arith.constant 0 : index
    %swap3A_66 = arith.constant 0 : index
    %swap3A_67 = vector.load %arg13[%swap3A_65, %swap3A_66] : memref<2000x16xf32, #tpu.memory_space<vmem>>, vector<2000x16xf32>
    tpu.vector_store %arg13[%swap3A_65, %swap3A_66], %concatenate3A_64 {strides = array<i32>} : memref<2000x16xf32, #tpu.memory_space<vmem>>, vector<2000x16xf32>,
    return
  }
  func.func @transform_0(%arg0: i32) -> (i32, i32, i32) {
    %c0_i32 = arith.constant 0 : i32
    %c0_i32_0 = arith.constant 0 : i32
    %c0_i32_1 = arith.constant 0 : i32
    return %c0_i32, %arg0, %c0_i32_0 : i32, i32, i32
  }
  func.func @transform_1(%arg0: i32) -> (i32, i32, i32) {
    %c1_i32 = arith.constant 1 : i32
    %c0_i32 = arith.constant 0 : i32
    %c0_i32_0 = arith.constant 0 : i32
    return %c1_i32, %arg0, %c0_i32 : i32, i32, i32
  }
  func.func @transform_2(%arg0: i32) -> (i32, i32) {
    %c0_i32 = arith.constant 0 : i32
    %c0_i32_0 = arith.constant 0 : i32
    return %arg0, %c0_i32 : i32, i32
  }
  func.func @transform_3(%arg0: i32) -> (i32, i32) {
    %c0_i32 = arith.constant 0 : i32
    %c0_i32_0 = arith.constant 0 : i32
    return %arg0, %c0_i32 : i32, i32
  }
  func.func @transform_4(%arg0: i32) -> (i32, i32) {
    %c0_i32 = arith.constant 0 : i32
    %c0_i32_0 = arith.constant 0 : i32
    %c0_i32_1 = arith.constant 0 : i32
    return %c0_i32, %c0_i32_0 : i32, i32
  }
  func.func @transform_5(%arg0: i32) -> (i32, i32) {
    %c0_i32 = arith.constant 0 : i32
    %c0_i32_0 = arith.constant 0 : i32
    %c0_i32_1 = arith.constant 0 : i32
    return %c0_i32, %c0_i32_0 : i32, i32
  }
  func.func @transform_6(%arg0: i32) -> (i32, i32) {
    %c0_i32 = arith.constant 0 : i32
    %c0_i32_0 = arith.constant 0 : i32
    %c0_i32_1 = arith.constant 0 : i32
    return %c0_i32, %c0_i32_0 : i32, i32
  }
  func.func @transform_7(%arg0: i32) -> (i32, i32) {
    %c0_i32 = arith.constant 0 : i32
    %c0_i32_0 = arith.constant 0 : i32
    %c0_i32_1 = arith.constant 0 : i32
    return %c0_i32, %c0_i32_0 : i32, i32
  }
  func.func @transform_8(%arg0: i32) -> (i32, i32) {
    %c0_i32 = arith.constant 0 : i32
    %c0_i32_0 = arith.constant 0 : i32
    %c0_i32_1 = arith.constant 0 : i32
    return %c0_i32, %c0_i32_0 : i32, i32
  }
  func.func @transform_9(%arg0: i32) -> (i32, i32) {
    %c0_i32 = arith.constant 0 : i32
    %c0_i32_0 = arith.constant 0 : i32
    %c0_i32_1 = arith.constant 0 : i32
    return %c0_i32, %c0_i32_0 : i32, i32
  }
  func.func @transform_10(%arg0: i32) -> (i32, i32) {
    %c0_i32 = arith.constant 0 : i32
    %c0_i32_0 = arith.constant 0 : i32
    %c0_i32_1 = arith.constant 0 : i32
    return %c0_i32, %c0_i32_0 : i32, i32
  }
  func.func @transform_11(%arg0: i32) -> (i32, i32) {
    %c0_i32 = arith.constant 0 : i32
    %c0_i32_0 = arith.constant 0 : i32
    return %arg0, %c0_i32 : i32, i32
  }
  func.func @transform_12(%arg0: i32) -> (i32, i32) {
    %c0_i32 = arith.constant 0 : i32
    %c0_i32_0 = arith.constant 0 : i32
    return %arg0, %c0_i32 : i32, i32
  }
}

module attributes {stable_mosaic.version = 14 : i64} {
  func.func @body(%arg0: i32, %arg1: memref<104x2048xf32, #tpu.memory_space<vmem>>, %arg2: memref<104x2048xf32, #tpu.memory_space<vmem>>, %arg3: memref<2048x128xf32, #tpu.memory_space<vmem>>, %arg4: memref<1x1xf32, #tpu.memory_space<vmem>>, %arg5: memref<104x128xf32, #tpu.memory_space<vmem>>) attributes {dimension_semantics = [#tpu.dimension_semantics<arbitrary>], iteration_bounds = array<i64: 8>, scalar_prefetch = 0 : i64, scratch_operands = 0 : i64, tpu.core_type = #tpu.core_type<tc>, window_params = [{transform_indices = @transform_0, window_bounds = array<i64: 104, 2048>}, {transform_indices = @transform_1, window_bounds = array<i64: 104, 2048>}, {pipeline_mode = #tpu.pipeline_mode<synchronous>, transform_indices = @transform_2, window_bounds = array<i64: 2048, 128>}, {pipeline_mode = #tpu.pipeline_mode<synchronous>, transform_indices = @transform_3, window_bounds = array<i64: 1, 1>}, {transform_indices = @transform_4, window_bounds = array<i64: 104, 128>}]} {
    %get3A = arith.constant 0 : index
    %get3A_0 = arith.constant 0 : index
    %get3A_1 = vector.load %arg1[%get3A, %get3A_0] : memref<104x2048xf32, #tpu.memory_space<vmem>>, vector<104x2048xf32>
    %get3A_2 = arith.constant 0 : index
    %get3A_3 = arith.constant 0 : index
    %get3A_4 = vector.load %arg2[%get3A_2, %get3A_3] : memref<104x2048xf32, #tpu.memory_space<vmem>>, vector<104x2048xf32>
    %add3A = arith.addf %get3A_1, %get3A_4 : vector<104x2048xf32>
    %max3A = arith.constant 0.000000e+00 : f32
    %max3A_5 = vector.broadcast %max3A : f32 to vector<104x2048xf32>
    %max3A_6 = arith.maximumf %add3A, %max3A_5 : vector<104x2048xf32>
    %get3A_7 = arith.constant 0 : index
    %get3A_8 = arith.constant 0 : index
    %get3A_9 = vector.load %arg3[%get3A_7, %get3A_8] : memref<2048x128xf32, #tpu.memory_space<vmem>>, vector<2048x128xf32>
    %dot_general3A = arith.constant dense<0.000000e+00> : vector<104x128xf32>
    %dot_general3A_10 = tpu.matmul %max3A_6, %get3A_9, %dot_general3A {dimension_numbers = #tpu.dot_dimension_numbers<[1], [0], [0], [1], [0, 0, 1, 1], [], []>, transpose_lhs_hint = false} : vector<104x2048xf32>, vector<2048x128xf32>, vector<104x128xf32> -> vector<104x128xf32>
    %get3A_11 = arith.constant 0 : index
    %get3A_12 = arith.constant 0 : index
    %get3A_13 = vector.load %arg4[%get3A_11, %get3A_12] : memref<1x1xf32, #tpu.memory_space<vmem>>, vector<1x1xf32>
    %add3A_14 = vector.broadcast %get3A_13 : vector<1x1xf32> to vector<104x128xf32>
    %add3A_15 = arith.addf %dot_general3A_10, %add3A_14 : vector<104x128xf32>
    %neg3A = arith.constant 0.000000e+00 : f32
    %neg3A_16 = vector.broadcast %neg3A : f32 to vector<104x128xf32>
    %neg3A_17 = arith.subf %neg3A_16, %add3A_15 : vector<104x128xf32>
    %exp3A = math.exp %neg3A_17 : vector<104x128xf32>
    %add3A_18 = arith.constant 1.000000e+00 : f32
    %add3A_19 = vector.broadcast %add3A_18 : f32 to vector<104x128xf32>
    %add3A_20 = arith.addf %add3A_19, %exp3A : vector<104x128xf32>
    %div3A = arith.constant 1.000000e+00 : f32
    %div3A_21 = vector.broadcast %div3A : f32 to vector<104x128xf32>
    %div3A_22 = arith.divf %div3A_21, %add3A_20 : vector<104x128xf32>
    %swap3A = arith.constant 0 : index
    %swap3A_23 = arith.constant 0 : index
    %swap3A_24 = vector.load %arg5[%swap3A, %swap3A_23] : memref<104x128xf32, #tpu.memory_space<vmem>>, vector<104x128xf32>
    tpu.vector_store %arg5[%swap3A, %swap3A_23], %div3A_22 {strides = array<i32>} : memref<104x128xf32, #tpu.memory_space<vmem>>, vector<104x128xf32>,
    return
  }
  func.func @transform_0(%arg0: i32) -> (i32, i32) {
    %c0_i32 = arith.constant 0 : i32
    %c0_i32_0 = arith.constant 0 : i32
    return %arg0, %c0_i32 : i32, i32
  }
  func.func @transform_1(%arg0: i32) -> (i32, i32) {
    %c0_i32 = arith.constant 0 : i32
    %c0_i32_0 = arith.constant 0 : i32
    return %arg0, %c0_i32 : i32, i32
  }
  func.func @transform_2(%arg0: i32) -> (i32, i32) {
    %c0_i32 = arith.constant 0 : i32
    %c0_i32_0 = arith.constant 0 : i32
    %c0_i32_1 = arith.constant 0 : i32
    return %c0_i32, %c0_i32_0 : i32, i32
  }
  func.func @transform_3(%arg0: i32) -> (i32, i32) {
    %c0_i32 = arith.constant 0 : i32
    %c0_i32_0 = arith.constant 0 : i32
    %c0_i32_1 = arith.constant 0 : i32
    return %c0_i32, %c0_i32_0 : i32, i32
  }
  func.func @transform_4(%arg0: i32) -> (i32, i32) {
    %c0_i32 = arith.constant 0 : i32
    %c0_i32_0 = arith.constant 0 : i32
    return %arg0, %c0_i32 : i32, i32
  }
}

</mosaic_0001>

<sc_bundles>
// kernel: kernel.12.cloned.1.call-start
scs
__scs_entry_jumppad:
0x0: {  	(pc) =	sbr.rel $0x88, $3  }
0x1: {  	(tag) =	ssettag $0x0;
	lr =	simm.s32 $0x1  }
0x2: {  	[smem:$0x3F90] =	sst lr;
	_ =	strace $0xD0000000  }
0x3: {  	_ = 	snop  }
0x4: {  	_ = 	snop  }
0x5: {  	_ = 	snop  }
0x6: {  	_ = 	snop  }
0x7: {  	_ = 	snop  }
__scs_overlays_trampoline_lowered:
0x8: {  	[smem:$0x3F9F] =	sst s0  }
0x9: {  	[smem:$0x3FA0] =	sst s1  }
0xa: {  	[smem:$0x3FA1] =	sst s2  }
0xb: {  	[smem:$0x3FA2] =	sst s3  }
0xc: {  	[smem:$0x3FA3] =	sst s4  }
0xd: {  	[smem:$0x3FA4] =	sst s5  }
0xe: {  	[smem:$0x3FA5] =	sst s6  }
0xf: {  	[smem:$0x3FA6] =	sst s7  }
0x10: {  	[smem:$0x3FA7] =	sst s8  }
0x11: {  	[smem:$0x3FA8] =	sst s9;
	s0 =	simm.s32 @!p0 $0x0  }
0x12: {  	s1 =	sld [smem:$0x3F8E];
	s0 =	simm.s32 @p0 $0x1  }
0x13: {  	[smem:$0x3FA9] =	sst s0;
	s0 =	simm.s32 @!p1 $0x0  }
0x14: {  	s2 =	sld [smem:$0x3F8D];
	s0 =	simm.s32 @p1 $0x1  }
0x15: {  	[smem:$0x3FAA] =	sst s0;
	s0 =	simm.s32 @!p2 $0x0  }
0x16: {  	s3 =	sld [smem:$0x3FDB];
	s0 =	simm.s32 @p2 $0x1  }
0x17: {  	s4 =	simm.s32 $0x1BF5;
	[smem:$0x3FAC] =	sst s0  }
0x18: {  	s0 =	sld [smem:$0x3F8F];
	_ =	swait.ge [sflag:s4], $0x0  }
0x19: {  	s7 =	sld [smem:$0x3F90]  }
0x1a: {  	s8 =	sadd.s32 $0xFFFFE003, lr  }
0x1b: {  	s9 =	sadd.s32 $0xFFFFFEF7, lr;
	s5 =	simm.s32 $0xFFFFFFFF;
	p2 =	slt.u32 s8, $0xFFFFF086  }
0x1c: {  	p1 =	slt.u32 s9, $0xF7A;
	s5 =	simm.s32 @!p2 $0x0  }
0x1d: {  	s5 =	simm.s32 @p1 $0x1;
	p0 =	seq.s32 s7, s2  }
0x1e: {  	s7 =	smul.u32 @!p0 $0xF7A, s2;
	p2 =	seq.s32 @!p0 s5, $0x0  }
0x1f: {  	s9 =	smul.u32 $0xF7A, s1;
	s8 =	simm.s32 @!p0 $0x1BF5;
	p2 =	por !p2, p0  }
0x20: {  	[sflag:s8] =	ssyncset.s32 @!p0 $0xFFFFF086;
	s6 =	sadd.s32 @!p0 s3, s7;
	s7 =	simm.s32 @!p0 $0x108  }
0x21: {  	s3 =	sadd.s32 s3, s9;
	s6 =	sadd.s32 @!p0 $0x88, s6;
	s7 =	simm.s32 @p2 $0x1082  }
0x22: {  	[simem:s7], [sflag:s8] =	dma.local @!p0 [hbm:s6], $0xF7A  }
0x23: {  	s9 =	sor.u32 $0xD0000000, s2;
	s6 =	simm.s32 $0x108;
	_ =	swait.ge @!p0 [sflag:s8], $0x0  }
0x24: {  	s3 =	sadd.s32 $0x88, s3;
	s6 =	simm.s32 @!p1 $0x1082;
	[sflag:s4] =	ssyncset.s32 $0xFFFFF086  }
0x25: {  	[simem:s6], [sflag:s4] =	dma.local [hbm:s3], $0xF7A  }
0x26: {  	[smem:$0x3F90] =	sst s1;
	(tag) =	ssettag s2;
	_ =	strace s9  }
0x27: {  	s1 =	sld [smem:$0x3FA0]  }
0x28: {  	s2 =	sld [smem:$0x3FA1]  }
0x29: {  	s4 =	sld [smem:$0x3FA3]  }
0x2a: {  	p0 =	seq.s32 s5, $0x0;
	s5 =	sld [smem:$0x3FA4]  }
0x2b: {  	s6 =	sld [smem:$0x3FA5]  }
0x2c: {  	s7 =	sld [smem:$0x3FA6]  }
0x2d: {  	s3 =	simm.s32 $0x108;
	s8 =	sld [smem:$0x3FA7]  }
0x2e: {  	s3 =	simm.s32 @!p0 $0x1082;
	s9 =	sld [smem:$0x3FA8]  }
0x2f: {  	lr =	sadd.s32 s0, s3;
	s0 =	sld [smem:$0x3F9F]  }
0x30: {  	s3 =	sld [smem:$0x3FA2]  }
0x31: {  	[smem:$0x3FAB] =	sst s10  }
0x32: {  	s10 =	sld [smem:$0x3FA9];
	_ =	sdelay $0x3  }
0x33: {  	p0 =	seq.s32 s10, $0x1;
	s10 =	sld [smem:$0x3FAB];
	_ =	sdelay $0x3  }
0x34: {  	[smem:$0x3FAB] =	sst s10  }
0x35: {  	s10 =	sld [smem:$0x3FAA];
	_ =	sdelay $0x3  }
0x36: {  	p1 =	seq.s32 s10, $0x1;
	s10 =	sld [smem:$0x3FAB];
	_ =	sdelay $0x3  }
0x37: {  	[smem:$0x3FAB] =	sst s10  }
0x38: {  	s10 =	sld [smem:$0x3FAC]  }
0x39: {  	_ = 	snop;
	(pc) =	sbr.ind lr, $3  }
0x3a: {  	_ = 	snop  }
0x3b: {  	_ = 	snop  }
0x3c: {  	p2 =	seq.s32 s10, $0x1;
	s10 =	sld [smem:$0x3FAB]  }
0x3d: {  	_ =	shalt  }
0x3e: {  	_ =	shalt  }
0x3f: {  	_ =	shalt  }
0x40: {  	_ =	shalt  }
0x41: {  	_ =	shalt  }
0x42: {  	_ =	shalt  }
0x43: {  	_ =	shalt  }
0x44: {  	_ =	shalt  }
0x45: {  	_ =	shalt  }
0x46: {  	_ =	shalt  }
0x47: {  	_ =	shalt  }
0x48: {  	_ =	shalt  }
0x49: {  	_ =	shalt  }
0x4a: {  	_ =	shalt  }
0x4b: {  	_ =	shalt  }
0x4c: {  	_ =	shalt  }
0x4d: {  	_ =	shalt  }
0x4e: {  	_ =	shalt  }
0x4f: {  	_ =	shalt  }
0x50: {  	_ =	shalt  }
0x51: {  	_ =	shalt  }
0x52: {  	_ =	shalt  }
0x53: {  	_ =	shalt  }
0x54: {  	_ =	shalt  }
0x55: {  	_ =	shalt  }
0x56: {  	_ =	shalt  }
0x57: {  	_ =	shalt  }
0x58: {  	_ =	shalt  }
0x59: {  	_ =	shalt  }
0x5a: {  	_ =	shalt  }
0x5b: {  	_ =	shalt  }
0x5c: {  	_ =	shalt  }
0x5d: {  	_ =	shalt  }
0x5e: {  	_ =	shalt  }
0x5f: {  	_ =	shalt  }
0x60: {  	_ =	shalt  }
0x61: {  	_ =	shalt  }
0x62: {  	_ =	shalt  }
0x63: {  	_ =	shalt  }
0x64: {  	_ =	shalt  }
0x65: {  	_ =	shalt  }
0x66: {  	_ =	shalt  }
0x67: {  	_ =	shalt  }
0x68: {  	_ =	shalt  }
0x69: {  	_ =	shalt  }
0x6a: {  	_ =	shalt  }
0x6b: {  	_ =	shalt  }
0x6c: {  	_ =	shalt  }
0x6d: {  	_ =	shalt  }
0x6e: {  	_ =	shalt  }
0x6f: {  	_ =	shalt  }
0x70: {  	_ =	shalt  }
0x71: {  	_ =	shalt  }
0x72: {  	_ =	shalt  }
0x73: {  	_ =	shalt  }
0x74: {  	_ =	shalt  }
0x75: {  	_ =	shalt  }
0x76: {  	_ =	shalt  }
0x77: {  	_ =	shalt  }
0x78: {  	_ =	shalt  }
0x79: {  	_ =	shalt  }
0x7a: {  	_ =	shalt  }
0x7b: {  	_ =	shalt  }
0x7c: {  	_ =	shalt  }
0x7d: {  	_ =	shalt  }
0x7e: {  	_ =	shalt  }
0x7f: {  	_ =	shalt  }
0x80: {  	_ =	shalt  }
0x81: {  	_ =	shalt  }
0x82: {  	_ =	shalt  }
0x83: {  	_ =	shalt  }
0x84: {  	_ =	shalt  }
0x85: {  	_ =	shalt  }
0x86: {  	_ =	shalt  }
0x87: {  	_ =	shalt  }
.Lfunc_end0:
.L_simem_size_0:
called_computation_lowered:
.L_overlay_start_0:
0x88: {  	s2 =	sld [smem:$0x3FD9]  }
0x89: {  	s3 =	sld [smem:$0x3FFE];
	_ =	sdelay $0x1  }
0x8a: {  	s1 =	srdreg.scid  }
0x8b: {  	s0 =	sand.u32 $0x1, s1  }
0x8c: {  	s16 =	sshll.u32 s0, $0xA;
	s2 =	sadd.s32 s3, s2  }
0x8d: {  	s2 =	sadd.s32 s2, s16  }
0x8e: {  	[smem:$0x3FB7] =	sst s2  }
0x8f: {  	_ = 	snop  }
0x90: {  	(tm) =	ssettm $0x1  }
0x91: {  	s17 =	sld [smem:$0x3FFB];
	_ =	sdelay $0x3  }
0x92: {  	_ =	strace s17  }
0x93: {  	s2 =	sld [smem:$0x3FFC];
	_ =	sdelay $0x3  }
0x94: {  	_ =	strace s2  }
0x95: {  	s2 =	sld [smem:$0x3FFD];
	_ =	sdelay $0x3  }
0x96: {  	_ =	strace s2  }
0x97: {  	_ =	strace $0x8FFFFFFF  }
0x98: {  	s18 =	sld [smem:$0x3FDB];
	_ =	sdelay $0x1  }
0x99: {  	s19 =	simm.s32 $_scs_section_size  }
0x9a: {  	s4 =	simm.s32 $_size__tile_overlayer_lowered;
	s5 =	simm.s32 $_tile_overlayer_lowered  }
0x9b: {  	s22 =	simm.s32 $0x1BFF;
	s21 =	sshll.u32 s5, $0x1;
	s2 =	sadd.s32 s19, s18  }
0x9c: {  	s6 =	simm.s32 $0x0;
	s20 =	sshll.u32 s4, $0x1;
	s4 =	sadd.s32 s21, s2  }
0x9d: {  	[timem:s6], [sflag:s22] =	dma.local [hbm:s4], s20  }
0x9e: {  	_ =	swait.ge [sflag:s22], s20  }
0x9f: {  	s3 =	ssub.s32 $0x0, s20;
	[sflag:s22] =	ssyncset.done $0x0  }
0xa0: {  	[sflag:s22] =	ssyncadd.s32 s3;
	_ =	sdelay $0x1  }
0xa1: {  	s23 =	simm.s32 $0x1B8B  }
0xa2: {  	_ =	swait.ge [sflag:s23], $0x1  }
0xa3: {  	[sflag:s23] =	ssyncset.done $0x0  }
0xa4: {  	s25 =	simm.s32 $0x1B8E;
	s24 =	sld [smem:$0x3FFE];
	[sflag:s23] =	ssyncadd.s32 $0xFFFFFFFF  }
0xa5: {  	s26 =	simm.s32 $execute0_lowered;
	[smem:$0x3FD2] =	sst s25  }
0xa6: {  	s4 =	sshll.u32 s26, $0x1;
	_ =	strace $0x80000046;
	[dreg:$0x1] =	wrdreg $0xFFFFFFFF  }
0xa7: {  	s28 =	simm.s32 $_size_execute0_lowered;
	s2 =	sadd.s32 s2, s4;
	[dreg:$0x0] =	wrdreg $0x0  }
0xa8: {  	s4 =	sshll.u32 s28, $0x1;
	[dreg:$0x2] =	wrdreg s2  }
0xa9: {  	[dreg:$0x3] =	wrdreg s4  }
0xaa: {  	[dreg:$0x4] =	wrdreg $0xC0  }
0xab: {  	_ =	task [dreg:s6], $0x5FFFF  }
0xac: {  	[dreg:$0x1] =	wrdreg $0xFFFFFFFF  }
0xad: {  	[dreg:$0x0] =	wrdreg $0x60  }
0xae: {  	[dreg:$0x2] =	wrdreg s24  }
0xaf: {  	[dreg:$0x3] =	wrdreg $0x38000  }
0xb0: {  	[dreg:$0x4] =	wrdreg $0x9  }
0xb1: {  	_ =	task.clear_ibuf [dreg:s6], $0x5FFFF;
	_ =	strace $0x90000046  }
0xb2: {  	s29 =	simm.s32 $0x9;
	_ =	strace $0x80000048  }
0xb3: {  	_ =	swait.ge [sflag:s29], $0x1  }
0xb4: {  	[sflag:s29] =	ssyncadd.s32 $0xFFFFFFFF  }
0xb5: {  	_ =	strace $0x90000048  }
0xb6: {  	_ =	sfence  }
0xb7: {  	s30 =	sld [smem:$0x0];
	_ =	sdelay $0x2  }
0xb8: {  	s31 =	sshll.u32 s1, $0xD;
	s1 =	sshrl.u32 s1, $0x2  }
0xb9: {  	s3 =	sand.u32 $0x4000, s31;
	s1 =	sadd.s32 s1, s30  }
0xba: {  	s0 =	sor.u32 s3, s0;
	s1 =	sshll.u32 s1, $0x11  }
0xbb: {  	s0 =	sor.u32 s1, s0  }
0xbc: {  	s0 =	sadd.s32 $0x8F2B, s0  }
0xbd: {  	[sflag:s0] =	ssyncadd.remote.s32 $0x1  }
0xbe: {  	_ =	sfence.sel $0xFFFF  }
0xbf: {  	[dreg:$0x0] =	wrdreg $0xFFFFFFFF;
	(pc) =	sbr.abs _section_cstart, $3  }
0xc0: {  	[dreg:$0x1] =	wrdreg $0xFFFFFFFF  }
0xc1: {  	_ =	task.clear_ibuf [dreg:s6], $0x2FFFF;
	_ =	strace $0x9FFFFFFF  }
0xc2: {  	(tm) =	ssettm $0x7FFFFFFF  }
0xc3: {  	_ =	shalt  }
tec
execute0_lowered:
.L_overlay_start_1:
0x0: {  	(tag) =	ssettag $0x1  }
0x1: {  	s1 =	srdreg.scid;
	s5 =	rddreg [dreg:$0x0]  }
0x2: {  	s0 =	stileid.u32;
	s2 =	rddreg [dreg:$0x1];
	s3 =	simm.s32 $0x0  }
0x3: {  	s12 =	simm.s32 $0x1;
	s13 =	simm.s32 $0x3000;
	s14 =	simm.s32 $0x80  }
0x4: {  	s15 =	simm.s32 $0x2800;
	s18 =	simm.s32 $0x10;
	s19 =	simm.s32 $0x2  }
0x5: {  	s20 =	simm.s32 $0x0;
	s4 =	sand.u32 $0x1, s1;
	s8 =	smul.u32 $0x14000, s0  }
0x6: {  	s28 =	sshll.u32 s0, $0x1;
	[smem:$0x7FF] =	sst s3;
	s9 =	smul.u32 $0xA000, s0  }
0x7: {  	s16 =	sshll.u32 s0, $0x6;
	s1 =	sor.u32 s4, s28;
	s7 =	smul.u32 $0x140000, s4  }
0x8: {  	s29 =	ssub.s32 $0x2, s4;
	s16 =	sor.u32 $0x1C01, s16;
	s6 =	smul.u32 $0x500, s1  }
0x9: {  	s1 =	rddreg [dreg:$0x2];
	_ =	strace $0x80000047;
	s30 =	sshrl.u32 s9, $0x2  }
0xa: {  	s31 =	sshrl.u32 s29, $0x1;
	s7 =	sadd.s32 s8, s7;
	s4 =	sadd.s32 s30, s2  }
0xb: {  	s11 =	ssub.s32 s29, s31;
	s6 =	sadd.s32 s6, s5;
	s7 =	sshrl.u32 s7, $0x3  }
0xc: {  	s8 =	sadd.s32 $0x1800, s4;
	s9 =	sadd.s32 $0x2000, s4;
	s11 =	smax.u32 s11, $0x1  }
0xd: {  	s17 =	sshrl.u32 s4, $0x3;
	s10 =	sadd.s32 s7, s5;
	s5 =	sadd.s32 $0x3800, s6  }
0xe: {  	v0 =	vimm.f32 $1.000000000e+00;
	v1 =	vimm.f32 $0.0e+00;
	s6 =	sadd.s32 $0x800, s4;
	s7 =	sadd.s32 $0x1000, s4;
	s10 =	sadd.s32 $0x17800, s10  }
.LBB2_1:
0xf: {  	[tilespmem:s3], [sflag:$0x1] =	stream.linear.gather [hbm4b:s5+s3], $0x2800, $0x38;
	[tilespmem:$0x6000] =	vst v63  }
0x10: {  	_ =	swait.ge [sflag:s12], $0x2800  }
0x11: {  	[sflag:s12] =	ssyncset.done $0x0  }
0x12: {  	s21 =	simm.s32 $0x0;
	[sflag:s12] =	ssyncadd.s32 $0xFFFFD800  }
.LBB2_2:
0x13: {  	p0 =	sne.s32 s21, $0x1FC0  }
.Ltmp0:
0x14: {  	_ = 	snop;
	(pc) =	sbr.rel @p0 .LBB2_2-.Ltmp0, $3  }
0x15: {  	_ =	sdelay $0x1  }
0x16: {  	s22 =	sshra.s32 s21, $0x2  }
0x17: {  	s21 =	sadd.s32 $0x40, s21;
	[tilespmem:s22+$0x2800] =	vst v0  }
0x18: {  	s21 =	simm.s32 $0x40;
	s22 =	simm.s32 $0x0  }
.LBB2_4:
0x19: {  	p0 =	sne.s32 s21, $0x1FC0;
	[tilespmem:s22+$0x3000] =	vst v1;
	s22 =	smov.u32 s21;
	s21 =	sadd.s32 $0x40, s21  }
.Ltmp1:
0x1a: {  	(pc) =	sbr.rel @p0 .LBB2_4-.Ltmp1, $2  }
0x1b: {  	_ =	sdelay $0x2  }
0x1c: {  	s22 =	sshra.s32 s22, $0x2  }
0x1d: {  	[tilespmem:s22+$0x3000] =	vst v1  }
0x1e: {  	[spmem:s4] =	stream.linear.scatter [tilespmem:s13], [sflag:$0x1], $0x800, $0x38;
	[tilespmem:$0x6000] =	vst v63  }
0x1f: {  	_ =	swait.ge [sflag:s12], $0x800  }
0x20: {  	[sflag:s12] =	ssyncset.done $0x0  }
0x21: {  	[sflag:s12] =	ssyncadd.s32 $0xFFFFF800  }
0x22: {  	[spmem:s6] =	stream.linear.scatter [tilespmem:s13], [sflag:$0x1], $0x800, $0x38;
	[tilespmem:$0x6000] =	vst v63  }
0x23: {  	_ =	swait.ge [sflag:s12], $0x800  }
0x24: {  	[sflag:s12] =	ssyncset.done $0x0  }
0x25: {  	[sflag:s12] =	ssyncadd.s32 $0xFFFFF800  }
0x26: {  	[spmem:s7] =	stream.linear.scatter [tilespmem:s13], [sflag:$0x1], $0x800, $0x38;
	[tilespmem:$0x6000] =	vst v63  }
0x27: {  	_ =	swait.ge [sflag:s12], $0x800  }
0x28: {  	[sflag:s12] =	ssyncset.done $0x0  }
0x29: {  	[sflag:s12] =	ssyncadd.s32 $0xFFFFF800  }
0x2a: {  	[spmem:s8] =	stream.linear.scatter [tilespmem:s13], [sflag:$0x1], $0x800, $0x38;
	[tilespmem:$0x6000] =	vst v63  }
0x2b: {  	_ =	swait.ge [sflag:s12], $0x800  }
0x2c: {  	[sflag:s12] =	ssyncset.done $0x0  }
0x2d: {  	[sflag:s12] =	ssyncadd.s32 $0xFFFFF800  }
0x2e: {  	[spmem:s9] =	stream.linear.scatter [tilespmem:s13], [sflag:$0x1], $0x800, $0x38;
	[tilespmem:$0x6000] =	vst v63  }
0x2f: {  	_ =	swait.ge [sflag:s12], $0x800  }
0x30: {  	[sflag:s12] =	ssyncset.done $0x0  }
0x31: {  	[sflag:s12] =	ssyncadd.s32 $0xFFFFF800  }
0x32: {  	s21 =	simm.s32 $0x0;
	[bflag:$0x0] =	sbarrier.arrive $0xFFFF  }
0x33: {  	[spmem:s2] =	stream.indirect.scatter.add.f32 [tilespmem:s15], [sflag:$0x1], $0x10, s21, s14, $0xb8;
	[tilespmem:$0x6000] =	vst v63  }
0x34: {  	_ =	swait.ge [sflag:s12], $0x800  }
0x35: {  	s21 =	simm.s32 $0x200;
	[sflag:s12] =	ssyncset.done $0x0  }
.LBB2_6:
0x36: {  	s22 =	sshra.s32 s21, $0x2;
	[sflag:s12] =	ssyncadd.s32 $0xFFFFF800;
	p0 =	sne.s32 s21, $0x9E00  }
0x37: {  	[spmem:s2] =	stream.indirect.scatter.add.f32 [tilespmem:s15], [sflag:$0x1], $0x10, s22, s14, $0xb8;
	[tilespmem:$0x6000] =	vst v63  }
.Ltmp2:
0x38: {  	_ = 	snop;
	(pc) =	sbr.rel @p0 .LBB2_6-.Ltmp2, $4  }
0x39: {  	_ = 	snop  }
0x3a: {  	s21 =	sadd.s32 $0x200, s21  }
0x3b: {  	_ =	swait.ge [sflag:s12], $0x800  }
0x3c: {  	[sflag:s12] =	ssyncset.done $0x0  }
0x3d: {  	s20 =	sadd.s32 $0x1, s20  }
0x3e: {  	[sflag:s12] =	ssyncadd.s32 $0xFFFFF800;
	p0 =	sne.s32 s20, s11  }
.Ltmp3:
0x3f: {  	[bflag:$0x0] =	sbarrier.arrive $0xFFFF;
	(pc) =	sbr.rel @p0 .LBB2_1-.Ltmp3, $4  }
0x40: {  	[hbm:s10@s18], [sflag:s16] =	dma.strided [spmem:s17@s19], $0x500, s12, $0x2   }
0x41: {  	_ =	swait.ge [sflag:s12], $0x500  }
0x42: {  	[sflag:s12] =	ssyncset.done $0x0  }
0x43: {  	[sflag:s12] =	ssyncadd.s32 $0xFFFFFB00  }
0x44: {  	_ =	sfence.sel $0x180000  }
0x45: {  	[bflag:$0x0] =	sbarrier.arrive $0xFFFF  }
0x46: {  	p0 =	sne.s32 s0, $0x0;
	_ =	strace $0x90000047  }
0x47: {  	s0 =	sadd.s32 @!p0 $0x100000, s1;
	[bflag:$0x2] =	sbarrier.arrive $0xFFFF  }
0x48: {  	[sflag:s0] =	ssyncadd.tile.s32 @!p0 $0x1;
	_ =	shalt  }
.Lfunc_end2:
_tile_overlayer_lowered:
.L_overlay_start_2:
0x49: {  	(tag) =	ssettag $0x2  }
0x4a: {  	s0 =	rddreg [dreg:$0x0];
	s2 =	stileid.u32  }
0x4b: {  	s1 =	rddreg [dreg:$0x1];
	p0 =	sne.s32 s2, $0x0  }
0x4c: {  	s3 =	rddreg [dreg:$0x2];
	[bflag:$0x3] =	sbarrier.arrive $0xFFFF;
	s2 =	simm.s32 @!p0 $0x1C01  }
0x4d: {  	[timem:s3], [sflag:s2] =	dma.local @!p0 [hbm:s0], s1  }
0x4e: {  	s0 =	simm.s32 @!p0 $0x1  }
0x4f: {  	_ =	swait.ge @!p0 [sflag:s0], s1  }
0x50: {  	s1 =	ssub.s32 @!p0 $0x0, s1;
	[sflag:s0] =	ssyncset.done @!p0 $0x0  }
0x51: {  	[sflag:s0] =	ssyncadd.s32 @!p0 s1  }
0x52: {  	[bflag:$0x3] =	sbarrier.arrive $0xFFFF  }
0x53: {  	_ =	shalt  }

// kernel: kernel.15.cloned.1.call-start
scs
__scs_entry_jumppad:
0x0: {  	(pc) =	sbr.rel $0x88, $3  }
0x1: {  	(tag) =	ssettag $0x0;
	lr =	simm.s32 $0x1  }
0x2: {  	[smem:$0x3F90] =	sst lr;
	_ =	strace $0xD0000000  }
0x3: {  	_ = 	snop  }
0x4: {  	_ = 	snop  }
0x5: {  	_ = 	snop  }
0x6: {  	_ = 	snop  }
0x7: {  	_ = 	snop  }
__scs_overlays_trampoline_lowered:
0x8: {  	[smem:$0x3F9F] =	sst s0  }
0x9: {  	[smem:$0x3FA0] =	sst s1  }
0xa: {  	[smem:$0x3FA1] =	sst s2  }
0xb: {  	[smem:$0x3FA2] =	sst s3  }
0xc: {  	[smem:$0x3FA3] =	sst s4  }
0xd: {  	[smem:$0x3FA4] =	sst s5  }
0xe: {  	[smem:$0x3FA5] =	sst s6  }
0xf: {  	[smem:$0x3FA6] =	sst s7  }
0x10: {  	[smem:$0x3FA7] =	sst s8  }
0x11: {  	[smem:$0x3FA8] =	sst s9;
	s0 =	simm.s32 @!p0 $0x0  }
0x12: {  	s1 =	sld [smem:$0x3F8E];
	s0 =	simm.s32 @p0 $0x1  }
0x13: {  	[smem:$0x3FA9] =	sst s0;
	s0 =	simm.s32 @!p1 $0x0  }
0x14: {  	s2 =	sld [smem:$0x3F8D];
	s0 =	simm.s32 @p1 $0x1  }
0x15: {  	[smem:$0x3FAA] =	sst s0;
	s0 =	simm.s32 @!p2 $0x0  }
0x16: {  	s3 =	sld [smem:$0x3FDB];
	s0 =	simm.s32 @p2 $0x1  }
0x17: {  	s4 =	simm.s32 $0x1BF5;
	[smem:$0x3FAC] =	sst s0  }
0x18: {  	s0 =	sld [smem:$0x3F8F];
	_ =	swait.ge [sflag:s4], $0x0  }
0x19: {  	s7 =	sld [smem:$0x3F90]  }
0x1a: {  	s8 =	sadd.s32 $0xFFFFE003, lr  }
0x1b: {  	s9 =	sadd.s32 $0xFFFFFEF7, lr;
	s5 =	simm.s32 $0xFFFFFFFF;
	p2 =	slt.u32 s8, $0xFFFFF086  }
0x1c: {  	p1 =	slt.u32 s9, $0xF7A;
	s5 =	simm.s32 @!p2 $0x0  }
0x1d: {  	s5 =	simm.s32 @p1 $0x1;
	p0 =	seq.s32 s7, s2  }
0x1e: {  	s7 =	smul.u32 @!p0 $0xF7A, s2;
	p2 =	seq.s32 @!p0 s5, $0x0  }
0x1f: {  	s9 =	smul.u32 $0xF7A, s1;
	s8 =	simm.s32 @!p0 $0x1BF5;
	p2 =	por !p2, p0  }
0x20: {  	[sflag:s8] =	ssyncset.s32 @!p0 $0xFFFFF086;
	s6 =	sadd.s32 @!p0 s3, s7;
	s7 =	simm.s32 @!p0 $0x108  }
0x21: {  	s3 =	sadd.s32 s3, s9;
	s6 =	sadd.s32 @!p0 $0x88, s6;
	s7 =	simm.s32 @p2 $0x1082  }
0x22: {  	[simem:s7], [sflag:s8] =	dma.local @!p0 [hbm:s6], $0xF7A  }
0x23: {  	s9 =	sor.u32 $0xD0000000, s2;
	s6 =	simm.s32 $0x108;
	_ =	swait.ge @!p0 [sflag:s8], $0x0  }
0x24: {  	s3 =	sadd.s32 $0x88, s3;
	s6 =	simm.s32 @!p1 $0x1082;
	[sflag:s4] =	ssyncset.s32 $0xFFFFF086  }
0x25: {  	[simem:s6], [sflag:s4] =	dma.local [hbm:s3], $0xF7A  }
0x26: {  	[smem:$0x3F90] =	sst s1;
	(tag) =	ssettag s2;
	_ =	strace s9  }
0x27: {  	s1 =	sld [smem:$0x3FA0]  }
0x28: {  	s2 =	sld [smem:$0x3FA1]  }
0x29: {  	s4 =	sld [smem:$0x3FA3]  }
0x2a: {  	p0 =	seq.s32 s5, $0x0;
	s5 =	sld [smem:$0x3FA4]  }
0x2b: {  	s6 =	sld [smem:$0x3FA5]  }
0x2c: {  	s7 =	sld [smem:$0x3FA6]  }
0x2d: {  	s3 =	simm.s32 $0x108;
	s8 =	sld [smem:$0x3FA7]  }
0x2e: {  	s3 =	simm.s32 @!p0 $0x1082;
	s9 =	sld [smem:$0x3FA8]  }
0x2f: {  	lr =	sadd.s32 s0, s3;
	s0 =	sld [smem:$0x3F9F]  }
0x30: {  	s3 =	sld [smem:$0x3FA2]  }
0x31: {  	[smem:$0x3FAB] =	sst s10  }
0x32: {  	s10 =	sld [smem:$0x3FA9];
	_ =	sdelay $0x3  }
0x33: {  	p0 =	seq.s32 s10, $0x1;
	s10 =	sld [smem:$0x3FAB];
	_ =	sdelay $0x3  }
0x34: {  	[smem:$0x3FAB] =	sst s10  }
0x35: {  	s10 =	sld [smem:$0x3FAA];
	_ =	sdelay $0x3  }
0x36: {  	p1 =	seq.s32 s10, $0x1;
	s10 =	sld [smem:$0x3FAB];
	_ =	sdelay $0x3  }
0x37: {  	[smem:$0x3FAB] =	sst s10  }
0x38: {  	s10 =	sld [smem:$0x3FAC]  }
0x39: {  	_ = 	snop;
	(pc) =	sbr.ind lr, $3  }
0x3a: {  	_ = 	snop  }
0x3b: {  	_ = 	snop  }
0x3c: {  	p2 =	seq.s32 s10, $0x1;
	s10 =	sld [smem:$0x3FAB]  }
0x3d: {  	_ =	shalt  }
0x3e: {  	_ =	shalt  }
0x3f: {  	_ =	shalt  }
0x40: {  	_ =	shalt  }
0x41: {  	_ =	shalt  }
0x42: {  	_ =	shalt  }
0x43: {  	_ =	shalt  }
0x44: {  	_ =	shalt  }
0x45: {  	_ =	shalt  }
0x46: {  	_ =	shalt  }
0x47: {  	_ =	shalt  }
0x48: {  	_ =	shalt  }
0x49: {  	_ =	shalt  }
0x4a: {  	_ =	shalt  }
0x4b: {  	_ =	shalt  }
0x4c: {  	_ =	shalt  }
0x4d: {  	_ =	shalt  }
0x4e: {  	_ =	shalt  }
0x4f: {  	_ =	shalt  }
0x50: {  	_ =	shalt  }
0x51: {  	_ =	shalt  }
0x52: {  	_ =	shalt  }
0x53: {  	_ =	shalt  }
0x54: {  	_ =	shalt  }
0x55: {  	_ =	shalt  }
0x56: {  	_ =	shalt  }
0x57: {  	_ =	shalt  }
0x58: {  	_ =	shalt  }
0x59: {  	_ =	shalt  }
0x5a: {  	_ =	shalt  }
0x5b: {  	_ =	shalt  }
0x5c: {  	_ =	shalt  }
0x5d: {  	_ =	shalt  }
0x5e: {  	_ =	shalt  }
0x5f: {  	_ =	shalt  }
0x60: {  	_ =	shalt  }
0x61: {  	_ =	shalt  }
0x62: {  	_ =	shalt  }
0x63: {  	_ =	shalt  }
0x64: {  	_ =	shalt  }
0x65: {  	_ =	shalt  }
0x66: {  	_ =	shalt  }
0x67: {  	_ =	shalt  }
0x68: {  	_ =	shalt  }
0x69: {  	_ =	shalt  }
0x6a: {  	_ =	shalt  }
0x6b: {  	_ =	shalt  }
0x6c: {  	_ =	shalt  }
0x6d: {  	_ =	shalt  }
0x6e: {  	_ =	shalt  }
0x6f: {  	_ =	shalt  }
0x70: {  	_ =	shalt  }
0x71: {  	_ =	shalt  }
0x72: {  	_ =	shalt  }
0x73: {  	_ =	shalt  }
0x74: {  	_ =	shalt  }
0x75: {  	_ =	shalt  }
0x76: {  	_ =	shalt  }
0x77: {  	_ =	shalt  }
0x78: {  	_ =	shalt  }
0x79: {  	_ =	shalt  }
0x7a: {  	_ =	shalt  }
0x7b: {  	_ =	shalt  }
0x7c: {  	_ =	shalt  }
0x7d: {  	_ =	shalt  }
0x7e: {  	_ =	shalt  }
0x7f: {  	_ =	shalt  }
0x80: {  	_ =	shalt  }
0x81: {  	_ =	shalt  }
0x82: {  	_ =	shalt  }
0x83: {  	_ =	shalt  }
0x84: {  	_ =	shalt  }
0x85: {  	_ =	shalt  }
0x86: {  	_ =	shalt  }
0x87: {  	_ =	shalt  }
.Lfunc_end0:
.L_simem_size_0:
called_computation.1_lowered:
.L_overlay_start_0:
0x88: {  	s2 =	sld [smem:$0x3FD9]  }
0x89: {  	s3 =	sld [smem:$0x3FFE];
	_ =	sdelay $0x1  }
0x8a: {  	s1 =	srdreg.scid  }
0x8b: {  	s0 =	sand.u32 $0x1, s1  }
0x8c: {  	s16 =	sshll.u32 s0, $0xA;
	s2 =	sadd.s32 s3, s2  }
0x8d: {  	s2 =	sadd.s32 s2, s16  }
0x8e: {  	[smem:$0x3FB7] =	sst s2  }
0x8f: {  	_ = 	snop  }
0x90: {  	(tm) =	ssettm $0x1  }
0x91: {  	s17 =	sld [smem:$0x3FFB];
	_ =	sdelay $0x3  }
0x92: {  	_ =	strace s17  }
0x93: {  	s2 =	sld [smem:$0x3FFC];
	_ =	sdelay $0x3  }
0x94: {  	_ =	strace s2  }
0x95: {  	s2 =	sld [smem:$0x3FFD];
	_ =	sdelay $0x3  }
0x96: {  	_ =	strace s2  }
0x97: {  	_ =	strace $0x8FFFFFFF  }
0x98: {  	s18 =	sld [smem:$0x3FDB];
	_ =	sdelay $0x1  }
0x99: {  	s19 =	simm.s32 $_scs_section_size  }
0x9a: {  	s4 =	simm.s32 $_size__tile_overlayer_lowered;
	s5 =	simm.s32 $_tile_overlayer_lowered  }
0x9b: {  	s22 =	simm.s32 $0x1BFF;
	s21 =	sshll.u32 s5, $0x1;
	s2 =	sadd.s32 s19, s18  }
0x9c: {  	s6 =	simm.s32 $0x0;
	s20 =	sshll.u32 s4, $0x1;
	s4 =	sadd.s32 s21, s2  }
0x9d: {  	[timem:s6], [sflag:s22] =	dma.local [hbm:s4], s20  }
0x9e: {  	_ =	swait.ge [sflag:s22], s20  }
0x9f: {  	s3 =	ssub.s32 $0x0, s20;
	[sflag:s22] =	ssyncset.done $0x0  }
0xa0: {  	[sflag:s22] =	ssyncadd.s32 s3;
	_ =	sdelay $0x1  }
0xa1: {  	s23 =	simm.s32 $0x1B8B  }
0xa2: {  	_ =	swait.ge [sflag:s23], $0x1  }
0xa3: {  	[sflag:s23] =	ssyncset.done $0x0  }
0xa4: {  	s25 =	simm.s32 $0x1B8E;
	s24 =	sld [smem:$0x3FFE];
	[sflag:s23] =	ssyncadd.s32 $0xFFFFFFFF  }
0xa5: {  	s26 =	simm.s32 $execute0_lowered;
	[smem:$0x3FD2] =	sst s25  }
0xa6: {  	s4 =	sshll.u32 s26, $0x1;
	_ =	strace $0x80000049;
	[dreg:$0x1] =	wrdreg $0xFFFFFFFF  }
0xa7: {  	s28 =	simm.s32 $_size_execute0_lowered;
	s2 =	sadd.s32 s2, s4;
	[dreg:$0x0] =	wrdreg $0x0  }
0xa8: {  	s4 =	sshll.u32 s28, $0x1;
	[dreg:$0x2] =	wrdreg s2  }
0xa9: {  	[dreg:$0x3] =	wrdreg s4  }
0xaa: {  	[dreg:$0x4] =	wrdreg $0xC0  }
0xab: {  	_ =	task [dreg:s6], $0x5FFFF  }
0xac: {  	[dreg:$0x1] =	wrdreg $0xFFFFFFFF  }
0xad: {  	[dreg:$0x0] =	wrdreg $0x60  }
0xae: {  	[dreg:$0x2] =	wrdreg s24  }
0xaf: {  	[dreg:$0x3] =	wrdreg $0x140000  }
0xb0: {  	[dreg:$0x4] =	wrdreg $0x9  }
0xb1: {  	_ =	task.clear_ibuf [dreg:s6], $0x5FFFF;
	_ =	strace $0x90000049  }
0xb2: {  	s29 =	simm.s32 $0x9;
	_ =	strace $0x8000004B  }
0xb3: {  	_ =	swait.ge [sflag:s29], $0x1  }
0xb4: {  	[sflag:s29] =	ssyncadd.s32 $0xFFFFFFFF  }
0xb5: {  	_ =	strace $0x9000004B  }
0xb6: {  	_ =	sfence  }
0xb7: {  	s30 =	sld [smem:$0x0];
	_ =	sdelay $0x2  }
0xb8: {  	s31 =	sshll.u32 s1, $0xD;
	s1 =	sshrl.u32 s1, $0x2  }
0xb9: {  	s3 =	sand.u32 $0x4000, s31;
	s1 =	sadd.s32 s1, s30  }
0xba: {  	s0 =	sor.u32 s3, s0;
	s1 =	sshll.u32 s1, $0x11  }
0xbb: {  	s0 =	sor.u32 s1, s0  }
0xbc: {  	s0 =	sadd.s32 $0x8F2B, s0  }
0xbd: {  	[sflag:s0] =	ssyncadd.remote.s32 $0x1  }
0xbe: {  	_ =	sfence.sel $0xFFFF  }
0xbf: {  	[dreg:$0x0] =	wrdreg $0xFFFFFFFF;
	(pc) =	sbr.abs _section_cstart, $3  }
0xc0: {  	[dreg:$0x1] =	wrdreg $0xFFFFFFFF  }
0xc1: {  	_ =	task.clear_ibuf [dreg:s6], $0x2FFFF;
	_ =	strace $0x9FFFFFFF  }
0xc2: {  	(tm) =	ssettm $0x7FFFFFFF  }
0xc3: {  	_ =	shalt  }
tec
execute0_lowered:
.L_overlay_start_1:
0x0: {  	(tag) =	ssettag $0x1  }
0x1: {  	s0 =	rddreg [dreg:$0x0]  }
0x2: {  	s2 =	rddreg [dreg:$0x1]  }
0x3: {  	s9 =	stileid.u32;
	s1 =	srdreg.scid;
	s3 =	simm.s32 $0x0  }
0x4: {  	s15 =	simm.s32 $0x5;
	s17 =	simm.s32 $0x12000;
	s18 =	simm.s32 $0x80  }
0x5: {  	s19 =	simm.s32 $0xA000;
	s20 =	simm.s32 $0xC000;
	s21 =	simm.s32 $0x1  }
0x6: {  	s22 =	simm.s32 $0xE000;
	s23 =	simm.s32 $0x2;
	s24 =	simm.s32 $0x10000  }
0x7: {  	s28 =	simm.s32 $0x10;
	s29 =	simm.s32 $0x8;
	s6 =	smul.u32 $0xA00, s9  }
0x8: {  	s30 =	simm.s32 $0x0;
	s1 =	sand.u32 $0x1, s1;
	s8 =	smul.u32 $0x14000, s9  }
0x9: {  	[smem:$0x7FF] =	sst s3;
	s4 =	sadd.s32 $0x2B200, s0;
	s9 =	smul.u32 $0x28000, s9  }
0xa: {  	s5 =	sadd.s32 $0x17800, s0;
	s7 =	smul.u32 $0x140000, s1;
	_ =	strace $0x8000004A  }
0xb: {  	s26 =	ssub.s32 $0x2, s1;
	p0 =	seq.s32 s1, $0x1;
	s10 =	sadd.s32 s6, s0  }
0xc: {  	s31 =	sshrl.u32 s26, $0x1;
	s9 =	sshrl.u32 s9, $0x2;
	s25 =	sadd.s32 s8, s7  }
.Ltmp0:
0xd: {  	s14 =	ssub.s32 s26, s31;
	s7 =	sadd.s32 $0xD800, s10;
	(pc) =	sbr.rel .LBB2_1-.Ltmp0, $4  }
0xe: {  	s8 =	sadd.s32 $0x3800, s10;
	s26 =	simm.s32 $0x4;
	s6 =	sshrl.u32 s25, $0x3  }
0xf: {  	s14 =	smax.u32 s14, $0x1;
	s0 =	sadd.s32 s6, s0;
	s6 =	sadd.s32 s9, s2  }
0x10: {  	s25 =	simm.s32 $0x3;
	s9 =	sadd.s32 $0x2000, s6;
	s10 =	sadd.s32 $0x4000, s6  }
0x11: {  	v0 =	vimm.f32 $0.0e+00;
	s11 =	sadd.s32 $0x6000, s6;
	s12 =	sadd.s32 $0x8000, s6;
	s13 =	sadd.s32 $0x3EC00, s0  }
.LBB2_6:
0x12: {  	[sflag:s15] =	ssyncadd.s32 $0xFFFFE000  }
0x13: {  	_ =	swait.ge [sflag:s21], $0x2000  }
0x14: {  	[sflag:s21] =	ssyncset.done $0x0  }
0x15: {  	s0 =	simm.s32 $0x4F00;
	[sflag:s21] =	ssyncadd.s32 $0xFFFFE000  }
0x16: {  	[tilespmem:s22], [sflag:$0x3] =	stream.indirect.gather [hbm4b:s4+s18], $0x40, s0, s18, $0xb8;
	[tilespmem:$0x1E000] =	vst v63  }
0x17: {  	s16 =	simm.s32 $0x9E00  }
0x18: {  	[spmem:s2] =	stream.indirect.scatter.add.f32 [tilespmem:s19], [sflag:$0x5], $0x40, s16, s18, $0xb8;
	[tilespmem:$0x1E000] =	vst v63  }
0x19: {  	_ =	swait.ge [sflag:s15], $0x2000  }
0x1a: {  	[sflag:s15] =	ssyncset.done $0x0  }
0x1b: {  	[sflag:s15] =	ssyncadd.s32 $0xFFFFE000  }
0x1c: {  	_ =	swait.ge [sflag:s23], $0x2000  }
0x1d: {  	[sflag:s23] =	ssyncset.done $0x0  }
0x1e: {  	s31 =	simm.s32 $0x4F80;
	[sflag:s23] =	ssyncadd.s32 $0xFFFFE000  }
0x1f: {  	[tilespmem:s24], [sflag:$0x4] =	stream.indirect.gather [hbm4b:s4+s18], $0x40, s31, s18, $0xb8;
	[tilespmem:$0x1E000] =	vst v63  }
.LBB2_10:
0x20: {  	s0 =	simm.s32 $0x9E80  }
0x21: {  	[spmem:s2] =	stream.indirect.scatter.add.f32 [tilespmem:s20], [sflag:$0x5], $0x40, s0, s18, $0xb8;
	[tilespmem:$0x1E000] =	vst v63  }
0x22: {  	_ =	swait.ge [sflag:s15], $0x2000  }
0x23: {  	[sflag:s15] =	ssyncset.done $0x0  }
0x24: {  	[sflag:s15] =	ssyncadd.s32 $0xFFFFE000  }
0x25: {  	_ =	swait.ge [sflag:s25], $0x2000  }
0x26: {  	[sflag:s25] =	ssyncset.done $0x0  }
0x27: {  	s1 =	simm.s32 $0x9F00;
	[sflag:s25] =	ssyncadd.s32 $0xFFFFE000  }
0x28: {  	[spmem:s2] =	stream.indirect.scatter.add.f32 [tilespmem:s22], [sflag:$0x5], $0x40, s1, s18, $0xb8;
	[tilespmem:$0x1E000] =	vst v63  }
0x29: {  	_ =	swait.ge [sflag:s15], $0x2000  }
0x2a: {  	[sflag:s15] =	ssyncset.done $0x0  }
0x2b: {  	[sflag:s15] =	ssyncadd.s32 $0xFFFFE000  }
0x2c: {  	_ =	swait.ge [sflag:s26], $0x2000  }
0x2d: {  	[sflag:s26] =	ssyncset.done $0x0  }
0x2e: {  	s16 =	simm.s32 $0x9F80;
	[sflag:s26] =	ssyncadd.s32 $0xFFFFE000  }
0x2f: {  	[spmem:s2] =	stream.indirect.scatter.add.f32 [tilespmem:s24], [sflag:$0x5], $0x40, s16, s18, $0xb8;
	[tilespmem:$0x1E000] =	vst v63  }
0x30: {  	s31 =	stileid.u32;
	_ =	swait.ge [sflag:s15], $0x2000  }
0x31: {  	s30 =	sadd.s32 $0x1, s30;
	s0 =	sshll.u32 s31, $0x6;
	[sflag:s15] =	ssyncset.done $0x0  }
0x32: {  	p1 =	sne.s32 s30, s14;
	s0 =	sor.u32 $0x1C05, s0;
	[sflag:s15] =	ssyncadd.s32 $0xFFFFE000  }
.Ltmp1:
0x33: {  	s1 =	sshrl.u32 s6, $0x3;
	[bflag:$0x0] =	sbarrier.arrive $0xFFFF;
	(pc) =	sbr.rel @!p1 .LBB2_11-.Ltmp1, $4  }
0x34: {  	[hbm:s13@s28], [sflag:s0] =	dma.strided [spmem:s1@s29], $0x1400, s21, $0x8   }
0x35: {  	_ =	swait.ge [sflag:s15], $0x1400  }
0x36: {  	[sflag:s15] =	ssyncset.done $0x0  }
0x37: {  	[sflag:s15] =	ssyncadd.s32 $0xFFFFEC00  }
.LBB2_1:
0x38: {  	[tilespmem:s3], [sflag:$0x5] =	stream.linear.gather [hbm4b:s7+s3], $0x5000, $0x38;
	[tilespmem:$0x1E000] =	vst v63  }
0x39: {  	_ =	swait.ge [sflag:s15], $0x5000  }
0x3a: {  	[sflag:s15] =	ssyncset.done $0x0  }
0x3b: {  	s0 =	simm.s32 $0x5000;
	[sflag:s15] =	ssyncadd.s32 $0xFFFFB000  }
0x3c: {  	[tilespmem:s0], [sflag:$0x5] =	stream.linear.gather [hbm4b:s8+s3], $0x5000, $0x38;
	[tilespmem:$0x1E000] =	vst v63  }
0x3d: {  	s16 =	sand.u32 $0x7F00, s3;
	s31 =	sand.u32 $0x30, s3;
	_ =	swait.ge [sflag:s15], $0x5000  }
0x3e: {  	s1 =	simm.s32 $0x40;
	s0 =	sshrl.u32 s16, $0x2;
	[sflag:s15] =	ssyncset.done $0x0  }
0x3f: {  	s0 =	sor.u32 s31, s0;
	s31 =	simm.s32 $0x0;
	[sflag:s15] =	ssyncadd.s32 $0xFFFFB000  }
.LBB2_2:
0x40: {  	p1 =	sne.s32 s1, $0x7FC0  }
0x41: {  	[tilespmem:s0+$0x12000] =	vst v0;
	s31 =	sadd.s32 $0x10, s31;
	s0 =	smov.u32 s1;
	s1 =	sadd.s32 $0x40, s1  }
.Ltmp2:
0x42: {  	(pc) =	sbr.rel @p1 .LBB2_2-.Ltmp2, $4  }
0x43: {  	_ = 	snop  }
0x44: {  	s0 =	sand.u32 $0x7F00, s0  }
0x45: {  	s16 =	sand.u32 $0x30, s31;
	s0 =	sshrl.u32 s0, $0x2  }
0x46: {  	s0 =	sor.u32 s16, s0  }
0x47: {  	[tilespmem:s0+$0x12000] =	vst v0  }
0x48: {  	[spmem:s6] =	stream.linear.scatter [tilespmem:s17], [sflag:$0x5], $0x2000, $0x38;
	[tilespmem:$0x1E000] =	vst v63  }
0x49: {  	_ =	swait.ge [sflag:s15], $0x2000  }
0x4a: {  	[sflag:s15] =	ssyncset.done $0x0  }
0x4b: {  	[sflag:s15] =	ssyncadd.s32 $0xFFFFE000  }
0x4c: {  	[spmem:s9] =	stream.linear.scatter [tilespmem:s17], [sflag:$0x5], $0x2000, $0x38;
	[tilespmem:$0x1E000] =	vst v63  }
0x4d: {  	_ =	swait.ge [sflag:s15], $0x2000  }
0x4e: {  	[sflag:s15] =	ssyncset.done $0x0  }
0x4f: {  	[sflag:s15] =	ssyncadd.s32 $0xFFFFE000  }
0x50: {  	[spmem:s10] =	stream.linear.scatter [tilespmem:s17], [sflag:$0x5], $0x2000, $0x38;
	[tilespmem:$0x1E000] =	vst v63  }
0x51: {  	_ =	swait.ge [sflag:s15], $0x2000  }
0x52: {  	[sflag:s15] =	ssyncset.done $0x0  }
0x53: {  	[sflag:s15] =	ssyncadd.s32 $0xFFFFE000  }
0x54: {  	[spmem:s11] =	stream.linear.scatter [tilespmem:s17], [sflag:$0x5], $0x2000, $0x38;
	[tilespmem:$0x1E000] =	vst v63  }
0x55: {  	_ =	swait.ge [sflag:s15], $0x2000  }
0x56: {  	[sflag:s15] =	ssyncset.done $0x0  }
0x57: {  	[sflag:s15] =	ssyncadd.s32 $0xFFFFE000  }
0x58: {  	[spmem:s12] =	stream.linear.scatter [tilespmem:s17], [sflag:$0x5], $0x2000, $0x38;
	[tilespmem:$0x1E000] =	vst v63  }
.Ltmp3:
0x59: {  	_ =	swait.ge [sflag:s15], $0x2000;
	(pc) =	sbr.rel @!p0 .LBB2_4-.Ltmp3, $4  }
0x5a: {  	[sflag:s15] =	ssyncset.done $0x0  }
0x5b: {  	[sflag:s15] =	ssyncadd.s32 $0xFFFFE000  }
0x5c: {  	[bflag:$0x0] =	sbarrier.arrive $0xFFFF  }
0x5d: {  	s0 =	simm.s32 $0x0  }
0x5e: {  	[tilespmem:s19], [sflag:$0x1] =	stream.indirect.gather [hbm4b:s5+s18], $0x40, s0, s18, $0xb8;
	[tilespmem:$0x1E000] =	vst v63  }
0x5f: {  	_ = 	snop  }
0x60: {  	[tilespmem:s20], [sflag:$0x2] =	stream.indirect.gather [hbm4b:s5+s18], $0x40, s18, s18, $0xb8;
	[tilespmem:$0x1E000] =	vst v63  }
0x61: {  	_ =	swait.ge [sflag:s21], $0x2000  }
0x62: {  	[sflag:s21] =	ssyncset.done $0x0  }
0x63: {  	s1 =	simm.s32 $0x100;
	[sflag:s21] =	ssyncadd.s32 $0xFFFFE000  }
0x64: {  	[tilespmem:s22], [sflag:$0x3] =	stream.indirect.gather [hbm4b:s5+s18], $0x40, s1, s18, $0xb8;
	[tilespmem:$0x1E000] =	vst v63  }
0x65: {  	s16 =	simm.s32 $0x5000  }
0x66: {  	[spmem:s2] =	stream.indirect.scatter.add.f32 [tilespmem:s19], [sflag:$0x5], $0x40, s16, s18, $0xb8;
	[tilespmem:$0x1E000] =	vst v63  }
0x67: {  	_ =	swait.ge [sflag:s15], $0x2000  }
0x68: {  	[sflag:s15] =	ssyncset.done $0x0  }
0x69: {  	[sflag:s15] =	ssyncadd.s32 $0xFFFFE000  }
0x6a: {  	_ =	swait.ge [sflag:s23], $0x2000  }
0x6b: {  	[sflag:s23] =	ssyncset.done $0x0  }
0x6c: {  	s1 =	simm.s32 $0x180;
	[sflag:s23] =	ssyncadd.s32 $0xFFFFE000  }
0x6d: {  	[tilespmem:s24], [sflag:$0x4] =	stream.indirect.gather [hbm4b:s5+s18], $0x40, s1, s18, $0xb8;
	[tilespmem:$0x1E000] =	vst v63  }
0x6e: {  	s16 =	simm.s32 $0x5080  }
0x6f: {  	[spmem:s2] =	stream.indirect.scatter.add.f32 [tilespmem:s20], [sflag:$0x5], $0x40, s16, s18, $0xb8;
	[tilespmem:$0x1E000] =	vst v63  }
0x70: {  	_ =	swait.ge [sflag:s15], $0x2000  }
0x71: {  	[sflag:s15] =	ssyncset.done $0x0  }
0x72: {  	[sflag:s15] =	ssyncadd.s32 $0xFFFFE000  }
0x73: {  	_ =	swait.ge [sflag:s25], $0x2000  }
0x74: {  	[sflag:s25] =	ssyncset.done $0x0  }
0x75: {  	s1 =	simm.s32 $0x200;
	[sflag:s25] =	ssyncadd.s32 $0xFFFFE000  }
0x76: {  	[tilespmem:s19], [sflag:$0x1] =	stream.indirect.gather [hbm4b:s5+s18], $0x40, s1, s18, $0xb8;
	[tilespmem:$0x1E000] =	vst v63  }
0x77: {  	s16 =	simm.s32 $0x5100  }
0x78: {  	[spmem:s2] =	stream.indirect.scatter.add.f32 [tilespmem:s22], [sflag:$0x5], $0x40, s16, s18, $0xb8;
	[tilespmem:$0x1E000] =	vst v63  }
0x79: {  	_ =	swait.ge [sflag:s15], $0x2000  }
0x7a: {  	[sflag:s15] =	ssyncset.done $0x0  }
0x7b: {  	[sflag:s15] =	ssyncadd.s32 $0xFFFFE000  }
0x7c: {  	_ =	swait.ge [sflag:s26], $0x2000  }
0x7d: {  	[sflag:s26] =	ssyncset.done $0x0  }
0x7e: {  	s1 =	simm.s32 $0x280;
	[sflag:s26] =	ssyncadd.s32 $0xFFFFE000  }
0x7f: {  	[tilespmem:s20], [sflag:$0x2] =	stream.indirect.gather [hbm4b:s5+s18], $0x40, s1, s18, $0xb8;
	[tilespmem:$0x1E000] =	vst v63  }
0x80: {  	s16 =	simm.s32 $0x5180  }
0x81: {  	[spmem:s2] =	stream.indirect.scatter.add.f32 [tilespmem:s24], [sflag:$0x5], $0x40, s16, s18, $0xb8;
	[tilespmem:$0x1E000] =	vst v63  }
0x82: {  	_ =	swait.ge [sflag:s15], $0x2000  }
0x83: {  	s31 =	simm.s32 $0x800;
	[sflag:s15] =	ssyncset.done $0x0  }
.LBB2_8:
0x84: {  	p1 =	sne.s32 s31, $0x13000  }
0x85: {  	[sflag:s15] =	ssyncadd.s32 $0xFFFFE000;
	s0 =	smov.u32 s31;
	s31 =	sadd.s32 $0x800, s31  }
0x86: {  	_ = 	snop  }
0x87: {  	_ =	swait.ge [sflag:s21], $0x2000  }
0x88: {  	s1 =	sshra.s32 s0, $0x2;
	[sflag:s21] =	ssyncset.done $0x0  }
0x89: {  	s0 =	sadd.s32 $0x100, s1;
	[sflag:s21] =	ssyncadd.s32 $0xFFFFE000  }
0x8a: {  	[tilespmem:s22], [sflag:$0x3] =	stream.indirect.gather [hbm4b:s5+s18], $0x40, s0, s18, $0xb8;
	[tilespmem:$0x1E000] =	vst v63  }
0x8b: {  	s0 =	sadd.s32 $0x5000, s1  }
0x8c: {  	[spmem:s2] =	stream.indirect.scatter.add.f32 [tilespmem:s19], [sflag:$0x5], $0x40, s0, s18, $0xb8;
	[tilespmem:$0x1E000] =	vst v63  }
0x8d: {  	_ =	swait.ge [sflag:s15], $0x2000  }
0x8e: {  	[sflag:s15] =	ssyncset.done $0x0  }
0x8f: {  	[sflag:s15] =	ssyncadd.s32 $0xFFFFE000  }
0x90: {  	_ =	swait.ge [sflag:s23], $0x2000  }
0x91: {  	[sflag:s23] =	ssyncset.done $0x0  }
0x92: {  	s0 =	sadd.s32 $0x180, s1;
	[sflag:s23] =	ssyncadd.s32 $0xFFFFE000  }
0x93: {  	[tilespmem:s24], [sflag:$0x4] =	stream.indirect.gather [hbm4b:s5+s18], $0x40, s0, s18, $0xb8;
	[tilespmem:$0x1E000] =	vst v63  }
0x94: {  	s0 =	sadd.s32 $0x5080, s1  }
0x95: {  	[spmem:s2] =	stream.indirect.scatter.add.f32 [tilespmem:s20], [sflag:$0x5], $0x40, s0, s18, $0xb8;
	[tilespmem:$0x1E000] =	vst v63  }
0x96: {  	_ =	swait.ge [sflag:s15], $0x2000  }
0x97: {  	[sflag:s15] =	ssyncset.done $0x0  }
0x98: {  	[sflag:s15] =	ssyncadd.s32 $0xFFFFE000  }
0x99: {  	_ =	swait.ge [sflag:s25], $0x2000  }
0x9a: {  	[sflag:s25] =	ssyncset.done $0x0  }
0x9b: {  	s0 =	sadd.s32 $0x200, s1;
	[sflag:s25] =	ssyncadd.s32 $0xFFFFE000  }
0x9c: {  	[tilespmem:s19], [sflag:$0x1] =	stream.indirect.gather [hbm4b:s5+s18], $0x40, s0, s18, $0xb8;
	[tilespmem:$0x1E000] =	vst v63  }
0x9d: {  	s0 =	sadd.s32 $0x5100, s1  }
0x9e: {  	[spmem:s2] =	stream.indirect.scatter.add.f32 [tilespmem:s22], [sflag:$0x5], $0x40, s0, s18, $0xb8;
	[tilespmem:$0x1E000] =	vst v63  }
0x9f: {  	_ =	swait.ge [sflag:s15], $0x2000  }
0xa0: {  	[sflag:s15] =	ssyncset.done $0x0  }
0xa1: {  	[sflag:s15] =	ssyncadd.s32 $0xFFFFE000  }
0xa2: {  	_ =	swait.ge [sflag:s26], $0x2000  }
0xa3: {  	[sflag:s26] =	ssyncset.done $0x0  }
0xa4: {  	s0 =	sadd.s32 $0x280, s1;
	[sflag:s26] =	ssyncadd.s32 $0xFFFFE000  }
0xa5: {  	[tilespmem:s20], [sflag:$0x2] =	stream.indirect.gather [hbm4b:s5+s18], $0x40, s0, s18, $0xb8;
	[tilespmem:$0x1E000] =	vst v63  }
.Ltmp4:
0xa6: {  	_ = 	snop;
	(pc) =	sbr.rel @p1 .LBB2_8-.Ltmp4, $4  }
0xa7: {  	s0 =	sadd.s32 $0x5180, s1  }
0xa8: {  	[spmem:s2] =	stream.indirect.scatter.add.f32 [tilespmem:s24], [sflag:$0x5], $0x40, s0, s18, $0xb8;
	[tilespmem:$0x1E000] =	vst v63  }
0xa9: {  	_ =	swait.ge [sflag:s15], $0x2000  }
0xaa: {  	[sflag:s15] =	ssyncset.done $0x0  }
0xab: {  	[sflag:s15] =	ssyncadd.s32 $0xFFFFE000  }
0xac: {  	_ =	swait.ge [sflag:s21], $0x2000  }
0xad: {  	[sflag:s21] =	ssyncset.done $0x0  }
0xae: {  	s0 =	simm.s32 $0x4F00;
	[sflag:s21] =	ssyncadd.s32 $0xFFFFE000  }
0xaf: {  	[tilespmem:s22], [sflag:$0x3] =	stream.indirect.gather [hbm4b:s5+s18], $0x40, s0, s18, $0xb8;
	[tilespmem:$0x1E000] =	vst v63  }
0xb0: {  	s16 =	simm.s32 $0x9E00  }
0xb1: {  	[spmem:s2] =	stream.indirect.scatter.add.f32 [tilespmem:s19], [sflag:$0x5], $0x40, s16, s18, $0xb8;
	[tilespmem:$0x1E000] =	vst v63  }
0xb2: {  	_ =	swait.ge [sflag:s15], $0x2000  }
0xb3: {  	[sflag:s15] =	ssyncset.done $0x0  }
.Ltmp5:
0xb4: {  	[sflag:s15] =	ssyncadd.s32 $0xFFFFE000;
	(pc) =	sbr.rel .LBB2_10-.Ltmp5, $4  }
0xb5: {  	_ =	swait.ge [sflag:s23], $0x2000  }
0xb6: {  	[sflag:s23] =	ssyncset.done $0x0  }
0xb7: {  	s31 =	simm.s32 $0x4F80;
	[sflag:s23] =	ssyncadd.s32 $0xFFFFE000  }
0xb8: {  	[tilespmem:s24], [sflag:$0x4] =	stream.indirect.gather [hbm4b:s5+s18], $0x40, s31, s18, $0xb8;
	[tilespmem:$0x1E000] =	vst v63  }
.LBB2_4:
0xb9: {  	[tilespmem:s19], [sflag:$0x1] =	stream.indirect.gather [hbm4b:s4+s18], $0x40, s0, s18, $0xb8;
	[tilespmem:$0x1E000] =	vst v63  }
0xba: {  	_ = 	snop  }
0xbb: {  	[tilespmem:s20], [sflag:$0x2] =	stream.indirect.gather [hbm4b:s4+s18], $0x40, s18, s18, $0xb8;
	[tilespmem:$0x1E000] =	vst v63  }
0xbc: {  	_ =	swait.ge [sflag:s21], $0x2000  }
0xbd: {  	[sflag:s21] =	ssyncset.done $0x0  }
0xbe: {  	s1 =	simm.s32 $0x100;
	[sflag:s21] =	ssyncadd.s32 $0xFFFFE000  }
0xbf: {  	[tilespmem:s22], [sflag:$0x3] =	stream.indirect.gather [hbm4b:s4+s18], $0x40, s1, s18, $0xb8;
	[tilespmem:$0x1E000] =	vst v63  }
0xc0: {  	s16 =	simm.s32 $0x5000  }
0xc1: {  	[spmem:s2] =	stream.indirect.scatter.add.f32 [tilespmem:s19], [sflag:$0x5], $0x40, s16, s18, $0xb8;
	[tilespmem:$0x1E000] =	vst v63  }
0xc2: {  	_ =	swait.ge [sflag:s15], $0x2000  }
0xc3: {  	[sflag:s15] =	ssyncset.done $0x0  }
0xc4: {  	[sflag:s15] =	ssyncadd.s32 $0xFFFFE000  }
0xc5: {  	_ =	swait.ge [sflag:s23], $0x2000  }
0xc6: {  	[sflag:s23] =	ssyncset.done $0x0  }
0xc7: {  	s1 =	simm.s32 $0x180;
	[sflag:s23] =	ssyncadd.s32 $0xFFFFE000  }
0xc8: {  	[tilespmem:s24], [sflag:$0x4] =	stream.indirect.gather [hbm4b:s4+s18], $0x40, s1, s18, $0xb8;
	[tilespmem:$0x1E000] =	vst v63  }
0xc9: {  	s16 =	simm.s32 $0x5080  }
0xca: {  	[spmem:s2] =	stream.indirect.scatter.add.f32 [tilespmem:s20], [sflag:$0x5], $0x40, s16, s18, $0xb8;
	[tilespmem:$0x1E000] =	vst v63  }
0xcb: {  	_ =	swait.ge [sflag:s15], $0x2000  }
0xcc: {  	[sflag:s15] =	ssyncset.done $0x0  }
0xcd: {  	[sflag:s15] =	ssyncadd.s32 $0xFFFFE000  }
0xce: {  	_ =	swait.ge [sflag:s25], $0x2000  }
0xcf: {  	[sflag:s25] =	ssyncset.done $0x0  }
0xd0: {  	s1 =	simm.s32 $0x200;
	[sflag:s25] =	ssyncadd.s32 $0xFFFFE000  }
0xd1: {  	[tilespmem:s19], [sflag:$0x1] =	stream.indirect.gather [hbm4b:s4+s18], $0x40, s1, s18, $0xb8;
	[tilespmem:$0x1E000] =	vst v63  }
0xd2: {  	s16 =	simm.s32 $0x5100  }
0xd3: {  	[spmem:s2] =	stream.indirect.scatter.add.f32 [tilespmem:s22], [sflag:$0x5], $0x40, s16, s18, $0xb8;
	[tilespmem:$0x1E000] =	vst v63  }
0xd4: {  	_ =	swait.ge [sflag:s15], $0x2000  }
0xd5: {  	[sflag:s15] =	ssyncset.done $0x0  }
0xd6: {  	[sflag:s15] =	ssyncadd.s32 $0xFFFFE000  }
0xd7: {  	_ =	swait.ge [sflag:s26], $0x2000  }
0xd8: {  	[sflag:s26] =	ssyncset.done $0x0  }
0xd9: {  	s1 =	simm.s32 $0x280;
	[sflag:s26] =	ssyncadd.s32 $0xFFFFE000  }
0xda: {  	[tilespmem:s20], [sflag:$0x2] =	stream.indirect.gather [hbm4b:s4+s18], $0x40, s1, s18, $0xb8;
	[tilespmem:$0x1E000] =	vst v63  }
0xdb: {  	s16 =	simm.s32 $0x5180  }
0xdc: {  	[spmem:s2] =	stream.indirect.scatter.add.f32 [tilespmem:s24], [sflag:$0x5], $0x40, s16, s18, $0xb8;
	[tilespmem:$0x1E000] =	vst v63  }
0xdd: {  	_ =	swait.ge [sflag:s15], $0x2000  }
0xde: {  	s31 =	simm.s32 $0x800;
	[sflag:s15] =	ssyncset.done $0x0  }
.LBB2_5:
0xdf: {  	p1 =	seq.s32 s31, $0x13000  }
0xe0: {  	[sflag:s15] =	ssyncadd.s32 $0xFFFFE000;
	s0 =	smov.u32 s31;
	s31 =	sadd.s32 $0x800, s31  }
0xe1: {  	_ = 	snop  }
0xe2: {  	_ =	swait.ge [sflag:s21], $0x2000  }
0xe3: {  	s1 =	sshra.s32 s0, $0x2;
	[sflag:s21] =	ssyncset.done $0x0  }
0xe4: {  	s0 =	sadd.s32 $0x100, s1;
	[sflag:s21] =	ssyncadd.s32 $0xFFFFE000  }
0xe5: {  	[tilespmem:s22], [sflag:$0x3] =	stream.indirect.gather [hbm4b:s4+s18], $0x40, s0, s18, $0xb8;
	[tilespmem:$0x1E000] =	vst v63  }
0xe6: {  	s0 =	sadd.s32 $0x5000, s1  }
0xe7: {  	[spmem:s2] =	stream.indirect.scatter.add.f32 [tilespmem:s19], [sflag:$0x5], $0x40, s0, s18, $0xb8;
	[tilespmem:$0x1E000] =	vst v63  }
0xe8: {  	_ =	swait.ge [sflag:s15], $0x2000  }
0xe9: {  	[sflag:s15] =	ssyncset.done $0x0  }
0xea: {  	[sflag:s15] =	ssyncadd.s32 $0xFFFFE000  }
0xeb: {  	_ =	swait.ge [sflag:s23], $0x2000  }
0xec: {  	[sflag:s23] =	ssyncset.done $0x0  }
0xed: {  	s0 =	sadd.s32 $0x180, s1;
	[sflag:s23] =	ssyncadd.s32 $0xFFFFE000  }
0xee: {  	[tilespmem:s24], [sflag:$0x4] =	stream.indirect.gather [hbm4b:s4+s18], $0x40, s0, s18, $0xb8;
	[tilespmem:$0x1E000] =	vst v63  }
0xef: {  	s0 =	sadd.s32 $0x5080, s1  }
0xf0: {  	[spmem:s2] =	stream.indirect.scatter.add.f32 [tilespmem:s20], [sflag:$0x5], $0x40, s0, s18, $0xb8;
	[tilespmem:$0x1E000] =	vst v63  }
0xf1: {  	_ =	swait.ge [sflag:s15], $0x2000  }
0xf2: {  	[sflag:s15] =	ssyncset.done $0x0  }
0xf3: {  	[sflag:s15] =	ssyncadd.s32 $0xFFFFE000  }
0xf4: {  	_ =	swait.ge [sflag:s25], $0x2000  }
0xf5: {  	[sflag:s25] =	ssyncset.done $0x0  }
0xf6: {  	s0 =	sadd.s32 $0x200, s1;
	[sflag:s25] =	ssyncadd.s32 $0xFFFFE000  }
0xf7: {  	[tilespmem:s19], [sflag:$0x1] =	stream.indirect.gather [hbm4b:s4+s18], $0x40, s0, s18, $0xb8;
	[tilespmem:$0x1E000] =	vst v63  }
0xf8: {  	s0 =	sadd.s32 $0x5100, s1  }
0xf9: {  	[spmem:s2] =	stream.indirect.scatter.add.f32 [tilespmem:s22], [sflag:$0x5], $0x40, s0, s18, $0xb8;
	[tilespmem:$0x1E000] =	vst v63  }
0xfa: {  	_ =	swait.ge [sflag:s15], $0x2000  }
0xfb: {  	[sflag:s15] =	ssyncset.done $0x0  }
0xfc: {  	[sflag:s15] =	ssyncadd.s32 $0xFFFFE000  }
0xfd: {  	_ =	swait.ge [sflag:s26], $0x2000  }
0xfe: {  	[sflag:s26] =	ssyncset.done $0x0  }
0xff: {  	s0 =	sadd.s32 $0x280, s1;
	[sflag:s26] =	ssyncadd.s32 $0xFFFFE000  }
0x100: {  	[tilespmem:s20], [sflag:$0x2] =	stream.indirect.gather [hbm4b:s4+s18], $0x40, s0, s18, $0xb8;
	[tilespmem:$0x1E000] =	vst v63  }
.Ltmp6:
0x101: {  	_ = 	snop;
	(pc) =	sbr.rel @!p1 .LBB2_5-.Ltmp6, $4  }
0x102: {  	s0 =	sadd.s32 $0x5180, s1  }
0x103: {  	[spmem:s2] =	stream.indirect.scatter.add.f32 [tilespmem:s24], [sflag:$0x5], $0x40, s0, s18, $0xb8;
	[tilespmem:$0x1E000] =	vst v63  }
0x104: {  	_ =	swait.ge [sflag:s15], $0x2000  }
0x105: {  	[sflag:s15] =	ssyncset.done $0x0  }
.Ltmp7:
0x106: {  	_ = 	snop;
	(pc) =	sbr.rel .LBB2_6-.Ltmp7, $1  }
0x107: {  	_ =	sdelay $0x3  }
.LBB2_11:
0x108: {  	_ =	sfence.sel $0x180000  }
0x109: {  	[bflag:$0x0] =	sbarrier.arrive $0xFFFF  }
0x10a: {  	_ =	strace $0x9000004A  }
0x10b: {  	s0 =	stileid.u32;
	[bflag:$0x2] =	sbarrier.arrive $0xFFFF  }
0x10c: {  	p0 =	sne.s32 s0, $0x0;
	s0 =	rddreg [dreg:$0x2]  }
0x10d: {  	s0 =	sadd.s32 @!p0 $0x100000, s0  }
0x10e: {  	[sflag:s0] =	ssyncadd.tile.s32 @!p0 $0x1;
	_ =	shalt  }
.Lfunc_end2:
_tile_overlayer_lowered:
.L_overlay_start_2:
0x10f: {  	(tag) =	ssettag $0x2  }
0x110: {  	s0 =	rddreg [dreg:$0x0];
	s2 =	stileid.u32  }
0x111: {  	s1 =	rddreg [dreg:$0x1];
	p0 =	sne.s32 s2, $0x0  }
0x112: {  	s3 =	rddreg [dreg:$0x2];
	[bflag:$0x3] =	sbarrier.arrive $0xFFFF;
	s2 =	simm.s32 @!p0 $0x1C05  }
0x113: {  	[timem:s3], [sflag:s2] =	dma.local @!p0 [hbm:s0], s1  }
0x114: {  	s0 =	simm.s32 @!p0 $0x5  }
0x115: {  	_ =	swait.ge @!p0 [sflag:s0], s1  }
0x116: {  	s1 =	ssub.s32 @!p0 $0x0, s1;
	[sflag:s0] =	ssyncset.done @!p0 $0x0  }
0x117: {  	[sflag:s0] =	ssyncadd.s32 @!p0 s1  }
0x118: {  	[bflag:$0x3] =	sbarrier.arrive $0xFFFF  }
0x119: {  	_ =	shalt  }

// kernel: kernel.18.cloned.1.call-start
scs
__scs_entry_jumppad:
0x0: {  	(pc) =	sbr.rel $0x88, $3  }
0x1: {  	(tag) =	ssettag $0x0;
	lr =	simm.s32 $0x1  }
0x2: {  	[smem:$0x3F90] =	sst lr;
	_ =	strace $0xD0000000  }
0x3: {  	_ = 	snop  }
0x4: {  	_ = 	snop  }
0x5: {  	_ = 	snop  }
0x6: {  	_ = 	snop  }
0x7: {  	_ = 	snop  }
__scs_overlays_trampoline_lowered:
0x8: {  	[smem:$0x3F9F] =	sst s0  }
0x9: {  	[smem:$0x3FA0] =	sst s1  }
0xa: {  	[smem:$0x3FA1] =	sst s2  }
0xb: {  	[smem:$0x3FA2] =	sst s3  }
0xc: {  	[smem:$0x3FA3] =	sst s4  }
0xd: {  	[smem:$0x3FA4] =	sst s5  }
0xe: {  	[smem:$0x3FA5] =	sst s6  }
0xf: {  	[smem:$0x3FA6] =	sst s7  }
0x10: {  	[smem:$0x3FA7] =	sst s8  }
0x11: {  	[smem:$0x3FA8] =	sst s9;
	s0 =	simm.s32 @!p0 $0x0  }
0x12: {  	s1 =	sld [smem:$0x3F8E];
	s0 =	simm.s32 @p0 $0x1  }
0x13: {  	[smem:$0x3FA9] =	sst s0;
	s0 =	simm.s32 @!p1 $0x0  }
0x14: {  	s2 =	sld [smem:$0x3F8D];
	s0 =	simm.s32 @p1 $0x1  }
0x15: {  	[smem:$0x3FAA] =	sst s0;
	s0 =	simm.s32 @!p2 $0x0  }
0x16: {  	s3 =	sld [smem:$0x3FDB];
	s0 =	simm.s32 @p2 $0x1  }
0x17: {  	s4 =	simm.s32 $0x1BF5;
	[smem:$0x3FAC] =	sst s0  }
0x18: {  	s0 =	sld [smem:$0x3F8F];
	_ =	swait.ge [sflag:s4], $0x0  }
0x19: {  	s7 =	sld [smem:$0x3F90]  }
0x1a: {  	s8 =	sadd.s32 $0xFFFFE003, lr  }
0x1b: {  	s9 =	sadd.s32 $0xFFFFFEF7, lr;
	s5 =	simm.s32 $0xFFFFFFFF;
	p2 =	slt.u32 s8, $0xFFFFF086  }
0x1c: {  	p1 =	slt.u32 s9, $0xF7A;
	s5 =	simm.s32 @!p2 $0x0  }
0x1d: {  	s5 =	simm.s32 @p1 $0x1;
	p0 =	seq.s32 s7, s2  }
0x1e: {  	s7 =	smul.u32 @!p0 $0xF7A, s2;
	p2 =	seq.s32 @!p0 s5, $0x0  }
0x1f: {  	s9 =	smul.u32 $0xF7A, s1;
	s8 =	simm.s32 @!p0 $0x1BF5;
	p2 =	por !p2, p0  }
0x20: {  	[sflag:s8] =	ssyncset.s32 @!p0 $0xFFFFF086;
	s6 =	sadd.s32 @!p0 s3, s7;
	s7 =	simm.s32 @!p0 $0x108  }
0x21: {  	s3 =	sadd.s32 s3, s9;
	s6 =	sadd.s32 @!p0 $0x88, s6;
	s7 =	simm.s32 @p2 $0x1082  }
0x22: {  	[simem:s7], [sflag:s8] =	dma.local @!p0 [hbm:s6], $0xF7A  }
0x23: {  	s9 =	sor.u32 $0xD0000000, s2;
	s6 =	simm.s32 $0x108;
	_ =	swait.ge @!p0 [sflag:s8], $0x0  }
0x24: {  	s3 =	sadd.s32 $0x88, s3;
	s6 =	simm.s32 @!p1 $0x1082;
	[sflag:s4] =	ssyncset.s32 $0xFFFFF086  }
0x25: {  	[simem:s6], [sflag:s4] =	dma.local [hbm:s3], $0xF7A  }
0x26: {  	[smem:$0x3F90] =	sst s1;
	(tag) =	ssettag s2;
	_ =	strace s9  }
0x27: {  	s1 =	sld [smem:$0x3FA0]  }
0x28: {  	s2 =	sld [smem:$0x3FA1]  }
0x29: {  	s4 =	sld [smem:$0x3FA3]  }
0x2a: {  	p0 =	seq.s32 s5, $0x0;
	s5 =	sld [smem:$0x3FA4]  }
0x2b: {  	s6 =	sld [smem:$0x3FA5]  }
0x2c: {  	s7 =	sld [smem:$0x3FA6]  }
0x2d: {  	s3 =	simm.s32 $0x108;
	s8 =	sld [smem:$0x3FA7]  }
0x2e: {  	s3 =	simm.s32 @!p0 $0x1082;
	s9 =	sld [smem:$0x3FA8]  }
0x2f: {  	lr =	sadd.s32 s0, s3;
	s0 =	sld [smem:$0x3F9F]  }
0x30: {  	s3 =	sld [smem:$0x3FA2]  }
0x31: {  	[smem:$0x3FAB] =	sst s10  }
0x32: {  	s10 =	sld [smem:$0x3FA9];
	_ =	sdelay $0x3  }
0x33: {  	p0 =	seq.s32 s10, $0x1;
	s10 =	sld [smem:$0x3FAB];
	_ =	sdelay $0x3  }
0x34: {  	[smem:$0x3FAB] =	sst s10  }
0x35: {  	s10 =	sld [smem:$0x3FAA];
	_ =	sdelay $0x3  }
0x36: {  	p1 =	seq.s32 s10, $0x1;
	s10 =	sld [smem:$0x3FAB];
	_ =	sdelay $0x3  }
0x37: {  	[smem:$0x3FAB] =	sst s10  }
0x38: {  	s10 =	sld [smem:$0x3FAC]  }
0x39: {  	_ = 	snop;
	(pc) =	sbr.ind lr, $3  }
0x3a: {  	_ = 	snop  }
0x3b: {  	_ = 	snop  }
0x3c: {  	p2 =	seq.s32 s10, $0x1;
	s10 =	sld [smem:$0x3FAB]  }
0x3d: {  	_ =	shalt  }
0x3e: {  	_ =	shalt  }
0x3f: {  	_ =	shalt  }
0x40: {  	_ =	shalt  }
0x41: {  	_ =	shalt  }
0x42: {  	_ =	shalt  }
0x43: {  	_ =	shalt  }
0x44: {  	_ =	shalt  }
0x45: {  	_ =	shalt  }
0x46: {  	_ =	shalt  }
0x47: {  	_ =	shalt  }
0x48: {  	_ =	shalt  }
0x49: {  	_ =	shalt  }
0x4a: {  	_ =	shalt  }
0x4b: {  	_ =	shalt  }
0x4c: {  	_ =	shalt  }
0x4d: {  	_ =	shalt  }
0x4e: {  	_ =	shalt  }
0x4f: {  	_ =	shalt  }
0x50: {  	_ =	shalt  }
0x51: {  	_ =	shalt  }
0x52: {  	_ =	shalt  }
0x53: {  	_ =	shalt  }
0x54: {  	_ =	shalt  }
0x55: {  	_ =	shalt  }
0x56: {  	_ =	shalt  }
0x57: {  	_ =	shalt  }
0x58: {  	_ =	shalt  }
0x59: {  	_ =	shalt  }
0x5a: {  	_ =	shalt  }
0x5b: {  	_ =	shalt  }
0x5c: {  	_ =	shalt  }
0x5d: {  	_ =	shalt  }
0x5e: {  	_ =	shalt  }
0x5f: {  	_ =	shalt  }
0x60: {  	_ =	shalt  }
0x61: {  	_ =	shalt  }
0x62: {  	_ =	shalt  }
0x63: {  	_ =	shalt  }
0x64: {  	_ =	shalt  }
0x65: {  	_ =	shalt  }
0x66: {  	_ =	shalt  }
0x67: {  	_ =	shalt  }
0x68: {  	_ =	shalt  }
0x69: {  	_ =	shalt  }
0x6a: {  	_ =	shalt  }
0x6b: {  	_ =	shalt  }
0x6c: {  	_ =	shalt  }
0x6d: {  	_ =	shalt  }
0x6e: {  	_ =	shalt  }
0x6f: {  	_ =	shalt  }
0x70: {  	_ =	shalt  }
0x71: {  	_ =	shalt  }
0x72: {  	_ =	shalt  }
0x73: {  	_ =	shalt  }
0x74: {  	_ =	shalt  }
0x75: {  	_ =	shalt  }
0x76: {  	_ =	shalt  }
0x77: {  	_ =	shalt  }
0x78: {  	_ =	shalt  }
0x79: {  	_ =	shalt  }
0x7a: {  	_ =	shalt  }
0x7b: {  	_ =	shalt  }
0x7c: {  	_ =	shalt  }
0x7d: {  	_ =	shalt  }
0x7e: {  	_ =	shalt  }
0x7f: {  	_ =	shalt  }
0x80: {  	_ =	shalt  }
0x81: {  	_ =	shalt  }
0x82: {  	_ =	shalt  }
0x83: {  	_ =	shalt  }
0x84: {  	_ =	shalt  }
0x85: {  	_ =	shalt  }
0x86: {  	_ =	shalt  }
0x87: {  	_ =	shalt  }
.Lfunc_end0:
.L_simem_size_0:
called_computation.2_lowered:
.L_overlay_start_0:
0x88: {  	s2 =	sld [smem:$0x3FD9]  }
0x89: {  	s3 =	sld [smem:$0x3FFE];
	_ =	sdelay $0x1  }
0x8a: {  	s1 =	srdreg.scid  }
0x8b: {  	s0 =	sand.u32 $0x1, s1  }
0x8c: {  	s16 =	sshll.u32 s0, $0xA;
	s2 =	sadd.s32 s3, s2  }
0x8d: {  	s2 =	sadd.s32 s2, s16  }
0x8e: {  	[smem:$0x3FB7] =	sst s2  }
0x8f: {  	_ = 	snop  }
0x90: {  	(tm) =	ssettm $0x1  }
0x91: {  	s17 =	sld [smem:$0x3FFB];
	_ =	sdelay $0x3  }
0x92: {  	_ =	strace s17  }
0x93: {  	s2 =	sld [smem:$0x3FFC];
	_ =	sdelay $0x3  }
0x94: {  	_ =	strace s2  }
0x95: {  	s2 =	sld [smem:$0x3FFD];
	_ =	sdelay $0x3  }
0x96: {  	_ =	strace s2  }
0x97: {  	_ =	strace $0x8FFFFFFF  }
0x98: {  	s18 =	sld [smem:$0x3FDB];
	_ =	sdelay $0x1  }
0x99: {  	s19 =	simm.s32 $_scs_section_size  }
0x9a: {  	s4 =	simm.s32 $_size__tile_overlayer_lowered;
	s5 =	simm.s32 $_tile_overlayer_lowered  }
0x9b: {  	s22 =	simm.s32 $0x1BFF;
	s21 =	sshll.u32 s5, $0x1;
	s2 =	sadd.s32 s19, s18  }
0x9c: {  	s6 =	simm.s32 $0x0;
	s20 =	sshll.u32 s4, $0x1;
	s4 =	sadd.s32 s21, s2  }
0x9d: {  	[timem:s6], [sflag:s22] =	dma.local [hbm:s4], s20  }
0x9e: {  	_ =	swait.ge [sflag:s22], s20  }
0x9f: {  	s3 =	ssub.s32 $0x0, s20;
	[sflag:s22] =	ssyncset.done $0x0  }
0xa0: {  	[sflag:s22] =	ssyncadd.s32 s3;
	_ =	sdelay $0x1  }
0xa1: {  	s23 =	simm.s32 $0x1B8B  }
0xa2: {  	_ =	swait.ge [sflag:s23], $0x1  }
0xa3: {  	[sflag:s23] =	ssyncset.done $0x0  }
0xa4: {  	s25 =	simm.s32 $0x1B8E;
	s24 =	sld [smem:$0x3FFE];
	[sflag:s23] =	ssyncadd.s32 $0xFFFFFFFF  }
0xa5: {  	s26 =	simm.s32 $execute0_lowered;
	[smem:$0x3FD2] =	sst s25  }
0xa6: {  	s4 =	sshll.u32 s26, $0x1;
	_ =	strace $0x8000004C;
	[dreg:$0x1] =	wrdreg $0xFFFFFFFF  }
0xa7: {  	s28 =	simm.s32 $_size_execute0_lowered;
	s2 =	sadd.s32 s2, s4;
	[dreg:$0x0] =	wrdreg $0x0  }
0xa8: {  	s4 =	sshll.u32 s28, $0x1;
	[dreg:$0x2] =	wrdreg s2  }
0xa9: {  	[dreg:$0x3] =	wrdreg s4  }
0xaa: {  	[dreg:$0x4] =	wrdreg $0xC0  }
0xab: {  	_ =	task [dreg:s6], $0x5FFFF  }
0xac: {  	[dreg:$0x1] =	wrdreg $0xFFFFFFFF  }
0xad: {  	[dreg:$0x0] =	wrdreg $0x60  }
0xae: {  	[dreg:$0x2] =	wrdreg s24  }
0xaf: {  	[dreg:$0x3] =	wrdreg $0xF0000  }
0xb0: {  	[dreg:$0x4] =	wrdreg $0x9  }
0xb1: {  	_ =	task.clear_ibuf [dreg:s6], $0x5FFFF;
	_ =	strace $0x9000004C  }
0xb2: {  	s29 =	simm.s32 $0x9;
	_ =	strace $0x8000004E  }
0xb3: {  	_ =	swait.ge [sflag:s29], $0x1  }
0xb4: {  	[sflag:s29] =	ssyncadd.s32 $0xFFFFFFFF  }
0xb5: {  	_ =	strace $0x9000004E  }
0xb6: {  	_ =	sfence  }
0xb7: {  	s30 =	sld [smem:$0x0];
	_ =	sdelay $0x2  }
0xb8: {  	s31 =	sshll.u32 s1, $0xD;
	s1 =	sshrl.u32 s1, $0x2  }
0xb9: {  	s3 =	sand.u32 $0x4000, s31;
	s1 =	sadd.s32 s1, s30  }
0xba: {  	s0 =	sor.u32 s3, s0;
	s1 =	sshll.u32 s1, $0x11  }
0xbb: {  	s0 =	sor.u32 s1, s0  }
0xbc: {  	s0 =	sadd.s32 $0x8F2B, s0  }
0xbd: {  	[sflag:s0] =	ssyncadd.remote.s32 $0x1  }
0xbe: {  	_ =	sfence.sel $0xFFFF  }
0xbf: {  	[dreg:$0x0] =	wrdreg $0xFFFFFFFF;
	(pc) =	sbr.abs _section_cstart, $3  }
0xc0: {  	[dreg:$0x1] =	wrdreg $0xFFFFFFFF  }
0xc1: {  	_ =	task.clear_ibuf [dreg:s6], $0x2FFFF;
	_ =	strace $0x9FFFFFFF  }
0xc2: {  	(tm) =	ssettm $0x7FFFFFFF  }
0xc3: {  	_ =	shalt  }
tec
execute0_lowered:
.L_overlay_start_1:
0x0: {  	(tag) =	ssettag $0x1  }
0x1: {  	s0 =	rddreg [dreg:$0x0]  }
0x2: {  	s2 =	rddreg [dreg:$0x1]  }
0x3: {  	s1 =	srdreg.scid;
	s8 =	stileid.u32;
	s3 =	simm.s32 $0x0  }
0x4: {  	s14 =	simm.s32 $0x5;
	s16 =	simm.s32 $0xD000;
	s17 =	simm.s32 $0x80  }
0x5: {  	s18 =	simm.s32 $0x5000;
	s19 =	simm.s32 $0x7000;
	s20 =	simm.s32 $0x1  }
0x6: {  	s21 =	simm.s32 $0x9000;
	s22 =	simm.s32 $0x2;
	s23 =	simm.s32 $0xB000  }
0x7: {  	s24 =	simm.s32 $0x3;
	s25 =	simm.s32 $0x4;
	s15 =	simm.s32 $0x8  }
0x8: {  	s26 =	simm.s32 $0x0;
	s1 =	sand.u32 $0x1, s1;
	s7 =	smul.u32 $0x14000, s8  }
0x9: {  	s4 =	sshll.u32 s8, $0x1;
	[smem:$0x7FF] =	sst s3;
	s30 =	smul.u32 $0x28000, s8  }
0xa: {  	s5 =	smul.u32 $0x140000, s1;
	s6 =	sor.u32 s1, s4;
	s1 =	ssub.s32 $0x2, s1  }
0xb: {  	_ =	strace $0x8000004D;
	s6 =	smul.u32 $0x500, s6;
	s31 =	sshrl.u32 s1, $0x1  }
0xc: {  	s4 =	sadd.s32 $0x17800, s0;
	s5 =	sadd.s32 s7, s5;
	s1 =	ssub.s32 s1, s31  }
0xd: {  	s7 =	sshrl.u32 s30, $0x2;
	s6 =	sadd.s32 s6, s0;
	s5 =	sshrl.u32 s5, $0x3  }
0xe: {  	s7 =	sadd.s32 s7, s2;
	s13 =	smax.u32 s1, $0x1;
	s1 =	simm.s32 $0x10  }
0xf: {  	s0 =	sadd.s32 s5, s0;
	s5 =	sadd.s32 $0xD800, s6;
	s6 =	sadd.s32 $0x3800, s6  }
0x10: {  	s8 =	sadd.s32 $0x2000, s7;
	s9 =	sadd.s32 $0x4000, s7;
	s10 =	sadd.s32 $0x6000, s7  }
0x11: {  	v0 =	vimm.f32 $0.0e+00;
	s11 =	sadd.s32 $0x8000, s7;
	s12 =	sadd.s32 $0x2B200, s0;
	s0 =	simm.s32 $0x4F80  }
.LBB2_1:
0x12: {  	[tilespmem:s3], [sflag:$0x5] =	stream.linear.gather [hbm4b:s5+s3], $0x2800, $0x38;
	[tilespmem:$0x19000] =	vst v63  }
0x13: {  	_ =	swait.ge [sflag:s14], $0x2800  }
0x14: {  	[sflag:s14] =	ssyncset.done $0x0  }
0x15: {  	s28 =	simm.s32 $0x2800;
	[sflag:s14] =	ssyncadd.s32 $0xFFFFD800  }
0x16: {  	[tilespmem:s28], [sflag:$0x5] =	stream.linear.gather [hbm4b:s6+s3], $0x2800, $0x38;
	[tilespmem:$0x19000] =	vst v63  }
0x17: {  	s29 =	sand.u32 $0x30, s3;
	s28 =	sand.u32 $0x7F00, s3;
	_ =	swait.ge [sflag:s14], $0x2800  }
0x18: {  	s30 =	sshrl.u32 s28, $0x2;
	s28 =	simm.s32 $0x40;
	[sflag:s14] =	ssyncset.done $0x0  }
0x19: {  	s30 =	sor.u32 s29, s30;
	s29 =	simm.s32 $0x0;
	[sflag:s14] =	ssyncadd.s32 $0xFFFFD800  }
.LBB2_2:
0x1a: {  	p0 =	sne.s32 s28, $0x7FC0  }
0x1b: {  	[tilespmem:s30+$0xD000] =	vst v0;
	s29 =	sadd.s32 $0x10, s29;
	s30 =	smov.u32 s28;
	s28 =	sadd.s32 $0x40, s28  }
.Ltmp0:
0x1c: {  	(pc) =	sbr.rel @p0 .LBB2_2-.Ltmp0, $4  }
0x1d: {  	_ = 	snop  }
0x1e: {  	s30 =	sand.u32 $0x7F00, s30  }
0x1f: {  	s31 =	sand.u32 $0x30, s29;
	s30 =	sshrl.u32 s30, $0x2  }
0x20: {  	s30 =	sor.u32 s31, s30  }
0x21: {  	[tilespmem:s30+$0xD000] =	vst v0  }
0x22: {  	[spmem:s7] =	stream.linear.scatter [tilespmem:s16], [sflag:$0x5], $0x2000, $0x38;
	[tilespmem:$0x19000] =	vst v63  }
0x23: {  	_ =	swait.ge [sflag:s14], $0x2000  }
0x24: {  	[sflag:s14] =	ssyncset.done $0x0  }
0x25: {  	[sflag:s14] =	ssyncadd.s32 $0xFFFFE000  }
0x26: {  	[spmem:s8] =	stream.linear.scatter [tilespmem:s16], [sflag:$0x5], $0x2000, $0x38;
	[tilespmem:$0x19000] =	vst v63  }
0x27: {  	_ =	swait.ge [sflag:s14], $0x2000  }
0x28: {  	[sflag:s14] =	ssyncset.done $0x0  }
0x29: {  	[sflag:s14] =	ssyncadd.s32 $0xFFFFE000  }
0x2a: {  	[spmem:s9] =	stream.linear.scatter [tilespmem:s16], [sflag:$0x5], $0x2000, $0x38;
	[tilespmem:$0x19000] =	vst v63  }
0x2b: {  	_ =	swait.ge [sflag:s14], $0x2000  }
0x2c: {  	[sflag:s14] =	ssyncset.done $0x0  }
0x2d: {  	[sflag:s14] =	ssyncadd.s32 $0xFFFFE000  }
0x2e: {  	[spmem:s10] =	stream.linear.scatter [tilespmem:s16], [sflag:$0x5], $0x2000, $0x38;
	[tilespmem:$0x19000] =	vst v63  }
0x2f: {  	_ =	swait.ge [sflag:s14], $0x2000  }
0x30: {  	[sflag:s14] =	ssyncset.done $0x0  }
0x31: {  	[sflag:s14] =	ssyncadd.s32 $0xFFFFE000  }
0x32: {  	[spmem:s11] =	stream.linear.scatter [tilespmem:s16], [sflag:$0x5], $0x2000, $0x38;
	[tilespmem:$0x19000] =	vst v63  }
0x33: {  	_ =	swait.ge [sflag:s14], $0x2000  }
0x34: {  	[sflag:s14] =	ssyncset.done $0x0  }
0x35: {  	[sflag:s14] =	ssyncadd.s32 $0xFFFFE000  }
0x36: {  	s28 =	simm.s32 $0x0;
	[bflag:$0x0] =	sbarrier.arrive $0xFFFF  }
0x37: {  	[tilespmem:s18], [sflag:$0x1] =	stream.indirect.gather [hbm4b:s4+s17], $0x40, s28, s17, $0xb8;
	[tilespmem:$0x19000] =	vst v63  }
0x38: {  	_ = 	snop  }
0x39: {  	[tilespmem:s19], [sflag:$0x2] =	stream.indirect.gather [hbm4b:s4+s17], $0x40, s17, s17, $0xb8;
	[tilespmem:$0x19000] =	vst v63  }
0x3a: {  	_ =	swait.ge [sflag:s20], $0x2000  }
0x3b: {  	[sflag:s20] =	ssyncset.done $0x0  }
0x3c: {  	s28 =	simm.s32 $0x100;
	[sflag:s20] =	ssyncadd.s32 $0xFFFFE000  }
0x3d: {  	[tilespmem:s21], [sflag:$0x3] =	stream.indirect.gather [hbm4b:s4+s17], $0x40, s28, s17, $0xb8;
	[tilespmem:$0x19000] =	vst v63  }
0x3e: {  	s28 =	simm.s32 $0x2800  }
0x3f: {  	[spmem:s2] =	stream.indirect.scatter.add.f32 [tilespmem:s18], [sflag:$0x5], $0x40, s28, s17, $0xb8;
	[tilespmem:$0x19000] =	vst v63  }
0x40: {  	_ =	swait.ge [sflag:s14], $0x2000  }
0x41: {  	[sflag:s14] =	ssyncset.done $0x0  }
0x42: {  	[sflag:s14] =	ssyncadd.s32 $0xFFFFE000  }
0x43: {  	_ =	swait.ge [sflag:s22], $0x2000  }
0x44: {  	[sflag:s22] =	ssyncset.done $0x0  }
0x45: {  	s28 =	simm.s32 $0x180;
	[sflag:s22] =	ssyncadd.s32 $0xFFFFE000  }
0x46: {  	[tilespmem:s23], [sflag:$0x4] =	stream.indirect.gather [hbm4b:s4+s17], $0x40, s28, s17, $0xb8;
	[tilespmem:$0x19000] =	vst v63  }
0x47: {  	s28 =	simm.s32 $0x2880  }
0x48: {  	[spmem:s2] =	stream.indirect.scatter.add.f32 [tilespmem:s19], [sflag:$0x5], $0x40, s28, s17, $0xb8;
	[tilespmem:$0x19000] =	vst v63  }
0x49: {  	_ =	swait.ge [sflag:s14], $0x2000  }
0x4a: {  	[sflag:s14] =	ssyncset.done $0x0  }
0x4b: {  	[sflag:s14] =	ssyncadd.s32 $0xFFFFE000  }
0x4c: {  	_ =	swait.ge [sflag:s24], $0x2000  }
0x4d: {  	[sflag:s24] =	ssyncset.done $0x0  }
0x4e: {  	s28 =	simm.s32 $0x200;
	[sflag:s24] =	ssyncadd.s32 $0xFFFFE000  }
0x4f: {  	[tilespmem:s18], [sflag:$0x1] =	stream.indirect.gather [hbm4b:s4+s17], $0x40, s28, s17, $0xb8;
	[tilespmem:$0x19000] =	vst v63  }
0x50: {  	s28 =	simm.s32 $0x2900  }
0x51: {  	[spmem:s2] =	stream.indirect.scatter.add.f32 [tilespmem:s21], [sflag:$0x5], $0x40, s28, s17, $0xb8;
	[tilespmem:$0x19000] =	vst v63  }
0x52: {  	_ =	swait.ge [sflag:s14], $0x2000  }
0x53: {  	[sflag:s14] =	ssyncset.done $0x0  }
0x54: {  	[sflag:s14] =	ssyncadd.s32 $0xFFFFE000  }
0x55: {  	_ =	swait.ge [sflag:s25], $0x2000  }
0x56: {  	[sflag:s25] =	ssyncset.done $0x0  }
0x57: {  	s28 =	simm.s32 $0x280;
	[sflag:s25] =	ssyncadd.s32 $0xFFFFE000  }
0x58: {  	[tilespmem:s19], [sflag:$0x2] =	stream.indirect.gather [hbm4b:s4+s17], $0x40, s28, s17, $0xb8;
	[tilespmem:$0x19000] =	vst v63  }
0x59: {  	s28 =	simm.s32 $0x2980  }
0x5a: {  	[spmem:s2] =	stream.indirect.scatter.add.f32 [tilespmem:s23], [sflag:$0x5], $0x40, s28, s17, $0xb8;
	[tilespmem:$0x19000] =	vst v63  }
0x5b: {  	_ =	swait.ge [sflag:s14], $0x2000  }
0x5c: {  	s28 =	simm.s32 $0x800;
	[sflag:s14] =	ssyncset.done $0x0  }
.LBB2_4:
0x5d: {  	p0 =	sne.s32 s28, $0x9000  }
0x5e: {  	[sflag:s14] =	ssyncadd.s32 $0xFFFFE000;
	s29 =	smov.u32 s28;
	s28 =	sadd.s32 $0x800, s28  }
0x5f: {  	_ = 	snop  }
0x60: {  	_ =	swait.ge [sflag:s20], $0x2000  }
0x61: {  	s29 =	sshra.s32 s29, $0x2;
	[sflag:s20] =	ssyncset.done $0x0  }
0x62: {  	s30 =	sadd.s32 $0x100, s29;
	[sflag:s20] =	ssyncadd.s32 $0xFFFFE000  }
0x63: {  	[tilespmem:s21], [sflag:$0x3] =	stream.indirect.gather [hbm4b:s4+s17], $0x40, s30, s17, $0xb8;
	[tilespmem:$0x19000] =	vst v63  }
0x64: {  	s30 =	sadd.s32 $0x2800, s29  }
0x65: {  	[spmem:s2] =	stream.indirect.scatter.add.f32 [tilespmem:s18], [sflag:$0x5], $0x40, s30, s17, $0xb8;
	[tilespmem:$0x19000] =	vst v63  }
0x66: {  	_ =	swait.ge [sflag:s14], $0x2000  }
0x67: {  	[sflag:s14] =	ssyncset.done $0x0  }
0x68: {  	[sflag:s14] =	ssyncadd.s32 $0xFFFFE000  }
0x69: {  	_ =	swait.ge [sflag:s22], $0x2000  }
0x6a: {  	[sflag:s22] =	ssyncset.done $0x0  }
0x6b: {  	s30 =	sadd.s32 $0x180, s29;
	[sflag:s22] =	ssyncadd.s32 $0xFFFFE000  }
0x6c: {  	[tilespmem:s23], [sflag:$0x4] =	stream.indirect.gather [hbm4b:s4+s17], $0x40, s30, s17, $0xb8;
	[tilespmem:$0x19000] =	vst v63  }
0x6d: {  	s30 =	sadd.s32 $0x2880, s29  }
0x6e: {  	[spmem:s2] =	stream.indirect.scatter.add.f32 [tilespmem:s19], [sflag:$0x5], $0x40, s30, s17, $0xb8;
	[tilespmem:$0x19000] =	vst v63  }
0x6f: {  	_ =	swait.ge [sflag:s14], $0x2000  }
0x70: {  	[sflag:s14] =	ssyncset.done $0x0  }
0x71: {  	[sflag:s14] =	ssyncadd.s32 $0xFFFFE000  }
0x72: {  	_ =	swait.ge [sflag:s24], $0x2000  }
0x73: {  	[sflag:s24] =	ssyncset.done $0x0  }
0x74: {  	s30 =	sadd.s32 $0x200, s29;
	[sflag:s24] =	ssyncadd.s32 $0xFFFFE000  }
0x75: {  	[tilespmem:s18], [sflag:$0x1] =	stream.indirect.gather [hbm4b:s4+s17], $0x40, s30, s17, $0xb8;
	[tilespmem:$0x19000] =	vst v63  }
0x76: {  	s30 =	sadd.s32 $0x2900, s29  }
0x77: {  	[spmem:s2] =	stream.indirect.scatter.add.f32 [tilespmem:s21], [sflag:$0x5], $0x40, s30, s17, $0xb8;
	[tilespmem:$0x19000] =	vst v63  }
0x78: {  	_ =	swait.ge [sflag:s14], $0x2000  }
0x79: {  	[sflag:s14] =	ssyncset.done $0x0  }
0x7a: {  	[sflag:s14] =	ssyncadd.s32 $0xFFFFE000  }
0x7b: {  	_ =	swait.ge [sflag:s25], $0x2000  }
0x7c: {  	[sflag:s25] =	ssyncset.done $0x0  }
0x7d: {  	s30 =	sadd.s32 $0x280, s29;
	[sflag:s25] =	ssyncadd.s32 $0xFFFFE000  }
0x7e: {  	[tilespmem:s19], [sflag:$0x2] =	stream.indirect.gather [hbm4b:s4+s17], $0x40, s30, s17, $0xb8;
	[tilespmem:$0x19000] =	vst v63  }
.Ltmp1:
0x7f: {  	_ = 	snop;
	(pc) =	sbr.rel @p0 .LBB2_4-.Ltmp1, $4  }
0x80: {  	s29 =	sadd.s32 $0x2980, s29  }
0x81: {  	[spmem:s2] =	stream.indirect.scatter.add.f32 [tilespmem:s23], [sflag:$0x5], $0x40, s29, s17, $0xb8;
	[tilespmem:$0x19000] =	vst v63  }
0x82: {  	_ =	swait.ge [sflag:s14], $0x2000  }
0x83: {  	[sflag:s14] =	ssyncset.done $0x0  }
0x84: {  	[sflag:s14] =	ssyncadd.s32 $0xFFFFE000  }
0x85: {  	_ =	swait.ge [sflag:s20], $0x2000  }
0x86: {  	[sflag:s20] =	ssyncset.done $0x0  }
0x87: {  	s28 =	simm.s32 $0x2700;
	[sflag:s20] =	ssyncadd.s32 $0xFFFFE000  }
0x88: {  	[tilespmem:s21], [sflag:$0x3] =	stream.indirect.gather [hbm4b:s4+s17], $0x40, s28, s17, $0xb8;
	[tilespmem:$0x19000] =	vst v63  }
0x89: {  	s30 =	simm.s32 $0x4E00  }
0x8a: {  	[spmem:s2] =	stream.indirect.scatter.add.f32 [tilespmem:s18], [sflag:$0x5], $0x40, s30, s17, $0xb8;
	[tilespmem:$0x19000] =	vst v63  }
0x8b: {  	_ =	swait.ge [sflag:s14], $0x2000  }
0x8c: {  	[sflag:s14] =	ssyncset.done $0x0  }
0x8d: {  	[sflag:s14] =	ssyncadd.s32 $0xFFFFE000  }
0x8e: {  	_ =	swait.ge [sflag:s22], $0x2000  }
0x8f: {  	[sflag:s22] =	ssyncset.done $0x0  }
0x90: {  	s31 =	simm.s32 $0x2780;
	[sflag:s22] =	ssyncadd.s32 $0xFFFFE000  }
0x91: {  	[tilespmem:s23], [sflag:$0x4] =	stream.indirect.gather [hbm4b:s4+s17], $0x40, s31, s17, $0xb8;
	[tilespmem:$0x19000] =	vst v63  }
0x92: {  	s29 =	simm.s32 $0x4E80  }
0x93: {  	[spmem:s2] =	stream.indirect.scatter.add.f32 [tilespmem:s19], [sflag:$0x5], $0x40, s29, s17, $0xb8;
	[tilespmem:$0x19000] =	vst v63  }
0x94: {  	_ =	swait.ge [sflag:s14], $0x2000  }
0x95: {  	[sflag:s14] =	ssyncset.done $0x0  }
0x96: {  	[sflag:s14] =	ssyncadd.s32 $0xFFFFE000  }
0x97: {  	_ =	swait.ge [sflag:s24], $0x2000  }
0x98: {  	[sflag:s24] =	ssyncset.done $0x0  }
0x99: {  	s30 =	simm.s32 $0x4F00;
	[sflag:s24] =	ssyncadd.s32 $0xFFFFE000  }
0x9a: {  	[spmem:s2] =	stream.indirect.scatter.add.f32 [tilespmem:s21], [sflag:$0x5], $0x40, s30, s17, $0xb8;
	[tilespmem:$0x19000] =	vst v63  }
0x9b: {  	_ =	swait.ge [sflag:s14], $0x2000  }
0x9c: {  	[sflag:s14] =	ssyncset.done $0x0  }
0x9d: {  	[sflag:s14] =	ssyncadd.s32 $0xFFFFE000  }
0x9e: {  	_ =	swait.ge [sflag:s25], $0x2000  }
0x9f: {  	[sflag:s25] =	ssyncset.done $0x0  }
0xa0: {  	[sflag:s25] =	ssyncadd.s32 $0xFFFFE000  }
0xa1: {  	[spmem:s2] =	stream.indirect.scatter.add.f32 [tilespmem:s23], [sflag:$0x5], $0x40, s0, s17, $0xb8;
	[tilespmem:$0x19000] =	vst v63  }
0xa2: {  	s31 =	stileid.u32;
	_ =	swait.ge [sflag:s14], $0x2000  }
0xa3: {  	s26 =	sadd.s32 $0x1, s26;
	s28 =	sshll.u32 s31, $0x6;
	[sflag:s14] =	ssyncset.done $0x0  }
0xa4: {  	p0 =	sne.s32 s26, s13;
	s28 =	sor.u32 $0x1C05, s28;
	[sflag:s14] =	ssyncadd.s32 $0xFFFFE000  }
.Ltmp2:
0xa5: {  	s29 =	sshrl.u32 s7, $0x3;
	[bflag:$0x0] =	sbarrier.arrive $0xFFFF;
	(pc) =	sbr.rel @p0 .LBB2_1-.Ltmp2, $4  }
0xa6: {  	[hbm:s12@s1], [sflag:s28] =	dma.strided [spmem:s29@s15], $0x1400, s20, $0x8   }
0xa7: {  	_ =	swait.ge [sflag:s14], $0x1400  }
0xa8: {  	[sflag:s14] =	ssyncset.done $0x0  }
0xa9: {  	[sflag:s14] =	ssyncadd.s32 $0xFFFFEC00  }
0xaa: {  	_ =	sfence.sel $0x180000  }
0xab: {  	[bflag:$0x0] =	sbarrier.arrive $0xFFFF  }
0xac: {  	_ =	strace $0x9000004D  }
0xad: {  	s0 =	stileid.u32;
	[bflag:$0x2] =	sbarrier.arrive $0xFFFF  }
0xae: {  	p0 =	sne.s32 s0, $0x0;
	s0 =	rddreg [dreg:$0x2]  }
0xaf: {  	s0 =	sadd.s32 @!p0 $0x100000, s0  }
0xb0: {  	[sflag:s0] =	ssyncadd.tile.s32 @!p0 $0x1;
	_ =	shalt  }
.Lfunc_end2:
_tile_overlayer_lowered:
.L_overlay_start_2:
0xb1: {  	(tag) =	ssettag $0x2  }
0xb2: {  	s0 =	rddreg [dreg:$0x0];
	s2 =	stileid.u32  }
0xb3: {  	s1 =	rddreg [dreg:$0x1];
	p0 =	sne.s32 s2, $0x0  }
0xb4: {  	s3 =	rddreg [dreg:$0x2];
	[bflag:$0x3] =	sbarrier.arrive $0xFFFF;
	s2 =	simm.s32 @!p0 $0x1C05  }
0xb5: {  	[timem:s3], [sflag:s2] =	dma.local @!p0 [hbm:s0], s1  }
0xb6: {  	s0 =	simm.s32 @!p0 $0x5  }
0xb7: {  	_ =	swait.ge @!p0 [sflag:s0], s1  }
0xb8: {  	s1 =	ssub.s32 @!p0 $0x0, s1;
	[sflag:s0] =	ssyncset.done @!p0 $0x0  }
0xb9: {  	[sflag:s0] =	ssyncadd.s32 @!p0 s1  }
0xba: {  	[bflag:$0x3] =	sbarrier.arrive $0xFFFF  }
0xbb: {  	_ =	shalt  }

// kernel: kernel.21.cloned.1.call-start
scs
__scs_entry_jumppad:
0x0: {  	(pc) =	sbr.rel $0x88, $3  }
0x1: {  	(tag) =	ssettag $0x0;
	lr =	simm.s32 $0x1  }
0x2: {  	[smem:$0x3F90] =	sst lr;
	_ =	strace $0xD0000000  }
0x3: {  	_ = 	snop  }
0x4: {  	_ = 	snop  }
0x5: {  	_ = 	snop  }
0x6: {  	_ = 	snop  }
0x7: {  	_ = 	snop  }
__scs_overlays_trampoline_lowered:
0x8: {  	[smem:$0x3F9F] =	sst s0  }
0x9: {  	[smem:$0x3FA0] =	sst s1  }
0xa: {  	[smem:$0x3FA1] =	sst s2  }
0xb: {  	[smem:$0x3FA2] =	sst s3  }
0xc: {  	[smem:$0x3FA3] =	sst s4  }
0xd: {  	[smem:$0x3FA4] =	sst s5  }
0xe: {  	[smem:$0x3FA5] =	sst s6  }
0xf: {  	[smem:$0x3FA6] =	sst s7  }
0x10: {  	[smem:$0x3FA7] =	sst s8  }
0x11: {  	[smem:$0x3FA8] =	sst s9;
	s0 =	simm.s32 @!p0 $0x0  }
0x12: {  	s1 =	sld [smem:$0x3F8E];
	s0 =	simm.s32 @p0 $0x1  }
0x13: {  	[smem:$0x3FA9] =	sst s0;
	s0 =	simm.s32 @!p1 $0x0  }
0x14: {  	s2 =	sld [smem:$0x3F8D];
	s0 =	simm.s32 @p1 $0x1  }
0x15: {  	[smem:$0x3FAA] =	sst s0;
	s0 =	simm.s32 @!p2 $0x0  }
0x16: {  	s3 =	sld [smem:$0x3FDB];
	s0 =	simm.s32 @p2 $0x1  }
0x17: {  	s4 =	simm.s32 $0x1BF5;
	[smem:$0x3FAC] =	sst s0  }
0x18: {  	s0 =	sld [smem:$0x3F8F];
	_ =	swait.ge [sflag:s4], $0x0  }
0x19: {  	s7 =	sld [smem:$0x3F90]  }
0x1a: {  	s8 =	sadd.s32 $0xFFFFE003, lr  }
0x1b: {  	s9 =	sadd.s32 $0xFFFFFEF7, lr;
	s5 =	simm.s32 $0xFFFFFFFF;
	p2 =	slt.u32 s8, $0xFFFFF086  }
0x1c: {  	p1 =	slt.u32 s9, $0xF7A;
	s5 =	simm.s32 @!p2 $0x0  }
0x1d: {  	s5 =	simm.s32 @p1 $0x1;
	p0 =	seq.s32 s7, s2  }
0x1e: {  	s7 =	smul.u32 @!p0 $0xF7A, s2;
	p2 =	seq.s32 @!p0 s5, $0x0  }
0x1f: {  	s9 =	smul.u32 $0xF7A, s1;
	s8 =	simm.s32 @!p0 $0x1BF5;
	p2 =	por !p2, p0  }
0x20: {  	[sflag:s8] =	ssyncset.s32 @!p0 $0xFFFFF086;
	s6 =	sadd.s32 @!p0 s3, s7;
	s7 =	simm.s32 @!p0 $0x108  }
0x21: {  	s3 =	sadd.s32 s3, s9;
	s6 =	sadd.s32 @!p0 $0x88, s6;
	s7 =	simm.s32 @p2 $0x1082  }
0x22: {  	[simem:s7], [sflag:s8] =	dma.local @!p0 [hbm:s6], $0xF7A  }
0x23: {  	s9 =	sor.u32 $0xD0000000, s2;
	s6 =	simm.s32 $0x108;
	_ =	swait.ge @!p0 [sflag:s8], $0x0  }
0x24: {  	s3 =	sadd.s32 $0x88, s3;
	s6 =	simm.s32 @!p1 $0x1082;
	[sflag:s4] =	ssyncset.s32 $0xFFFFF086  }
0x25: {  	[simem:s6], [sflag:s4] =	dma.local [hbm:s3], $0xF7A  }
0x26: {  	[smem:$0x3F90] =	sst s1;
	(tag) =	ssettag s2;
	_ =	strace s9  }
0x27: {  	s1 =	sld [smem:$0x3FA0]  }
0x28: {  	s2 =	sld [smem:$0x3FA1]  }
0x29: {  	s4 =	sld [smem:$0x3FA3]  }
0x2a: {  	p0 =	seq.s32 s5, $0x0;
	s5 =	sld [smem:$0x3FA4]  }
0x2b: {  	s6 =	sld [smem:$0x3FA5]  }
0x2c: {  	s7 =	sld [smem:$0x3FA6]  }
0x2d: {  	s3 =	simm.s32 $0x108;
	s8 =	sld [smem:$0x3FA7]  }
0x2e: {  	s3 =	simm.s32 @!p0 $0x1082;
	s9 =	sld [smem:$0x3FA8]  }
0x2f: {  	lr =	sadd.s32 s0, s3;
	s0 =	sld [smem:$0x3F9F]  }
0x30: {  	s3 =	sld [smem:$0x3FA2]  }
0x31: {  	[smem:$0x3FAB] =	sst s10  }
0x32: {  	s10 =	sld [smem:$0x3FA9];
	_ =	sdelay $0x3  }
0x33: {  	p0 =	seq.s32 s10, $0x1;
	s10 =	sld [smem:$0x3FAB];
	_ =	sdelay $0x3  }
0x34: {  	[smem:$0x3FAB] =	sst s10  }
0x35: {  	s10 =	sld [smem:$0x3FAA];
	_ =	sdelay $0x3  }
0x36: {  	p1 =	seq.s32 s10, $0x1;
	s10 =	sld [smem:$0x3FAB];
	_ =	sdelay $0x3  }
0x37: {  	[smem:$0x3FAB] =	sst s10  }
0x38: {  	s10 =	sld [smem:$0x3FAC]  }
0x39: {  	_ = 	snop;
	(pc) =	sbr.ind lr, $3  }
0x3a: {  	_ = 	snop  }
0x3b: {  	_ = 	snop  }
0x3c: {  	p2 =	seq.s32 s10, $0x1;
	s10 =	sld [smem:$0x3FAB]  }
0x3d: {  	_ =	shalt  }
0x3e: {  	_ =	shalt  }
0x3f: {  	_ =	shalt  }
0x40: {  	_ =	shalt  }
0x41: {  	_ =	shalt  }
0x42: {  	_ =	shalt  }
0x43: {  	_ =	shalt  }
0x44: {  	_ =	shalt  }
0x45: {  	_ =	shalt  }
0x46: {  	_ =	shalt  }
0x47: {  	_ =	shalt  }
0x48: {  	_ =	shalt  }
0x49: {  	_ =	shalt  }
0x4a: {  	_ =	shalt  }
0x4b: {  	_ =	shalt  }
0x4c: {  	_ =	shalt  }
0x4d: {  	_ =	shalt  }
0x4e: {  	_ =	shalt  }
0x4f: {  	_ =	shalt  }
0x50: {  	_ =	shalt  }
0x51: {  	_ =	shalt  }
0x52: {  	_ =	shalt  }
0x53: {  	_ =	shalt  }
0x54: {  	_ =	shalt  }
0x55: {  	_ =	shalt  }
0x56: {  	_ =	shalt  }
0x57: {  	_ =	shalt  }
0x58: {  	_ =	shalt  }
0x59: {  	_ =	shalt  }
0x5a: {  	_ =	shalt  }
0x5b: {  	_ =	shalt  }
0x5c: {  	_ =	shalt  }
0x5d: {  	_ =	shalt  }
0x5e: {  	_ =	shalt  }
0x5f: {  	_ =	shalt  }
0x60: {  	_ =	shalt  }
0x61: {  	_ =	shalt  }
0x62: {  	_ =	shalt  }
0x63: {  	_ =	shalt  }
0x64: {  	_ =	shalt  }
0x65: {  	_ =	shalt  }
0x66: {  	_ =	shalt  }
0x67: {  	_ =	shalt  }
0x68: {  	_ =	shalt  }
0x69: {  	_ =	shalt  }
0x6a: {  	_ =	shalt  }
0x6b: {  	_ =	shalt  }
0x6c: {  	_ =	shalt  }
0x6d: {  	_ =	shalt  }
0x6e: {  	_ =	shalt  }
0x6f: {  	_ =	shalt  }
0x70: {  	_ =	shalt  }
0x71: {  	_ =	shalt  }
0x72: {  	_ =	shalt  }
0x73: {  	_ =	shalt  }
0x74: {  	_ =	shalt  }
0x75: {  	_ =	shalt  }
0x76: {  	_ =	shalt  }
0x77: {  	_ =	shalt  }
0x78: {  	_ =	shalt  }
0x79: {  	_ =	shalt  }
0x7a: {  	_ =	shalt  }
0x7b: {  	_ =	shalt  }
0x7c: {  	_ =	shalt  }
0x7d: {  	_ =	shalt  }
0x7e: {  	_ =	shalt  }
0x7f: {  	_ =	shalt  }
0x80: {  	_ =	shalt  }
0x81: {  	_ =	shalt  }
0x82: {  	_ =	shalt  }
0x83: {  	_ =	shalt  }
0x84: {  	_ =	shalt  }
0x85: {  	_ =	shalt  }
0x86: {  	_ =	shalt  }
0x87: {  	_ =	shalt  }
.Lfunc_end0:
.L_simem_size_0:
called_computation.3_lowered:
.L_overlay_start_0:
0x88: {  	s2 =	sld [smem:$0x3FD9]  }
0x89: {  	s3 =	sld [smem:$0x3FFE];
	_ =	sdelay $0x1  }
0x8a: {  	s1 =	srdreg.scid  }
0x8b: {  	s0 =	sand.u32 $0x1, s1  }
0x8c: {  	s16 =	sshll.u32 s0, $0xA;
	s2 =	sadd.s32 s3, s2  }
0x8d: {  	s2 =	sadd.s32 s2, s16  }
0x8e: {  	[smem:$0x3FB7] =	sst s2  }
0x8f: {  	_ = 	snop  }
0x90: {  	(tm) =	ssettm $0x1  }
0x91: {  	s17 =	sld [smem:$0x3FFB];
	_ =	sdelay $0x3  }
0x92: {  	_ =	strace s17  }
0x93: {  	s2 =	sld [smem:$0x3FFC];
	_ =	sdelay $0x3  }
0x94: {  	_ =	strace s2  }
0x95: {  	s2 =	sld [smem:$0x3FFD];
	_ =	sdelay $0x3  }
0x96: {  	_ =	strace s2  }
0x97: {  	_ =	strace $0x8FFFFFFF  }
0x98: {  	s18 =	sld [smem:$0x3FDB];
	_ =	sdelay $0x1  }
0x99: {  	s19 =	simm.s32 $_scs_section_size  }
0x9a: {  	s4 =	simm.s32 $_size__tile_overlayer_lowered;
	s5 =	simm.s32 $_tile_overlayer_lowered  }
0x9b: {  	s22 =	simm.s32 $0x1BFF;
	s21 =	sshll.u32 s5, $0x1;
	s2 =	sadd.s32 s19, s18  }
0x9c: {  	s6 =	simm.s32 $0x0;
	s20 =	sshll.u32 s4, $0x1;
	s4 =	sadd.s32 s21, s2  }
0x9d: {  	[timem:s6], [sflag:s22] =	dma.local [hbm:s4], s20  }
0x9e: {  	_ =	swait.ge [sflag:s22], s20  }
0x9f: {  	s3 =	ssub.s32 $0x0, s20;
	[sflag:s22] =	ssyncset.done $0x0  }
0xa0: {  	[sflag:s22] =	ssyncadd.s32 s3;
	_ =	sdelay $0x1  }
0xa1: {  	s23 =	simm.s32 $0x1B8B  }
0xa2: {  	_ =	swait.ge [sflag:s23], $0x1  }
0xa3: {  	[sflag:s23] =	ssyncset.done $0x0  }
0xa4: {  	s25 =	simm.s32 $0x1B8E;
	s24 =	sld [smem:$0x3FFE];
	[sflag:s23] =	ssyncadd.s32 $0xFFFFFFFF  }
0xa5: {  	s26 =	simm.s32 $execute0_lowered;
	[smem:$0x3FD2] =	sst s25  }
0xa6: {  	s4 =	sshll.u32 s26, $0x1;
	_ =	strace $0x8000004F;
	[dreg:$0x1] =	wrdreg $0xFFFFFFFF  }
0xa7: {  	s28 =	simm.s32 $_size_execute0_lowered;
	s2 =	sadd.s32 s2, s4;
	[dreg:$0x0] =	wrdreg $0x0  }
0xa8: {  	s4 =	sshll.u32 s28, $0x1;
	[dreg:$0x2] =	wrdreg s2  }
0xa9: {  	[dreg:$0x3] =	wrdreg s4  }
0xaa: {  	[dreg:$0x4] =	wrdreg $0xC0  }
0xab: {  	_ =	task [dreg:s6], $0x5FFFF  }
0xac: {  	[dreg:$0x1] =	wrdreg $0xFFFFFFFF  }
0xad: {  	[dreg:$0x0] =	wrdreg $0x60  }
0xae: {  	[dreg:$0x2] =	wrdreg s24  }
0xaf: {  	[dreg:$0x3] =	wrdreg $0xA0000  }
0xb0: {  	[dreg:$0x4] =	wrdreg $0x9  }
0xb1: {  	_ =	task.clear_ibuf [dreg:s6], $0x5FFFF;
	_ =	strace $0x9000004F  }
0xb2: {  	s29 =	simm.s32 $0x9;
	_ =	strace $0x80000051  }
0xb3: {  	_ =	swait.ge [sflag:s29], $0x1  }
0xb4: {  	[sflag:s29] =	ssyncadd.s32 $0xFFFFFFFF  }
0xb5: {  	_ =	strace $0x90000051  }
0xb6: {  	_ =	sfence  }
0xb7: {  	s30 =	sld [smem:$0x0];
	_ =	sdelay $0x2  }
0xb8: {  	s31 =	sshll.u32 s1, $0xD;
	s1 =	sshrl.u32 s1, $0x2  }
0xb9: {  	s3 =	sand.u32 $0x4000, s31;
	s1 =	sadd.s32 s1, s30  }
0xba: {  	s0 =	sor.u32 s3, s0;
	s1 =	sshll.u32 s1, $0x11  }
0xbb: {  	s0 =	sor.u32 s1, s0  }
0xbc: {  	s0 =	sadd.s32 $0x8F2B, s0  }
0xbd: {  	[sflag:s0] =	ssyncadd.remote.s32 $0x1  }
0xbe: {  	_ =	sfence.sel $0xFFFF  }
0xbf: {  	[dreg:$0x0] =	wrdreg $0xFFFFFFFF;
	(pc) =	sbr.abs _section_cstart, $3  }
0xc0: {  	[dreg:$0x1] =	wrdreg $0xFFFFFFFF  }
0xc1: {  	_ =	task.clear_ibuf [dreg:s6], $0x2FFFF;
	_ =	strace $0x9FFFFFFF  }
0xc2: {  	(tm) =	ssettm $0x7FFFFFFF  }
0xc3: {  	_ =	shalt  }
tec
execute0_lowered:
.L_overlay_start_1:
0x0: {  	(tag) =	ssettag $0x1  }
0x1: {  	s0 =	rddreg [dreg:$0x0]  }
0x2: {  	s2 =	rddreg [dreg:$0x1]  }
0x3: {  	s1 =	srdreg.scid;
	s3 =	stileid.u32  }
0x4: {  	s14 =	simm.s32 $0x5;
	s16 =	simm.s32 $0x9000;
	s17 =	simm.s32 $0x80  }
0x5: {  	s18 =	simm.s32 $0x5000;
	s19 =	simm.s32 $0x6000;
	s20 =	simm.s32 $0x1  }
0x6: {  	s21 =	simm.s32 $0x7000;
	s22 =	simm.s32 $0x2;
	s23 =	simm.s32 $0x8000  }
0x7: {  	s24 =	simm.s32 $0x3;
	s25 =	simm.s32 $0x4;
	s31 =	simm.s32 $0x4F00  }
0x8: {  	s15 =	simm.s32 $0x0;
	s1 =	sand.u32 $0x1, s1;
	s4 =	sshll.u32 s3, $0x1  }
0x9: {  	s5 =	smul.u32 $0x14000, s3;
	s3 =	simm.s32 $0x0;
	s4 =	sor.u32 s1, s4  }
0xa: {  	s6 =	smul.u32 $0x140000, s1;
	[smem:$0x7FF] =	sst s3;
	s1 =	ssub.s32 $0x2, s1  }
0xb: {  	s7 =	smul.u32 $0x500, s4;
	_ =	strace $0x80000050;
	s4 =	sadd.s32 $0x17800, s0  }
0xc: {  	s30 =	sshrl.u32 s1, $0x1;
	s8 =	sshrl.u32 s5, $0x2;
	s6 =	sadd.s32 s5, s6  }
0xd: {  	s1 =	ssub.s32 s1, s30;
	s7 =	sadd.s32 s7, s0;
	s6 =	sshrl.u32 s6, $0x3  }
0xe: {  	s13 =	smax.u32 s1, $0x1;
	s1 =	simm.s32 $0x10;
	s0 =	sadd.s32 s6, s0  }
0xf: {  	s5 =	sadd.s32 $0xD800, s7;
	s6 =	sadd.s32 s8, s2;
	s7 =	sadd.s32 $0x3800, s7  }
0x10: {  	s8 =	sadd.s32 $0x1000, s6;
	s9 =	sadd.s32 $0x2000, s6;
	s10 =	sadd.s32 $0x3000, s6  }
0x11: {  	v0 =	vimm.f32 $0.0e+00;
	s11 =	sadd.s32 $0x4000, s6;
	s12 =	sadd.s32 $0x21600, s0;
	s0 =	simm.s32 $0x4F80  }
.LBB2_1:
0x12: {  	[tilespmem:s3], [sflag:$0x5] =	stream.linear.gather [hbm4b:s5+s3], $0x2800, $0x38;
	[tilespmem:$0xF000] =	vst v63  }
0x13: {  	_ =	swait.ge [sflag:s14], $0x2800  }
0x14: {  	[sflag:s14] =	ssyncset.done $0x0  }
0x15: {  	s26 =	simm.s32 $0x2800;
	s30 =	sand.u32 $0x3F80, s3;
	[sflag:s14] =	ssyncadd.s32 $0xFFFFD800  }
0x16: {  	[tilespmem:s26], [sflag:$0x5] =	stream.linear.gather [hbm4b:s7+s3], $0x2800, $0x38;
	[tilespmem:$0xF000] =	vst v63  }
0x17: {  	s28 =	sand.u32 $0x10, s3;
	s29 =	sshrl.u32 s30, $0x2;
	_ =	swait.ge [sflag:s14], $0x2800  }
0x18: {  	s29 =	sor.u32 s28, s29;
	[sflag:s14] =	ssyncset.done $0x0  }
0x19: {  	s28 =	simm.s32 $0x0;
	s26 =	simm.s32 $0x40;
	[sflag:s14] =	ssyncadd.s32 $0xFFFFD800  }
.LBB2_2:
0x1a: {  	p0 =	sne.s32 s26, $0x3FC0  }
0x1b: {  	[tilespmem:s29+$0x9000] =	vst v0;
	s28 =	sadd.s32 $0x10, s28;
	s29 =	smov.u32 s26;
	s26 =	sadd.s32 $0x40, s26  }
.Ltmp0:
0x1c: {  	(pc) =	sbr.rel @p0 .LBB2_2-.Ltmp0, $4  }
0x1d: {  	_ = 	snop  }
0x1e: {  	s29 =	sand.u32 $0x3F80, s29  }
0x1f: {  	s30 =	sand.u32 $0x10, s28;
	s29 =	sshrl.u32 s29, $0x2  }
0x20: {  	s29 =	sor.u32 s30, s29  }
0x21: {  	[tilespmem:s29+$0x9000] =	vst v0  }
0x22: {  	[spmem:s6] =	stream.linear.scatter [tilespmem:s16], [sflag:$0x5], $0x1000, $0x38;
	[tilespmem:$0xF000] =	vst v63  }
0x23: {  	_ =	swait.ge [sflag:s14], $0x1000  }
0x24: {  	[sflag:s14] =	ssyncset.done $0x0  }
0x25: {  	[sflag:s14] =	ssyncadd.s32 $0xFFFFF000  }
0x26: {  	[spmem:s8] =	stream.linear.scatter [tilespmem:s16], [sflag:$0x5], $0x1000, $0x38;
	[tilespmem:$0xF000] =	vst v63  }
0x27: {  	_ =	swait.ge [sflag:s14], $0x1000  }
0x28: {  	[sflag:s14] =	ssyncset.done $0x0  }
0x29: {  	[sflag:s14] =	ssyncadd.s32 $0xFFFFF000  }
0x2a: {  	[spmem:s9] =	stream.linear.scatter [tilespmem:s16], [sflag:$0x5], $0x1000, $0x38;
	[tilespmem:$0xF000] =	vst v63  }
0x2b: {  	_ =	swait.ge [sflag:s14], $0x1000  }
0x2c: {  	[sflag:s14] =	ssyncset.done $0x0  }
0x2d: {  	[sflag:s14] =	ssyncadd.s32 $0xFFFFF000  }
0x2e: {  	[spmem:s10] =	stream.linear.scatter [tilespmem:s16], [sflag:$0x5], $0x1000, $0x38;
	[tilespmem:$0xF000] =	vst v63  }
0x2f: {  	_ =	swait.ge [sflag:s14], $0x1000  }
0x30: {  	[sflag:s14] =	ssyncset.done $0x0  }
0x31: {  	[sflag:s14] =	ssyncadd.s32 $0xFFFFF000  }
0x32: {  	[spmem:s11] =	stream.linear.scatter [tilespmem:s16], [sflag:$0x5], $0x1000, $0x38;
	[tilespmem:$0xF000] =	vst v63  }
0x33: {  	_ =	swait.ge [sflag:s14], $0x1000  }
0x34: {  	[sflag:s14] =	ssyncset.done $0x0  }
0x35: {  	[sflag:s14] =	ssyncadd.s32 $0xFFFFF000  }
0x36: {  	s26 =	simm.s32 $0x0;
	[bflag:$0x0] =	sbarrier.arrive $0xFFFF  }
0x37: {  	[tilespmem:s18], [sflag:$0x1] =	stream.indirect.gather [hbm4b:s4+s17], $0x20, s26, s17, $0xb8;
	[tilespmem:$0xF000] =	vst v63  }
0x38: {  	_ = 	snop  }
0x39: {  	[tilespmem:s19], [sflag:$0x2] =	stream.indirect.gather [hbm4b:s4+s17], $0x20, s17, s17, $0xb8;
	[tilespmem:$0xF000] =	vst v63  }
0x3a: {  	_ =	swait.ge [sflag:s20], $0x1000  }
0x3b: {  	[sflag:s20] =	ssyncset.done $0x0  }
0x3c: {  	s29 =	simm.s32 $0x100;
	[sflag:s20] =	ssyncadd.s32 $0xFFFFF000  }
0x3d: {  	[tilespmem:s21], [sflag:$0x3] =	stream.indirect.gather [hbm4b:s4+s17], $0x20, s29, s17, $0xb8;
	[tilespmem:$0xF000] =	vst v63  }
0x3e: {  	s30 =	simm.s32 $0x2800  }
0x3f: {  	[spmem:s2] =	stream.indirect.scatter.add.f32 [tilespmem:s18], [sflag:$0x5], $0x20, s30, s17, $0xb8;
	[tilespmem:$0xF000] =	vst v63  }
0x40: {  	_ =	swait.ge [sflag:s14], $0x1000  }
0x41: {  	[sflag:s14] =	ssyncset.done $0x0  }
0x42: {  	[sflag:s14] =	ssyncadd.s32 $0xFFFFF000  }
0x43: {  	_ =	swait.ge [sflag:s22], $0x1000  }
0x44: {  	[sflag:s22] =	ssyncset.done $0x0  }
0x45: {  	s28 =	simm.s32 $0x180;
	[sflag:s22] =	ssyncadd.s32 $0xFFFFF000  }
0x46: {  	[tilespmem:s23], [sflag:$0x4] =	stream.indirect.gather [hbm4b:s4+s17], $0x20, s28, s17, $0xb8;
	[tilespmem:$0xF000] =	vst v63  }
0x47: {  	s29 =	simm.s32 $0x2880  }
0x48: {  	[spmem:s2] =	stream.indirect.scatter.add.f32 [tilespmem:s19], [sflag:$0x5], $0x20, s29, s17, $0xb8;
	[tilespmem:$0xF000] =	vst v63  }
0x49: {  	_ =	swait.ge [sflag:s14], $0x1000  }
0x4a: {  	[sflag:s14] =	ssyncset.done $0x0  }
0x4b: {  	[sflag:s14] =	ssyncadd.s32 $0xFFFFF000  }
0x4c: {  	_ =	swait.ge [sflag:s24], $0x1000  }
0x4d: {  	[sflag:s24] =	ssyncset.done $0x0  }
0x4e: {  	s30 =	simm.s32 $0x200;
	[sflag:s24] =	ssyncadd.s32 $0xFFFFF000  }
0x4f: {  	[tilespmem:s18], [sflag:$0x1] =	stream.indirect.gather [hbm4b:s4+s17], $0x20, s30, s17, $0xb8;
	[tilespmem:$0xF000] =	vst v63  }
0x50: {  	s28 =	simm.s32 $0x2900  }
0x51: {  	[spmem:s2] =	stream.indirect.scatter.add.f32 [tilespmem:s21], [sflag:$0x5], $0x20, s28, s17, $0xb8;
	[tilespmem:$0xF000] =	vst v63  }
0x52: {  	_ =	swait.ge [sflag:s14], $0x1000  }
0x53: {  	[sflag:s14] =	ssyncset.done $0x0  }
0x54: {  	[sflag:s14] =	ssyncadd.s32 $0xFFFFF000  }
0x55: {  	_ =	swait.ge [sflag:s25], $0x1000  }
0x56: {  	[sflag:s25] =	ssyncset.done $0x0  }
0x57: {  	s29 =	simm.s32 $0x280;
	[sflag:s25] =	ssyncadd.s32 $0xFFFFF000  }
0x58: {  	[tilespmem:s19], [sflag:$0x2] =	stream.indirect.gather [hbm4b:s4+s17], $0x20, s29, s17, $0xb8;
	[tilespmem:$0xF000] =	vst v63  }
0x59: {  	s30 =	simm.s32 $0x2980  }
0x5a: {  	[spmem:s2] =	stream.indirect.scatter.add.f32 [tilespmem:s23], [sflag:$0x5], $0x20, s30, s17, $0xb8;
	[tilespmem:$0xF000] =	vst v63  }
0x5b: {  	_ =	swait.ge [sflag:s14], $0x1000  }
0x5c: {  	s26 =	simm.s32 $0x800;
	[sflag:s14] =	ssyncset.done $0x0  }
.LBB2_4:
0x5d: {  	p0 =	sne.s32 s26, $0x9000  }
0x5e: {  	[sflag:s14] =	ssyncadd.s32 $0xFFFFF000;
	s28 =	smov.u32 s26;
	s26 =	sadd.s32 $0x800, s26  }
0x5f: {  	_ = 	snop  }
0x60: {  	_ =	swait.ge [sflag:s20], $0x1000  }
0x61: {  	s28 =	sshra.s32 s28, $0x2;
	[sflag:s20] =	ssyncset.done $0x0  }
0x62: {  	s29 =	sadd.s32 $0x100, s28;
	[sflag:s20] =	ssyncadd.s32 $0xFFFFF000  }
0x63: {  	[tilespmem:s21], [sflag:$0x3] =	stream.indirect.gather [hbm4b:s4+s17], $0x20, s29, s17, $0xb8;
	[tilespmem:$0xF000] =	vst v63  }
0x64: {  	s29 =	sadd.s32 $0x2800, s28  }
0x65: {  	[spmem:s2] =	stream.indirect.scatter.add.f32 [tilespmem:s18], [sflag:$0x5], $0x20, s29, s17, $0xb8;
	[tilespmem:$0xF000] =	vst v63  }
0x66: {  	_ =	swait.ge [sflag:s14], $0x1000  }
0x67: {  	[sflag:s14] =	ssyncset.done $0x0  }
0x68: {  	[sflag:s14] =	ssyncadd.s32 $0xFFFFF000  }
0x69: {  	_ =	swait.ge [sflag:s22], $0x1000  }
0x6a: {  	[sflag:s22] =	ssyncset.done $0x0  }
0x6b: {  	s29 =	sadd.s32 $0x180, s28;
	[sflag:s22] =	ssyncadd.s32 $0xFFFFF000  }
0x6c: {  	[tilespmem:s23], [sflag:$0x4] =	stream.indirect.gather [hbm4b:s4+s17], $0x20, s29, s17, $0xb8;
	[tilespmem:$0xF000] =	vst v63  }
0x6d: {  	s29 =	sadd.s32 $0x2880, s28  }
0x6e: {  	[spmem:s2] =	stream.indirect.scatter.add.f32 [tilespmem:s19], [sflag:$0x5], $0x20, s29, s17, $0xb8;
	[tilespmem:$0xF000] =	vst v63  }
0x6f: {  	_ =	swait.ge [sflag:s14], $0x1000  }
0x70: {  	[sflag:s14] =	ssyncset.done $0x0  }
0x71: {  	[sflag:s14] =	ssyncadd.s32 $0xFFFFF000  }
0x72: {  	_ =	swait.ge [sflag:s24], $0x1000  }
0x73: {  	[sflag:s24] =	ssyncset.done $0x0  }
0x74: {  	s29 =	sadd.s32 $0x200, s28;
	[sflag:s24] =	ssyncadd.s32 $0xFFFFF000  }
0x75: {  	[tilespmem:s18], [sflag:$0x1] =	stream.indirect.gather [hbm4b:s4+s17], $0x20, s29, s17, $0xb8;
	[tilespmem:$0xF000] =	vst v63  }
0x76: {  	s29 =	sadd.s32 $0x2900, s28  }
0x77: {  	[spmem:s2] =	stream.indirect.scatter.add.f32 [tilespmem:s21], [sflag:$0x5], $0x20, s29, s17, $0xb8;
	[tilespmem:$0xF000] =	vst v63  }
0x78: {  	_ =	swait.ge [sflag:s14], $0x1000  }
0x79: {  	[sflag:s14] =	ssyncset.done $0x0  }
0x7a: {  	[sflag:s14] =	ssyncadd.s32 $0xFFFFF000  }
0x7b: {  	_ =	swait.ge [sflag:s25], $0x1000  }
0x7c: {  	[sflag:s25] =	ssyncset.done $0x0  }
0x7d: {  	s29 =	sadd.s32 $0x280, s28;
	[sflag:s25] =	ssyncadd.s32 $0xFFFFF000  }
0x7e: {  	[tilespmem:s19], [sflag:$0x2] =	stream.indirect.gather [hbm4b:s4+s17], $0x20, s29, s17, $0xb8;
	[tilespmem:$0xF000] =	vst v63  }
.Ltmp1:
0x7f: {  	_ = 	snop;
	(pc) =	sbr.rel @p0 .LBB2_4-.Ltmp1, $4  }
0x80: {  	s28 =	sadd.s32 $0x2980, s28  }
0x81: {  	[spmem:s2] =	stream.indirect.scatter.add.f32 [tilespmem:s23], [sflag:$0x5], $0x20, s28, s17, $0xb8;
	[tilespmem:$0xF000] =	vst v63  }
0x82: {  	_ =	swait.ge [sflag:s14], $0x1000  }
0x83: {  	[sflag:s14] =	ssyncset.done $0x0  }
0x84: {  	[sflag:s14] =	ssyncadd.s32 $0xFFFFF000  }
0x85: {  	_ =	swait.ge [sflag:s20], $0x1000  }
0x86: {  	[sflag:s20] =	ssyncset.done $0x0  }
0x87: {  	s26 =	simm.s32 $0x2700;
	[sflag:s20] =	ssyncadd.s32 $0xFFFFF000  }
0x88: {  	[tilespmem:s21], [sflag:$0x3] =	stream.indirect.gather [hbm4b:s4+s17], $0x20, s26, s17, $0xb8;
	[tilespmem:$0xF000] =	vst v63  }
0x89: {  	s30 =	simm.s32 $0x4E00  }
0x8a: {  	[spmem:s2] =	stream.indirect.scatter.add.f32 [tilespmem:s18], [sflag:$0x5], $0x20, s30, s17, $0xb8;
	[tilespmem:$0xF000] =	vst v63  }
0x8b: {  	_ =	swait.ge [sflag:s14], $0x1000  }
0x8c: {  	[sflag:s14] =	ssyncset.done $0x0  }
0x8d: {  	[sflag:s14] =	ssyncadd.s32 $0xFFFFF000  }
0x8e: {  	_ =	swait.ge [sflag:s22], $0x1000  }
0x8f: {  	[sflag:s22] =	ssyncset.done $0x0  }
0x90: {  	s28 =	simm.s32 $0x2780;
	[sflag:s22] =	ssyncadd.s32 $0xFFFFF000  }
0x91: {  	[tilespmem:s23], [sflag:$0x4] =	stream.indirect.gather [hbm4b:s4+s17], $0x20, s28, s17, $0xb8;
	[tilespmem:$0xF000] =	vst v63  }
0x92: {  	s29 =	simm.s32 $0x4E80  }
0x93: {  	[spmem:s2] =	stream.indirect.scatter.add.f32 [tilespmem:s19], [sflag:$0x5], $0x20, s29, s17, $0xb8;
	[tilespmem:$0xF000] =	vst v63  }
0x94: {  	_ =	swait.ge [sflag:s14], $0x1000  }
0x95: {  	[sflag:s14] =	ssyncset.done $0x0  }
0x96: {  	[sflag:s14] =	ssyncadd.s32 $0xFFFFF000  }
0x97: {  	_ =	swait.ge [sflag:s24], $0x1000  }
0x98: {  	[sflag:s24] =	ssyncset.done $0x0  }
0x99: {  	[sflag:s24] =	ssyncadd.s32 $0xFFFFF000  }
0x9a: {  	[spmem:s2] =	stream.indirect.scatter.add.f32 [tilespmem:s21], [sflag:$0x5], $0x20, s31, s17, $0xb8;
	[tilespmem:$0xF000] =	vst v63  }
0x9b: {  	_ =	swait.ge [sflag:s14], $0x1000  }
0x9c: {  	[sflag:s14] =	ssyncset.done $0x0  }
0x9d: {  	[sflag:s14] =	ssyncadd.s32 $0xFFFFF000  }
0x9e: {  	_ =	swait.ge [sflag:s25], $0x1000  }
0x9f: {  	[sflag:s25] =	ssyncset.done $0x0  }
0xa0: {  	[sflag:s25] =	ssyncadd.s32 $0xFFFFF000  }
0xa1: {  	[spmem:s2] =	stream.indirect.scatter.add.f32 [tilespmem:s23], [sflag:$0x5], $0x20, s0, s17, $0xb8;
	[tilespmem:$0xF000] =	vst v63  }
0xa2: {  	s30 =	stileid.u32;
	_ =	swait.ge [sflag:s14], $0x1000  }
0xa3: {  	s15 =	sadd.s32 $0x1, s15;
	s26 =	sshll.u32 s30, $0x6;
	[sflag:s14] =	ssyncset.done $0x0  }
0xa4: {  	p0 =	sne.s32 s15, s13;
	s26 =	sor.u32 $0x1C05, s26;
	[sflag:s14] =	ssyncadd.s32 $0xFFFFF000  }
.Ltmp2:
0xa5: {  	s28 =	sshrl.u32 s6, $0x3;
	[bflag:$0x0] =	sbarrier.arrive $0xFFFF;
	(pc) =	sbr.rel @p0 .LBB2_1-.Ltmp2, $4  }
0xa6: {  	[hbm:s12@s1], [sflag:s26] =	dma.strided [spmem:s28@s25], $0xA00, s20, $0x4   }
0xa7: {  	_ =	swait.ge [sflag:s14], $0xA00  }
0xa8: {  	[sflag:s14] =	ssyncset.done $0x0  }
0xa9: {  	[sflag:s14] =	ssyncadd.s32 $0xFFFFF600  }
0xaa: {  	_ =	sfence.sel $0x180000  }
0xab: {  	[bflag:$0x0] =	sbarrier.arrive $0xFFFF  }
0xac: {  	_ =	strace $0x90000050  }
0xad: {  	s0 =	stileid.u32;
	[bflag:$0x2] =	sbarrier.arrive $0xFFFF  }
0xae: {  	p0 =	sne.s32 s0, $0x0;
	s0 =	rddreg [dreg:$0x2]  }
0xaf: {  	s0 =	sadd.s32 @!p0 $0x100000, s0  }
0xb0: {  	[sflag:s0] =	ssyncadd.tile.s32 @!p0 $0x1;
	_ =	shalt  }
.Lfunc_end2:
_tile_overlayer_lowered:
.L_overlay_start_2:
0xb1: {  	(tag) =	ssettag $0x2  }
0xb2: {  	s0 =	rddreg [dreg:$0x0];
	s2 =	stileid.u32  }
0xb3: {  	s1 =	rddreg [dreg:$0x1];
	p0 =	sne.s32 s2, $0x0  }
0xb4: {  	s3 =	rddreg [dreg:$0x2];
	[bflag:$0x3] =	sbarrier.arrive $0xFFFF;
	s2 =	simm.s32 @!p0 $0x1C05  }
0xb5: {  	[timem:s3], [sflag:s2] =	dma.local @!p0 [hbm:s0], s1  }
0xb6: {  	s0 =	simm.s32 @!p0 $0x5  }
0xb7: {  	_ =	swait.ge @!p0 [sflag:s0], s1  }
0xb8: {  	s1 =	ssub.s32 @!p0 $0x0, s1;
	[sflag:s0] =	ssyncset.done @!p0 $0x0  }
0xb9: {  	[sflag:s0] =	ssyncadd.s32 @!p0 s1  }
0xba: {  	[bflag:$0x3] =	sbarrier.arrive $0xFFFF  }
0xbb: {  	_ =	shalt  }

// kernel: kernel.24.cloned.1.call-start
scs
__scs_entry_jumppad:
0x0: {  	(pc) =	sbr.rel $0x88, $3  }
0x1: {  	(tag) =	ssettag $0x0;
	lr =	simm.s32 $0x1  }
0x2: {  	[smem:$0x3F90] =	sst lr;
	_ =	strace $0xD0000000  }
0x3: {  	_ = 	snop  }
0x4: {  	_ = 	snop  }
0x5: {  	_ = 	snop  }
0x6: {  	_ = 	snop  }
0x7: {  	_ = 	snop  }
__scs_overlays_trampoline_lowered:
0x8: {  	[smem:$0x3F9F] =	sst s0  }
0x9: {  	[smem:$0x3FA0] =	sst s1  }
0xa: {  	[smem:$0x3FA1] =	sst s2  }
0xb: {  	[smem:$0x3FA2] =	sst s3  }
0xc: {  	[smem:$0x3FA3] =	sst s4  }
0xd: {  	[smem:$0x3FA4] =	sst s5  }
0xe: {  	[smem:$0x3FA5] =	sst s6  }
0xf: {  	[smem:$0x3FA6] =	sst s7  }
0x10: {  	[smem:$0x3FA7] =	sst s8  }
0x11: {  	[smem:$0x3FA8] =	sst s9;
	s0 =	simm.s32 @!p0 $0x0  }
0x12: {  	s1 =	sld [smem:$0x3F8E];
	s0 =	simm.s32 @p0 $0x1  }
0x13: {  	[smem:$0x3FA9] =	sst s0;
	s0 =	simm.s32 @!p1 $0x0  }
0x14: {  	s2 =	sld [smem:$0x3F8D];
	s0 =	simm.s32 @p1 $0x1  }
0x15: {  	[smem:$0x3FAA] =	sst s0;
	s0 =	simm.s32 @!p2 $0x0  }
0x16: {  	s3 =	sld [smem:$0x3FDB];
	s0 =	simm.s32 @p2 $0x1  }
0x17: {  	s4 =	simm.s32 $0x1BF5;
	[smem:$0x3FAC] =	sst s0  }
0x18: {  	s0 =	sld [smem:$0x3F8F];
	_ =	swait.ge [sflag:s4], $0x0  }
0x19: {  	s7 =	sld [smem:$0x3F90]  }
0x1a: {  	s8 =	sadd.s32 $0xFFFFE003, lr  }
0x1b: {  	s9 =	sadd.s32 $0xFFFFFEF7, lr;
	s5 =	simm.s32 $0xFFFFFFFF;
	p2 =	slt.u32 s8, $0xFFFFF086  }
0x1c: {  	p1 =	slt.u32 s9, $0xF7A;
	s5 =	simm.s32 @!p2 $0x0  }
0x1d: {  	s5 =	simm.s32 @p1 $0x1;
	p0 =	seq.s32 s7, s2  }
0x1e: {  	s7 =	smul.u32 @!p0 $0xF7A, s2;
	p2 =	seq.s32 @!p0 s5, $0x0  }
0x1f: {  	s9 =	smul.u32 $0xF7A, s1;
	s8 =	simm.s32 @!p0 $0x1BF5;
	p2 =	por !p2, p0  }
0x20: {  	[sflag:s8] =	ssyncset.s32 @!p0 $0xFFFFF086;
	s6 =	sadd.s32 @!p0 s3, s7;
	s7 =	simm.s32 @!p0 $0x108  }
0x21: {  	s3 =	sadd.s32 s3, s9;
	s6 =	sadd.s32 @!p0 $0x88, s6;
	s7 =	simm.s32 @p2 $0x1082  }
0x22: {  	[simem:s7], [sflag:s8] =	dma.local @!p0 [hbm:s6], $0xF7A  }
0x23: {  	s9 =	sor.u32 $0xD0000000, s2;
	s6 =	simm.s32 $0x108;
	_ =	swait.ge @!p0 [sflag:s8], $0x0  }
0x24: {  	s3 =	sadd.s32 $0x88, s3;
	s6 =	simm.s32 @!p1 $0x1082;
	[sflag:s4] =	ssyncset.s32 $0xFFFFF086  }
0x25: {  	[simem:s6], [sflag:s4] =	dma.local [hbm:s3], $0xF7A  }
0x26: {  	[smem:$0x3F90] =	sst s1;
	(tag) =	ssettag s2;
	_ =	strace s9  }
0x27: {  	s1 =	sld [smem:$0x3FA0]  }
0x28: {  	s2 =	sld [smem:$0x3FA1]  }
0x29: {  	s4 =	sld [smem:$0x3FA3]  }
0x2a: {  	p0 =	seq.s32 s5, $0x0;
	s5 =	sld [smem:$0x3FA4]  }
0x2b: {  	s6 =	sld [smem:$0x3FA5]  }
0x2c: {  	s7 =	sld [smem:$0x3FA6]  }
0x2d: {  	s3 =	simm.s32 $0x108;
	s8 =	sld [smem:$0x3FA7]  }
0x2e: {  	s3 =	simm.s32 @!p0 $0x1082;
	s9 =	sld [smem:$0x3FA8]  }
0x2f: {  	lr =	sadd.s32 s0, s3;
	s0 =	sld [smem:$0x3F9F]  }
0x30: {  	s3 =	sld [smem:$0x3FA2]  }
0x31: {  	[smem:$0x3FAB] =	sst s10  }
0x32: {  	s10 =	sld [smem:$0x3FA9];
	_ =	sdelay $0x3  }
0x33: {  	p0 =	seq.s32 s10, $0x1;
	s10 =	sld [smem:$0x3FAB];
	_ =	sdelay $0x3  }
0x34: {  	[smem:$0x3FAB] =	sst s10  }
0x35: {  	s10 =	sld [smem:$0x3FAA];
	_ =	sdelay $0x3  }
0x36: {  	p1 =	seq.s32 s10, $0x1;
	s10 =	sld [smem:$0x3FAB];
	_ =	sdelay $0x3  }
0x37: {  	[smem:$0x3FAB] =	sst s10  }
0x38: {  	s10 =	sld [smem:$0x3FAC]  }
0x39: {  	_ = 	snop;
	(pc) =	sbr.ind lr, $3  }
0x3a: {  	_ = 	snop  }
0x3b: {  	_ = 	snop  }
0x3c: {  	p2 =	seq.s32 s10, $0x1;
	s10 =	sld [smem:$0x3FAB]  }
0x3d: {  	_ =	shalt  }
0x3e: {  	_ =	shalt  }
0x3f: {  	_ =	shalt  }
0x40: {  	_ =	shalt  }
0x41: {  	_ =	shalt  }
0x42: {  	_ =	shalt  }
0x43: {  	_ =	shalt  }
0x44: {  	_ =	shalt  }
0x45: {  	_ =	shalt  }
0x46: {  	_ =	shalt  }
0x47: {  	_ =	shalt  }
0x48: {  	_ =	shalt  }
0x49: {  	_ =	shalt  }
0x4a: {  	_ =	shalt  }
0x4b: {  	_ =	shalt  }
0x4c: {  	_ =	shalt  }
0x4d: {  	_ =	shalt  }
0x4e: {  	_ =	shalt  }
0x4f: {  	_ =	shalt  }
0x50: {  	_ =	shalt  }
0x51: {  	_ =	shalt  }
0x52: {  	_ =	shalt  }
0x53: {  	_ =	shalt  }
0x54: {  	_ =	shalt  }
0x55: {  	_ =	shalt  }
0x56: {  	_ =	shalt  }
0x57: {  	_ =	shalt  }
0x58: {  	_ =	shalt  }
0x59: {  	_ =	shalt  }
0x5a: {  	_ =	shalt  }
0x5b: {  	_ =	shalt  }
0x5c: {  	_ =	shalt  }
0x5d: {  	_ =	shalt  }
0x5e: {  	_ =	shalt  }
0x5f: {  	_ =	shalt  }
0x60: {  	_ =	shalt  }
0x61: {  	_ =	shalt  }
0x62: {  	_ =	shalt  }
0x63: {  	_ =	shalt  }
0x64: {  	_ =	shalt  }
0x65: {  	_ =	shalt  }
0x66: {  	_ =	shalt  }
0x67: {  	_ =	shalt  }
0x68: {  	_ =	shalt  }
0x69: {  	_ =	shalt  }
0x6a: {  	_ =	shalt  }
0x6b: {  	_ =	shalt  }
0x6c: {  	_ =	shalt  }
0x6d: {  	_ =	shalt  }
0x6e: {  	_ =	shalt  }
0x6f: {  	_ =	shalt  }
0x70: {  	_ =	shalt  }
0x71: {  	_ =	shalt  }
0x72: {  	_ =	shalt  }
0x73: {  	_ =	shalt  }
0x74: {  	_ =	shalt  }
0x75: {  	_ =	shalt  }
0x76: {  	_ =	shalt  }
0x77: {  	_ =	shalt  }
0x78: {  	_ =	shalt  }
0x79: {  	_ =	shalt  }
0x7a: {  	_ =	shalt  }
0x7b: {  	_ =	shalt  }
0x7c: {  	_ =	shalt  }
0x7d: {  	_ =	shalt  }
0x7e: {  	_ =	shalt  }
0x7f: {  	_ =	shalt  }
0x80: {  	_ =	shalt  }
0x81: {  	_ =	shalt  }
0x82: {  	_ =	shalt  }
0x83: {  	_ =	shalt  }
0x84: {  	_ =	shalt  }
0x85: {  	_ =	shalt  }
0x86: {  	_ =	shalt  }
0x87: {  	_ =	shalt  }
.Lfunc_end0:
.L_simem_size_0:
called_computation.4_lowered:
.L_overlay_start_0:
0x88: {  	s2 =	sld [smem:$0x3FD9]  }
0x89: {  	s3 =	sld [smem:$0x3FFE];
	_ =	sdelay $0x1  }
0x8a: {  	s1 =	srdreg.scid  }
0x8b: {  	s0 =	sand.u32 $0x1, s1  }
0x8c: {  	s16 =	sshll.u32 s0, $0xA;
	s2 =	sadd.s32 s3, s2  }
0x8d: {  	s2 =	sadd.s32 s2, s16  }
0x8e: {  	[smem:$0x3FB7] =	sst s2  }
0x8f: {  	_ = 	snop  }
0x90: {  	(tm) =	ssettm $0x1  }
0x91: {  	s17 =	sld [smem:$0x3FFB];
	_ =	sdelay $0x3  }
0x92: {  	_ =	strace s17  }
0x93: {  	s2 =	sld [smem:$0x3FFC];
	_ =	sdelay $0x3  }
0x94: {  	_ =	strace s2  }
0x95: {  	s2 =	sld [smem:$0x3FFD];
	_ =	sdelay $0x3  }
0x96: {  	_ =	strace s2  }
0x97: {  	_ =	strace $0x8FFFFFFF  }
0x98: {  	s18 =	sld [smem:$0x3FDB];
	_ =	sdelay $0x1  }
0x99: {  	s19 =	simm.s32 $_scs_section_size  }
0x9a: {  	s4 =	simm.s32 $_size__tile_overlayer_lowered;
	s5 =	simm.s32 $_tile_overlayer_lowered  }
0x9b: {  	s22 =	simm.s32 $0x1BFF;
	s21 =	sshll.u32 s5, $0x1;
	s2 =	sadd.s32 s19, s18  }
0x9c: {  	s6 =	simm.s32 $0x0;
	s20 =	sshll.u32 s4, $0x1;
	s4 =	sadd.s32 s21, s2  }
0x9d: {  	[timem:s6], [sflag:s22] =	dma.local [hbm:s4], s20  }
0x9e: {  	_ =	swait.ge [sflag:s22], s20  }
0x9f: {  	s3 =	ssub.s32 $0x0, s20;
	[sflag:s22] =	ssyncset.done $0x0  }
0xa0: {  	[sflag:s22] =	ssyncadd.s32 s3;
	_ =	sdelay $0x1  }
0xa1: {  	s23 =	simm.s32 $0x1B8B  }
0xa2: {  	_ =	swait.ge [sflag:s23], $0x1  }
0xa3: {  	[sflag:s23] =	ssyncset.done $0x0  }
0xa4: {  	s25 =	simm.s32 $0x1B8E;
	s24 =	sld [smem:$0x3FFE];
	[sflag:s23] =	ssyncadd.s32 $0xFFFFFFFF  }
0xa5: {  	s26 =	simm.s32 $execute0_lowered;
	[smem:$0x3FD2] =	sst s25  }
0xa6: {  	s4 =	sshll.u32 s26, $0x1;
	_ =	strace $0x80000052;
	[dreg:$0x1] =	wrdreg $0xFFFFFFFF  }
0xa7: {  	s28 =	simm.s32 $_size_execute0_lowered;
	s2 =	sadd.s32 s2, s4;
	[dreg:$0x0] =	wrdreg $0x0  }
0xa8: {  	s4 =	sshll.u32 s28, $0x1;
	[dreg:$0x2] =	wrdreg s2  }
0xa9: {  	[dreg:$0x3] =	wrdreg s4  }
0xaa: {  	[dreg:$0x4] =	wrdreg $0xC0  }
0xab: {  	_ =	task [dreg:s6], $0x5FFFF  }
0xac: {  	[dreg:$0x1] =	wrdreg $0xFFFFFFFF  }
0xad: {  	[dreg:$0x0] =	wrdreg $0x60  }
0xae: {  	[dreg:$0x2] =	wrdreg s24  }
0xaf: {  	[dreg:$0x3] =	wrdreg $0x9  }
0xb0: {  	_ =	task.clear_ibuf [dreg:s6], $0x4FFFF;
	_ =	strace $0x90000052  }
0xb1: {  	s29 =	simm.s32 $0x9;
	_ =	strace $0x80000054  }
0xb2: {  	_ =	swait.ge [sflag:s29], $0x1  }
0xb3: {  	[sflag:s29] =	ssyncadd.s32 $0xFFFFFFFF  }
0xb4: {  	_ =	strace $0x90000054  }
0xb5: {  	_ =	sfence  }
0xb6: {  	s30 =	sld [smem:$0x0];
	_ =	sdelay $0x2  }
0xb7: {  	s31 =	sshll.u32 s1, $0xD;
	s1 =	sshrl.u32 s1, $0x2  }
0xb8: {  	s3 =	sand.u32 $0x4000, s31;
	s1 =	sadd.s32 s1, s30  }
0xb9: {  	s0 =	sor.u32 s3, s0;
	s1 =	sshll.u32 s1, $0x11  }
0xba: {  	s0 =	sor.u32 s1, s0  }
0xbb: {  	s0 =	sadd.s32 $0x8F2B, s0  }
0xbc: {  	[sflag:s0] =	ssyncadd.remote.s32 $0x1  }
0xbd: {  	_ =	sfence.sel $0xFFFF  }
0xbe: {  	[dreg:$0x0] =	wrdreg $0xFFFFFFFF;
	(pc) =	sbr.abs _section_cstart, $3  }
0xbf: {  	[dreg:$0x1] =	wrdreg $0xFFFFFFFF  }
0xc0: {  	_ =	task.clear_ibuf [dreg:s6], $0x2FFFF;
	_ =	strace $0x9FFFFFFF  }
0xc1: {  	(tm) =	ssettm $0x7FFFFFFF  }
tec
execute0_lowered:
.L_overlay_start_1:
0x0: {  	(tag) =	ssettag $0x1  }
0x1: {  	s0 =	srdreg.scid  }
0x2: {  	s16 =	stileid.u32;
	s1 =	rddreg [dreg:$0x0];
	s2 =	simm.s32 $0x0  }
0x3: {  	s17 =	simm.s32 $0xD00;
	s18 =	simm.s32 $0x80;
	s19 =	simm.s32 $0x1A00  }
0x4: {  	s20 =	simm.s32 $0x2200;
	s21 =	simm.s32 $0x2A00;
	s23 =	simm.s32 $0x3200  }
0x5: {  	s28 =	simm.s32 $0x4;
	s29 =	simm.s32 $0x0;
	s10 =	smul.u32 $0x34, s16  }
0x6: {  	s0 =	sand.u32 $0x1, s0;
	s3 =	sshll.u32 s16, $0x1;
	s16 =	smul.u32 $0x3400, s16  }
0x7: {  	[smem:$0x7FF] =	sst s2;
	s4 =	sadd.s32 $0x3800, s1;
	s11 =	smul.u32 $0x1A, s0  }
0x8: {  	s5 =	sor.u32 s0, s3;
	s7 =	ssub.s32 $0x2, s0;
	s0 =	smul.u32 $0x1A00, s0  }
0x9: {  	s14 =	sadd.s32 $0xD800, s1;
	_ =	strace $0x80000053;
	s6 =	smul.u32 $0x1A0, s5  }
0xa: {  	s3 =	sadd.s32 $0x8800, s1;
	s9 =	smul.u32 $0x1A00, s5;
	s24 =	sshrl.u32 s7, $0x1  }
0xb: {  	s31 =	sadd.s32 s16, s14;
	s7 =	ssub.s32 s7, s24;
	s11 =	sadd.s32 s11, s10  }
0xc: {  	s24 =	simm.s32 $0x1;
	s6 =	sadd.s32 s6, s1;
	s1 =	sadd.s32 $0x77E00, s1  }
0xd: {  	s7 =	smax.u32 s7, $0x1;
	s12 =	sadd.s32 $0x1800, s9;
	s13 =	sadd.s32 $0x1900, s9  }
0xe: {  	s15 =	sshll.u32 s11, $0x8;
	s25 =	sadd.s32 $0x74A00, s6;
	s6 =	sadd.s32 $0x71600, s6  }
0xf: {  	s8 =	sadd.s32 s14, s12;
	s9 =	sadd.s32 s1, s12;
	s10 =	sadd.s32 s14, s13  }
0x10: {  	s11 =	sadd.s32 s1, s13;
	s26 =	sadd.s32 s15, s14;
	s30 =	sadd.s32 s15, s1  }
0x11: {  	s1 =	sadd.s32 s16, s1;
	s15 =	sadd.s32 s0, s31;
	s16 =	simm.s32 $0x5  }
0x12: {  	[dreg:$0x2] =	wrdreg s25;
	s12 =	sadd.s32 $0x100, s26;
	s13 =	sadd.s32 $0x100, s30  }
0x13: {  	s14 =	sadd.s32 s0, s1;
	s25 =	simm.s32 $0x2;
	s26 =	simm.s32 $0x3  }
.LBB2_1:
0x14: {  	s0 =	rddreg [dreg:$0x2]  }
0x15: {  	[tilespmem:s2], [sflag:$0x5] =	stream.linear.gather [hbm4b:s0+s2], $0xD00, $0x38;
	[tilespmem:$0x3A00] =	vst v63  }
0x16: {  	_ =	swait.ge [sflag:s16], $0xD00  }
0x17: {  	[sflag:s16] =	ssyncset.done $0x0  }
0x18: {  	[sflag:s16] =	ssyncadd.s32 $0xFFFFF300  }
0x19: {  	[tilespmem:s17], [sflag:$0x5] =	stream.linear.gather [hbm4b:s6+s2], $0xD00, $0x38;
	[tilespmem:$0x3A00] =	vst v63  }
0x1a: {  	_ =	swait.ge [sflag:s16], $0xD00  }
0x1b: {  	[sflag:s16] =	ssyncset.done $0x0  }
0x1c: {  	[sflag:s16] =	ssyncadd.s32 $0xFFFFF300  }
0x1d: {  	[tilespmem:s19], [sflag:$0x1] =	stream.indirect.gather [hbm4b:s3+s18], $0x10, s2, s18, $0xb8;
	[tilespmem:$0x3A00] =	vst v63  }
0x1e: {  	_ = 	snop  }
0x1f: {  	[tilespmem:s20], [sflag:$0x2] =	stream.indirect.gather [hbm4b:s4+s18], $0x10, s17, s18, $0xb8;
	[tilespmem:$0x3A00] =	vst v63  }
0x20: {  	_ = 	snop  }
0x21: {  	[tilespmem:s21], [sflag:$0x3] =	stream.indirect.gather [hbm4b:s3+s18], $0x10, s18, s18, $0xb8;
	[tilespmem:$0x3A00] =	vst v63  }
0x22: {  	s5 =	simm.s32 $0xD80  }
0x23: {  	[tilespmem:s23], [sflag:$0x4] =	stream.indirect.gather [hbm4b:s4+s18], $0x10, s5, s18, $0xb8;
	[tilespmem:$0x3A00] =	vst v63  }
0x24: {  	_ =	swait.ge [sflag:s24], $0x800  }
0x25: {  	[sflag:s24] =	ssyncset.done $0x0  }
0x26: {  	[sflag:s24] =	ssyncadd.s32 $0xFFFFF800  }
0x27: {  	_ =	swait.ge [sflag:s25], $0x800  }
0x28: {  	[sflag:s25] =	ssyncset.done $0x0  }
0x29: {  	s22 =	sadd.s32 $0x0, s15;
	[sflag:s25] =	ssyncadd.s32 $0xFFFFF800  }
0x2a: {  	[hbm4b:s22+s2] =	stream.linear.scatter [tilespmem:s19], [sflag:$0x5], $0x800, $0x38;
	[tilespmem:$0x3A00] =	vst v63  }
0x2b: {  	_ =	swait.ge [sflag:s16], $0x800  }
0x2c: {  	[sflag:s16] =	ssyncset.done $0x0  }
0x2d: {  	s1 =	sadd.s32 $0x0, s14;
	[sflag:s16] =	ssyncadd.s32 $0xFFFFF800  }
0x2e: {  	[hbm4b:s1+s2] =	stream.linear.scatter [tilespmem:s20], [sflag:$0x5], $0x800, $0x38;
	[tilespmem:$0x3A00] =	vst v63  }
0x2f: {  	_ =	swait.ge [sflag:s16], $0x800  }
0x30: {  	[sflag:s16] =	ssyncset.done $0x0  }
0x31: {  	s5 =	simm.s32 $0x100;
	[sflag:s16] =	ssyncadd.s32 $0xFFFFF800  }
0x32: {  	[tilespmem:s19], [sflag:$0x1] =	stream.indirect.gather [hbm4b:s3+s18], $0x10, s5, s18, $0xb8;
	[tilespmem:$0x3A00] =	vst v63  }
0x33: {  	s22 =	simm.s32 $0xE00  }
0x34: {  	[tilespmem:s20], [sflag:$0x2] =	stream.indirect.gather [hbm4b:s4+s18], $0x10, s22, s18, $0xb8;
	[tilespmem:$0x3A00] =	vst v63  }
0x35: {  	_ =	swait.ge [sflag:s26], $0x800  }
0x36: {  	[sflag:s26] =	ssyncset.done $0x0  }
0x37: {  	[sflag:s26] =	ssyncadd.s32 $0xFFFFF800  }
0x38: {  	_ =	swait.ge [sflag:s28], $0x800  }
0x39: {  	[sflag:s28] =	ssyncset.done $0x0  }
0x3a: {  	s1 =	sadd.s32 $0x0, s12;
	[sflag:s28] =	ssyncadd.s32 $0xFFFFF800  }
0x3b: {  	[hbm4b:s1+s2] =	stream.linear.scatter [tilespmem:s21], [sflag:$0x5], $0x800, $0x38;
	[tilespmem:$0x3A00] =	vst v63  }
0x3c: {  	_ =	swait.ge [sflag:s16], $0x800  }
0x3d: {  	[sflag:s16] =	ssyncset.done $0x0  }
0x3e: {  	s5 =	sadd.s32 $0x0, s13;
	[sflag:s16] =	ssyncadd.s32 $0xFFFFF800  }
0x3f: {  	[hbm4b:s5+s2] =	stream.linear.scatter [tilespmem:s23], [sflag:$0x5], $0x800, $0x38;
	[tilespmem:$0x3A00] =	vst v63  }
0x40: {  	s30 =	simm.s32 $0xE80;
	_ =	swait.ge [sflag:s16], $0x800  }
0x41: {  	s31 =	simm.s32 $0x200;
	s0 =	simm.s32 $0x280;
	[sflag:s16] =	ssyncset.done $0x0  }
0x42: {  	s22 =	simm.s32 $0x180;
	s1 =	simm.s32 $0xF80;
	[sflag:s16] =	ssyncadd.s32 $0xFFFFF800  }
0x43: {  	[tilespmem:s21], [sflag:$0x3] =	stream.indirect.gather [hbm4b:s3+s18], $0x10, s22, s18, $0xb8;
	[tilespmem:$0x3A00] =	vst v63  }
.LBB2_2:
0x44: {  	[tilespmem:s23], [sflag:$0x4] =	stream.indirect.gather [hbm4b:s4+s18], $0x10, s30, s18, $0xb8;
	[tilespmem:$0x3A00] =	vst v63  }
0x45: {  	s22 =	smov.u32 s31;
	s30 =	smov.u32 s1  }
0x46: {  	p0 =	sne.s32 s31, $0x1600;
	s31 =	sadd.s32 $0x200, s31;
	_ =	swait.ge [sflag:s24], $0x800  }
0x47: {  	[sflag:s24] =	ssyncset.done $0x0  }
0x48: {  	[sflag:s24] =	ssyncadd.s32 $0xFFFFF800  }
0x49: {  	_ =	swait.ge [sflag:s25], $0x800  }
0x4a: {  	[sflag:s25] =	ssyncset.done $0x0  }
0x4b: {  	s5 =	sadd.s32 s22, s15;
	[sflag:s25] =	ssyncadd.s32 $0xFFFFF800  }
0x4c: {  	[hbm4b:s5+s2] =	stream.linear.scatter [tilespmem:s19], [sflag:$0x5], $0x800, $0x38;
	[tilespmem:$0x3A00] =	vst v63  }
0x4d: {  	_ =	swait.ge [sflag:s16], $0x800  }
0x4e: {  	[sflag:s16] =	ssyncset.done $0x0  }
0x4f: {  	s5 =	sadd.s32 s22, s14;
	[sflag:s16] =	ssyncadd.s32 $0xFFFFF800  }
0x50: {  	[hbm4b:s5+s2] =	stream.linear.scatter [tilespmem:s20], [sflag:$0x5], $0x800, $0x38;
	[tilespmem:$0x3A00] =	vst v63  }
0x51: {  	_ =	swait.ge [sflag:s16], $0x800  }
0x52: {  	[sflag:s16] =	ssyncset.done $0x0  }
0x53: {  	s5 =	sadd.s32 $0xFFFFFF80, s0;
	[sflag:s16] =	ssyncadd.s32 $0xFFFFF800  }
0x54: {  	[tilespmem:s19], [sflag:$0x1] =	stream.indirect.gather [hbm4b:s3+s18], $0x10, s5, s18, $0xb8;
	[tilespmem:$0x3A00] =	vst v63  }
0x55: {  	s5 =	sadd.s32 $0xFFFFFF80, s1  }
0x56: {  	[tilespmem:s20], [sflag:$0x2] =	stream.indirect.gather [hbm4b:s4+s18], $0x10, s5, s18, $0xb8;
	[tilespmem:$0x3A00] =	vst v63  }
0x57: {  	_ =	swait.ge [sflag:s26], $0x800  }
0x58: {  	[sflag:s26] =	ssyncset.done $0x0  }
0x59: {  	[sflag:s26] =	ssyncadd.s32 $0xFFFFF800  }
0x5a: {  	_ =	swait.ge [sflag:s28], $0x800  }
0x5b: {  	[sflag:s28] =	ssyncset.done $0x0  }
0x5c: {  	s5 =	sadd.s32 s22, s12;
	[sflag:s28] =	ssyncadd.s32 $0xFFFFF800  }
0x5d: {  	[hbm4b:s5+s2] =	stream.linear.scatter [tilespmem:s21], [sflag:$0x5], $0x800, $0x38;
	[tilespmem:$0x3A00] =	vst v63  }
0x5e: {  	_ =	swait.ge [sflag:s16], $0x800  }
0x5f: {  	[sflag:s16] =	ssyncset.done $0x0  }
0x60: {  	s5 =	sadd.s32 s22, s13;
	[sflag:s16] =	ssyncadd.s32 $0xFFFFF800  }
0x61: {  	[hbm4b:s5+s2] =	stream.linear.scatter [tilespmem:s23], [sflag:$0x5], $0x800, $0x38;
	[tilespmem:$0x3A00] =	vst v63  }
.Ltmp0:
0x62: {  	_ =	swait.ge [sflag:s16], $0x800;
	(pc) =	sbr.rel @p0 .LBB2_2-.Ltmp0, $4  }
0x63: {  	[sflag:s16] =	ssyncset.done $0x0  }
0x64: {  	[sflag:s16] =	ssyncadd.s32 $0xFFFFF800  }
0x65: {  	[tilespmem:s21], [sflag:$0x3] =	stream.indirect.gather [hbm4b:s3+s18], $0x10, s0, s18, $0xb8;
	[tilespmem:$0x3A00] =	vst v63  }
0x66: {  	s1 =	sadd.s32 $0x100, s1;
	s0 =	sadd.s32 $0x100, s0  }
0x67: {  	[tilespmem:s23], [sflag:$0x4] =	stream.indirect.gather [hbm4b:s4+s18], $0x10, s30, s18, $0xb8;
	[tilespmem:$0x3A00] =	vst v63  }
0x68: {  	_ =	swait.ge [sflag:s24], $0x800  }
0x69: {  	[sflag:s24] =	ssyncset.done $0x0  }
0x6a: {  	[sflag:s24] =	ssyncadd.s32 $0xFFFFF800  }
0x6b: {  	_ =	swait.ge [sflag:s25], $0x800  }
0x6c: {  	[sflag:s25] =	ssyncset.done $0x0  }
0x6d: {  	[sflag:s25] =	ssyncadd.s32 $0xFFFFF800  }
0x6e: {  	[hbm4b:s8+s2] =	stream.linear.scatter [tilespmem:s19], [sflag:$0x5], $0x800, $0x38;
	[tilespmem:$0x3A00] =	vst v63  }
0x6f: {  	_ =	swait.ge [sflag:s16], $0x800  }
0x70: {  	[sflag:s16] =	ssyncset.done $0x0  }
0x71: {  	[sflag:s16] =	ssyncadd.s32 $0xFFFFF800  }
0x72: {  	[hbm4b:s9+s2] =	stream.linear.scatter [tilespmem:s20], [sflag:$0x5], $0x800, $0x38;
	[tilespmem:$0x3A00] =	vst v63  }
0x73: {  	_ =	swait.ge [sflag:s16], $0x800  }
0x74: {  	[sflag:s16] =	ssyncset.done $0x0  }
0x75: {  	[sflag:s16] =	ssyncadd.s32 $0xFFFFF800  }
0x76: {  	_ =	swait.ge [sflag:s26], $0x800  }
0x77: {  	[sflag:s26] =	ssyncset.done $0x0  }
0x78: {  	[sflag:s26] =	ssyncadd.s32 $0xFFFFF800  }
0x79: {  	_ =	swait.ge [sflag:s28], $0x800  }
0x7a: {  	[sflag:s28] =	ssyncset.done $0x0  }
0x7b: {  	[sflag:s28] =	ssyncadd.s32 $0xFFFFF800  }
0x7c: {  	[hbm4b:s10+s2] =	stream.linear.scatter [tilespmem:s21], [sflag:$0x5], $0x800, $0x38;
	[tilespmem:$0x3A00] =	vst v63  }
0x7d: {  	s29 =	sadd.s32 $0x1, s29;
	_ =	swait.ge [sflag:s16], $0x800  }
0x7e: {  	p0 =	sne.s32 s29, s7;
	[sflag:s16] =	ssyncset.done $0x0  }
.Ltmp1:
0x7f: {  	[sflag:s16] =	ssyncadd.s32 $0xFFFFF800;
	(pc) =	sbr.rel @p0 .LBB2_1-.Ltmp1, $4  }
0x80: {  	[hbm4b:s11+s2] =	stream.linear.scatter [tilespmem:s23], [sflag:$0x5], $0x800, $0x38;
	[tilespmem:$0x3A00] =	vst v63  }
0x81: {  	_ =	swait.ge [sflag:s16], $0x800  }
0x82: {  	[sflag:s16] =	ssyncset.done $0x0  }
0x83: {  	[sflag:s16] =	ssyncadd.s32 $0xFFFFF800  }
0x84: {  	_ =	sfence.sel $0x180000  }
0x85: {  	[bflag:$0x0] =	sbarrier.arrive $0xFFFF  }
0x86: {  	_ =	strace $0x90000053  }
0x87: {  	s0 =	stileid.u32;
	[bflag:$0x2] =	sbarrier.arrive $0xFFFF  }
0x88: {  	p0 =	sne.s32 s0, $0x0;
	s0 =	rddreg [dreg:$0x1]  }
0x89: {  	s0 =	sadd.s32 @!p0 $0x100000, s0  }
0x8a: {  	[sflag:s0] =	ssyncadd.tile.s32 @!p0 $0x1;
	_ =	shalt  }
.Lfunc_end2:
_tile_overlayer_lowered:
.L_overlay_start_2:
0x8b: {  	(tag) =	ssettag $0x2  }
0x8c: {  	s0 =	rddreg [dreg:$0x0];
	s2 =	stileid.u32  }
0x8d: {  	s1 =	rddreg [dreg:$0x1];
	p0 =	sne.s32 s2, $0x0  }
0x8e: {  	s3 =	rddreg [dreg:$0x2];
	[bflag:$0x3] =	sbarrier.arrive $0xFFFF;
	s2 =	simm.s32 @!p0 $0x1C05  }
0x8f: {  	[timem:s3], [sflag:s2] =	dma.local @!p0 [hbm:s0], s1  }
0x90: {  	s0 =	simm.s32 @!p0 $0x5  }
0x91: {  	_ =	swait.ge @!p0 [sflag:s0], s1  }
0x92: {  	s1 =	ssub.s32 @!p0 $0x0, s1;
	[sflag:s0] =	ssyncset.done @!p0 $0x0  }
0x93: {  	[sflag:s0] =	ssyncadd.s32 @!p0 s1  }
0x94: {  	[bflag:$0x3] =	sbarrier.arrive $0xFFFF  }
0x95: {  	_ =	shalt  }

</sc_bundles>
